<compile_context>
chip_gen: v7x
topology: tpu7x:2x2x1
jax: 0.10.2.dev20260603
libtpu: 0.0.44.dev20260713+nightly
codegen_flags: <defaults>
</compile_context>

<pallas_src>
import functools

import jax
import jax.numpy as jnp
from jax import lax
from jax.experimental import pallas as pl
from jax.experimental.pallas import tpu as pltpu
from jax.experimental.pallas import tpu_sc as plsc

_MAX_OBS_TOKENS = 512
_LANES = 16

_NUM_CORES = 2
_NUM_SUBCORES = 16
_NUM_WORKERS = _NUM_CORES * _NUM_SUBCORES


def _lookup_add(idx, table, pos_pat, n_rows, d, g_rows, chunk, gather_slice):
    per_w = n_rows // _NUM_WORKERS
    nchunks = per_w // chunk
    n_gathers = chunk // gather_slice
    groups = chunk // g_rows
    vregs_per_row = d // _LANES
    assert nchunks % 2 == 0

    mesh = plsc.VectorSubcoreMesh(
        core_axis_name="c", subcore_axis_name="s")

    @functools.partial(
        pl.kernel,
        out_type=jax.ShapeDtypeStruct((n_rows, d), jnp.float32),
        mesh=mesh,
        scratch_types=[
            pltpu.VMEM((per_w,), jnp.int32),
            pltpu.VMEM((chunk, d), jnp.float32),
            pltpu.VMEM((chunk, d), jnp.float32),
            pltpu.VMEM((g_rows, d), jnp.float32),
            pltpu.SemaphoreType.DMA,
            pltpu.SemaphoreType.DMA,
            pltpu.SemaphoreType.DMA,
            pltpu.SemaphoreType.DMA,
        ],
        compiler_params=pltpu.CompilerParams(use_tc_tiling_on_sc=False),
    )
    def k(idx_hbm, table_hbm, pos_hbm, out_hbm,
          idx_v, rows0, rows1, pos_v, gsem0, gsem1, wsem0, wsem1):
        rows = (rows0, rows1)
        gsem = (gsem0, gsem1)
        wsem = (wsem0, wsem1)
        wid = lax.axis_index("s") * _NUM_CORES + lax.axis_index("c")
        base_w = pl.multiple_of(wid * per_w, 8)
        pltpu.sync_copy(idx_hbm.at[pl.ds(base_w, per_w)], idx_v)
        pltpu.sync_copy(pos_hbm, pos_v)

        def fire_gathers(c, b):
            for j in range(n_gathers):
                pltpu.async_copy(
                    table_hbm.at[idx_v.at[pl.ds(
                        c * chunk + j * gather_slice, gather_slice)]],
                    rows[b].at[pl.ds(j * gather_slice, gather_slice)],
                    gsem[b])

        def drain_gathers(b):
            pltpu.make_async_copy(
                out_hbm.at[pl.ds(0, chunk)], rows[b], gsem[b]).wait()

        def fire_write(c, b):
            dst = out_hbm.at[pl.ds(
                pl.multiple_of(base_w + c * chunk, 8), chunk)]
            pltpu.async_copy(rows[b], dst, wsem[b])

        def drain_write(b):
            pltpu.make_async_copy(
                out_hbm.at[pl.ds(0, chunk)], rows[b], wsem[b]).wait()

        def add_pos(b):
            def group_body(g, _):
                base = g * g_rows
                for t in range(g_rows):
                    for jv in range(vregs_per_row):
                        plsc.addupdate(
                            rows[b].at[base + t, pl.ds(jv * _LANES, _LANES)],
                            pos_v[t, pl.ds(jv * _LANES, _LANES)])
                return 0
            lax.fori_loop(0, groups, group_body, 0)

        def pair_body(jj, _):
            i2 = jj * 2
            for b in (0, 1):
                c = i2 + b

                @pl.when(c >= 2)
                def _():
                    drain_write(b)

                fire_gathers(c, b)
                b1 = 1 - b

                @pl.when(c >= 1)
                def _():
                    drain_gathers(b1)
                    add_pos(b1)
                    fire_write(c - 1, b1)
            return 0

        lax.fori_loop(0, nchunks // 2, pair_body, 0)
        drain_gathers(1)
        add_pos(1)
        fire_write(nchunks - 1, 1)
        drain_write(0)
        drain_write(1)

    return k(idx, table, pos_pat)


def kernel(observations, actions, embeddings, positional_emb):
    B, L, T = observations.shape
    A = actions.shape[2]
    d = embeddings.shape[1]
    G = T + 1 + A
    separator = embeddings.shape[0] - 1
    N = B * L * G

    sep_col = jnp.full((B, L, 1), separator, dtype=jnp.int32)
    idx = jnp.concatenate(
        [observations.astype(jnp.int32), sep_col, actions.astype(jnp.int32)],
        axis=2).reshape(-1)

    pos_pat = jnp.concatenate([
        positional_emb[:T],
        jnp.zeros((1, d), jnp.float32),
        jnp.broadcast_to(positional_emb[_MAX_OBS_TOKENS][None, :], (A, d)),
    ], axis=0)

    out = _lookup_add(idx, embeddings, pos_pat, N, d, G,
                      chunk=16 * G, gather_slice=80)
    return out.reshape(B, L * G, d)

# --- scband reference (transcript-rebuilt; emitter-appended) ---
"""Pipeline reference for scband-embeddings-72928544686181 (READ-ONLY COPY).

The authoritative reference and input builder live on the scoring server;
editing this copy changes nothing except your own understanding.
"""

import jax, jax.numpy as jnp
import numpy as np

VOCAB = 100000
NB_BINS = 1024
TABLE_SIZE = VOCAB + NB_BINS + 1  # 101025
SEPARATOR = VOCAB + NB_BINS       # 101024
MAX_OBS_TOKENS = 512
EMBED_DIM = 64


def setup_inputs(seed: int = 0) -> dict:
    key = jax.random.key(seed)
    k1, k2, k3, k4 = jax.random.split(key, 4)
    observations = jax.random.randint(k1, (1024, 20, 20), 0, SEPARATOR)
    actions = jax.random.randint(k2, (1024, 20, 4), 0, SEPARATOR)
    embeddings = jax.random.normal(k3, (TABLE_SIZE, EMBED_DIM), dtype=jnp.float32) * 0.02
    positional_emb = jax.random.normal(k4, (MAX_OBS_TOKENS + 1, EMBED_DIM), dtype=jnp.float32) * 0.02
    return {
        "observations": observations,
        "actions": actions,
        "embeddings": embeddings,
        "positional_emb": positional_emb,
    }


def reference(observations, actions, embeddings, positional_emb):
    # Tokenized-observation path of Embeddings.forward (GATO-style):
    # token embedding lookup + observation positional embedding,
    # action tokens get the dedicated action positional embedding (index MAX_OBS_TOKENS),
    # a separator token embedding is inserted between observations and actions,
    # then everything is flattened into one token sequence per episode.
    B, L, T = observations.shape
    A = actions.shape[2]
    d = embeddings.shape[1]

    obs_tok = jnp.take(embeddings, observations, axis=0)                 # [B, L, T, d]
    obs_pos = jnp.take(positional_emb, jnp.arange(T), axis=0)            # [T, d]
    obs_emb = obs_tok + obs_pos[None, None, :, :]

    act_tok = jnp.take(embeddings, actions, axis=0)                      # [B, L, A, d]
    act_pos = positional_emb[MAX_OBS_TOKENS]                             # [d]
    act_emb = act_tok + act_pos[None, None, None, :]

    sep = jnp.broadcast_to(embeddings[SEPARATOR][None, None, None, :], (B, L, 1, d))

    seq = jnp.concatenate([obs_emb, sep, act_emb], axis=2)               # [B, L, T+1+A, d]
    return seq.reshape(B, L * (T + 1 + A), d)

if __name__ == "__main__":
    import jax
    _d = setup_inputs()
    print(jax.jit(kernel)(*tuple(_d.values())))

</pallas_src>

<mosaic_0001>
#map = affine_map<(d0, d1) -> (0)>
#map1 = affine_map<(d0, d1) -> (0, 0)>
module attributes {stable_mosaic.version = 14 : i64} {
  func.func @k(%arg0: i32, %arg1: i32, %arg2: memref<512000xi32, #tpu.memory_space<hbm>>, %arg3: memref<101025x64xf32, #tpu.memory_space<hbm>>, %arg4: memref<25x64xf32, #tpu.memory_space<hbm>>, %arg5: memref<512000x64xf32, #tpu.memory_space<hbm>>, %arg6: memref<16000xi32, #tpu.memory_space<vmem>>, %arg7: memref<400x64xf32, #tpu.memory_space<vmem>>, %arg8: memref<400x64xf32, #tpu.memory_space<vmem>>, %arg9: memref<25x64xf32, #tpu.memory_space<vmem>>, %arg10: memref<!tpu.dma_semaphore, #tpu.memory_space<semaphore_mem>>, %arg11: memref<!tpu.dma_semaphore, #tpu.memory_space<semaphore_mem>>, %arg12: memref<!tpu.dma_semaphore, #tpu.memory_space<semaphore_mem>>, %arg13: memref<!tpu.dma_semaphore, #tpu.memory_space<semaphore_mem>>) attributes {dimension_semantics = [#tpu.dimension_semantics<core_parallel>, #tpu.dimension_semantics<subcore_parallel>], iteration_bounds = array<i64: 2, 16>, scalar_prefetch = 0 : i64, scratch_operands = 8 : i64, tpu.core_type = #tpu.core_type<sc_vector_subcore>, window_params = [{transform_indices = #map}, {transform_indices = #map1}, {transform_indices = #map1}, {transform_indices = #map1}]} {
    %mul3A = arith.constant 2 : i32
    %mul3A_0 = arith.muli %arg1, %mul3A : i32
    %add3A = arith.addi %mul3A_0, %arg0 : i32
    %mul3A_1 = arith.constant 16000 : i32
    %mul3A_2 = arith.muli %add3A, %mul3A_1 : i32
    %multiple_of3A = tpu.assume_multiple %mul3A_2, 8 : i32
    "tpu.region"() ({
      %run_scoped3A = tpu.sem_alloc : memref<!tpu.dma_semaphore, #tpu.memory_space<semaphore_mem>>
      %dma_start3A_39 = tpu.memref_slice %arg2[%multiple_of3A] : memref<512000xi32, #tpu.memory_space<hbm>> -> memref<16000xi32, #tpu.memory_space<hbm>>
      %dma_start3A_40 = tpu.memref_slice %arg2[%multiple_of3A] : memref<512000xi32, #tpu.memory_space<hbm>> -> memref<16000xi32, #tpu.memory_space<hbm>>
      tpu.enqueue_dma source(%dma_start3A_40 : memref<16000xi32, #tpu.memory_space<hbm>>) target(%arg6 : memref<16000xi32, #tpu.memory_space<vmem>>) target_semaphore(%run_scoped3A : memref<!tpu.dma_semaphore, #tpu.memory_space<semaphore_mem>>)
      %dma_wait3A_41 = tpu.memref_slice %arg2[%multiple_of3A] : memref<512000xi32, #tpu.memory_space<hbm>> -> memref<16000xi32, #tpu.memory_space<hbm>>
      %dma_wait3A_42 = tpu.memref_slice %arg2[%multiple_of3A] : memref<512000xi32, #tpu.memory_space<hbm>> -> memref<16000xi32, #tpu.memory_space<hbm>>
      tpu.wait_dma2 semaphore(%run_scoped3A : memref<!tpu.dma_semaphore, #tpu.memory_space<semaphore_mem>>) src(%dma_wait3A_42 : memref<16000xi32, #tpu.memory_space<hbm>>) dst(%arg6 : memref<16000xi32, #tpu.memory_space<vmem>>)
      tpu.yield
    }) : () -> ()
    "tpu.region"() ({
      %run_scoped3A = tpu.sem_alloc : memref<!tpu.dma_semaphore, #tpu.memory_space<semaphore_mem>>
      tpu.enqueue_dma source(%arg4 : memref<25x64xf32, #tpu.memory_space<hbm>>) target(%arg9 : memref<25x64xf32, #tpu.memory_space<vmem>>) target_semaphore(%run_scoped3A : memref<!tpu.dma_semaphore, #tpu.memory_space<semaphore_mem>>)
      tpu.wait_dma2 semaphore(%run_scoped3A : memref<!tpu.dma_semaphore, #tpu.memory_space<semaphore_mem>>) src(%arg4 : memref<25x64xf32, #tpu.memory_space<hbm>>) dst(%arg9 : memref<25x64xf32, #tpu.memory_space<vmem>>)
      tpu.yield
    }) : () -> ()
    %scan3A = arith.constant 0 : i32
    %scan3A_3 = arith.constant 0 : i32
    %scan3A_4 = arith.constant 20 : i32
    %scan3A_5 = arith.addi %scan3A_3, %scan3A_4 : i32
    %scan3A_6 = arith.constant 1 : i32
    %scan3A_7 = scf.for %scan3A_39 = %scan3A_3 to %scan3A_5 step %scan3A_6 iter_args(%scan3A_40 = %scan3A) -> (i32)  : i32 {
      %mul3A_41 = arith.constant 2 : i32
      %mul3A_42 = arith.muli %scan3A_39, %mul3A_41 : i32
      %add3A_43 = arith.constant 0 : i32
      %add3A_44 = arith.addi %mul3A_42, %add3A_43 : i32
      %ge3A = arith.constant 2 : i32
      %ge3A_45 = arith.cmpi sge, %add3A_44, %ge3A : i32
      %convert_element_type3A = arith.extui %ge3A_45 : i1 to i32
      %cond3A = arith.constant 0 : i32
      %cond3A_46 = arith.cmpi ne, %convert_element_type3A, %cond3A : i32
      scf.if %cond3A_46 {
        %dma_wait3A_175 = arith.constant 0 : i32
        %dma_wait3A_176 = arith.constant 0 : i32
        %dma_wait3A_177 = tpu.memref_slice %arg5[%dma_wait3A_175, %dma_wait3A_176] : memref<512000x64xf32, #tpu.memory_space<hbm>> -> memref<400x64xf32, #tpu.memory_space<hbm>>
        %dma_wait3A_178 = arith.constant 0 : i32
        %dma_wait3A_179 = arith.constant 0 : i32
        %dma_wait3A_180 = tpu.memref_slice %arg5[%dma_wait3A_178, %dma_wait3A_179] : memref<512000x64xf32, #tpu.memory_space<hbm>> -> memref<400x64xf32, #tpu.memory_space<hbm>>
        tpu.wait_dma2 semaphore(%arg12 : memref<!tpu.dma_semaphore, #tpu.memory_space<semaphore_mem>>) src(%dma_wait3A_180 : memref<400x64xf32, #tpu.memory_space<hbm>>) dst(%arg7 : memref<400x64xf32, #tpu.memory_space<vmem>>)
      } else {
      }
      %mul3A_47 = arith.constant 400 : i32
      %mul3A_48 = arith.muli %add3A_44, %mul3A_47 : i32
      %add3A_49 = arith.constant 0 : i32
      %add3A_50 = arith.addi %mul3A_48, %add3A_49 : i32
      %dma_start3A_51 = arith.constant 0 : i32
      %dma_start3A_52 = arith.constant 0 : i32
      %dma_start3A_53 = tpu.memref_slice %arg7[%dma_start3A_51, %dma_start3A_52] : memref<400x64xf32, #tpu.memory_space<vmem>> -> memref<80x64xf32, #tpu.memory_space<vmem>>
      %dma_start3A_54 = tpu.memref_slice %arg6[%add3A_50] : memref<16000xi32, #tpu.memory_space<vmem>> -> memref<80xi32, #tpu.memory_space<vmem>>
      %dma_start3A_55 = arith.constant 0 : i32
      %dma_start3A_56 = arith.constant 0 : i32
      %dma_start3A_57 = tpu.memref_slice %arg3[%dma_start3A_55, %dma_start3A_56] : memref<101025x64xf32, #tpu.memory_space<hbm>> -> memref<101025x64xf32, #tpu.memory_space<hbm>>
      tpu.enqueue_indirect_dma source(%dma_start3A_57 : memref<101025x64xf32, #tpu.memory_space<hbm>>) target(%dma_start3A_53 : memref<80x64xf32, #tpu.memory_space<vmem>>) offsets(%dma_start3A_54 : memref<80xi32, #tpu.memory_space<vmem>>) semaphore(%arg10 : memref<!tpu.dma_semaphore, #tpu.memory_space<semaphore_mem>>)
      %mul3A_58 = arith.constant 400 : i32
      %mul3A_59 = arith.muli %add3A_44, %mul3A_58 : i32
      %add3A_60 = arith.constant 80 : i32
      %add3A_61 = arith.addi %mul3A_59, %add3A_60 : i32
      %dma_start3A_62 = arith.constant 80 : i32
      %dma_start3A_63 = arith.constant 0 : i32
      %dma_start3A_64 = tpu.memref_slice %arg7[%dma_start3A_62, %dma_start3A_63] : memref<400x64xf32, #tpu.memory_space<vmem>> -> memref<80x64xf32, #tpu.memory_space<vmem>>
      %dma_start3A_65 = tpu.memref_slice %arg6[%add3A_61] : memref<16000xi32, #tpu.memory_space<vmem>> -> memref<80xi32, #tpu.memory_space<vmem>>
      %dma_start3A_66 = arith.constant 0 : i32
      %dma_start3A_67 = arith.constant 0 : i32
      %dma_start3A_68 = tpu.memref_slice %arg3[%dma_start3A_66, %dma_start3A_67] : memref<101025x64xf32, #tpu.memory_space<hbm>> -> memref<101025x64xf32, #tpu.memory_space<hbm>>
      tpu.enqueue_indirect_dma source(%dma_start3A_68 : memref<101025x64xf32, #tpu.memory_space<hbm>>) target(%dma_start3A_64 : memref<80x64xf32, #tpu.memory_space<vmem>>) offsets(%dma_start3A_65 : memref<80xi32, #tpu.memory_space<vmem>>) semaphore(%arg10 : memref<!tpu.dma_semaphore, #tpu.memory_space<semaphore_mem>>)
      %mul3A_69 = arith.constant 400 : i32
      %mul3A_70 = arith.muli %add3A_44, %mul3A_69 : i32
      %add3A_71 = arith.constant 160 : i32
      %add3A_72 = arith.addi %mul3A_70, %add3A_71 : i32
      %dma_start3A_73 = arith.constant 160 : i32
      %dma_start3A_74 = arith.constant 0 : i32
      %dma_start3A_75 = tpu.memref_slice %arg7[%dma_start3A_73, %dma_start3A_74] : memref<400x64xf32, #tpu.memory_space<vmem>> -> memref<80x64xf32, #tpu.memory_space<vmem>>
      %dma_start3A_76 = tpu.memref_slice %arg6[%add3A_72] : memref<16000xi32, #tpu.memory_space<vmem>> -> memref<80xi32, #tpu.memory_space<vmem>>
      %dma_start3A_77 = arith.constant 0 : i32
      %dma_start3A_78 = arith.constant 0 : i32
      %dma_start3A_79 = tpu.memref_slice %arg3[%dma_start3A_77, %dma_start3A_78] : memref<101025x64xf32, #tpu.memory_space<hbm>> -> memref<101025x64xf32, #tpu.memory_space<hbm>>
      tpu.enqueue_indirect_dma source(%dma_start3A_79 : memref<101025x64xf32, #tpu.memory_space<hbm>>) target(%dma_start3A_75 : memref<80x64xf32, #tpu.memory_space<vmem>>) offsets(%dma_start3A_76 : memref<80xi32, #tpu.memory_space<vmem>>) semaphore(%arg10 : memref<!tpu.dma_semaphore, #tpu.memory_space<semaphore_mem>>)
      %mul3A_80 = arith.constant 400 : i32
      %mul3A_81 = arith.muli %add3A_44, %mul3A_80 : i32
      %add3A_82 = arith.constant 240 : i32
      %add3A_83 = arith.addi %mul3A_81, %add3A_82 : i32
      %dma_start3A_84 = arith.constant 240 : i32
      %dma_start3A_85 = arith.constant 0 : i32
      %dma_start3A_86 = tpu.memref_slice %arg7[%dma_start3A_84, %dma_start3A_85] : memref<400x64xf32, #tpu.memory_space<vmem>> -> memref<80x64xf32, #tpu.memory_space<vmem>>
      %dma_start3A_87 = tpu.memref_slice %arg6[%add3A_83] : memref<16000xi32, #tpu.memory_space<vmem>> -> memref<80xi32, #tpu.memory_space<vmem>>
      %dma_start3A_88 = arith.constant 0 : i32
      %dma_start3A_89 = arith.constant 0 : i32
      %dma_start3A_90 = tpu.memref_slice %arg3[%dma_start3A_88, %dma_start3A_89] : memref<101025x64xf32, #tpu.memory_space<hbm>> -> memref<101025x64xf32, #tpu.memory_space<hbm>>
      tpu.enqueue_indirect_dma source(%dma_start3A_90 : memref<101025x64xf32, #tpu.memory_space<hbm>>) target(%dma_start3A_86 : memref<80x64xf32, #tpu.memory_space<vmem>>) offsets(%dma_start3A_87 : memref<80xi32, #tpu.memory_space<vmem>>) semaphore(%arg10 : memref<!tpu.dma_semaphore, #tpu.memory_space<semaphore_mem>>)
      %mul3A_91 = arith.constant 400 : i32
      %mul3A_92 = arith.muli %add3A_44, %mul3A_91 : i32
      %add3A_93 = arith.constant 320 : i32
      %add3A_94 = arith.addi %mul3A_92, %add3A_93 : i32
      %dma_start3A_95 = arith.constant 320 : i32
      %dma_start3A_96 = arith.constant 0 : i32
      %dma_start3A_97 = tpu.memref_slice %arg7[%dma_start3A_95, %dma_start3A_96] : memref<400x64xf32, #tpu.memory_space<vmem>> -> memref<80x64xf32, #tpu.memory_space<vmem>>
      %dma_start3A_98 = tpu.memref_slice %arg6[%add3A_94] : memref<16000xi32, #tpu.memory_space<vmem>> -> memref<80xi32, #tpu.memory_space<vmem>>
      %dma_start3A_99 = arith.constant 0 : i32
      %dma_start3A_100 = arith.constant 0 : i32
      %dma_start3A_101 = tpu.memref_slice %arg3[%dma_start3A_99, %dma_start3A_100] : memref<101025x64xf32, #tpu.memory_space<hbm>> -> memref<101025x64xf32, #tpu.memory_space<hbm>>
      tpu.enqueue_indirect_dma source(%dma_start3A_101 : memref<101025x64xf32, #tpu.memory_space<hbm>>) target(%dma_start3A_97 : memref<80x64xf32, #tpu.memory_space<vmem>>) offsets(%dma_start3A_98 : memref<80xi32, #tpu.memory_space<vmem>>) semaphore(%arg10 : memref<!tpu.dma_semaphore, #tpu.memory_space<semaphore_mem>>)
      %ge3A_102 = arith.constant 1 : i32
      %ge3A_103 = arith.cmpi sge, %add3A_44, %ge3A_102 : i32
      %convert_element_type3A_104 = arith.extui %ge3A_103 : i1 to i32
      %cond3A_105 = arith.constant 0 : i32
      %cond3A_106 = arith.cmpi ne, %convert_element_type3A_104, %cond3A_105 : i32
      scf.if %cond3A_106 {
        %dma_wait3A_175 = arith.constant 0 : i32
        %dma_wait3A_176 = arith.constant 0 : i32
        %dma_wait3A_177 = tpu.memref_slice %arg5[%dma_wait3A_175, %dma_wait3A_176] : memref<512000x64xf32, #tpu.memory_space<hbm>> -> memref<400x64xf32, #tpu.memory_space<hbm>>
        %dma_wait3A_178 = arith.constant 0 : i32
        %dma_wait3A_179 = arith.constant 0 : i32
        %dma_wait3A_180 = tpu.memref_slice %arg5[%dma_wait3A_178, %dma_wait3A_179] : memref<512000x64xf32, #tpu.memory_space<hbm>> -> memref<400x64xf32, #tpu.memory_space<hbm>>
        tpu.wait_dma2 semaphore(%arg11 : memref<!tpu.dma_semaphore, #tpu.memory_space<semaphore_mem>>) src(%dma_wait3A_180 : memref<400x64xf32, #tpu.memory_space<hbm>>) dst(%arg8 : memref<400x64xf32, #tpu.memory_space<vmem>>)
        %scan3A_181 = arith.constant 0 : i32
        %scan3A_182 = arith.constant 0 : i32
        %scan3A_183 = arith.constant 16 : i32
        %scan3A_184 = arith.addi %scan3A_182, %scan3A_183 : i32
        %scan3A_185 = arith.constant 1 : i32
        %scan3A_186 = scf.for %scan3A_197 = %scan3A_182 to %scan3A_184 step %scan3A_185 iter_args(%scan3A_198 = %scan3A_181) -> (i32)  : i32 {
          %mul3A_199 = arith.constant 25 : i32
          %mul3A_200 = arith.muli %scan3A_197, %mul3A_199 : i32
          %add3A_201 = arith.constant 0 : i32
          %add3A_202 = arith.addi %mul3A_200, %add3A_201 : i32
          %get3A = arith.constant 0 : i32
          %get3A_203 = arith.index_cast %get3A : i32 to index
          %get3A_204 = arith.constant 0 : index
          %get3A_205 = tpu.vector_load %arg9[%get3A_203, %get3A_204] {strides = array<i32>} : memref<25x64xf32, #tpu.memory_space<vmem>>, vector<1x16xf32>,
          %get3A_206 = vector.shape_cast %get3A_205 : vector<1x16xf32> to vector<16xf32>
          %swap3A = arith.index_cast %add3A_202 : i32 to index
          %swap3A_207 = arith.constant 0 : index
          %swap3A_208 = tpu.vector_load %arg8[%swap3A, %swap3A_207] {strides = array<i32>} : memref<400x64xf32, #tpu.memory_space<vmem>>, vector<1x16xf32>,
          %swap3A_209 = vector.shape_cast %swap3A_208 : vector<1x16xf32> to vector<16xf32>
          %swap3A_210 = vector.shape_cast %get3A_206 : vector<16xf32> to vector<1x16xf32>
          tpu.vector_store %arg8[%swap3A, %swap3A_207], %swap3A_210 {add = true, strides = array<i32>} : memref<400x64xf32, #tpu.memory_space<vmem>>, vector<1x16xf32>,
          %add3A_211 = arith.constant 0 : i32
          %add3A_212 = arith.addi %mul3A_200, %add3A_211 : i32
          %get3A_213 = arith.constant 0 : i32
          %get3A_214 = arith.index_cast %get3A_213 : i32 to index
          %get3A_215 = arith.constant 16 : index
          %get3A_216 = tpu.vector_load %arg9[%get3A_214, %get3A_215] {strides = array<i32>} : memref<25x64xf32, #tpu.memory_space<vmem>>, vector<1x16xf32>,
          %get3A_217 = vector.shape_cast %get3A_216 : vector<1x16xf32> to vector<16xf32>
          %swap3A_218 = arith.index_cast %add3A_212 : i32 to index
          %swap3A_219 = arith.constant 16 : index
          %swap3A_220 = tpu.vector_load %arg8[%swap3A_218, %swap3A_219] {strides = array<i32>} : memref<400x64xf32, #tpu.memory_space<vmem>>, vector<1x16xf32>,
          %swap3A_221 = vector.shape_cast %swap3A_220 : vector<1x16xf32> to vector<16xf32>
          %swap3A_222 = vector.shape_cast %get3A_217 : vector<16xf32> to vector<1x16xf32>
          tpu.vector_store %arg8[%swap3A_218, %swap3A_219], %swap3A_222 {add = true, strides = array<i32>} : memref<400x64xf32, #tpu.memory_space<vmem>>, vector<1x16xf32>,
          %add3A_223 = arith.constant 0 : i32
          %add3A_224 = arith.addi %mul3A_200, %add3A_223 : i32
          %get3A_225 = arith.constant 0 : i32
          %get3A_226 = arith.index_cast %get3A_225 : i32 to index
          %get3A_227 = arith.constant 32 : index
          %get3A_228 = tpu.vector_load %arg9[%get3A_226, %get3A_227] {strides = array<i32>} : memref<25x64xf32, #tpu.memory_space<vmem>>, vector<1x16xf32>,
          %get3A_229 = vector.shape_cast %get3A_228 : vector<1x16xf32> to vector<16xf32>
          %swap3A_230 = arith.index_cast %add3A_224 : i32 to index
          %swap3A_231 = arith.constant 32 : index
          %swap3A_232 = tpu.vector_load %arg8[%swap3A_230, %swap3A_231] {strides = array<i32>} : memref<400x64xf32, #tpu.memory_space<vmem>>, vector<1x16xf32>,
          %swap3A_233 = vector.shape_cast %swap3A_232 : vector<1x16xf32> to vector<16xf32>
          %swap3A_234 = vector.shape_cast %get3A_229 : vector<16xf32> to vector<1x16xf32>
          tpu.vector_store %arg8[%swap3A_230, %swap3A_231], %swap3A_234 {add = true, strides = array<i32>} : memref<400x64xf32, #tpu.memory_space<vmem>>, vector<1x16xf32>,
          %add3A_235 = arith.constant 0 : i32
          %add3A_236 = arith.addi %mul3A_200, %add3A_235 : i32
          %get3A_237 = arith.constant 0 : i32
          %get3A_238 = arith.index_cast %get3A_237 : i32 to index
          %get3A_239 = arith.constant 48 : index
          %get3A_240 = tpu.vector_load %arg9[%get3A_238, %get3A_239] {strides = array<i32>} : memref<25x64xf32, #tpu.memory_space<vmem>>, vector<1x16xf32>,
          %get3A_241 = vector.shape_cast %get3A_240 : vector<1x16xf32> to vector<16xf32>
          %swap3A_242 = arith.index_cast %add3A_236 : i32 to index
          %swap3A_243 = arith.constant 48 : index
          %swap3A_244 = tpu.vector_load %arg8[%swap3A_242, %swap3A_243] {strides = array<i32>} : memref<400x64xf32, #tpu.memory_space<vmem>>, vector<1x16xf32>,
          %swap3A_245 = vector.shape_cast %swap3A_244 : vector<1x16xf32> to vector<16xf32>
          %swap3A_246 = vector.shape_cast %get3A_241 : vector<16xf32> to vector<1x16xf32>
          tpu.vector_store %arg8[%swap3A_242, %swap3A_243], %swap3A_246 {add = true, strides = array<i32>} : memref<400x64xf32, #tpu.memory_space<vmem>>, vector<1x16xf32>,
          %add3A_247 = arith.constant 1 : i32
          %add3A_248 = arith.addi %mul3A_200, %add3A_247 : i32
          %get3A_249 = arith.constant 1 : i32
          %get3A_250 = arith.index_cast %get3A_249 : i32 to index
          %get3A_251 = arith.constant 0 : index
          %get3A_252 = tpu.vector_load %arg9[%get3A_250, %get3A_251] {strides = array<i32>} : memref<25x64xf32, #tpu.memory_space<vmem>>, vector<1x16xf32>,
          %get3A_253 = vector.shape_cast %get3A_252 : vector<1x16xf32> to vector<16xf32>
          %swap3A_254 = arith.index_cast %add3A_248 : i32 to index
          %swap3A_255 = arith.constant 0 : index
          %swap3A_256 = tpu.vector_load %arg8[%swap3A_254, %swap3A_255] {strides = array<i32>} : memref<400x64xf32, #tpu.memory_space<vmem>>, vector<1x16xf32>,
          %swap3A_257 = vector.shape_cast %swap3A_256 : vector<1x16xf32> to vector<16xf32>
          %swap3A_258 = vector.shape_cast %get3A_253 : vector<16xf32> to vector<1x16xf32>
          tpu.vector_store %arg8[%swap3A_254, %swap3A_255], %swap3A_258 {add = true, strides = array<i32>} : memref<400x64xf32, #tpu.memory_space<vmem>>, vector<1x16xf32>,
          %add3A_259 = arith.constant 1 : i32
          %add3A_260 = arith.addi %mul3A_200, %add3A_259 : i32
          %get3A_261 = arith.constant 1 : i32
          %get3A_262 = arith.index_cast %get3A_261 : i32 to index
          %get3A_263 = arith.constant 16 : index
          %get3A_264 = tpu.vector_load %arg9[%get3A_262, %get3A_263] {strides = array<i32>} : memref<25x64xf32, #tpu.memory_space<vmem>>, vector<1x16xf32>,
          %get3A_265 = vector.shape_cast %get3A_264 : vector<1x16xf32> to vector<16xf32>
          %swap3A_266 = arith.index_cast %add3A_260 : i32 to index
          %swap3A_267 = arith.constant 16 : index
          %swap3A_268 = tpu.vector_load %arg8[%swap3A_266, %swap3A_267] {strides = array<i32>} : memref<400x64xf32, #tpu.memory_space<vmem>>, vector<1x16xf32>,
          %swap3A_269 = vector.shape_cast %swap3A_268 : vector<1x16xf32> to vector<16xf32>
          %swap3A_270 = vector.shape_cast %get3A_265 : vector<16xf32> to vector<1x16xf32>
          tpu.vector_store %arg8[%swap3A_266, %swap3A_267], %swap3A_270 {add = true, strides = array<i32>} : memref<400x64xf32, #tpu.memory_space<vmem>>, vector<1x16xf32>,
          %add3A_271 = arith.constant 1 : i32
          %add3A_272 = arith.addi %mul3A_200, %add3A_271 : i32
          %get3A_273 = arith.constant 1 : i32
          %get3A_274 = arith.index_cast %get3A_273 : i32 to index
          %get3A_275 = arith.constant 32 : index
          %get3A_276 = tpu.vector_load %arg9[%get3A_274, %get3A_275] {strides = array<i32>} : memref<25x64xf32, #tpu.memory_space<vmem>>, vector<1x16xf32>,
          %get3A_277 = vector.shape_cast %get3A_276 : vector<1x16xf32> to vector<16xf32>
          %swap3A_278 = arith.index_cast %add3A_272 : i32 to index
          %swap3A_279 = arith.constant 32 : index
          %swap3A_280 = tpu.vector_load %arg8[%swap3A_278, %swap3A_279] {strides = array<i32>} : memref<400x64xf32, #tpu.memory_space<vmem>>, vector<1x16xf32>,
          %swap3A_281 = vector.shape_cast %swap3A_280 : vector<1x16xf32> to vector<16xf32>
          %swap3A_282 = vector.shape_cast %get3A_277 : vector<16xf32> to vector<1x16xf32>
          tpu.vector_store %arg8[%swap3A_278, %swap3A_279], %swap3A_282 {add = true, strides = array<i32>} : memref<400x64xf32, #tpu.memory_space<vmem>>, vector<1x16xf32>,
          %add3A_283 = arith.constant 1 : i32
          %add3A_284 = arith.addi %mul3A_200, %add3A_283 : i32
          %get3A_285 = arith.constant 1 : i32
          %get3A_286 = arith.index_cast %get3A_285 : i32 to index
          %get3A_287 = arith.constant 48 : index
          %get3A_288 = tpu.vector_load %arg9[%get3A_286, %get3A_287] {strides = array<i32>} : memref<25x64xf32, #tpu.memory_space<vmem>>, vector<1x16xf32>,
          %get3A_289 = vector.shape_cast %get3A_288 : vector<1x16xf32> to vector<16xf32>
          %swap3A_290 = arith.index_cast %add3A_284 : i32 to index
          %swap3A_291 = arith.constant 48 : index
          %swap3A_292 = tpu.vector_load %arg8[%swap3A_290, %swap3A_291] {strides = array<i32>} : memref<400x64xf32, #tpu.memory_space<vmem>>, vector<1x16xf32>,
          %swap3A_293 = vector.shape_cast %swap3A_292 : vector<1x16xf32> to vector<16xf32>
          %swap3A_294 = vector.shape_cast %get3A_289 : vector<16xf32> to vector<1x16xf32>
          tpu.vector_store %arg8[%swap3A_290, %swap3A_291], %swap3A_294 {add = true, strides = array<i32>} : memref<400x64xf32, #tpu.memory_space<vmem>>, vector<1x16xf32>,
          %add3A_295 = arith.constant 2 : i32
          %add3A_296 = arith.addi %mul3A_200, %add3A_295 : i32
          %get3A_297 = arith.constant 2 : i32
          %get3A_298 = arith.index_cast %get3A_297 : i32 to index
          %get3A_299 = arith.constant 0 : index
          %get3A_300 = tpu.vector_load %arg9[%get3A_298, %get3A_299] {strides = array<i32>} : memref<25x64xf32, #tpu.memory_space<vmem>>, vector<1x16xf32>,
          %get3A_301 = vector.shape_cast %get3A_300 : vector<1x16xf32> to vector<16xf32>
          %swap3A_302 = arith.index_cast %add3A_296 : i32 to index
          %swap3A_303 = arith.constant 0 : index
          %swap3A_304 = tpu.vector_load %arg8[%swap3A_302, %swap3A_303] {strides = array<i32>} : memref<400x64xf32, #tpu.memory_space<vmem>>, vector<1x16xf32>,
          %swap3A_305 = vector.shape_cast %swap3A_304 : vector<1x16xf32> to vector<16xf32>
          %swap3A_306 = vector.shape_cast %get3A_301 : vector<16xf32> to vector<1x16xf32>
          tpu.vector_store %arg8[%swap3A_302, %swap3A_303], %swap3A_306 {add = true, strides = array<i32>} : memref<400x64xf32, #tpu.memory_space<vmem>>, vector<1x16xf32>,
          %add3A_307 = arith.constant 2 : i32
          %add3A_308 = arith.addi %mul3A_200, %add3A_307 : i32
          %get3A_309 = arith.constant 2 : i32
          %get3A_310 = arith.index_cast %get3A_309 : i32 to index
          %get3A_311 = arith.constant 16 : index
          %get3A_312 = tpu.vector_load %arg9[%get3A_310, %get3A_311] {strides = array<i32>} : memref<25x64xf32, #tpu.memory_space<vmem>>, vector<1x16xf32>,
          %get3A_313 = vector.shape_cast %get3A_312 : vector<1x16xf32> to vector<16xf32>
          %swap3A_314 = arith.index_cast %add3A_308 : i32 to index
          %swap3A_315 = arith.constant 16 : index
          %swap3A_316 = tpu.vector_load %arg8[%swap3A_314, %swap3A_315] {strides = array<i32>} : memref<400x64xf32, #tpu.memory_space<vmem>>, vector<1x16xf32>,
          %swap3A_317 = vector.shape_cast %swap3A_316 : vector<1x16xf32> to vector<16xf32>
          %swap3A_318 = vector.shape_cast %get3A_313 : vector<16xf32> to vector<1x16xf32>
          tpu.vector_store %arg8[%swap3A_314, %swap3A_315], %swap3A_318 {add = true, strides = array<i32>} : memref<400x64xf32, #tpu.memory_space<vmem>>, vector<1x16xf32>,
          %add3A_319 = arith.constant 2 : i32
          %add3A_320 = arith.addi %mul3A_200, %add3A_319 : i32
          %get3A_321 = arith.constant 2 : i32
          %get3A_322 = arith.index_cast %get3A_321 : i32 to index
          %get3A_323 = arith.constant 32 : index
          %get3A_324 = tpu.vector_load %arg9[%get3A_322, %get3A_323] {strides = array<i32>} : memref<25x64xf32, #tpu.memory_space<vmem>>, vector<1x16xf32>,
          %get3A_325 = vector.shape_cast %get3A_324 : vector<1x16xf32> to vector<16xf32>
          %swap3A_326 = arith.index_cast %add3A_320 : i32 to index
          %swap3A_327 = arith.constant 32 : index
          %swap3A_328 = tpu.vector_load %arg8[%swap3A_326, %swap3A_327] {strides = array<i32>} : memref<400x64xf32, #tpu.memory_space<vmem>>, vector<1x16xf32>,
          %swap3A_329 = vector.shape_cast %swap3A_328 : vector<1x16xf32> to vector<16xf32>
          %swap3A_330 = vector.shape_cast %get3A_325 : vector<16xf32> to vector<1x16xf32>
          tpu.vector_store %arg8[%swap3A_326, %swap3A_327], %swap3A_330 {add = true, strides = array<i32>} : memref<400x64xf32, #tpu.memory_space<vmem>>, vector<1x16xf32>,
          %add3A_331 = arith.constant 2 : i32
          %add3A_332 = arith.addi %mul3A_200, %add3A_331 : i32
          %get3A_333 = arith.constant 2 : i32
          %get3A_334 = arith.index_cast %get3A_333 : i32 to index
          %get3A_335 = arith.constant 48 : index
          %get3A_336 = tpu.vector_load %arg9[%get3A_334, %get3A_335] {strides = array<i32>} : memref<25x64xf32, #tpu.memory_space<vmem>>, vector<1x16xf32>,
          %get3A_337 = vector.shape_cast %get3A_336 : vector<1x16xf32> to vector<16xf32>
          %swap3A_338 = arith.index_cast %add3A_332 : i32 to index
          %swap3A_339 = arith.constant 48 : index
          %swap3A_340 = tpu.vector_load %arg8[%swap3A_338, %swap3A_339] {strides = array<i32>} : memref<400x64xf32, #tpu.memory_space<vmem>>, vector<1x16xf32>,
          %swap3A_341 = vector.shape_cast %swap3A_340 : vector<1x16xf32> to vector<16xf32>
          %swap3A_342 = vector.shape_cast %get3A_337 : vector<16xf32> to vector<1x16xf32>
          tpu.vector_store %arg8[%swap3A_338, %swap3A_339], %swap3A_342 {add = true, strides = array<i32>} : memref<400x64xf32, #tpu.memory_space<vmem>>, vector<1x16xf32>,
          %add3A_343 = arith.constant 3 : i32
          %add3A_344 = arith.addi %mul3A_200, %add3A_343 : i32
          %get3A_345 = arith.constant 3 : i32
          %get3A_346 = arith.index_cast %get3A_345 : i32 to index
          %get3A_347 = arith.constant 0 : index
          %get3A_348 = tpu.vector_load %arg9[%get3A_346, %get3A_347] {strides = array<i32>} : memref<25x64xf32, #tpu.memory_space<vmem>>, vector<1x16xf32>,
          %get3A_349 = vector.shape_cast %get3A_348 : vector<1x16xf32> to vector<16xf32>
          %swap3A_350 = arith.index_cast %add3A_344 : i32 to index
          %swap3A_351 = arith.constant 0 : index
          %swap3A_352 = tpu.vector_load %arg8[%swap3A_350, %swap3A_351] {strides = array<i32>} : memref<400x64xf32, #tpu.memory_space<vmem>>, vector<1x16xf32>,
          %swap3A_353 = vector.shape_cast %swap3A_352 : vector<1x16xf32> to vector<16xf32>
          %swap3A_354 = vector.shape_cast %get3A_349 : vector<16xf32> to vector<1x16xf32>
          tpu.vector_store %arg8[%swap3A_350, %swap3A_351], %swap3A_354 {add = true, strides = array<i32>} : memref<400x64xf32, #tpu.memory_space<vmem>>, vector<1x16xf32>,
          %add3A_355 = arith.constant 3 : i32
          %add3A_356 = arith.addi %mul3A_200, %add3A_355 : i32
          %get3A_357 = arith.constant 3 : i32
          %get3A_358 = arith.index_cast %get3A_357 : i32 to index
          %get3A_359 = arith.constant 16 : index
          %get3A_360 = tpu.vector_load %arg9[%get3A_358, %get3A_359] {strides = array<i32>} : memref<25x64xf32, #tpu.memory_space<vmem>>, vector<1x16xf32>,
          %get3A_361 = vector.shape_cast %get3A_360 : vector<1x16xf32> to vector<16xf32>
          %swap3A_362 = arith.index_cast %add3A_356 : i32 to index
          %swap3A_363 = arith.constant 16 : index
          %swap3A_364 = tpu.vector_load %arg8[%swap3A_362, %swap3A_363] {strides = array<i32>} : memref<400x64xf32, #tpu.memory_space<vmem>>, vector<1x16xf32>,
          %swap3A_365 = vector.shape_cast %swap3A_364 : vector<1x16xf32> to vector<16xf32>
          %swap3A_366 = vector.shape_cast %get3A_361 : vector<16xf32> to vector<1x16xf32>
          tpu.vector_store %arg8[%swap3A_362, %swap3A_363], %swap3A_366 {add = true, strides = array<i32>} : memref<400x64xf32, #tpu.memory_space<vmem>>, vector<1x16xf32>,
          %add3A_367 = arith.constant 3 : i32
          %add3A_368 = arith.addi %mul3A_200, %add3A_367 : i32
          %get3A_369 = arith.constant 3 : i32
          %get3A_370 = arith.index_cast %get3A_369 : i32 to index
          %get3A_371 = arith.constant 32 : index
          %get3A_372 = tpu.vector_load %arg9[%get3A_370, %get3A_371] {strides = array<i32>} : memref<25x64xf32, #tpu.memory_space<vmem>>, vector<1x16xf32>,
          %get3A_373 = vector.shape_cast %get3A_372 : vector<1x16xf32> to vector<16xf32>
          %swap3A_374 = arith.index_cast %add3A_368 : i32 to index
          %swap3A_375 = arith.constant 32 : index
          %swap3A_376 = tpu.vector_load %arg8[%swap3A_374, %swap3A_375] {strides = array<i32>} : memref<400x64xf32, #tpu.memory_space<vmem>>, vector<1x16xf32>,
          %swap3A_377 = vector.shape_cast %swap3A_376 : vector<1x16xf32> to vector<16xf32>
          %swap3A_378 = vector.shape_cast %get3A_373 : vector<16xf32> to vector<1x16xf32>
          tpu.vector_store %arg8[%swap3A_374, %swap3A_375], %swap3A_378 {add = true, strides = array<i32>} : memref<400x64xf32, #tpu.memory_space<vmem>>, vector<1x16xf32>,
          %add3A_379 = arith.constant 3 : i32
          %add3A_380 = arith.addi %mul3A_200, %add3A_379 : i32
          %get3A_381 = arith.constant 3 : i32
          %get3A_382 = arith.index_cast %get3A_381 : i32 to index
          %get3A_383 = arith.constant 48 : index
          %get3A_384 = tpu.vector_load %arg9[%get3A_382, %get3A_383] {strides = array<i32>} : memref<25x64xf32, #tpu.memory_space<vmem>>, vector<1x16xf32>,
          %get3A_385 = vector.shape_cast %get3A_384 : vector<1x16xf32> to vector<16xf32>
          %swap3A_386 = arith.index_cast %add3A_380 : i32 to index
          %swap3A_387 = arith.constant 48 : index
          %swap3A_388 = tpu.vector_load %arg8[%swap3A_386, %swap3A_387] {strides = array<i32>} : memref<400x64xf32, #tpu.memory_space<vmem>>, vector<1x16xf32>,
          %swap3A_389 = vector.shape_cast %swap3A_388 : vector<1x16xf32> to vector<16xf32>
          %swap3A_390 = vector.shape_cast %get3A_385 : vector<16xf32> to vector<1x16xf32>
          tpu.vector_store %arg8[%swap3A_386, %swap3A_387], %swap3A_390 {add = true, strides = array<i32>} : memref<400x64xf32, #tpu.memory_space<vmem>>, vector<1x16xf32>,
          %add3A_391 = arith.constant 4 : i32
          %add3A_392 = arith.addi %mul3A_200, %add3A_391 : i32
          %get3A_393 = arith.constant 4 : i32
          %get3A_394 = arith.index_cast %get3A_393 : i32 to index
          %get3A_395 = arith.constant 0 : index
          %get3A_396 = tpu.vector_load %arg9[%get3A_394, %get3A_395] {strides = array<i32>} : memref<25x64xf32, #tpu.memory_space<vmem>>, vector<1x16xf32>,
          %get3A_397 = vector.shape_cast %get3A_396 : vector<1x16xf32> to vector<16xf32>
          %swap3A_398 = arith.index_cast %add3A_392 : i32 to index
          %swap3A_399 = arith.constant 0 : index
          %swap3A_400 = tpu.vector_load %arg8[%swap3A_398, %swap3A_399] {strides = array<i32>} : memref<400x64xf32, #tpu.memory_space<vmem>>, vector<1x16xf32>,
          %swap3A_401 = vector.shape_cast %swap3A_400 : vector<1x16xf32> to vector<16xf32>
          %swap3A_402 = vector.shape_cast %get3A_397 : vector<16xf32> to vector<1x16xf32>
          tpu.vector_store %arg8[%swap3A_398, %swap3A_399], %swap3A_402 {add = true, strides = array<i32>} : memref<400x64xf32, #tpu.memory_space<vmem>>, vector<1x16xf32>,
          %add3A_403 = arith.constant 4 : i32
          %add3A_404 = arith.addi %mul3A_200, %add3A_403 : i32
          %get3A_405 = arith.constant 4 : i32
          %get3A_406 = arith.index_cast %get3A_405 : i32 to index
          %get3A_407 = arith.constant 16 : index
          %get3A_408 = tpu.vector_load %arg9[%get3A_406, %get3A_407] {strides = array<i32>} : memref<25x64xf32, #tpu.memory_space<vmem>>, vector<1x16xf32>,
          %get3A_409 = vector.shape_cast %get3A_408 : vector<1x16xf32> to vector<16xf32>
          %swap3A_410 = arith.index_cast %add3A_404 : i32 to index
          %swap3A_411 = arith.constant 16 : index
          %swap3A_412 = tpu.vector_load %arg8[%swap3A_410, %swap3A_411] {strides = array<i32>} : memref<400x64xf32, #tpu.memory_space<vmem>>, vector<1x16xf32>,
          %swap3A_413 = vector.shape_cast %swap3A_412 : vector<1x16xf32> to vector<16xf32>
          %swap3A_414 = vector.shape_cast %get3A_409 : vector<16xf32> to vector<1x16xf32>
          tpu.vector_store %arg8[%swap3A_410, %swap3A_411], %swap3A_414 {add = true, strides = array<i32>} : memref<400x64xf32, #tpu.memory_space<vmem>>, vector<1x16xf32>,
          %add3A_415 = arith.constant 4 : i32
          %add3A_416 = arith.addi %mul3A_200, %add3A_415 : i32
          %get3A_417 = arith.constant 4 : i32
          %get3A_418 = arith.index_cast %get3A_417 : i32 to index
          %get3A_419 = arith.constant 32 : index
          %get3A_420 = tpu.vector_load %arg9[%get3A_418, %get3A_419] {strides = array<i32>} : memref<25x64xf32, #tpu.memory_space<vmem>>, vector<1x16xf32>,
          %get3A_421 = vector.shape_cast %get3A_420 : vector<1x16xf32> to vector<16xf32>
          %swap3A_422 = arith.index_cast %add3A_416 : i32 to index
          %swap3A_423 = arith.constant 32 : index
          %swap3A_424 = tpu.vector_load %arg8[%swap3A_422, %swap3A_423] {strides = array<i32>} : memref<400x64xf32, #tpu.memory_space<vmem>>, vector<1x16xf32>,
          %swap3A_425 = vector.shape_cast %swap3A_424 : vector<1x16xf32> to vector<16xf32>
          %swap3A_426 = vector.shape_cast %get3A_421 : vector<16xf32> to vector<1x16xf32>
          tpu.vector_store %arg8[%swap3A_422, %swap3A_423], %swap3A_426 {add = true, strides = array<i32>} : memref<400x64xf32, #tpu.memory_space<vmem>>, vector<1x16xf32>,
          %add3A_427 = arith.constant 4 : i32
          %add3A_428 = arith.addi %mul3A_200, %add3A_427 : i32
          %get3A_429 = arith.constant 4 : i32
          %get3A_430 = arith.index_cast %get3A_429 : i32 to index
          %get3A_431 = arith.constant 48 : index
          %get3A_432 = tpu.vector_load %arg9[%get3A_430, %get3A_431] {strides = array<i32>} : memref<25x64xf32, #tpu.memory_space<vmem>>, vector<1x16xf32>,
          %get3A_433 = vector.shape_cast %get3A_432 : vector<1x16xf32> to vector<16xf32>
          %swap3A_434 = arith.index_cast %add3A_428 : i32 to index
          %swap3A_435 = arith.constant 48 : index
          %swap3A_436 = tpu.vector_load %arg8[%swap3A_434, %swap3A_435] {strides = array<i32>} : memref<400x64xf32, #tpu.memory_space<vmem>>, vector<1x16xf32>,
          %swap3A_437 = vector.shape_cast %swap3A_436 : vector<1x16xf32> to vector<16xf32>
          %swap3A_438 = vector.shape_cast %get3A_433 : vector<16xf32> to vector<1x16xf32>
          tpu.vector_store %arg8[%swap3A_434, %swap3A_435], %swap3A_438 {add = true, strides = array<i32>} : memref<400x64xf32, #tpu.memory_space<vmem>>, vector<1x16xf32>,
          %add3A_439 = arith.constant 5 : i32
          %add3A_440 = arith.addi %mul3A_200, %add3A_439 : i32
          %get3A_441 = arith.constant 5 : i32
          %get3A_442 = arith.index_cast %get3A_441 : i32 to index
          %get3A_443 = arith.constant 0 : index
          %get3A_444 = tpu.vector_load %arg9[%get3A_442, %get3A_443] {strides = array<i32>} : memref<25x64xf32, #tpu.memory_space<vmem>>, vector<1x16xf32>,
          %get3A_445 = vector.shape_cast %get3A_444 : vector<1x16xf32> to vector<16xf32>
          %swap3A_446 = arith.index_cast %add3A_440 : i32 to index
          %swap3A_447 = arith.constant 0 : index
          %swap3A_448 = tpu.vector_load %arg8[%swap3A_446, %swap3A_447] {strides = array<i32>} : memref<400x64xf32, #tpu.memory_space<vmem>>, vector<1x16xf32>,
          %swap3A_449 = vector.shape_cast %swap3A_448 : vector<1x16xf32> to vector<16xf32>
          %swap3A_450 = vector.shape_cast %get3A_445 : vector<16xf32> to vector<1x16xf32>
          tpu.vector_store %arg8[%swap3A_446, %swap3A_447], %swap3A_450 {add = true, strides = array<i32>} : memref<400x64xf32, #tpu.memory_space<vmem>>, vector<1x16xf32>,
          %add3A_451 = arith.constant 5 : i32
          %add3A_452 = arith.addi %mul3A_200, %add3A_451 : i32
          %get3A_453 = arith.constant 5 : i32
          %get3A_454 = arith.index_cast %get3A_453 : i32 to index
          %get3A_455 = arith.constant 16 : index
          %get3A_456 = tpu.vector_load %arg9[%get3A_454, %get3A_455] {strides = array<i32>} : memref<25x64xf32, #tpu.memory_space<vmem>>, vector<1x16xf32>,
          %get3A_457 = vector.shape_cast %get3A_456 : vector<1x16xf32> to vector<16xf32>
          %swap3A_458 = arith.index_cast %add3A_452 : i32 to index
          %swap3A_459 = arith.constant 16 : index
          %swap3A_460 = tpu.vector_load %arg8[%swap3A_458, %swap3A_459] {strides = array<i32>} : memref<400x64xf32, #tpu.memory_space<vmem>>, vector<1x16xf32>,
          %swap3A_461 = vector.shape_cast %swap3A_460 : vector<1x16xf32> to vector<16xf32>
          %swap3A_462 = vector.shape_cast %get3A_457 : vector<16xf32> to vector<1x16xf32>
          tpu.vector_store %arg8[%swap3A_458, %swap3A_459], %swap3A_462 {add = true, strides = array<i32>} : memref<400x64xf32, #tpu.memory_space<vmem>>, vector<1x16xf32>,
          %add3A_463 = arith.constant 5 : i32
          %add3A_464 = arith.addi %mul3A_200, %add3A_463 : i32
          %get3A_465 = arith.constant 5 : i32
          %get3A_466 = arith.index_cast %get3A_465 : i32 to index
          %get3A_467 = arith.constant 32 : index
          %get3A_468 = tpu.vector_load %arg9[%get3A_466, %get3A_467] {strides = array<i32>} : memref<25x64xf32, #tpu.memory_space<vmem>>, vector<1x16xf32>,
          %get3A_469 = vector.shape_cast %get3A_468 : vector<1x16xf32> to vector<16xf32>
          %swap3A_470 = arith.index_cast %add3A_464 : i32 to index
          %swap3A_471 = arith.constant 32 : index
          %swap3A_472 = tpu.vector_load %arg8[%swap3A_470, %swap3A_471] {strides = array<i32>} : memref<400x64xf32, #tpu.memory_space<vmem>>, vector<1x16xf32>,
          %swap3A_473 = vector.shape_cast %swap3A_472 : vector<1x16xf32> to vector<16xf32>
          %swap3A_474 = vector.shape_cast %get3A_469 : vector<16xf32> to vector<1x16xf32>
          tpu.vector_store %arg8[%swap3A_470, %swap3A_471], %swap3A_474 {add = true, strides = array<i32>} : memref<400x64xf32, #tpu.memory_space<vmem>>, vector<1x16xf32>,
          %add3A_475 = arith.constant 5 : i32
          %add3A_476 = arith.addi %mul3A_200, %add3A_475 : i32
          %get3A_477 = arith.constant 5 : i32
          %get3A_478 = arith.index_cast %get3A_477 : i32 to index
          %get3A_479 = arith.constant 48 : index
          %get3A_480 = tpu.vector_load %arg9[%get3A_478, %get3A_479] {strides = array<i32>} : memref<25x64xf32, #tpu.memory_space<vmem>>, vector<1x16xf32>,
          %get3A_481 = vector.shape_cast %get3A_480 : vector<1x16xf32> to vector<16xf32>
          %swap3A_482 = arith.index_cast %add3A_476 : i32 to index
          %swap3A_483 = arith.constant 48 : index
          %swap3A_484 = tpu.vector_load %arg8[%swap3A_482, %swap3A_483] {strides = array<i32>} : memref<400x64xf32, #tpu.memory_space<vmem>>, vector<1x16xf32>,
          %swap3A_485 = vector.shape_cast %swap3A_484 : vector<1x16xf32> to vector<16xf32>
          %swap3A_486 = vector.shape_cast %get3A_481 : vector<16xf32> to vector<1x16xf32>
          tpu.vector_store %arg8[%swap3A_482, %swap3A_483], %swap3A_486 {add = true, strides = array<i32>} : memref<400x64xf32, #tpu.memory_space<vmem>>, vector<1x16xf32>,
          %add3A_487 = arith.constant 6 : i32
          %add3A_488 = arith.addi %mul3A_200, %add3A_487 : i32
          %get3A_489 = arith.constant 6 : i32
          %get3A_490 = arith.index_cast %get3A_489 : i32 to index
          %get3A_491 = arith.constant 0 : index
          %get3A_492 = tpu.vector_load %arg9[%get3A_490, %get3A_491] {strides = array<i32>} : memref<25x64xf32, #tpu.memory_space<vmem>>, vector<1x16xf32>,
          %get3A_493 = vector.shape_cast %get3A_492 : vector<1x16xf32> to vector<16xf32>
          %swap3A_494 = arith.index_cast %add3A_488 : i32 to index
          %swap3A_495 = arith.constant 0 : index
          %swap3A_496 = tpu.vector_load %arg8[%swap3A_494, %swap3A_495] {strides = array<i32>} : memref<400x64xf32, #tpu.memory_space<vmem>>, vector<1x16xf32>,
          %swap3A_497 = vector.shape_cast %swap3A_496 : vector<1x16xf32> to vector<16xf32>
          %swap3A_498 = vector.shape_cast %get3A_493 : vector<16xf32> to vector<1x16xf32>
          tpu.vector_store %arg8[%swap3A_494, %swap3A_495], %swap3A_498 {add = true, strides = array<i32>} : memref<400x64xf32, #tpu.memory_space<vmem>>, vector<1x16xf32>,
          %add3A_499 = arith.constant 6 : i32
          %add3A_500 = arith.addi %mul3A_200, %add3A_499 : i32
          %get3A_501 = arith.constant 6 : i32
          %get3A_502 = arith.index_cast %get3A_501 : i32 to index
          %get3A_503 = arith.constant 16 : index
          %get3A_504 = tpu.vector_load %arg9[%get3A_502, %get3A_503] {strides = array<i32>} : memref<25x64xf32, #tpu.memory_space<vmem>>, vector<1x16xf32>,
          %get3A_505 = vector.shape_cast %get3A_504 : vector<1x16xf32> to vector<16xf32>
          %swap3A_506 = arith.index_cast %add3A_500 : i32 to index
          %swap3A_507 = arith.constant 16 : index
          %swap3A_508 = tpu.vector_load %arg8[%swap3A_506, %swap3A_507] {strides = array<i32>} : memref<400x64xf32, #tpu.memory_space<vmem>>, vector<1x16xf32>,
          %swap3A_509 = vector.shape_cast %swap3A_508 : vector<1x16xf32> to vector<16xf32>
          %swap3A_510 = vector.shape_cast %get3A_505 : vector<16xf32> to vector<1x16xf32>
          tpu.vector_store %arg8[%swap3A_506, %swap3A_507], %swap3A_510 {add = true, strides = array<i32>} : memref<400x64xf32, #tpu.memory_space<vmem>>, vector<1x16xf32>,
          %add3A_511 = arith.constant 6 : i32
          %add3A_512 = arith.addi %mul3A_200, %add3A_511 : i32
          %get3A_513 = arith.constant 6 : i32
          %get3A_514 = arith.index_cast %get3A_513 : i32 to index
          %get3A_515 = arith.constant 32 : index
          %get3A_516 = tpu.vector_load %arg9[%get3A_514, %get3A_515] {strides = array<i32>} : memref<25x64xf32, #tpu.memory_space<vmem>>, vector<1x16xf32>,
          %get3A_517 = vector.shape_cast %get3A_516 : vector<1x16xf32> to vector<16xf32>
          %swap3A_518 = arith.index_cast %add3A_512 : i32 to index
          %swap3A_519 = arith.constant 32 : index
          %swap3A_520 = tpu.vector_load %arg8[%swap3A_518, %swap3A_519] {strides = array<i32>} : memref<400x64xf32, #tpu.memory_space<vmem>>, vector<1x16xf32>,
          %swap3A_521 = vector.shape_cast %swap3A_520 : vector<1x16xf32> to vector<16xf32>
          %swap3A_522 = vector.shape_cast %get3A_517 : vector<16xf32> to vector<1x16xf32>
          tpu.vector_store %arg8[%swap3A_518, %swap3A_519], %swap3A_522 {add = true, strides = array<i32>} : memref<400x64xf32, #tpu.memory_space<vmem>>, vector<1x16xf32>,
          %add3A_523 = arith.constant 6 : i32
          %add3A_524 = arith.addi %mul3A_200, %add3A_523 : i32
          %get3A_525 = arith.constant 6 : i32
          %get3A_526 = arith.index_cast %get3A_525 : i32 to index
          %get3A_527 = arith.constant 48 : index
          %get3A_528 = tpu.vector_load %arg9[%get3A_526, %get3A_527] {strides = array<i32>} : memref<25x64xf32, #tpu.memory_space<vmem>>, vector<1x16xf32>,
          %get3A_529 = vector.shape_cast %get3A_528 : vector<1x16xf32> to vector<16xf32>
          %swap3A_530 = arith.index_cast %add3A_524 : i32 to index
          %swap3A_531 = arith.constant 48 : index
          %swap3A_532 = tpu.vector_load %arg8[%swap3A_530, %swap3A_531] {strides = array<i32>} : memref<400x64xf32, #tpu.memory_space<vmem>>, vector<1x16xf32>,
          %swap3A_533 = vector.shape_cast %swap3A_532 : vector<1x16xf32> to vector<16xf32>
          %swap3A_534 = vector.shape_cast %get3A_529 : vector<16xf32> to vector<1x16xf32>
          tpu.vector_store %arg8[%swap3A_530, %swap3A_531], %swap3A_534 {add = true, strides = array<i32>} : memref<400x64xf32, #tpu.memory_space<vmem>>, vector<1x16xf32>,
          %add3A_535 = arith.constant 7 : i32
          %add3A_536 = arith.addi %mul3A_200, %add3A_535 : i32
          %get3A_537 = arith.constant 7 : i32
          %get3A_538 = arith.index_cast %get3A_537 : i32 to index
          %get3A_539 = arith.constant 0 : index
          %get3A_540 = tpu.vector_load %arg9[%get3A_538, %get3A_539] {strides = array<i32>} : memref<25x64xf32, #tpu.memory_space<vmem>>, vector<1x16xf32>,
          %get3A_541 = vector.shape_cast %get3A_540 : vector<1x16xf32> to vector<16xf32>
          %swap3A_542 = arith.index_cast %add3A_536 : i32 to index
          %swap3A_543 = arith.constant 0 : index
          %swap3A_544 = tpu.vector_load %arg8[%swap3A_542, %swap3A_543] {strides = array<i32>} : memref<400x64xf32, #tpu.memory_space<vmem>>, vector<1x16xf32>,
          %swap3A_545 = vector.shape_cast %swap3A_544 : vector<1x16xf32> to vector<16xf32>
          %swap3A_546 = vector.shape_cast %get3A_541 : vector<16xf32> to vector<1x16xf32>
          tpu.vector_store %arg8[%swap3A_542, %swap3A_543], %swap3A_546 {add = true, strides = array<i32>} : memref<400x64xf32, #tpu.memory_space<vmem>>, vector<1x16xf32>,
          %add3A_547 = arith.constant 7 : i32
          %add3A_548 = arith.addi %mul3A_200, %add3A_547 : i32
          %get3A_549 = arith.constant 7 : i32
          %get3A_550 = arith.index_cast %get3A_549 : i32 to index
          %get3A_551 = arith.constant 16 : index
          %get3A_552 = tpu.vector_load %arg9[%get3A_550, %get3A_551] {strides = array<i32>} : memref<25x64xf32, #tpu.memory_space<vmem>>, vector<1x16xf32>,
          %get3A_553 = vector.shape_cast %get3A_552 : vector<1x16xf32> to vector<16xf32>
          %swap3A_554 = arith.index_cast %add3A_548 : i32 to index
          %swap3A_555 = arith.constant 16 : index
          %swap3A_556 = tpu.vector_load %arg8[%swap3A_554, %swap3A_555] {strides = array<i32>} : memref<400x64xf32, #tpu.memory_space<vmem>>, vector<1x16xf32>,
          %swap3A_557 = vector.shape_cast %swap3A_556 : vector<1x16xf32> to vector<16xf32>
          %swap3A_558 = vector.shape_cast %get3A_553 : vector<16xf32> to vector<1x16xf32>
          tpu.vector_store %arg8[%swap3A_554, %swap3A_555], %swap3A_558 {add = true, strides = array<i32>} : memref<400x64xf32, #tpu.memory_space<vmem>>, vector<1x16xf32>,
          %add3A_559 = arith.constant 7 : i32
          %add3A_560 = arith.addi %mul3A_200, %add3A_559 : i32
          %get3A_561 = arith.constant 7 : i32
          %get3A_562 = arith.index_cast %get3A_561 : i32 to index
          %get3A_563 = arith.constant 32 : index
          %get3A_564 = tpu.vector_load %arg9[%get3A_562, %get3A_563] {strides = array<i32>} : memref<25x64xf32, #tpu.memory_space<vmem>>, vector<1x16xf32>,
          %get3A_565 = vector.shape_cast %get3A_564 : vector<1x16xf32> to vector<16xf32>
          %swap3A_566 = arith.index_cast %add3A_560 : i32 to index
          %swap3A_567 = arith.constant 32 : index
          %swap3A_568 = tpu.vector_load %arg8[%swap3A_566, %swap3A_567] {strides = array<i32>} : memref<400x64xf32, #tpu.memory_space<vmem>>, vector<1x16xf32>,
          %swap3A_569 = vector.shape_cast %swap3A_568 : vector<1x16xf32> to vector<16xf32>
          %swap3A_570 = vector.shape_cast %get3A_565 : vector<16xf32> to vector<1x16xf32>
          tpu.vector_store %arg8[%swap3A_566, %swap3A_567], %swap3A_570 {add = true, strides = array<i32>} : memref<400x64xf32, #tpu.memory_space<vmem>>, vector<1x16xf32>,
          %add3A_571 = arith.constant 7 : i32
          %add3A_572 = arith.addi %mul3A_200, %add3A_571 : i32
          %get3A_573 = arith.constant 7 : i32
          %get3A_574 = arith.index_cast %get3A_573 : i32 to index
          %get3A_575 = arith.constant 48 : index
          %get3A_576 = tpu.vector_load %arg9[%get3A_574, %get3A_575] {strides = array<i32>} : memref<25x64xf32, #tpu.memory_space<vmem>>, vector<1x16xf32>,
          %get3A_577 = vector.shape_cast %get3A_576 : vector<1x16xf32> to vector<16xf32>
          %swap3A_578 = arith.index_cast %add3A_572 : i32 to index
          %swap3A_579 = arith.constant 48 : index
          %swap3A_580 = tpu.vector_load %arg8[%swap3A_578, %swap3A_579] {strides = array<i32>} : memref<400x64xf32, #tpu.memory_space<vmem>>, vector<1x16xf32>,
          %swap3A_581 = vector.shape_cast %swap3A_580 : vector<1x16xf32> to vector<16xf32>
          %swap3A_582 = vector.shape_cast %get3A_577 : vector<16xf32> to vector<1x16xf32>
          tpu.vector_store %arg8[%swap3A_578, %swap3A_579], %swap3A_582 {add = true, strides = array<i32>} : memref<400x64xf32, #tpu.memory_space<vmem>>, vector<1x16xf32>,
          %add3A_583 = arith.constant 8 : i32
          %add3A_584 = arith.addi %mul3A_200, %add3A_583 : i32
          %get3A_585 = arith.constant 8 : i32
          %get3A_586 = arith.index_cast %get3A_585 : i32 to index
          %get3A_587 = arith.constant 0 : index
          %get3A_588 = tpu.vector_load %arg9[%get3A_586, %get3A_587] {strides = array<i32>} : memref<25x64xf32, #tpu.memory_space<vmem>>, vector<1x16xf32>,
          %get3A_589 = vector.shape_cast %get3A_588 : vector<1x16xf32> to vector<16xf32>
          %swap3A_590 = arith.index_cast %add3A_584 : i32 to index
          %swap3A_591 = arith.constant 0 : index
          %swap3A_592 = tpu.vector_load %arg8[%swap3A_590, %swap3A_591] {strides = array<i32>} : memref<400x64xf32, #tpu.memory_space<vmem>>, vector<1x16xf32>,
          %swap3A_593 = vector.shape_cast %swap3A_592 : vector<1x16xf32> to vector<16xf32>
          %swap3A_594 = vector.shape_cast %get3A_589 : vector<16xf32> to vector<1x16xf32>
          tpu.vector_store %arg8[%swap3A_590, %swap3A_591], %swap3A_594 {add = true, strides = array<i32>} : memref<400x64xf32, #tpu.memory_space<vmem>>, vector<1x16xf32>,
          %add3A_595 = arith.constant 8 : i32
          %add3A_596 = arith.addi %mul3A_200, %add3A_595 : i32
          %get3A_597 = arith.constant 8 : i32
          %get3A_598 = arith.index_cast %get3A_597 : i32 to index
          %get3A_599 = arith.constant 16 : index
          %get3A_600 = tpu.vector_load %arg9[%get3A_598, %get3A_599] {strides = array<i32>} : memref<25x64xf32, #tpu.memory_space<vmem>>, vector<1x16xf32>,
          %get3A_601 = vector.shape_cast %get3A_600 : vector<1x16xf32> to vector<16xf32>
          %swap3A_602 = arith.index_cast %add3A_596 : i32 to index
          %swap3A_603 = arith.constant 16 : index
          %swap3A_604 = tpu.vector_load %arg8[%swap3A_602, %swap3A_603] {strides = array<i32>} : memref<400x64xf32, #tpu.memory_space<vmem>>, vector<1x16xf32>,
          %swap3A_605 = vector.shape_cast %swap3A_604 : vector<1x16xf32> to vector<16xf32>
          %swap3A_606 = vector.shape_cast %get3A_601 : vector<16xf32> to vector<1x16xf32>
          tpu.vector_store %arg8[%swap3A_602, %swap3A_603], %swap3A_606 {add = true, strides = array<i32>} : memref<400x64xf32, #tpu.memory_space<vmem>>, vector<1x16xf32>,
          %add3A_607 = arith.constant 8 : i32
          %add3A_608 = arith.addi %mul3A_200, %add3A_607 : i32
          %get3A_609 = arith.constant 8 : i32
          %get3A_610 = arith.index_cast %get3A_609 : i32 to index
          %get3A_611 = arith.constant 32 : index
          %get3A_612 = tpu.vector_load %arg9[%get3A_610, %get3A_611] {strides = array<i32>} : memref<25x64xf32, #tpu.memory_space<vmem>>, vector<1x16xf32>,
          %get3A_613 = vector.shape_cast %get3A_612 : vector<1x16xf32> to vector<16xf32>
          %swap3A_614 = arith.index_cast %add3A_608 : i32 to index
          %swap3A_615 = arith.constant 32 : index
          %swap3A_616 = tpu.vector_load %arg8[%swap3A_614, %swap3A_615] {strides = array<i32>} : memref<400x64xf32, #tpu.memory_space<vmem>>, vector<1x16xf32>,
          %swap3A_617 = vector.shape_cast %swap3A_616 : vector<1x16xf32> to vector<16xf32>
          %swap3A_618 = vector.shape_cast %get3A_613 : vector<16xf32> to vector<1x16xf32>
          tpu.vector_store %arg8[%swap3A_614, %swap3A_615], %swap3A_618 {add = true, strides = array<i32>} : memref<400x64xf32, #tpu.memory_space<vmem>>, vector<1x16xf32>,
          %add3A_619 = arith.constant 8 : i32
          %add3A_620 = arith.addi %mul3A_200, %add3A_619 : i32
          %get3A_621 = arith.constant 8 : i32
          %get3A_622 = arith.index_cast %get3A_621 : i32 to index
          %get3A_623 = arith.constant 48 : index
          %get3A_624 = tpu.vector_load %arg9[%get3A_622, %get3A_623] {strides = array<i32>} : memref<25x64xf32, #tpu.memory_space<vmem>>, vector<1x16xf32>,
          %get3A_625 = vector.shape_cast %get3A_624 : vector<1x16xf32> to vector<16xf32>
          %swap3A_626 = arith.index_cast %add3A_620 : i32 to index
          %swap3A_627 = arith.constant 48 : index
          %swap3A_628 = tpu.vector_load %arg8[%swap3A_626, %swap3A_627] {strides = array<i32>} : memref<400x64xf32, #tpu.memory_space<vmem>>, vector<1x16xf32>,
          %swap3A_629 = vector.shape_cast %swap3A_628 : vector<1x16xf32> to vector<16xf32>
          %swap3A_630 = vector.shape_cast %get3A_625 : vector<16xf32> to vector<1x16xf32>
          tpu.vector_store %arg8[%swap3A_626, %swap3A_627], %swap3A_630 {add = true, strides = array<i32>} : memref<400x64xf32, #tpu.memory_space<vmem>>, vector<1x16xf32>,
          %add3A_631 = arith.constant 9 : i32
          %add3A_632 = arith.addi %mul3A_200, %add3A_631 : i32
          %get3A_633 = arith.constant 9 : i32
          %get3A_634 = arith.index_cast %get3A_633 : i32 to index
          %get3A_635 = arith.constant 0 : index
          %get3A_636 = tpu.vector_load %arg9[%get3A_634, %get3A_635] {strides = array<i32>} : memref<25x64xf32, #tpu.memory_space<vmem>>, vector<1x16xf32>,
          %get3A_637 = vector.shape_cast %get3A_636 : vector<1x16xf32> to vector<16xf32>
          %swap3A_638 = arith.index_cast %add3A_632 : i32 to index
          %swap3A_639 = arith.constant 0 : index
          %swap3A_640 = tpu.vector_load %arg8[%swap3A_638, %swap3A_639] {strides = array<i32>} : memref<400x64xf32, #tpu.memory_space<vmem>>, vector<1x16xf32>,
          %swap3A_641 = vector.shape_cast %swap3A_640 : vector<1x16xf32> to vector<16xf32>
          %swap3A_642 = vector.shape_cast %get3A_637 : vector<16xf32> to vector<1x16xf32>
          tpu.vector_store %arg8[%swap3A_638, %swap3A_639], %swap3A_642 {add = true, strides = array<i32>} : memref<400x64xf32, #tpu.memory_space<vmem>>, vector<1x16xf32>,
          %add3A_643 = arith.constant 9 : i32
          %add3A_644 = arith.addi %mul3A_200, %add3A_643 : i32
          %get3A_645 = arith.constant 9 : i32
          %get3A_646 = arith.index_cast %get3A_645 : i32 to index
          %get3A_647 = arith.constant 16 : index
          %get3A_648 = tpu.vector_load %arg9[%get3A_646, %get3A_647] {strides = array<i32>} : memref<25x64xf32, #tpu.memory_space<vmem>>, vector<1x16xf32>,
          %get3A_649 = vector.shape_cast %get3A_648 : vector<1x16xf32> to vector<16xf32>
          %swap3A_650 = arith.index_cast %add3A_644 : i32 to index
          %swap3A_651 = arith.constant 16 : index
          %swap3A_652 = tpu.vector_load %arg8[%swap3A_650, %swap3A_651] {strides = array<i32>} : memref<400x64xf32, #tpu.memory_space<vmem>>, vector<1x16xf32>,
          %swap3A_653 = vector.shape_cast %swap3A_652 : vector<1x16xf32> to vector<16xf32>
          %swap3A_654 = vector.shape_cast %get3A_649 : vector<16xf32> to vector<1x16xf32>
          tpu.vector_store %arg8[%swap3A_650, %swap3A_651], %swap3A_654 {add = true, strides = array<i32>} : memref<400x64xf32, #tpu.memory_space<vmem>>, vector<1x16xf32>,
          %add3A_655 = arith.constant 9 : i32
          %add3A_656 = arith.addi %mul3A_200, %add3A_655 : i32
          %get3A_657 = arith.constant 9 : i32
          %get3A_658 = arith.index_cast %get3A_657 : i32 to index
          %get3A_659 = arith.constant 32 : index
          %get3A_660 = tpu.vector_load %arg9[%get3A_658, %get3A_659] {strides = array<i32>} : memref<25x64xf32, #tpu.memory_space<vmem>>, vector<1x16xf32>,
          %get3A_661 = vector.shape_cast %get3A_660 : vector<1x16xf32> to vector<16xf32>
          %swap3A_662 = arith.index_cast %add3A_656 : i32 to index
          %swap3A_663 = arith.constant 32 : index
          %swap3A_664 = tpu.vector_load %arg8[%swap3A_662, %swap3A_663] {strides = array<i32>} : memref<400x64xf32, #tpu.memory_space<vmem>>, vector<1x16xf32>,
          %swap3A_665 = vector.shape_cast %swap3A_664 : vector<1x16xf32> to vector<16xf32>
          %swap3A_666 = vector.shape_cast %get3A_661 : vector<16xf32> to vector<1x16xf32>
          tpu.vector_store %arg8[%swap3A_662, %swap3A_663], %swap3A_666 {add = true, strides = array<i32>} : memref<400x64xf32, #tpu.memory_space<vmem>>, vector<1x16xf32>,
          %add3A_667 = arith.constant 9 : i32
          %add3A_668 = arith.addi %mul3A_200, %add3A_667 : i32
          %get3A_669 = arith.constant 9 : i32
          %get3A_670 = arith.index_cast %get3A_669 : i32 to index
          %get3A_671 = arith.constant 48 : index
          %get3A_672 = tpu.vector_load %arg9[%get3A_670, %get3A_671] {strides = array<i32>} : memref<25x64xf32, #tpu.memory_space<vmem>>, vector<1x16xf32>,
          %get3A_673 = vector.shape_cast %get3A_672 : vector<1x16xf32> to vector<16xf32>
          %swap3A_674 = arith.index_cast %add3A_668 : i32 to index
          %swap3A_675 = arith.constant 48 : index
          %swap3A_676 = tpu.vector_load %arg8[%swap3A_674, %swap3A_675] {strides = array<i32>} : memref<400x64xf32, #tpu.memory_space<vmem>>, vector<1x16xf32>,
          %swap3A_677 = vector.shape_cast %swap3A_676 : vector<1x16xf32> to vector<16xf32>
          %swap3A_678 = vector.shape_cast %get3A_673 : vector<16xf32> to vector<1x16xf32>
          tpu.vector_store %arg8[%swap3A_674, %swap3A_675], %swap3A_678 {add = true, strides = array<i32>} : memref<400x64xf32, #tpu.memory_space<vmem>>, vector<1x16xf32>,
          %add3A_679 = arith.constant 10 : i32
          %add3A_680 = arith.addi %mul3A_200, %add3A_679 : i32
          %get3A_681 = arith.constant 10 : i32
          %get3A_682 = arith.index_cast %get3A_681 : i32 to index
          %get3A_683 = arith.constant 0 : index
          %get3A_684 = tpu.vector_load %arg9[%get3A_682, %get3A_683] {strides = array<i32>} : memref<25x64xf32, #tpu.memory_space<vmem>>, vector<1x16xf32>,
          %get3A_685 = vector.shape_cast %get3A_684 : vector<1x16xf32> to vector<16xf32>
          %swap3A_686 = arith.index_cast %add3A_680 : i32 to index
          %swap3A_687 = arith.constant 0 : index
          %swap3A_688 = tpu.vector_load %arg8[%swap3A_686, %swap3A_687] {strides = array<i32>} : memref<400x64xf32, #tpu.memory_space<vmem>>, vector<1x16xf32>,
          %swap3A_689 = vector.shape_cast %swap3A_688 : vector<1x16xf32> to vector<16xf32>
          %swap3A_690 = vector.shape_cast %get3A_685 : vector<16xf32> to vector<1x16xf32>
          tpu.vector_store %arg8[%swap3A_686, %swap3A_687], %swap3A_690 {add = true, strides = array<i32>} : memref<400x64xf32, #tpu.memory_space<vmem>>, vector<1x16xf32>,
          %add3A_691 = arith.constant 10 : i32
          %add3A_692 = arith.addi %mul3A_200, %add3A_691 : i32
          %get3A_693 = arith.constant 10 : i32
          %get3A_694 = arith.index_cast %get3A_693 : i32 to index
          %get3A_695 = arith.constant 16 : index
          %get3A_696 = tpu.vector_load %arg9[%get3A_694, %get3A_695] {strides = array<i32>} : memref<25x64xf32, #tpu.memory_space<vmem>>, vector<1x16xf32>,
          %get3A_697 = vector.shape_cast %get3A_696 : vector<1x16xf32> to vector<16xf32>
          %swap3A_698 = arith.index_cast %add3A_692 : i32 to index
          %swap3A_699 = arith.constant 16 : index
          %swap3A_700 = tpu.vector_load %arg8[%swap3A_698, %swap3A_699] {strides = array<i32>} : memref<400x64xf32, #tpu.memory_space<vmem>>, vector<1x16xf32>,
          %swap3A_701 = vector.shape_cast %swap3A_700 : vector<1x16xf32> to vector<16xf32>
          %swap3A_702 = vector.shape_cast %get3A_697 : vector<16xf32> to vector<1x16xf32>
          tpu.vector_store %arg8[%swap3A_698, %swap3A_699], %swap3A_702 {add = true, strides = array<i32>} : memref<400x64xf32, #tpu.memory_space<vmem>>, vector<1x16xf32>,
          %add3A_703 = arith.constant 10 : i32
          %add3A_704 = arith.addi %mul3A_200, %add3A_703 : i32
          %get3A_705 = arith.constant 10 : i32
          %get3A_706 = arith.index_cast %get3A_705 : i32 to index
          %get3A_707 = arith.constant 32 : index
          %get3A_708 = tpu.vector_load %arg9[%get3A_706, %get3A_707] {strides = array<i32>} : memref<25x64xf32, #tpu.memory_space<vmem>>, vector<1x16xf32>,
          %get3A_709 = vector.shape_cast %get3A_708 : vector<1x16xf32> to vector<16xf32>
          %swap3A_710 = arith.index_cast %add3A_704 : i32 to index
          %swap3A_711 = arith.constant 32 : index
          %swap3A_712 = tpu.vector_load %arg8[%swap3A_710, %swap3A_711] {strides = array<i32>} : memref<400x64xf32, #tpu.memory_space<vmem>>, vector<1x16xf32>,
          %swap3A_713 = vector.shape_cast %swap3A_712 : vector<1x16xf32> to vector<16xf32>
          %swap3A_714 = vector.shape_cast %get3A_709 : vector<16xf32> to vector<1x16xf32>
          tpu.vector_store %arg8[%swap3A_710, %swap3A_711], %swap3A_714 {add = true, strides = array<i32>} : memref<400x64xf32, #tpu.memory_space<vmem>>, vector<1x16xf32>,
          %add3A_715 = arith.constant 10 : i32
          %add3A_716 = arith.addi %mul3A_200, %add3A_715 : i32
          %get3A_717 = arith.constant 10 : i32
          %get3A_718 = arith.index_cast %get3A_717 : i32 to index
          %get3A_719 = arith.constant 48 : index
          %get3A_720 = tpu.vector_load %arg9[%get3A_718, %get3A_719] {strides = array<i32>} : memref<25x64xf32, #tpu.memory_space<vmem>>, vector<1x16xf32>,
          %get3A_721 = vector.shape_cast %get3A_720 : vector<1x16xf32> to vector<16xf32>
          %swap3A_722 = arith.index_cast %add3A_716 : i32 to index
          %swap3A_723 = arith.constant 48 : index
          %swap3A_724 = tpu.vector_load %arg8[%swap3A_722, %swap3A_723] {strides = array<i32>} : memref<400x64xf32, #tpu.memory_space<vmem>>, vector<1x16xf32>,
          %swap3A_725 = vector.shape_cast %swap3A_724 : vector<1x16xf32> to vector<16xf32>
          %swap3A_726 = vector.shape_cast %get3A_721 : vector<16xf32> to vector<1x16xf32>
          tpu.vector_store %arg8[%swap3A_722, %swap3A_723], %swap3A_726 {add = true, strides = array<i32>} : memref<400x64xf32, #tpu.memory_space<vmem>>, vector<1x16xf32>,
          %add3A_727 = arith.constant 11 : i32
          %add3A_728 = arith.addi %mul3A_200, %add3A_727 : i32
          %get3A_729 = arith.constant 11 : i32
          %get3A_730 = arith.index_cast %get3A_729 : i32 to index
          %get3A_731 = arith.constant 0 : index
          %get3A_732 = tpu.vector_load %arg9[%get3A_730, %get3A_731] {strides = array<i32>} : memref<25x64xf32, #tpu.memory_space<vmem>>, vector<1x16xf32>,
          %get3A_733 = vector.shape_cast %get3A_732 : vector<1x16xf32> to vector<16xf32>
          %swap3A_734 = arith.index_cast %add3A_728 : i32 to index
          %swap3A_735 = arith.constant 0 : index
          %swap3A_736 = tpu.vector_load %arg8[%swap3A_734, %swap3A_735] {strides = array<i32>} : memref<400x64xf32, #tpu.memory_space<vmem>>, vector<1x16xf32>,
          %swap3A_737 = vector.shape_cast %swap3A_736 : vector<1x16xf32> to vector<16xf32>
          %swap3A_738 = vector.shape_cast %get3A_733 : vector<16xf32> to vector<1x16xf32>
          tpu.vector_store %arg8[%swap3A_734, %swap3A_735], %swap3A_738 {add = true, strides = array<i32>} : memref<400x64xf32, #tpu.memory_space<vmem>>, vector<1x16xf32>,
          %add3A_739 = arith.constant 11 : i32
          %add3A_740 = arith.addi %mul3A_200, %add3A_739 : i32
          %get3A_741 = arith.constant 11 : i32
          %get3A_742 = arith.index_cast %get3A_741 : i32 to index
          %get3A_743 = arith.constant 16 : index
          %get3A_744 = tpu.vector_load %arg9[%get3A_742, %get3A_743] {strides = array<i32>} : memref<25x64xf32, #tpu.memory_space<vmem>>, vector<1x16xf32>,
          %get3A_745 = vector.shape_cast %get3A_744 : vector<1x16xf32> to vector<16xf32>
          %swap3A_746 = arith.index_cast %add3A_740 : i32 to index
          %swap3A_747 = arith.constant 16 : index
          %swap3A_748 = tpu.vector_load %arg8[%swap3A_746, %swap3A_747] {strides = array<i32>} : memref<400x64xf32, #tpu.memory_space<vmem>>, vector<1x16xf32>,
          %swap3A_749 = vector.shape_cast %swap3A_748 : vector<1x16xf32> to vector<16xf32>
          %swap3A_750 = vector.shape_cast %get3A_745 : vector<16xf32> to vector<1x16xf32>
          tpu.vector_store %arg8[%swap3A_746, %swap3A_747], %swap3A_750 {add = true, strides = array<i32>} : memref<400x64xf32, #tpu.memory_space<vmem>>, vector<1x16xf32>,
          %add3A_751 = arith.constant 11 : i32
          %add3A_752 = arith.addi %mul3A_200, %add3A_751 : i32
          %get3A_753 = arith.constant 11 : i32
          %get3A_754 = arith.index_cast %get3A_753 : i32 to index
          %get3A_755 = arith.constant 32 : index
          %get3A_756 = tpu.vector_load %arg9[%get3A_754, %get3A_755] {strides = array<i32>} : memref<25x64xf32, #tpu.memory_space<vmem>>, vector<1x16xf32>,
          %get3A_757 = vector.shape_cast %get3A_756 : vector<1x16xf32> to vector<16xf32>
          %swap3A_758 = arith.index_cast %add3A_752 : i32 to index
          %swap3A_759 = arith.constant 32 : index
          %swap3A_760 = tpu.vector_load %arg8[%swap3A_758, %swap3A_759] {strides = array<i32>} : memref<400x64xf32, #tpu.memory_space<vmem>>, vector<1x16xf32>,
          %swap3A_761 = vector.shape_cast %swap3A_760 : vector<1x16xf32> to vector<16xf32>
          %swap3A_762 = vector.shape_cast %get3A_757 : vector<16xf32> to vector<1x16xf32>
          tpu.vector_store %arg8[%swap3A_758, %swap3A_759], %swap3A_762 {add = true, strides = array<i32>} : memref<400x64xf32, #tpu.memory_space<vmem>>, vector<1x16xf32>,
          %add3A_763 = arith.constant 11 : i32
          %add3A_764 = arith.addi %mul3A_200, %add3A_763 : i32
          %get3A_765 = arith.constant 11 : i32
          %get3A_766 = arith.index_cast %get3A_765 : i32 to index
          %get3A_767 = arith.constant 48 : index
          %get3A_768 = tpu.vector_load %arg9[%get3A_766, %get3A_767] {strides = array<i32>} : memref<25x64xf32, #tpu.memory_space<vmem>>, vector<1x16xf32>,
          %get3A_769 = vector.shape_cast %get3A_768 : vector<1x16xf32> to vector<16xf32>
          %swap3A_770 = arith.index_cast %add3A_764 : i32 to index
          %swap3A_771 = arith.constant 48 : index
          %swap3A_772 = tpu.vector_load %arg8[%swap3A_770, %swap3A_771] {strides = array<i32>} : memref<400x64xf32, #tpu.memory_space<vmem>>, vector<1x16xf32>,
          %swap3A_773 = vector.shape_cast %swap3A_772 : vector<1x16xf32> to vector<16xf32>
          %swap3A_774 = vector.shape_cast %get3A_769 : vector<16xf32> to vector<1x16xf32>
          tpu.vector_store %arg8[%swap3A_770, %swap3A_771], %swap3A_774 {add = true, strides = array<i32>} : memref<400x64xf32, #tpu.memory_space<vmem>>, vector<1x16xf32>,
          %add3A_775 = arith.constant 12 : i32
          %add3A_776 = arith.addi %mul3A_200, %add3A_775 : i32
          %get3A_777 = arith.constant 12 : i32
          %get3A_778 = arith.index_cast %get3A_777 : i32 to index
          %get3A_779 = arith.constant 0 : index
          %get3A_780 = tpu.vector_load %arg9[%get3A_778, %get3A_779] {strides = array<i32>} : memref<25x64xf32, #tpu.memory_space<vmem>>, vector<1x16xf32>,
          %get3A_781 = vector.shape_cast %get3A_780 : vector<1x16xf32> to vector<16xf32>
          %swap3A_782 = arith.index_cast %add3A_776 : i32 to index
          %swap3A_783 = arith.constant 0 : index
          %swap3A_784 = tpu.vector_load %arg8[%swap3A_782, %swap3A_783] {strides = array<i32>} : memref<400x64xf32, #tpu.memory_space<vmem>>, vector<1x16xf32>,
          %swap3A_785 = vector.shape_cast %swap3A_784 : vector<1x16xf32> to vector<16xf32>
          %swap3A_786 = vector.shape_cast %get3A_781 : vector<16xf32> to vector<1x16xf32>
          tpu.vector_store %arg8[%swap3A_782, %swap3A_783], %swap3A_786 {add = true, strides = array<i32>} : memref<400x64xf32, #tpu.memory_space<vmem>>, vector<1x16xf32>,
          %add3A_787 = arith.constant 12 : i32
          %add3A_788 = arith.addi %mul3A_200, %add3A_787 : i32
          %get3A_789 = arith.constant 12 : i32
          %get3A_790 = arith.index_cast %get3A_789 : i32 to index
          %get3A_791 = arith.constant 16 : index
          %get3A_792 = tpu.vector_load %arg9[%get3A_790, %get3A_791] {strides = array<i32>} : memref<25x64xf32, #tpu.memory_space<vmem>>, vector<1x16xf32>,
          %get3A_793 = vector.shape_cast %get3A_792 : vector<1x16xf32> to vector<16xf32>
          %swap3A_794 = arith.index_cast %add3A_788 : i32 to index
          %swap3A_795 = arith.constant 16 : index
          %swap3A_796 = tpu.vector_load %arg8[%swap3A_794, %swap3A_795] {strides = array<i32>} : memref<400x64xf32, #tpu.memory_space<vmem>>, vector<1x16xf32>,
          %swap3A_797 = vector.shape_cast %swap3A_796 : vector<1x16xf32> to vector<16xf32>
          %swap3A_798 = vector.shape_cast %get3A_793 : vector<16xf32> to vector<1x16xf32>
          tpu.vector_store %arg8[%swap3A_794, %swap3A_795], %swap3A_798 {add = true, strides = array<i32>} : memref<400x64xf32, #tpu.memory_space<vmem>>, vector<1x16xf32>,
          %add3A_799 = arith.constant 12 : i32
          %add3A_800 = arith.addi %mul3A_200, %add3A_799 : i32
          %get3A_801 = arith.constant 12 : i32
          %get3A_802 = arith.index_cast %get3A_801 : i32 to index
          %get3A_803 = arith.constant 32 : index
          %get3A_804 = tpu.vector_load %arg9[%get3A_802, %get3A_803] {strides = array<i32>} : memref<25x64xf32, #tpu.memory_space<vmem>>, vector<1x16xf32>,
          %get3A_805 = vector.shape_cast %get3A_804 : vector<1x16xf32> to vector<16xf32>
          %swap3A_806 = arith.index_cast %add3A_800 : i32 to index
          %swap3A_807 = arith.constant 32 : index
          %swap3A_808 = tpu.vector_load %arg8[%swap3A_806, %swap3A_807] {strides = array<i32>} : memref<400x64xf32, #tpu.memory_space<vmem>>, vector<1x16xf32>,
          %swap3A_809 = vector.shape_cast %swap3A_808 : vector<1x16xf32> to vector<16xf32>
          %swap3A_810 = vector.shape_cast %get3A_805 : vector<16xf32> to vector<1x16xf32>
          tpu.vector_store %arg8[%swap3A_806, %swap3A_807], %swap3A_810 {add = true, strides = array<i32>} : memref<400x64xf32, #tpu.memory_space<vmem>>, vector<1x16xf32>,
          %add3A_811 = arith.constant 12 : i32
          %add3A_812 = arith.addi %mul3A_200, %add3A_811 : i32
          %get3A_813 = arith.constant 12 : i32
          %get3A_814 = arith.index_cast %get3A_813 : i32 to index
          %get3A_815 = arith.constant 48 : index
          %get3A_816 = tpu.vector_load %arg9[%get3A_814, %get3A_815] {strides = array<i32>} : memref<25x64xf32, #tpu.memory_space<vmem>>, vector<1x16xf32>,
          %get3A_817 = vector.shape_cast %get3A_816 : vector<1x16xf32> to vector<16xf32>
          %swap3A_818 = arith.index_cast %add3A_812 : i32 to index
          %swap3A_819 = arith.constant 48 : index
          %swap3A_820 = tpu.vector_load %arg8[%swap3A_818, %swap3A_819] {strides = array<i32>} : memref<400x64xf32, #tpu.memory_space<vmem>>, vector<1x16xf32>,
          %swap3A_821 = vector.shape_cast %swap3A_820 : vector<1x16xf32> to vector<16xf32>
          %swap3A_822 = vector.shape_cast %get3A_817 : vector<16xf32> to vector<1x16xf32>
          tpu.vector_store %arg8[%swap3A_818, %swap3A_819], %swap3A_822 {add = true, strides = array<i32>} : memref<400x64xf32, #tpu.memory_space<vmem>>, vector<1x16xf32>,
          %add3A_823 = arith.constant 13 : i32
          %add3A_824 = arith.addi %mul3A_200, %add3A_823 : i32
          %get3A_825 = arith.constant 13 : i32
          %get3A_826 = arith.index_cast %get3A_825 : i32 to index
          %get3A_827 = arith.constant 0 : index
          %get3A_828 = tpu.vector_load %arg9[%get3A_826, %get3A_827] {strides = array<i32>} : memref<25x64xf32, #tpu.memory_space<vmem>>, vector<1x16xf32>,
          %get3A_829 = vector.shape_cast %get3A_828 : vector<1x16xf32> to vector<16xf32>
          %swap3A_830 = arith.index_cast %add3A_824 : i32 to index
          %swap3A_831 = arith.constant 0 : index
          %swap3A_832 = tpu.vector_load %arg8[%swap3A_830, %swap3A_831] {strides = array<i32>} : memref<400x64xf32, #tpu.memory_space<vmem>>, vector<1x16xf32>,
          %swap3A_833 = vector.shape_cast %swap3A_832 : vector<1x16xf32> to vector<16xf32>
          %swap3A_834 = vector.shape_cast %get3A_829 : vector<16xf32> to vector<1x16xf32>
          tpu.vector_store %arg8[%swap3A_830, %swap3A_831], %swap3A_834 {add = true, strides = array<i32>} : memref<400x64xf32, #tpu.memory_space<vmem>>, vector<1x16xf32>,
          %add3A_835 = arith.constant 13 : i32
          %add3A_836 = arith.addi %mul3A_200, %add3A_835 : i32
          %get3A_837 = arith.constant 13 : i32
          %get3A_838 = arith.index_cast %get3A_837 : i32 to index
          %get3A_839 = arith.constant 16 : index
          %get3A_840 = tpu.vector_load %arg9[%get3A_838, %get3A_839] {strides = array<i32>} : memref<25x64xf32, #tpu.memory_space<vmem>>, vector<1x16xf32>,
          %get3A_841 = vector.shape_cast %get3A_840 : vector<1x16xf32> to vector<16xf32>
          %swap3A_842 = arith.index_cast %add3A_836 : i32 to index
          %swap3A_843 = arith.constant 16 : index
          %swap3A_844 = tpu.vector_load %arg8[%swap3A_842, %swap3A_843] {strides = array<i32>} : memref<400x64xf32, #tpu.memory_space<vmem>>, vector<1x16xf32>,
          %swap3A_845 = vector.shape_cast %swap3A_844 : vector<1x16xf32> to vector<16xf32>
          %swap3A_846 = vector.shape_cast %get3A_841 : vector<16xf32> to vector<1x16xf32>
          tpu.vector_store %arg8[%swap3A_842, %swap3A_843], %swap3A_846 {add = true, strides = array<i32>} : memref<400x64xf32, #tpu.memory_space<vmem>>, vector<1x16xf32>,
          %add3A_847 = arith.constant 13 : i32
          %add3A_848 = arith.addi %mul3A_200, %add3A_847 : i32
          %get3A_849 = arith.constant 13 : i32
          %get3A_850 = arith.index_cast %get3A_849 : i32 to index
          %get3A_851 = arith.constant 32 : index
          %get3A_852 = tpu.vector_load %arg9[%get3A_850, %get3A_851] {strides = array<i32>} : memref<25x64xf32, #tpu.memory_space<vmem>>, vector<1x16xf32>,
          %get3A_853 = vector.shape_cast %get3A_852 : vector<1x16xf32> to vector<16xf32>
          %swap3A_854 = arith.index_cast %add3A_848 : i32 to index
          %swap3A_855 = arith.constant 32 : index
          %swap3A_856 = tpu.vector_load %arg8[%swap3A_854, %swap3A_855] {strides = array<i32>} : memref<400x64xf32, #tpu.memory_space<vmem>>, vector<1x16xf32>,
          %swap3A_857 = vector.shape_cast %swap3A_856 : vector<1x16xf32> to vector<16xf32>
          %swap3A_858 = vector.shape_cast %get3A_853 : vector<16xf32> to vector<1x16xf32>
          tpu.vector_store %arg8[%swap3A_854, %swap3A_855], %swap3A_858 {add = true, strides = array<i32>} : memref<400x64xf32, #tpu.memory_space<vmem>>, vector<1x16xf32>,
          %add3A_859 = arith.constant 13 : i32
          %add3A_860 = arith.addi %mul3A_200, %add3A_859 : i32
          %get3A_861 = arith.constant 13 : i32
          %get3A_862 = arith.index_cast %get3A_861 : i32 to index
          %get3A_863 = arith.constant 48 : index
          %get3A_864 = tpu.vector_load %arg9[%get3A_862, %get3A_863] {strides = array<i32>} : memref<25x64xf32, #tpu.memory_space<vmem>>, vector<1x16xf32>,
          %get3A_865 = vector.shape_cast %get3A_864 : vector<1x16xf32> to vector<16xf32>
          %swap3A_866 = arith.index_cast %add3A_860 : i32 to index
          %swap3A_867 = arith.constant 48 : index
          %swap3A_868 = tpu.vector_load %arg8[%swap3A_866, %swap3A_867] {strides = array<i32>} : memref<400x64xf32, #tpu.memory_space<vmem>>, vector<1x16xf32>,
          %swap3A_869 = vector.shape_cast %swap3A_868 : vector<1x16xf32> to vector<16xf32>
          %swap3A_870 = vector.shape_cast %get3A_865 : vector<16xf32> to vector<1x16xf32>
          tpu.vector_store %arg8[%swap3A_866, %swap3A_867], %swap3A_870 {add = true, strides = array<i32>} : memref<400x64xf32, #tpu.memory_space<vmem>>, vector<1x16xf32>,
          %add3A_871 = arith.constant 14 : i32
          %add3A_872 = arith.addi %mul3A_200, %add3A_871 : i32
          %get3A_873 = arith.constant 14 : i32
          %get3A_874 = arith.index_cast %get3A_873 : i32 to index
          %get3A_875 = arith.constant 0 : index
          %get3A_876 = tpu.vector_load %arg9[%get3A_874, %get3A_875] {strides = array<i32>} : memref<25x64xf32, #tpu.memory_space<vmem>>, vector<1x16xf32>,
          %get3A_877 = vector.shape_cast %get3A_876 : vector<1x16xf32> to vector<16xf32>
          %swap3A_878 = arith.index_cast %add3A_872 : i32 to index
          %swap3A_879 = arith.constant 0 : index
          %swap3A_880 = tpu.vector_load %arg8[%swap3A_878, %swap3A_879] {strides = array<i32>} : memref<400x64xf32, #tpu.memory_space<vmem>>, vector<1x16xf32>,
          %swap3A_881 = vector.shape_cast %swap3A_880 : vector<1x16xf32> to vector<16xf32>
          %swap3A_882 = vector.shape_cast %get3A_877 : vector<16xf32> to vector<1x16xf32>
          tpu.vector_store %arg8[%swap3A_878, %swap3A_879], %swap3A_882 {add = true, strides = array<i32>} : memref<400x64xf32, #tpu.memory_space<vmem>>, vector<1x16xf32>,
          %add3A_883 = arith.constant 14 : i32
          %add3A_884 = arith.addi %mul3A_200, %add3A_883 : i32
          %get3A_885 = arith.constant 14 : i32
          %get3A_886 = arith.index_cast %get3A_885 : i32 to index
          %get3A_887 = arith.constant 16 : index
          %get3A_888 = tpu.vector_load %arg9[%get3A_886, %get3A_887] {strides = array<i32>} : memref<25x64xf32, #tpu.memory_space<vmem>>, vector<1x16xf32>,
          %get3A_889 = vector.shape_cast %get3A_888 : vector<1x16xf32> to vector<16xf32>
          %swap3A_890 = arith.index_cast %add3A_884 : i32 to index
          %swap3A_891 = arith.constant 16 : index
          %swap3A_892 = tpu.vector_load %arg8[%swap3A_890, %swap3A_891] {strides = array<i32>} : memref<400x64xf32, #tpu.memory_space<vmem>>, vector<1x16xf32>,
          %swap3A_893 = vector.shape_cast %swap3A_892 : vector<1x16xf32> to vector<16xf32>
          %swap3A_894 = vector.shape_cast %get3A_889 : vector<16xf32> to vector<1x16xf32>
          tpu.vector_store %arg8[%swap3A_890, %swap3A_891], %swap3A_894 {add = true, strides = array<i32>} : memref<400x64xf32, #tpu.memory_space<vmem>>, vector<1x16xf32>,
          %add3A_895 = arith.constant 14 : i32
          %add3A_896 = arith.addi %mul3A_200, %add3A_895 : i32
          %get3A_897 = arith.constant 14 : i32
          %get3A_898 = arith.index_cast %get3A_897 : i32 to index
          %get3A_899 = arith.constant 32 : index
          %get3A_900 = tpu.vector_load %arg9[%get3A_898, %get3A_899] {strides = array<i32>} : memref<25x64xf32, #tpu.memory_space<vmem>>, vector<1x16xf32>,
          %get3A_901 = vector.shape_cast %get3A_900 : vector<1x16xf32> to vector<16xf32>
          %swap3A_902 = arith.index_cast %add3A_896 : i32 to index
          %swap3A_903 = arith.constant 32 : index
          %swap3A_904 = tpu.vector_load %arg8[%swap3A_902, %swap3A_903] {strides = array<i32>} : memref<400x64xf32, #tpu.memory_space<vmem>>, vector<1x16xf32>,
          %swap3A_905 = vector.shape_cast %swap3A_904 : vector<1x16xf32> to vector<16xf32>
          %swap3A_906 = vector.shape_cast %get3A_901 : vector<16xf32> to vector<1x16xf32>
          tpu.vector_store %arg8[%swap3A_902, %swap3A_903], %swap3A_906 {add = true, strides = array<i32>} : memref<400x64xf32, #tpu.memory_space<vmem>>, vector<1x16xf32>,
          %add3A_907 = arith.constant 14 : i32
          %add3A_908 = arith.addi %mul3A_200, %add3A_907 : i32
          %get3A_909 = arith.constant 14 : i32
          %get3A_910 = arith.index_cast %get3A_909 : i32 to index
          %get3A_911 = arith.constant 48 : index
          %get3A_912 = tpu.vector_load %arg9[%get3A_910, %get3A_911] {strides = array<i32>} : memref<25x64xf32, #tpu.memory_space<vmem>>, vector<1x16xf32>,
          %get3A_913 = vector.shape_cast %get3A_912 : vector<1x16xf32> to vector<16xf32>
          %swap3A_914 = arith.index_cast %add3A_908 : i32 to index
          %swap3A_915 = arith.constant 48 : index
          %swap3A_916 = tpu.vector_load %arg8[%swap3A_914, %swap3A_915] {strides = array<i32>} : memref<400x64xf32, #tpu.memory_space<vmem>>, vector<1x16xf32>,
          %swap3A_917 = vector.shape_cast %swap3A_916 : vector<1x16xf32> to vector<16xf32>
          %swap3A_918 = vector.shape_cast %get3A_913 : vector<16xf32> to vector<1x16xf32>
          tpu.vector_store %arg8[%swap3A_914, %swap3A_915], %swap3A_918 {add = true, strides = array<i32>} : memref<400x64xf32, #tpu.memory_space<vmem>>, vector<1x16xf32>,
          %add3A_919 = arith.constant 15 : i32
          %add3A_920 = arith.addi %mul3A_200, %add3A_919 : i32
          %get3A_921 = arith.constant 15 : i32
          %get3A_922 = arith.index_cast %get3A_921 : i32 to index
          %get3A_923 = arith.constant 0 : index
          %get3A_924 = tpu.vector_load %arg9[%get3A_922, %get3A_923] {strides = array<i32>} : memref<25x64xf32, #tpu.memory_space<vmem>>, vector<1x16xf32>,
          %get3A_925 = vector.shape_cast %get3A_924 : vector<1x16xf32> to vector<16xf32>
          %swap3A_926 = arith.index_cast %add3A_920 : i32 to index
          %swap3A_927 = arith.constant 0 : index
          %swap3A_928 = tpu.vector_load %arg8[%swap3A_926, %swap3A_927] {strides = array<i32>} : memref<400x64xf32, #tpu.memory_space<vmem>>, vector<1x16xf32>,
          %swap3A_929 = vector.shape_cast %swap3A_928 : vector<1x16xf32> to vector<16xf32>
          %swap3A_930 = vector.shape_cast %get3A_925 : vector<16xf32> to vector<1x16xf32>
          tpu.vector_store %arg8[%swap3A_926, %swap3A_927], %swap3A_930 {add = true, strides = array<i32>} : memref<400x64xf32, #tpu.memory_space<vmem>>, vector<1x16xf32>,
          %add3A_931 = arith.constant 15 : i32
          %add3A_932 = arith.addi %mul3A_200, %add3A_931 : i32
          %get3A_933 = arith.constant 15 : i32
          %get3A_934 = arith.index_cast %get3A_933 : i32 to index
          %get3A_935 = arith.constant 16 : index
          %get3A_936 = tpu.vector_load %arg9[%get3A_934, %get3A_935] {strides = array<i32>} : memref<25x64xf32, #tpu.memory_space<vmem>>, vector<1x16xf32>,
          %get3A_937 = vector.shape_cast %get3A_936 : vector<1x16xf32> to vector<16xf32>
          %swap3A_938 = arith.index_cast %add3A_932 : i32 to index
          %swap3A_939 = arith.constant 16 : index
          %swap3A_940 = tpu.vector_load %arg8[%swap3A_938, %swap3A_939] {strides = array<i32>} : memref<400x64xf32, #tpu.memory_space<vmem>>, vector<1x16xf32>,
          %swap3A_941 = vector.shape_cast %swap3A_940 : vector<1x16xf32> to vector<16xf32>
          %swap3A_942 = vector.shape_cast %get3A_937 : vector<16xf32> to vector<1x16xf32>
          tpu.vector_store %arg8[%swap3A_938, %swap3A_939], %swap3A_942 {add = true, strides = array<i32>} : memref<400x64xf32, #tpu.memory_space<vmem>>, vector<1x16xf32>,
          %add3A_943 = arith.constant 15 : i32
          %add3A_944 = arith.addi %mul3A_200, %add3A_943 : i32
          %get3A_945 = arith.constant 15 : i32
          %get3A_946 = arith.index_cast %get3A_945 : i32 to index
          %get3A_947 = arith.constant 32 : index
          %get3A_948 = tpu.vector_load %arg9[%get3A_946, %get3A_947] {strides = array<i32>} : memref<25x64xf32, #tpu.memory_space<vmem>>, vector<1x16xf32>,
          %get3A_949 = vector.shape_cast %get3A_948 : vector<1x16xf32> to vector<16xf32>
          %swap3A_950 = arith.index_cast %add3A_944 : i32 to index
          %swap3A_951 = arith.constant 32 : index
          %swap3A_952 = tpu.vector_load %arg8[%swap3A_950, %swap3A_951] {strides = array<i32>} : memref<400x64xf32, #tpu.memory_space<vmem>>, vector<1x16xf32>,
          %swap3A_953 = vector.shape_cast %swap3A_952 : vector<1x16xf32> to vector<16xf32>
          %swap3A_954 = vector.shape_cast %get3A_949 : vector<16xf32> to vector<1x16xf32>
          tpu.vector_store %arg8[%swap3A_950, %swap3A_951], %swap3A_954 {add = true, strides = array<i32>} : memref<400x64xf32, #tpu.memory_space<vmem>>, vector<1x16xf32>,
          %add3A_955 = arith.constant 15 : i32
          %add3A_956 = arith.addi %mul3A_200, %add3A_955 : i32
          %get3A_957 = arith.constant 15 : i32
          %get3A_958 = arith.index_cast %get3A_957 : i32 to index
          %get3A_959 = arith.constant 48 : index
          %get3A_960 = tpu.vector_load %arg9[%get3A_958, %get3A_959] {strides = array<i32>} : memref<25x64xf32, #tpu.memory_space<vmem>>, vector<1x16xf32>,
          %get3A_961 = vector.shape_cast %get3A_960 : vector<1x16xf32> to vector<16xf32>
          %swap3A_962 = arith.index_cast %add3A_956 : i32 to index
          %swap3A_963 = arith.constant 48 : index
          %swap3A_964 = tpu.vector_load %arg8[%swap3A_962, %swap3A_963] {strides = array<i32>} : memref<400x64xf32, #tpu.memory_space<vmem>>, vector<1x16xf32>,
          %swap3A_965 = vector.shape_cast %swap3A_964 : vector<1x16xf32> to vector<16xf32>
          %swap3A_966 = vector.shape_cast %get3A_961 : vector<16xf32> to vector<1x16xf32>
          tpu.vector_store %arg8[%swap3A_962, %swap3A_963], %swap3A_966 {add = true, strides = array<i32>} : memref<400x64xf32, #tpu.memory_space<vmem>>, vector<1x16xf32>,
          %add3A_967 = arith.constant 16 : i32
          %add3A_968 = arith.addi %mul3A_200, %add3A_967 : i32
          %get3A_969 = arith.constant 16 : i32
          %get3A_970 = arith.index_cast %get3A_969 : i32 to index
          %get3A_971 = arith.constant 0 : index
          %get3A_972 = tpu.vector_load %arg9[%get3A_970, %get3A_971] {strides = array<i32>} : memref<25x64xf32, #tpu.memory_space<vmem>>, vector<1x16xf32>,
          %get3A_973 = vector.shape_cast %get3A_972 : vector<1x16xf32> to vector<16xf32>
          %swap3A_974 = arith.index_cast %add3A_968 : i32 to index
          %swap3A_975 = arith.constant 0 : index
          %swap3A_976 = tpu.vector_load %arg8[%swap3A_974, %swap3A_975] {strides = array<i32>} : memref<400x64xf32, #tpu.memory_space<vmem>>, vector<1x16xf32>,
          %swap3A_977 = vector.shape_cast %swap3A_976 : vector<1x16xf32> to vector<16xf32>
          %swap3A_978 = vector.shape_cast %get3A_973 : vector<16xf32> to vector<1x16xf32>
          tpu.vector_store %arg8[%swap3A_974, %swap3A_975], %swap3A_978 {add = true, strides = array<i32>} : memref<400x64xf32, #tpu.memory_space<vmem>>, vector<1x16xf32>,
          %add3A_979 = arith.constant 16 : i32
          %add3A_980 = arith.addi %mul3A_200, %add3A_979 : i32
          %get3A_981 = arith.constant 16 : i32
          %get3A_982 = arith.index_cast %get3A_981 : i32 to index
          %get3A_983 = arith.constant 16 : index
          %get3A_984 = tpu.vector_load %arg9[%get3A_982, %get3A_983] {strides = array<i32>} : memref<25x64xf32, #tpu.memory_space<vmem>>, vector<1x16xf32>,
          %get3A_985 = vector.shape_cast %get3A_984 : vector<1x16xf32> to vector<16xf32>
          %swap3A_986 = arith.index_cast %add3A_980 : i32 to index
          %swap3A_987 = arith.constant 16 : index
          %swap3A_988 = tpu.vector_load %arg8[%swap3A_986, %swap3A_987] {strides = array<i32>} : memref<400x64xf32, #tpu.memory_space<vmem>>, vector<1x16xf32>,
          %swap3A_989 = vector.shape_cast %swap3A_988 : vector<1x16xf32> to vector<16xf32>
          %swap3A_990 = vector.shape_cast %get3A_985 : vector<16xf32> to vector<1x16xf32>
          tpu.vector_store %arg8[%swap3A_986, %swap3A_987], %swap3A_990 {add = true, strides = array<i32>} : memref<400x64xf32, #tpu.memory_space<vmem>>, vector<1x16xf32>,
          %add3A_991 = arith.constant 16 : i32
          %add3A_992 = arith.addi %mul3A_200, %add3A_991 : i32
          %get3A_993 = arith.constant 16 : i32
          %get3A_994 = arith.index_cast %get3A_993 : i32 to index
          %get3A_995 = arith.constant 32 : index
          %get3A_996 = tpu.vector_load %arg9[%get3A_994, %get3A_995] {strides = array<i32>} : memref<25x64xf32, #tpu.memory_space<vmem>>, vector<1x16xf32>,
          %get3A_997 = vector.shape_cast %get3A_996 : vector<1x16xf32> to vector<16xf32>
          %swap3A_998 = arith.index_cast %add3A_992 : i32 to index
          %swap3A_999 = arith.constant 32 : index
          %swap3A_1000 = tpu.vector_load %arg8[%swap3A_998, %swap3A_999] {strides = array<i32>} : memref<400x64xf32, #tpu.memory_space<vmem>>, vector<1x16xf32>,
          %swap3A_1001 = vector.shape_cast %swap3A_1000 : vector<1x16xf32> to vector<16xf32>
          %swap3A_1002 = vector.shape_cast %get3A_997 : vector<16xf32> to vector<1x16xf32>
          tpu.vector_store %arg8[%swap3A_998, %swap3A_999], %swap3A_1002 {add = true, strides = array<i32>} : memref<400x64xf32, #tpu.memory_space<vmem>>, vector<1x16xf32>,
          %add3A_1003 = arith.constant 16 : i32
          %add3A_1004 = arith.addi %mul3A_200, %add3A_1003 : i32
          %get3A_1005 = arith.constant 16 : i32
          %get3A_1006 = arith.index_cast %get3A_1005 : i32 to index
          %get3A_1007 = arith.constant 48 : index
          %get3A_1008 = tpu.vector_load %arg9[%get3A_1006, %get3A_1007] {strides = array<i32>} : memref<25x64xf32, #tpu.memory_space<vmem>>, vector<1x16xf32>,
          %get3A_1009 = vector.shape_cast %get3A_1008 : vector<1x16xf32> to vector<16xf32>
          %swap3A_1010 = arith.index_cast %add3A_1004 : i32 to index
          %swap3A_1011 = arith.constant 48 : index
          %swap3A_1012 = tpu.vector_load %arg8[%swap3A_1010, %swap3A_1011] {strides = array<i32>} : memref<400x64xf32, #tpu.memory_space<vmem>>, vector<1x16xf32>,
          %swap3A_1013 = vector.shape_cast %swap3A_1012 : vector<1x16xf32> to vector<16xf32>
          %swap3A_1014 = vector.shape_cast %get3A_1009 : vector<16xf32> to vector<1x16xf32>
          tpu.vector_store %arg8[%swap3A_1010, %swap3A_1011], %swap3A_1014 {add = true, strides = array<i32>} : memref<400x64xf32, #tpu.memory_space<vmem>>, vector<1x16xf32>,
          %add3A_1015 = arith.constant 17 : i32
          %add3A_1016 = arith.addi %mul3A_200, %add3A_1015 : i32
          %get3A_1017 = arith.constant 17 : i32
          %get3A_1018 = arith.index_cast %get3A_1017 : i32 to index
          %get3A_1019 = arith.constant 0 : index
          %get3A_1020 = tpu.vector_load %arg9[%get3A_1018, %get3A_1019] {strides = array<i32>} : memref<25x64xf32, #tpu.memory_space<vmem>>, vector<1x16xf32>,
          %get3A_1021 = vector.shape_cast %get3A_1020 : vector<1x16xf32> to vector<16xf32>
          %swap3A_1022 = arith.index_cast %add3A_1016 : i32 to index
          %swap3A_1023 = arith.constant 0 : index
          %swap3A_1024 = tpu.vector_load %arg8[%swap3A_1022, %swap3A_1023] {strides = array<i32>} : memref<400x64xf32, #tpu.memory_space<vmem>>, vector<1x16xf32>,
          %swap3A_1025 = vector.shape_cast %swap3A_1024 : vector<1x16xf32> to vector<16xf32>
          %swap3A_1026 = vector.shape_cast %get3A_1021 : vector<16xf32> to vector<1x16xf32>
          tpu.vector_store %arg8[%swap3A_1022, %swap3A_1023], %swap3A_1026 {add = true, strides = array<i32>} : memref<400x64xf32, #tpu.memory_space<vmem>>, vector<1x16xf32>,
          %add3A_1027 = arith.constant 17 : i32
          %add3A_1028 = arith.addi %mul3A_200, %add3A_1027 : i32
          %get3A_1029 = arith.constant 17 : i32
          %get3A_1030 = arith.index_cast %get3A_1029 : i32 to index
          %get3A_1031 = arith.constant 16 : index
          %get3A_1032 = tpu.vector_load %arg9[%get3A_1030, %get3A_1031] {strides = array<i32>} : memref<25x64xf32, #tpu.memory_space<vmem>>, vector<1x16xf32>,
          %get3A_1033 = vector.shape_cast %get3A_1032 : vector<1x16xf32> to vector<16xf32>
          %swap3A_1034 = arith.index_cast %add3A_1028 : i32 to index
          %swap3A_1035 = arith.constant 16 : index
          %swap3A_1036 = tpu.vector_load %arg8[%swap3A_1034, %swap3A_1035] {strides = array<i32>} : memref<400x64xf32, #tpu.memory_space<vmem>>, vector<1x16xf32>,
          %swap3A_1037 = vector.shape_cast %swap3A_1036 : vector<1x16xf32> to vector<16xf32>
          %swap3A_1038 = vector.shape_cast %get3A_1033 : vector<16xf32> to vector<1x16xf32>
          tpu.vector_store %arg8[%swap3A_1034, %swap3A_1035], %swap3A_1038 {add = true, strides = array<i32>} : memref<400x64xf32, #tpu.memory_space<vmem>>, vector<1x16xf32>,
          %add3A_1039 = arith.constant 17 : i32
          %add3A_1040 = arith.addi %mul3A_200, %add3A_1039 : i32
          %get3A_1041 = arith.constant 17 : i32
          %get3A_1042 = arith.index_cast %get3A_1041 : i32 to index
          %get3A_1043 = arith.constant 32 : index
          %get3A_1044 = tpu.vector_load %arg9[%get3A_1042, %get3A_1043] {strides = array<i32>} : memref<25x64xf32, #tpu.memory_space<vmem>>, vector<1x16xf32>,
          %get3A_1045 = vector.shape_cast %get3A_1044 : vector<1x16xf32> to vector<16xf32>
          %swap3A_1046 = arith.index_cast %add3A_1040 : i32 to index
          %swap3A_1047 = arith.constant 32 : index
          %swap3A_1048 = tpu.vector_load %arg8[%swap3A_1046, %swap3A_1047] {strides = array<i32>} : memref<400x64xf32, #tpu.memory_space<vmem>>, vector<1x16xf32>,
          %swap3A_1049 = vector.shape_cast %swap3A_1048 : vector<1x16xf32> to vector<16xf32>
          %swap3A_1050 = vector.shape_cast %get3A_1045 : vector<16xf32> to vector<1x16xf32>
          tpu.vector_store %arg8[%swap3A_1046, %swap3A_1047], %swap3A_1050 {add = true, strides = array<i32>} : memref<400x64xf32, #tpu.memory_space<vmem>>, vector<1x16xf32>,
          %add3A_1051 = arith.constant 17 : i32
          %add3A_1052 = arith.addi %mul3A_200, %add3A_1051 : i32
          %get3A_1053 = arith.constant 17 : i32
          %get3A_1054 = arith.index_cast %get3A_1053 : i32 to index
          %get3A_1055 = arith.constant 48 : index
          %get3A_1056 = tpu.vector_load %arg9[%get3A_1054, %get3A_1055] {strides = array<i32>} : memref<25x64xf32, #tpu.memory_space<vmem>>, vector<1x16xf32>,
          %get3A_1057 = vector.shape_cast %get3A_1056 : vector<1x16xf32> to vector<16xf32>
          %swap3A_1058 = arith.index_cast %add3A_1052 : i32 to index
          %swap3A_1059 = arith.constant 48 : index
          %swap3A_1060 = tpu.vector_load %arg8[%swap3A_1058, %swap3A_1059] {strides = array<i32>} : memref<400x64xf32, #tpu.memory_space<vmem>>, vector<1x16xf32>,
          %swap3A_1061 = vector.shape_cast %swap3A_1060 : vector<1x16xf32> to vector<16xf32>
          %swap3A_1062 = vector.shape_cast %get3A_1057 : vector<16xf32> to vector<1x16xf32>
          tpu.vector_store %arg8[%swap3A_1058, %swap3A_1059], %swap3A_1062 {add = true, strides = array<i32>} : memref<400x64xf32, #tpu.memory_space<vmem>>, vector<1x16xf32>,
          %add3A_1063 = arith.constant 18 : i32
          %add3A_1064 = arith.addi %mul3A_200, %add3A_1063 : i32
          %get3A_1065 = arith.constant 18 : i32
          %get3A_1066 = arith.index_cast %get3A_1065 : i32 to index
          %get3A_1067 = arith.constant 0 : index
          %get3A_1068 = tpu.vector_load %arg9[%get3A_1066, %get3A_1067] {strides = array<i32>} : memref<25x64xf32, #tpu.memory_space<vmem>>, vector<1x16xf32>,
          %get3A_1069 = vector.shape_cast %get3A_1068 : vector<1x16xf32> to vector<16xf32>
          %swap3A_1070 = arith.index_cast %add3A_1064 : i32 to index
          %swap3A_1071 = arith.constant 0 : index
          %swap3A_1072 = tpu.vector_load %arg8[%swap3A_1070, %swap3A_1071] {strides = array<i32>} : memref<400x64xf32, #tpu.memory_space<vmem>>, vector<1x16xf32>,
          %swap3A_1073 = vector.shape_cast %swap3A_1072 : vector<1x16xf32> to vector<16xf32>
          %swap3A_1074 = vector.shape_cast %get3A_1069 : vector<16xf32> to vector<1x16xf32>
          tpu.vector_store %arg8[%swap3A_1070, %swap3A_1071], %swap3A_1074 {add = true, strides = array<i32>} : memref<400x64xf32, #tpu.memory_space<vmem>>, vector<1x16xf32>,
          %add3A_1075 = arith.constant 18 : i32
          %add3A_1076 = arith.addi %mul3A_200, %add3A_1075 : i32
          %get3A_1077 = arith.constant 18 : i32
          %get3A_1078 = arith.index_cast %get3A_1077 : i32 to index
          %get3A_1079 = arith.constant 16 : index
          %get3A_1080 = tpu.vector_load %arg9[%get3A_1078, %get3A_1079] {strides = array<i32>} : memref<25x64xf32, #tpu.memory_space<vmem>>, vector<1x16xf32>,
          %get3A_1081 = vector.shape_cast %get3A_1080 : vector<1x16xf32> to vector<16xf32>
          %swap3A_1082 = arith.index_cast %add3A_1076 : i32 to index
          %swap3A_1083 = arith.constant 16 : index
          %swap3A_1084 = tpu.vector_load %arg8[%swap3A_1082, %swap3A_1083] {strides = array<i32>} : memref<400x64xf32, #tpu.memory_space<vmem>>, vector<1x16xf32>,
          %swap3A_1085 = vector.shape_cast %swap3A_1084 : vector<1x16xf32> to vector<16xf32>
          %swap3A_1086 = vector.shape_cast %get3A_1081 : vector<16xf32> to vector<1x16xf32>
          tpu.vector_store %arg8[%swap3A_1082, %swap3A_1083], %swap3A_1086 {add = true, strides = array<i32>} : memref<400x64xf32, #tpu.memory_space<vmem>>, vector<1x16xf32>,
          %add3A_1087 = arith.constant 18 : i32
          %add3A_1088 = arith.addi %mul3A_200, %add3A_1087 : i32
          %get3A_1089 = arith.constant 18 : i32
          %get3A_1090 = arith.index_cast %get3A_1089 : i32 to index
          %get3A_1091 = arith.constant 32 : index
          %get3A_1092 = tpu.vector_load %arg9[%get3A_1090, %get3A_1091] {strides = array<i32>} : memref<25x64xf32, #tpu.memory_space<vmem>>, vector<1x16xf32>,
          %get3A_1093 = vector.shape_cast %get3A_1092 : vector<1x16xf32> to vector<16xf32>
          %swap3A_1094 = arith.index_cast %add3A_1088 : i32 to index
          %swap3A_1095 = arith.constant 32 : index
          %swap3A_1096 = tpu.vector_load %arg8[%swap3A_1094, %swap3A_1095] {strides = array<i32>} : memref<400x64xf32, #tpu.memory_space<vmem>>, vector<1x16xf32>,
          %swap3A_1097 = vector.shape_cast %swap3A_1096 : vector<1x16xf32> to vector<16xf32>
          %swap3A_1098 = vector.shape_cast %get3A_1093 : vector<16xf32> to vector<1x16xf32>
          tpu.vector_store %arg8[%swap3A_1094, %swap3A_1095], %swap3A_1098 {add = true, strides = array<i32>} : memref<400x64xf32, #tpu.memory_space<vmem>>, vector<1x16xf32>,
          %add3A_1099 = arith.constant 18 : i32
          %add3A_1100 = arith.addi %mul3A_200, %add3A_1099 : i32
          %get3A_1101 = arith.constant 18 : i32
          %get3A_1102 = arith.index_cast %get3A_1101 : i32 to index
          %get3A_1103 = arith.constant 48 : index
          %get3A_1104 = tpu.vector_load %arg9[%get3A_1102, %get3A_1103] {strides = array<i32>} : memref<25x64xf32, #tpu.memory_space<vmem>>, vector<1x16xf32>,
          %get3A_1105 = vector.shape_cast %get3A_1104 : vector<1x16xf32> to vector<16xf32>
          %swap3A_1106 = arith.index_cast %add3A_1100 : i32 to index
          %swap3A_1107 = arith.constant 48 : index
          %swap3A_1108 = tpu.vector_load %arg8[%swap3A_1106, %swap3A_1107] {strides = array<i32>} : memref<400x64xf32, #tpu.memory_space<vmem>>, vector<1x16xf32>,
          %swap3A_1109 = vector.shape_cast %swap3A_1108 : vector<1x16xf32> to vector<16xf32>
          %swap3A_1110 = vector.shape_cast %get3A_1105 : vector<16xf32> to vector<1x16xf32>
          tpu.vector_store %arg8[%swap3A_1106, %swap3A_1107], %swap3A_1110 {add = true, strides = array<i32>} : memref<400x64xf32, #tpu.memory_space<vmem>>, vector<1x16xf32>,
          %add3A_1111 = arith.constant 19 : i32
          %add3A_1112 = arith.addi %mul3A_200, %add3A_1111 : i32
          %get3A_1113 = arith.constant 19 : i32
          %get3A_1114 = arith.index_cast %get3A_1113 : i32 to index
          %get3A_1115 = arith.constant 0 : index
          %get3A_1116 = tpu.vector_load %arg9[%get3A_1114, %get3A_1115] {strides = array<i32>} : memref<25x64xf32, #tpu.memory_space<vmem>>, vector<1x16xf32>,
          %get3A_1117 = vector.shape_cast %get3A_1116 : vector<1x16xf32> to vector<16xf32>
          %swap3A_1118 = arith.index_cast %add3A_1112 : i32 to index
          %swap3A_1119 = arith.constant 0 : index
          %swap3A_1120 = tpu.vector_load %arg8[%swap3A_1118, %swap3A_1119] {strides = array<i32>} : memref<400x64xf32, #tpu.memory_space<vmem>>, vector<1x16xf32>,
          %swap3A_1121 = vector.shape_cast %swap3A_1120 : vector<1x16xf32> to vector<16xf32>
          %swap3A_1122 = vector.shape_cast %get3A_1117 : vector<16xf32> to vector<1x16xf32>
          tpu.vector_store %arg8[%swap3A_1118, %swap3A_1119], %swap3A_1122 {add = true, strides = array<i32>} : memref<400x64xf32, #tpu.memory_space<vmem>>, vector<1x16xf32>,
          %add3A_1123 = arith.constant 19 : i32
          %add3A_1124 = arith.addi %mul3A_200, %add3A_1123 : i32
          %get3A_1125 = arith.constant 19 : i32
          %get3A_1126 = arith.index_cast %get3A_1125 : i32 to index
          %get3A_1127 = arith.constant 16 : index
          %get3A_1128 = tpu.vector_load %arg9[%get3A_1126, %get3A_1127] {strides = array<i32>} : memref<25x64xf32, #tpu.memory_space<vmem>>, vector<1x16xf32>,
          %get3A_1129 = vector.shape_cast %get3A_1128 : vector<1x16xf32> to vector<16xf32>
          %swap3A_1130 = arith.index_cast %add3A_1124 : i32 to index
          %swap3A_1131 = arith.constant 16 : index
          %swap3A_1132 = tpu.vector_load %arg8[%swap3A_1130, %swap3A_1131] {strides = array<i32>} : memref<400x64xf32, #tpu.memory_space<vmem>>, vector<1x16xf32>,
          %swap3A_1133 = vector.shape_cast %swap3A_1132 : vector<1x16xf32> to vector<16xf32>
          %swap3A_1134 = vector.shape_cast %get3A_1129 : vector<16xf32> to vector<1x16xf32>
          tpu.vector_store %arg8[%swap3A_1130, %swap3A_1131], %swap3A_1134 {add = true, strides = array<i32>} : memref<400x64xf32, #tpu.memory_space<vmem>>, vector<1x16xf32>,
          %add3A_1135 = arith.constant 19 : i32
          %add3A_1136 = arith.addi %mul3A_200, %add3A_1135 : i32
          %get3A_1137 = arith.constant 19 : i32
          %get3A_1138 = arith.index_cast %get3A_1137 : i32 to index
          %get3A_1139 = arith.constant 32 : index
          %get3A_1140 = tpu.vector_load %arg9[%get3A_1138, %get3A_1139] {strides = array<i32>} : memref<25x64xf32, #tpu.memory_space<vmem>>, vector<1x16xf32>,
          %get3A_1141 = vector.shape_cast %get3A_1140 : vector<1x16xf32> to vector<16xf32>
          %swap3A_1142 = arith.index_cast %add3A_1136 : i32 to index
          %swap3A_1143 = arith.constant 32 : index
          %swap3A_1144 = tpu.vector_load %arg8[%swap3A_1142, %swap3A_1143] {strides = array<i32>} : memref<400x64xf32, #tpu.memory_space<vmem>>, vector<1x16xf32>,
          %swap3A_1145 = vector.shape_cast %swap3A_1144 : vector<1x16xf32> to vector<16xf32>
          %swap3A_1146 = vector.shape_cast %get3A_1141 : vector<16xf32> to vector<1x16xf32>
          tpu.vector_store %arg8[%swap3A_1142, %swap3A_1143], %swap3A_1146 {add = true, strides = array<i32>} : memref<400x64xf32, #tpu.memory_space<vmem>>, vector<1x16xf32>,
          %add3A_1147 = arith.constant 19 : i32
          %add3A_1148 = arith.addi %mul3A_200, %add3A_1147 : i32
          %get3A_1149 = arith.constant 19 : i32
          %get3A_1150 = arith.index_cast %get3A_1149 : i32 to index
          %get3A_1151 = arith.constant 48 : index
          %get3A_1152 = tpu.vector_load %arg9[%get3A_1150, %get3A_1151] {strides = array<i32>} : memref<25x64xf32, #tpu.memory_space<vmem>>, vector<1x16xf32>,
          %get3A_1153 = vector.shape_cast %get3A_1152 : vector<1x16xf32> to vector<16xf32>
          %swap3A_1154 = arith.index_cast %add3A_1148 : i32 to index
          %swap3A_1155 = arith.constant 48 : index
          %swap3A_1156 = tpu.vector_load %arg8[%swap3A_1154, %swap3A_1155] {strides = array<i32>} : memref<400x64xf32, #tpu.memory_space<vmem>>, vector<1x16xf32>,
          %swap3A_1157 = vector.shape_cast %swap3A_1156 : vector<1x16xf32> to vector<16xf32>
          %swap3A_1158 = vector.shape_cast %get3A_1153 : vector<16xf32> to vector<1x16xf32>
          tpu.vector_store %arg8[%swap3A_1154, %swap3A_1155], %swap3A_1158 {add = true, strides = array<i32>} : memref<400x64xf32, #tpu.memory_space<vmem>>, vector<1x16xf32>,
          %add3A_1159 = arith.constant 20 : i32
          %add3A_1160 = arith.addi %mul3A_200, %add3A_1159 : i32
          %get3A_1161 = arith.constant 20 : i32
          %get3A_1162 = arith.index_cast %get3A_1161 : i32 to index
          %get3A_1163 = arith.constant 0 : index
          %get3A_1164 = tpu.vector_load %arg9[%get3A_1162, %get3A_1163] {strides = array<i32>} : memref<25x64xf32, #tpu.memory_space<vmem>>, vector<1x16xf32>,
          %get3A_1165 = vector.shape_cast %get3A_1164 : vector<1x16xf32> to vector<16xf32>
          %swap3A_1166 = arith.index_cast %add3A_1160 : i32 to index
          %swap3A_1167 = arith.constant 0 : index
          %swap3A_1168 = tpu.vector_load %arg8[%swap3A_1166, %swap3A_1167] {strides = array<i32>} : memref<400x64xf32, #tpu.memory_space<vmem>>, vector<1x16xf32>,
          %swap3A_1169 = vector.shape_cast %swap3A_1168 : vector<1x16xf32> to vector<16xf32>
          %swap3A_1170 = vector.shape_cast %get3A_1165 : vector<16xf32> to vector<1x16xf32>
          tpu.vector_store %arg8[%swap3A_1166, %swap3A_1167], %swap3A_1170 {add = true, strides = array<i32>} : memref<400x64xf32, #tpu.memory_space<vmem>>, vector<1x16xf32>,
          %add3A_1171 = arith.constant 20 : i32
          %add3A_1172 = arith.addi %mul3A_200, %add3A_1171 : i32
          %get3A_1173 = arith.constant 20 : i32
          %get3A_1174 = arith.index_cast %get3A_1173 : i32 to index
          %get3A_1175 = arith.constant 16 : index
          %get3A_1176 = tpu.vector_load %arg9[%get3A_1174, %get3A_1175] {strides = array<i32>} : memref<25x64xf32, #tpu.memory_space<vmem>>, vector<1x16xf32>,
          %get3A_1177 = vector.shape_cast %get3A_1176 : vector<1x16xf32> to vector<16xf32>
          %swap3A_1178 = arith.index_cast %add3A_1172 : i32 to index
          %swap3A_1179 = arith.constant 16 : index
          %swap3A_1180 = tpu.vector_load %arg8[%swap3A_1178, %swap3A_1179] {strides = array<i32>} : memref<400x64xf32, #tpu.memory_space<vmem>>, vector<1x16xf32>,
          %swap3A_1181 = vector.shape_cast %swap3A_1180 : vector<1x16xf32> to vector<16xf32>
          %swap3A_1182 = vector.shape_cast %get3A_1177 : vector<16xf32> to vector<1x16xf32>
          tpu.vector_store %arg8[%swap3A_1178, %swap3A_1179], %swap3A_1182 {add = true, strides = array<i32>} : memref<400x64xf32, #tpu.memory_space<vmem>>, vector<1x16xf32>,
          %add3A_1183 = arith.constant 20 : i32
          %add3A_1184 = arith.addi %mul3A_200, %add3A_1183 : i32
          %get3A_1185 = arith.constant 20 : i32
          %get3A_1186 = arith.index_cast %get3A_1185 : i32 to index
          %get3A_1187 = arith.constant 32 : index
          %get3A_1188 = tpu.vector_load %arg9[%get3A_1186, %get3A_1187] {strides = array<i32>} : memref<25x64xf32, #tpu.memory_space<vmem>>, vector<1x16xf32>,
          %get3A_1189 = vector.shape_cast %get3A_1188 : vector<1x16xf32> to vector<16xf32>
          %swap3A_1190 = arith.index_cast %add3A_1184 : i32 to index
          %swap3A_1191 = arith.constant 32 : index
          %swap3A_1192 = tpu.vector_load %arg8[%swap3A_1190, %swap3A_1191] {strides = array<i32>} : memref<400x64xf32, #tpu.memory_space<vmem>>, vector<1x16xf32>,
          %swap3A_1193 = vector.shape_cast %swap3A_1192 : vector<1x16xf32> to vector<16xf32>
          %swap3A_1194 = vector.shape_cast %get3A_1189 : vector<16xf32> to vector<1x16xf32>
          tpu.vector_store %arg8[%swap3A_1190, %swap3A_1191], %swap3A_1194 {add = true, strides = array<i32>} : memref<400x64xf32, #tpu.memory_space<vmem>>, vector<1x16xf32>,
          %add3A_1195 = arith.constant 20 : i32
          %add3A_1196 = arith.addi %mul3A_200, %add3A_1195 : i32
          %get3A_1197 = arith.constant 20 : i32
          %get3A_1198 = arith.index_cast %get3A_1197 : i32 to index
          %get3A_1199 = arith.constant 48 : index
          %get3A_1200 = tpu.vector_load %arg9[%get3A_1198, %get3A_1199] {strides = array<i32>} : memref<25x64xf32, #tpu.memory_space<vmem>>, vector<1x16xf32>,
          %get3A_1201 = vector.shape_cast %get3A_1200 : vector<1x16xf32> to vector<16xf32>
          %swap3A_1202 = arith.index_cast %add3A_1196 : i32 to index
          %swap3A_1203 = arith.constant 48 : index
          %swap3A_1204 = tpu.vector_load %arg8[%swap3A_1202, %swap3A_1203] {strides = array<i32>} : memref<400x64xf32, #tpu.memory_space<vmem>>, vector<1x16xf32>,
          %swap3A_1205 = vector.shape_cast %swap3A_1204 : vector<1x16xf32> to vector<16xf32>
          %swap3A_1206 = vector.shape_cast %get3A_1201 : vector<16xf32> to vector<1x16xf32>
          tpu.vector_store %arg8[%swap3A_1202, %swap3A_1203], %swap3A_1206 {add = true, strides = array<i32>} : memref<400x64xf32, #tpu.memory_space<vmem>>, vector<1x16xf32>,
          %add3A_1207 = arith.constant 21 : i32
          %add3A_1208 = arith.addi %mul3A_200, %add3A_1207 : i32
          %get3A_1209 = arith.constant 21 : i32
          %get3A_1210 = arith.index_cast %get3A_1209 : i32 to index
          %get3A_1211 = arith.constant 0 : index
          %get3A_1212 = tpu.vector_load %arg9[%get3A_1210, %get3A_1211] {strides = array<i32>} : memref<25x64xf32, #tpu.memory_space<vmem>>, vector<1x16xf32>,
          %get3A_1213 = vector.shape_cast %get3A_1212 : vector<1x16xf32> to vector<16xf32>
          %swap3A_1214 = arith.index_cast %add3A_1208 : i32 to index
          %swap3A_1215 = arith.constant 0 : index
          %swap3A_1216 = tpu.vector_load %arg8[%swap3A_1214, %swap3A_1215] {strides = array<i32>} : memref<400x64xf32, #tpu.memory_space<vmem>>, vector<1x16xf32>,
          %swap3A_1217 = vector.shape_cast %swap3A_1216 : vector<1x16xf32> to vector<16xf32>
          %swap3A_1218 = vector.shape_cast %get3A_1213 : vector<16xf32> to vector<1x16xf32>
          tpu.vector_store %arg8[%swap3A_1214, %swap3A_1215], %swap3A_1218 {add = true, strides = array<i32>} : memref<400x64xf32, #tpu.memory_space<vmem>>, vector<1x16xf32>,
          %add3A_1219 = arith.constant 21 : i32
          %add3A_1220 = arith.addi %mul3A_200, %add3A_1219 : i32
          %get3A_1221 = arith.constant 21 : i32
          %get3A_1222 = arith.index_cast %get3A_1221 : i32 to index
          %get3A_1223 = arith.constant 16 : index
          %get3A_1224 = tpu.vector_load %arg9[%get3A_1222, %get3A_1223] {strides = array<i32>} : memref<25x64xf32, #tpu.memory_space<vmem>>, vector<1x16xf32>,
          %get3A_1225 = vector.shape_cast %get3A_1224 : vector<1x16xf32> to vector<16xf32>
          %swap3A_1226 = arith.index_cast %add3A_1220 : i32 to index
          %swap3A_1227 = arith.constant 16 : index
          %swap3A_1228 = tpu.vector_load %arg8[%swap3A_1226, %swap3A_1227] {strides = array<i32>} : memref<400x64xf32, #tpu.memory_space<vmem>>, vector<1x16xf32>,
          %swap3A_1229 = vector.shape_cast %swap3A_1228 : vector<1x16xf32> to vector<16xf32>
          %swap3A_1230 = vector.shape_cast %get3A_1225 : vector<16xf32> to vector<1x16xf32>
          tpu.vector_store %arg8[%swap3A_1226, %swap3A_1227], %swap3A_1230 {add = true, strides = array<i32>} : memref<400x64xf32, #tpu.memory_space<vmem>>, vector<1x16xf32>,
          %add3A_1231 = arith.constant 21 : i32
          %add3A_1232 = arith.addi %mul3A_200, %add3A_1231 : i32
          %get3A_1233 = arith.constant 21 : i32
          %get3A_1234 = arith.index_cast %get3A_1233 : i32 to index
          %get3A_1235 = arith.constant 32 : index
          %get3A_1236 = tpu.vector_load %arg9[%get3A_1234, %get3A_1235] {strides = array<i32>} : memref<25x64xf32, #tpu.memory_space<vmem>>, vector<1x16xf32>,
          %get3A_1237 = vector.shape_cast %get3A_1236 : vector<1x16xf32> to vector<16xf32>
          %swap3A_1238 = arith.index_cast %add3A_1232 : i32 to index
          %swap3A_1239 = arith.constant 32 : index
          %swap3A_1240 = tpu.vector_load %arg8[%swap3A_1238, %swap3A_1239] {strides = array<i32>} : memref<400x64xf32, #tpu.memory_space<vmem>>, vector<1x16xf32>,
          %swap3A_1241 = vector.shape_cast %swap3A_1240 : vector<1x16xf32> to vector<16xf32>
          %swap3A_1242 = vector.shape_cast %get3A_1237 : vector<16xf32> to vector<1x16xf32>
          tpu.vector_store %arg8[%swap3A_1238, %swap3A_1239], %swap3A_1242 {add = true, strides = array<i32>} : memref<400x64xf32, #tpu.memory_space<vmem>>, vector<1x16xf32>,
          %add3A_1243 = arith.constant 21 : i32
          %add3A_1244 = arith.addi %mul3A_200, %add3A_1243 : i32
          %get3A_1245 = arith.constant 21 : i32
          %get3A_1246 = arith.index_cast %get3A_1245 : i32 to index
          %get3A_1247 = arith.constant 48 : index
          %get3A_1248 = tpu.vector_load %arg9[%get3A_1246, %get3A_1247] {strides = array<i32>} : memref<25x64xf32, #tpu.memory_space<vmem>>, vector<1x16xf32>,
          %get3A_1249 = vector.shape_cast %get3A_1248 : vector<1x16xf32> to vector<16xf32>
          %swap3A_1250 = arith.index_cast %add3A_1244 : i32 to index
          %swap3A_1251 = arith.constant 48 : index
          %swap3A_1252 = tpu.vector_load %arg8[%swap3A_1250, %swap3A_1251] {strides = array<i32>} : memref<400x64xf32, #tpu.memory_space<vmem>>, vector<1x16xf32>,
          %swap3A_1253 = vector.shape_cast %swap3A_1252 : vector<1x16xf32> to vector<16xf32>
          %swap3A_1254 = vector.shape_cast %get3A_1249 : vector<16xf32> to vector<1x16xf32>
          tpu.vector_store %arg8[%swap3A_1250, %swap3A_1251], %swap3A_1254 {add = true, strides = array<i32>} : memref<400x64xf32, #tpu.memory_space<vmem>>, vector<1x16xf32>,
          %add3A_1255 = arith.constant 22 : i32
          %add3A_1256 = arith.addi %mul3A_200, %add3A_1255 : i32
          %get3A_1257 = arith.constant 22 : i32
          %get3A_1258 = arith.index_cast %get3A_1257 : i32 to index
          %get3A_1259 = arith.constant 0 : index
          %get3A_1260 = tpu.vector_load %arg9[%get3A_1258, %get3A_1259] {strides = array<i32>} : memref<25x64xf32, #tpu.memory_space<vmem>>, vector<1x16xf32>,
          %get3A_1261 = vector.shape_cast %get3A_1260 : vector<1x16xf32> to vector<16xf32>
          %swap3A_1262 = arith.index_cast %add3A_1256 : i32 to index
          %swap3A_1263 = arith.constant 0 : index
          %swap3A_1264 = tpu.vector_load %arg8[%swap3A_1262, %swap3A_1263] {strides = array<i32>} : memref<400x64xf32, #tpu.memory_space<vmem>>, vector<1x16xf32>,
          %swap3A_1265 = vector.shape_cast %swap3A_1264 : vector<1x16xf32> to vector<16xf32>
          %swap3A_1266 = vector.shape_cast %get3A_1261 : vector<16xf32> to vector<1x16xf32>
          tpu.vector_store %arg8[%swap3A_1262, %swap3A_1263], %swap3A_1266 {add = true, strides = array<i32>} : memref<400x64xf32, #tpu.memory_space<vmem>>, vector<1x16xf32>,
          %add3A_1267 = arith.constant 22 : i32
          %add3A_1268 = arith.addi %mul3A_200, %add3A_1267 : i32
          %get3A_1269 = arith.constant 22 : i32
          %get3A_1270 = arith.index_cast %get3A_1269 : i32 to index
          %get3A_1271 = arith.constant 16 : index
          %get3A_1272 = tpu.vector_load %arg9[%get3A_1270, %get3A_1271] {strides = array<i32>} : memref<25x64xf32, #tpu.memory_space<vmem>>, vector<1x16xf32>,
          %get3A_1273 = vector.shape_cast %get3A_1272 : vector<1x16xf32> to vector<16xf32>
          %swap3A_1274 = arith.index_cast %add3A_1268 : i32 to index
          %swap3A_1275 = arith.constant 16 : index
          %swap3A_1276 = tpu.vector_load %arg8[%swap3A_1274, %swap3A_1275] {strides = array<i32>} : memref<400x64xf32, #tpu.memory_space<vmem>>, vector<1x16xf32>,
          %swap3A_1277 = vector.shape_cast %swap3A_1276 : vector<1x16xf32> to vector<16xf32>
          %swap3A_1278 = vector.shape_cast %get3A_1273 : vector<16xf32> to vector<1x16xf32>
          tpu.vector_store %arg8[%swap3A_1274, %swap3A_1275], %swap3A_1278 {add = true, strides = array<i32>} : memref<400x64xf32, #tpu.memory_space<vmem>>, vector<1x16xf32>,
          %add3A_1279 = arith.constant 22 : i32
          %add3A_1280 = arith.addi %mul3A_200, %add3A_1279 : i32
          %get3A_1281 = arith.constant 22 : i32
          %get3A_1282 = arith.index_cast %get3A_1281 : i32 to index
          %get3A_1283 = arith.constant 32 : index
          %get3A_1284 = tpu.vector_load %arg9[%get3A_1282, %get3A_1283] {strides = array<i32>} : memref<25x64xf32, #tpu.memory_space<vmem>>, vector<1x16xf32>,
          %get3A_1285 = vector.shape_cast %get3A_1284 : vector<1x16xf32> to vector<16xf32>
          %swap3A_1286 = arith.index_cast %add3A_1280 : i32 to index
          %swap3A_1287 = arith.constant 32 : index
          %swap3A_1288 = tpu.vector_load %arg8[%swap3A_1286, %swap3A_1287] {strides = array<i32>} : memref<400x64xf32, #tpu.memory_space<vmem>>, vector<1x16xf32>,
          %swap3A_1289 = vector.shape_cast %swap3A_1288 : vector<1x16xf32> to vector<16xf32>
          %swap3A_1290 = vector.shape_cast %get3A_1285 : vector<16xf32> to vector<1x16xf32>
          tpu.vector_store %arg8[%swap3A_1286, %swap3A_1287], %swap3A_1290 {add = true, strides = array<i32>} : memref<400x64xf32, #tpu.memory_space<vmem>>, vector<1x16xf32>,
          %add3A_1291 = arith.constant 22 : i32
          %add3A_1292 = arith.addi %mul3A_200, %add3A_1291 : i32
          %get3A_1293 = arith.constant 22 : i32
          %get3A_1294 = arith.index_cast %get3A_1293 : i32 to index
          %get3A_1295 = arith.constant 48 : index
          %get3A_1296 = tpu.vector_load %arg9[%get3A_1294, %get3A_1295] {strides = array<i32>} : memref<25x64xf32, #tpu.memory_space<vmem>>, vector<1x16xf32>,
          %get3A_1297 = vector.shape_cast %get3A_1296 : vector<1x16xf32> to vector<16xf32>
          %swap3A_1298 = arith.index_cast %add3A_1292 : i32 to index
          %swap3A_1299 = arith.constant 48 : index
          %swap3A_1300 = tpu.vector_load %arg8[%swap3A_1298, %swap3A_1299] {strides = array<i32>} : memref<400x64xf32, #tpu.memory_space<vmem>>, vector<1x16xf32>,
          %swap3A_1301 = vector.shape_cast %swap3A_1300 : vector<1x16xf32> to vector<16xf32>
          %swap3A_1302 = vector.shape_cast %get3A_1297 : vector<16xf32> to vector<1x16xf32>
          tpu.vector_store %arg8[%swap3A_1298, %swap3A_1299], %swap3A_1302 {add = true, strides = array<i32>} : memref<400x64xf32, #tpu.memory_space<vmem>>, vector<1x16xf32>,
          %add3A_1303 = arith.constant 23 : i32
          %add3A_1304 = arith.addi %mul3A_200, %add3A_1303 : i32
          %get3A_1305 = arith.constant 23 : i32
          %get3A_1306 = arith.index_cast %get3A_1305 : i32 to index
          %get3A_1307 = arith.constant 0 : index
          %get3A_1308 = tpu.vector_load %arg9[%get3A_1306, %get3A_1307] {strides = array<i32>} : memref<25x64xf32, #tpu.memory_space<vmem>>, vector<1x16xf32>,
          %get3A_1309 = vector.shape_cast %get3A_1308 : vector<1x16xf32> to vector<16xf32>
          %swap3A_1310 = arith.index_cast %add3A_1304 : i32 to index
          %swap3A_1311 = arith.constant 0 : index
          %swap3A_1312 = tpu.vector_load %arg8[%swap3A_1310, %swap3A_1311] {strides = array<i32>} : memref<400x64xf32, #tpu.memory_space<vmem>>, vector<1x16xf32>,
          %swap3A_1313 = vector.shape_cast %swap3A_1312 : vector<1x16xf32> to vector<16xf32>
          %swap3A_1314 = vector.shape_cast %get3A_1309 : vector<16xf32> to vector<1x16xf32>
          tpu.vector_store %arg8[%swap3A_1310, %swap3A_1311], %swap3A_1314 {add = true, strides = array<i32>} : memref<400x64xf32, #tpu.memory_space<vmem>>, vector<1x16xf32>,
          %add3A_1315 = arith.constant 23 : i32
          %add3A_1316 = arith.addi %mul3A_200, %add3A_1315 : i32
          %get3A_1317 = arith.constant 23 : i32
          %get3A_1318 = arith.index_cast %get3A_1317 : i32 to index
          %get3A_1319 = arith.constant 16 : index
          %get3A_1320 = tpu.vector_load %arg9[%get3A_1318, %get3A_1319] {strides = array<i32>} : memref<25x64xf32, #tpu.memory_space<vmem>>, vector<1x16xf32>,
          %get3A_1321 = vector.shape_cast %get3A_1320 : vector<1x16xf32> to vector<16xf32>
          %swap3A_1322 = arith.index_cast %add3A_1316 : i32 to index
          %swap3A_1323 = arith.constant 16 : index
          %swap3A_1324 = tpu.vector_load %arg8[%swap3A_1322, %swap3A_1323] {strides = array<i32>} : memref<400x64xf32, #tpu.memory_space<vmem>>, vector<1x16xf32>,
          %swap3A_1325 = vector.shape_cast %swap3A_1324 : vector<1x16xf32> to vector<16xf32>
          %swap3A_1326 = vector.shape_cast %get3A_1321 : vector<16xf32> to vector<1x16xf32>
          tpu.vector_store %arg8[%swap3A_1322, %swap3A_1323], %swap3A_1326 {add = true, strides = array<i32>} : memref<400x64xf32, #tpu.memory_space<vmem>>, vector<1x16xf32>,
          %add3A_1327 = arith.constant 23 : i32
          %add3A_1328 = arith.addi %mul3A_200, %add3A_1327 : i32
          %get3A_1329 = arith.constant 23 : i32
          %get3A_1330 = arith.index_cast %get3A_1329 : i32 to index
          %get3A_1331 = arith.constant 32 : index
          %get3A_1332 = tpu.vector_load %arg9[%get3A_1330, %get3A_1331] {strides = array<i32>} : memref<25x64xf32, #tpu.memory_space<vmem>>, vector<1x16xf32>,
          %get3A_1333 = vector.shape_cast %get3A_1332 : vector<1x16xf32> to vector<16xf32>
          %swap3A_1334 = arith.index_cast %add3A_1328 : i32 to index
          %swap3A_1335 = arith.constant 32 : index
          %swap3A_1336 = tpu.vector_load %arg8[%swap3A_1334, %swap3A_1335] {strides = array<i32>} : memref<400x64xf32, #tpu.memory_space<vmem>>, vector<1x16xf32>,
          %swap3A_1337 = vector.shape_cast %swap3A_1336 : vector<1x16xf32> to vector<16xf32>
          %swap3A_1338 = vector.shape_cast %get3A_1333 : vector<16xf32> to vector<1x16xf32>
          tpu.vector_store %arg8[%swap3A_1334, %swap3A_1335], %swap3A_1338 {add = true, strides = array<i32>} : memref<400x64xf32, #tpu.memory_space<vmem>>, vector<1x16xf32>,
          %add3A_1339 = arith.constant 23 : i32
          %add3A_1340 = arith.addi %mul3A_200, %add3A_1339 : i32
          %get3A_1341 = arith.constant 23 : i32
          %get3A_1342 = arith.index_cast %get3A_1341 : i32 to index
          %get3A_1343 = arith.constant 48 : index
          %get3A_1344 = tpu.vector_load %arg9[%get3A_1342, %get3A_1343] {strides = array<i32>} : memref<25x64xf32, #tpu.memory_space<vmem>>, vector<1x16xf32>,
          %get3A_1345 = vector.shape_cast %get3A_1344 : vector<1x16xf32> to vector<16xf32>
          %swap3A_1346 = arith.index_cast %add3A_1340 : i32 to index
          %swap3A_1347 = arith.constant 48 : index
          %swap3A_1348 = tpu.vector_load %arg8[%swap3A_1346, %swap3A_1347] {strides = array<i32>} : memref<400x64xf32, #tpu.memory_space<vmem>>, vector<1x16xf32>,
          %swap3A_1349 = vector.shape_cast %swap3A_1348 : vector<1x16xf32> to vector<16xf32>
          %swap3A_1350 = vector.shape_cast %get3A_1345 : vector<16xf32> to vector<1x16xf32>
          tpu.vector_store %arg8[%swap3A_1346, %swap3A_1347], %swap3A_1350 {add = true, strides = array<i32>} : memref<400x64xf32, #tpu.memory_space<vmem>>, vector<1x16xf32>,
          %add3A_1351 = arith.constant 24 : i32
          %add3A_1352 = arith.addi %mul3A_200, %add3A_1351 : i32
          %get3A_1353 = arith.constant 24 : i32
          %get3A_1354 = arith.index_cast %get3A_1353 : i32 to index
          %get3A_1355 = arith.constant 0 : index
          %get3A_1356 = tpu.vector_load %arg9[%get3A_1354, %get3A_1355] {strides = array<i32>} : memref<25x64xf32, #tpu.memory_space<vmem>>, vector<1x16xf32>,
          %get3A_1357 = vector.shape_cast %get3A_1356 : vector<1x16xf32> to vector<16xf32>
          %swap3A_1358 = arith.index_cast %add3A_1352 : i32 to index
          %swap3A_1359 = arith.constant 0 : index
          %swap3A_1360 = tpu.vector_load %arg8[%swap3A_1358, %swap3A_1359] {strides = array<i32>} : memref<400x64xf32, #tpu.memory_space<vmem>>, vector<1x16xf32>,
          %swap3A_1361 = vector.shape_cast %swap3A_1360 : vector<1x16xf32> to vector<16xf32>
          %swap3A_1362 = vector.shape_cast %get3A_1357 : vector<16xf32> to vector<1x16xf32>
          tpu.vector_store %arg8[%swap3A_1358, %swap3A_1359], %swap3A_1362 {add = true, strides = array<i32>} : memref<400x64xf32, #tpu.memory_space<vmem>>, vector<1x16xf32>,
          %add3A_1363 = arith.constant 24 : i32
          %add3A_1364 = arith.addi %mul3A_200, %add3A_1363 : i32
          %get3A_1365 = arith.constant 24 : i32
          %get3A_1366 = arith.index_cast %get3A_1365 : i32 to index
          %get3A_1367 = arith.constant 16 : index
          %get3A_1368 = tpu.vector_load %arg9[%get3A_1366, %get3A_1367] {strides = array<i32>} : memref<25x64xf32, #tpu.memory_space<vmem>>, vector<1x16xf32>,
          %get3A_1369 = vector.shape_cast %get3A_1368 : vector<1x16xf32> to vector<16xf32>
          %swap3A_1370 = arith.index_cast %add3A_1364 : i32 to index
          %swap3A_1371 = arith.constant 16 : index
          %swap3A_1372 = tpu.vector_load %arg8[%swap3A_1370, %swap3A_1371] {strides = array<i32>} : memref<400x64xf32, #tpu.memory_space<vmem>>, vector<1x16xf32>,
          %swap3A_1373 = vector.shape_cast %swap3A_1372 : vector<1x16xf32> to vector<16xf32>
          %swap3A_1374 = vector.shape_cast %get3A_1369 : vector<16xf32> to vector<1x16xf32>
          tpu.vector_store %arg8[%swap3A_1370, %swap3A_1371], %swap3A_1374 {add = true, strides = array<i32>} : memref<400x64xf32, #tpu.memory_space<vmem>>, vector<1x16xf32>,
          %add3A_1375 = arith.constant 24 : i32
          %add3A_1376 = arith.addi %mul3A_200, %add3A_1375 : i32
          %get3A_1377 = arith.constant 24 : i32
          %get3A_1378 = arith.index_cast %get3A_1377 : i32 to index
          %get3A_1379 = arith.constant 32 : index
          %get3A_1380 = tpu.vector_load %arg9[%get3A_1378, %get3A_1379] {strides = array<i32>} : memref<25x64xf32, #tpu.memory_space<vmem>>, vector<1x16xf32>,
          %get3A_1381 = vector.shape_cast %get3A_1380 : vector<1x16xf32> to vector<16xf32>
          %swap3A_1382 = arith.index_cast %add3A_1376 : i32 to index
          %swap3A_1383 = arith.constant 32 : index
          %swap3A_1384 = tpu.vector_load %arg8[%swap3A_1382, %swap3A_1383] {strides = array<i32>} : memref<400x64xf32, #tpu.memory_space<vmem>>, vector<1x16xf32>,
          %swap3A_1385 = vector.shape_cast %swap3A_1384 : vector<1x16xf32> to vector<16xf32>
          %swap3A_1386 = vector.shape_cast %get3A_1381 : vector<16xf32> to vector<1x16xf32>
          tpu.vector_store %arg8[%swap3A_1382, %swap3A_1383], %swap3A_1386 {add = true, strides = array<i32>} : memref<400x64xf32, #tpu.memory_space<vmem>>, vector<1x16xf32>,
          %add3A_1387 = arith.constant 24 : i32
          %add3A_1388 = arith.addi %mul3A_200, %add3A_1387 : i32
          %get3A_1389 = arith.constant 24 : i32
          %get3A_1390 = arith.index_cast %get3A_1389 : i32 to index
          %get3A_1391 = arith.constant 48 : index
          %get3A_1392 = tpu.vector_load %arg9[%get3A_1390, %get3A_1391] {strides = array<i32>} : memref<25x64xf32, #tpu.memory_space<vmem>>, vector<1x16xf32>,
          %get3A_1393 = vector.shape_cast %get3A_1392 : vector<1x16xf32> to vector<16xf32>
          %swap3A_1394 = arith.index_cast %add3A_1388 : i32 to index
          %swap3A_1395 = arith.constant 48 : index
          %swap3A_1396 = tpu.vector_load %arg8[%swap3A_1394, %swap3A_1395] {strides = array<i32>} : memref<400x64xf32, #tpu.memory_space<vmem>>, vector<1x16xf32>,
          %swap3A_1397 = vector.shape_cast %swap3A_1396 : vector<1x16xf32> to vector<16xf32>
          %swap3A_1398 = vector.shape_cast %get3A_1393 : vector<16xf32> to vector<1x16xf32>
          tpu.vector_store %arg8[%swap3A_1394, %swap3A_1395], %swap3A_1398 {add = true, strides = array<i32>} : memref<400x64xf32, #tpu.memory_space<vmem>>, vector<1x16xf32>,
          %scan3A_1399 = arith.constant 0 : i32
          scf.yield %scan3A_1399 : i32
        }
        %scan3A_187 = arith.constant 16 : i32
        %sub3A = arith.constant 1 : i32
        %sub3A_188 = arith.subi %add3A_44, %sub3A : i32
        %mul3A_189 = arith.constant 400 : i32
        %mul3A_190 = arith.muli %sub3A_188, %mul3A_189 : i32
        %add3A_191 = arith.addi %multiple_of3A, %mul3A_190 : i32
        %multiple_of3A_192 = tpu.assume_multiple %add3A_191, 8 : i32
        %dma_start3A_193 = arith.constant 0 : i32
        %dma_start3A_194 = tpu.memref_slice %arg5[%multiple_of3A_192, %dma_start3A_193] : memref<512000x64xf32, #tpu.memory_space<hbm>> -> memref<400x64xf32, #tpu.memory_space<hbm>>
        %dma_start3A_195 = arith.constant 0 : i32
        %dma_start3A_196 = tpu.memref_slice %arg5[%multiple_of3A_192, %dma_start3A_195] : memref<512000x64xf32, #tpu.memory_space<hbm>> -> memref<400x64xf32, #tpu.memory_space<hbm>>
        tpu.enqueue_dma source(%arg8 : memref<400x64xf32, #tpu.memory_space<vmem>>) target(%dma_start3A_196 : memref<400x64xf32, #tpu.memory_space<hbm>>) target_semaphore(%arg13 : memref<!tpu.dma_semaphore, #tpu.memory_space<semaphore_mem>>)
      } else {
      }
      %add3A_107 = arith.constant 1 : i32
      %add3A_108 = arith.addi %mul3A_42, %add3A_107 : i32
      %ge3A_109 = arith.constant 2 : i32
      %ge3A_110 = arith.cmpi sge, %add3A_108, %ge3A_109 : i32
      %convert_element_type3A_111 = arith.extui %ge3A_110 : i1 to i32
      %cond3A_112 = arith.constant 0 : i32
      %cond3A_113 = arith.cmpi ne, %convert_element_type3A_111, %cond3A_112 : i32
      scf.if %cond3A_113 {
        %dma_wait3A_175 = arith.constant 0 : i32
        %dma_wait3A_176 = arith.constant 0 : i32
        %dma_wait3A_177 = tpu.memref_slice %arg5[%dma_wait3A_175, %dma_wait3A_176] : memref<512000x64xf32, #tpu.memory_space<hbm>> -> memref<400x64xf32, #tpu.memory_space<hbm>>
        %dma_wait3A_178 = arith.constant 0 : i32
        %dma_wait3A_179 = arith.constant 0 : i32
        %dma_wait3A_180 = tpu.memref_slice %arg5[%dma_wait3A_178, %dma_wait3A_179] : memref<512000x64xf32, #tpu.memory_space<hbm>> -> memref<400x64xf32, #tpu.memory_space<hbm>>
        tpu.wait_dma2 semaphore(%arg13 : memref<!tpu.dma_semaphore, #tpu.memory_space<semaphore_mem>>) src(%dma_wait3A_180 : memref<400x64xf32, #tpu.memory_space<hbm>>) dst(%arg8 : memref<400x64xf32, #tpu.memory_space<vmem>>)
      } else {
      }
      %mul3A_114 = arith.constant 400 : i32
      %mul3A_115 = arith.muli %add3A_108, %mul3A_114 : i32
      %add3A_116 = arith.constant 0 : i32
      %add3A_117 = arith.addi %mul3A_115, %add3A_116 : i32
      %dma_start3A_118 = arith.constant 0 : i32
      %dma_start3A_119 = arith.constant 0 : i32
      %dma_start3A_120 = tpu.memref_slice %arg8[%dma_start3A_118, %dma_start3A_119] : memref<400x64xf32, #tpu.memory_space<vmem>> -> memref<80x64xf32, #tpu.memory_space<vmem>>
      %dma_start3A_121 = tpu.memref_slice %arg6[%add3A_117] : memref<16000xi32, #tpu.memory_space<vmem>> -> memref<80xi32, #tpu.memory_space<vmem>>
      %dma_start3A_122 = arith.constant 0 : i32
      %dma_start3A_123 = arith.constant 0 : i32
      %dma_start3A_124 = tpu.memref_slice %arg3[%dma_start3A_122, %dma_start3A_123] : memref<101025x64xf32, #tpu.memory_space<hbm>> -> memref<101025x64xf32, #tpu.memory_space<hbm>>
      tpu.enqueue_indirect_dma source(%dma_start3A_124 : memref<101025x64xf32, #tpu.memory_space<hbm>>) target(%dma_start3A_120 : memref<80x64xf32, #tpu.memory_space<vmem>>) offsets(%dma_start3A_121 : memref<80xi32, #tpu.memory_space<vmem>>) semaphore(%arg11 : memref<!tpu.dma_semaphore, #tpu.memory_space<semaphore_mem>>)
      %mul3A_125 = arith.constant 400 : i32
      %mul3A_126 = arith.muli %add3A_108, %mul3A_125 : i32
      %add3A_127 = arith.constant 80 : i32
      %add3A_128 = arith.addi %mul3A_126, %add3A_127 : i32
      %dma_start3A_129 = arith.constant 80 : i32
      %dma_start3A_130 = arith.constant 0 : i32
      %dma_start3A_131 = tpu.memref_slice %arg8[%dma_start3A_129, %dma_start3A_130] : memref<400x64xf32, #tpu.memory_space<vmem>> -> memref<80x64xf32, #tpu.memory_space<vmem>>
      %dma_start3A_132 = tpu.memref_slice %arg6[%add3A_128] : memref<16000xi32, #tpu.memory_space<vmem>> -> memref<80xi32, #tpu.memory_space<vmem>>
      %dma_start3A_133 = arith.constant 0 : i32
      %dma_start3A_134 = arith.constant 0 : i32
      %dma_start3A_135 = tpu.memref_slice %arg3[%dma_start3A_133, %dma_start3A_134] : memref<101025x64xf32, #tpu.memory_space<hbm>> -> memref<101025x64xf32, #tpu.memory_space<hbm>>
      tpu.enqueue_indirect_dma source(%dma_start3A_135 : memref<101025x64xf32, #tpu.memory_space<hbm>>) target(%dma_start3A_131 : memref<80x64xf32, #tpu.memory_space<vmem>>) offsets(%dma_start3A_132 : memref<80xi32, #tpu.memory_space<vmem>>) semaphore(%arg11 : memref<!tpu.dma_semaphore, #tpu.memory_space<semaphore_mem>>)
      %mul3A_136 = arith.constant 400 : i32
      %mul3A_137 = arith.muli %add3A_108, %mul3A_136 : i32
      %add3A_138 = arith.constant 160 : i32
      %add3A_139 = arith.addi %mul3A_137, %add3A_138 : i32
      %dma_start3A_140 = arith.constant 160 : i32
      %dma_start3A_141 = arith.constant 0 : i32
      %dma_start3A_142 = tpu.memref_slice %arg8[%dma_start3A_140, %dma_start3A_141] : memref<400x64xf32, #tpu.memory_space<vmem>> -> memref<80x64xf32, #tpu.memory_space<vmem>>
      %dma_start3A_143 = tpu.memref_slice %arg6[%add3A_139] : memref<16000xi32, #tpu.memory_space<vmem>> -> memref<80xi32, #tpu.memory_space<vmem>>
      %dma_start3A_144 = arith.constant 0 : i32
      %dma_start3A_145 = arith.constant 0 : i32
      %dma_start3A_146 = tpu.memref_slice %arg3[%dma_start3A_144, %dma_start3A_145] : memref<101025x64xf32, #tpu.memory_space<hbm>> -> memref<101025x64xf32, #tpu.memory_space<hbm>>
      tpu.enqueue_indirect_dma source(%dma_start3A_146 : memref<101025x64xf32, #tpu.memory_space<hbm>>) target(%dma_start3A_142 : memref<80x64xf32, #tpu.memory_space<vmem>>) offsets(%dma_start3A_143 : memref<80xi32, #tpu.memory_space<vmem>>) semaphore(%arg11 : memref<!tpu.dma_semaphore, #tpu.memory_space<semaphore_mem>>)
      %mul3A_147 = arith.constant 400 : i32
      %mul3A_148 = arith.muli %add3A_108, %mul3A_147 : i32
      %add3A_149 = arith.constant 240 : i32
      %add3A_150 = arith.addi %mul3A_148, %add3A_149 : i32
      %dma_start3A_151 = arith.constant 240 : i32
      %dma_start3A_152 = arith.constant 0 : i32
      %dma_start3A_153 = tpu.memref_slice %arg8[%dma_start3A_151, %dma_start3A_152] : memref<400x64xf32, #tpu.memory_space<vmem>> -> memref<80x64xf32, #tpu.memory_space<vmem>>
      %dma_start3A_154 = tpu.memref_slice %arg6[%add3A_150] : memref<16000xi32, #tpu.memory_space<vmem>> -> memref<80xi32, #tpu.memory_space<vmem>>
      %dma_start3A_155 = arith.constant 0 : i32
      %dma_start3A_156 = arith.constant 0 : i32
      %dma_start3A_157 = tpu.memref_slice %arg3[%dma_start3A_155, %dma_start3A_156] : memref<101025x64xf32, #tpu.memory_space<hbm>> -> memref<101025x64xf32, #tpu.memory_space<hbm>>
      tpu.enqueue_indirect_dma source(%dma_start3A_157 : memref<101025x64xf32, #tpu.memory_space<hbm>>) target(%dma_start3A_153 : memref<80x64xf32, #tpu.memory_space<vmem>>) offsets(%dma_start3A_154 : memref<80xi32, #tpu.memory_space<vmem>>) semaphore(%arg11 : memref<!tpu.dma_semaphore, #tpu.memory_space<semaphore_mem>>)
      %mul3A_158 = arith.constant 400 : i32
      %mul3A_159 = arith.muli %add3A_108, %mul3A_158 : i32
      %add3A_160 = arith.constant 320 : i32
      %add3A_161 = arith.addi %mul3A_159, %add3A_160 : i32
      %dma_start3A_162 = arith.constant 320 : i32
      %dma_start3A_163 = arith.constant 0 : i32
      %dma_start3A_164 = tpu.memref_slice %arg8[%dma_start3A_162, %dma_start3A_163] : memref<400x64xf32, #tpu.memory_space<vmem>> -> memref<80x64xf32, #tpu.memory_space<vmem>>
      %dma_start3A_165 = tpu.memref_slice %arg6[%add3A_161] : memref<16000xi32, #tpu.memory_space<vmem>> -> memref<80xi32, #tpu.memory_space<vmem>>
      %dma_start3A_166 = arith.constant 0 : i32
      %dma_start3A_167 = arith.constant 0 : i32
      %dma_start3A_168 = tpu.memref_slice %arg3[%dma_start3A_166, %dma_start3A_167] : memref<101025x64xf32, #tpu.memory_space<hbm>> -> memref<101025x64xf32, #tpu.memory_space<hbm>>
      tpu.enqueue_indirect_dma source(%dma_start3A_168 : memref<101025x64xf32, #tpu.memory_space<hbm>>) target(%dma_start3A_164 : memref<80x64xf32, #tpu.memory_space<vmem>>) offsets(%dma_start3A_165 : memref<80xi32, #tpu.memory_space<vmem>>) semaphore(%arg11 : memref<!tpu.dma_semaphore, #tpu.memory_space<semaphore_mem>>)
      %ge3A_169 = arith.constant 1 : i32
      %ge3A_170 = arith.cmpi sge, %add3A_108, %ge3A_169 : i32
      %convert_element_type3A_171 = arith.extui %ge3A_170 : i1 to i32
      %cond3A_172 = arith.constant 0 : i32
      %cond3A_173 = arith.cmpi ne, %convert_element_type3A_171, %cond3A_172 : i32
      scf.if %cond3A_173 {
        %dma_wait3A_175 = arith.constant 0 : i32
        %dma_wait3A_176 = arith.constant 0 : i32
        %dma_wait3A_177 = tpu.memref_slice %arg5[%dma_wait3A_175, %dma_wait3A_176] : memref<512000x64xf32, #tpu.memory_space<hbm>> -> memref<400x64xf32, #tpu.memory_space<hbm>>
        %dma_wait3A_178 = arith.constant 0 : i32
        %dma_wait3A_179 = arith.constant 0 : i32
        %dma_wait3A_180 = tpu.memref_slice %arg5[%dma_wait3A_178, %dma_wait3A_179] : memref<512000x64xf32, #tpu.memory_space<hbm>> -> memref<400x64xf32, #tpu.memory_space<hbm>>
        tpu.wait_dma2 semaphore(%arg10 : memref<!tpu.dma_semaphore, #tpu.memory_space<semaphore_mem>>) src(%dma_wait3A_180 : memref<400x64xf32, #tpu.memory_space<hbm>>) dst(%arg7 : memref<400x64xf32, #tpu.memory_space<vmem>>)
        %scan3A_181 = arith.constant 0 : i32
        %scan3A_182 = arith.constant 0 : i32
        %scan3A_183 = arith.constant 16 : i32
        %scan3A_184 = arith.addi %scan3A_182, %scan3A_183 : i32
        %scan3A_185 = arith.constant 1 : i32
        %scan3A_186 = scf.for %scan3A_197 = %scan3A_182 to %scan3A_184 step %scan3A_185 iter_args(%scan3A_198 = %scan3A_181) -> (i32)  : i32 {
          %mul3A_199 = arith.constant 25 : i32
          %mul3A_200 = arith.muli %scan3A_197, %mul3A_199 : i32
          %add3A_201 = arith.constant 0 : i32
          %add3A_202 = arith.addi %mul3A_200, %add3A_201 : i32
          %get3A = arith.constant 0 : i32
          %get3A_203 = arith.index_cast %get3A : i32 to index
          %get3A_204 = arith.constant 0 : index
          %get3A_205 = tpu.vector_load %arg9[%get3A_203, %get3A_204] {strides = array<i32>} : memref<25x64xf32, #tpu.memory_space<vmem>>, vector<1x16xf32>,
          %get3A_206 = vector.shape_cast %get3A_205 : vector<1x16xf32> to vector<16xf32>
          %swap3A = arith.index_cast %add3A_202 : i32 to index
          %swap3A_207 = arith.constant 0 : index
          %swap3A_208 = tpu.vector_load %arg7[%swap3A, %swap3A_207] {strides = array<i32>} : memref<400x64xf32, #tpu.memory_space<vmem>>, vector<1x16xf32>,
          %swap3A_209 = vector.shape_cast %swap3A_208 : vector<1x16xf32> to vector<16xf32>
          %swap3A_210 = vector.shape_cast %get3A_206 : vector<16xf32> to vector<1x16xf32>
          tpu.vector_store %arg7[%swap3A, %swap3A_207], %swap3A_210 {add = true, strides = array<i32>} : memref<400x64xf32, #tpu.memory_space<vmem>>, vector<1x16xf32>,
          %add3A_211 = arith.constant 0 : i32
          %add3A_212 = arith.addi %mul3A_200, %add3A_211 : i32
          %get3A_213 = arith.constant 0 : i32
          %get3A_214 = arith.index_cast %get3A_213 : i32 to index
          %get3A_215 = arith.constant 16 : index
          %get3A_216 = tpu.vector_load %arg9[%get3A_214, %get3A_215] {strides = array<i32>} : memref<25x64xf32, #tpu.memory_space<vmem>>, vector<1x16xf32>,
          %get3A_217 = vector.shape_cast %get3A_216 : vector<1x16xf32> to vector<16xf32>
          %swap3A_218 = arith.index_cast %add3A_212 : i32 to index
          %swap3A_219 = arith.constant 16 : index
          %swap3A_220 = tpu.vector_load %arg7[%swap3A_218, %swap3A_219] {strides = array<i32>} : memref<400x64xf32, #tpu.memory_space<vmem>>, vector<1x16xf32>,
          %swap3A_221 = vector.shape_cast %swap3A_220 : vector<1x16xf32> to vector<16xf32>
          %swap3A_222 = vector.shape_cast %get3A_217 : vector<16xf32> to vector<1x16xf32>
          tpu.vector_store %arg7[%swap3A_218, %swap3A_219], %swap3A_222 {add = true, strides = array<i32>} : memref<400x64xf32, #tpu.memory_space<vmem>>, vector<1x16xf32>,
          %add3A_223 = arith.constant 0 : i32
          %add3A_224 = arith.addi %mul3A_200, %add3A_223 : i32
          %get3A_225 = arith.constant 0 : i32
          %get3A_226 = arith.index_cast %get3A_225 : i32 to index
          %get3A_227 = arith.constant 32 : index
          %get3A_228 = tpu.vector_load %arg9[%get3A_226, %get3A_227] {strides = array<i32>} : memref<25x64xf32, #tpu.memory_space<vmem>>, vector<1x16xf32>,
          %get3A_229 = vector.shape_cast %get3A_228 : vector<1x16xf32> to vector<16xf32>
          %swap3A_230 = arith.index_cast %add3A_224 : i32 to index
          %swap3A_231 = arith.constant 32 : index
          %swap3A_232 = tpu.vector_load %arg7[%swap3A_230, %swap3A_231] {strides = array<i32>} : memref<400x64xf32, #tpu.memory_space<vmem>>, vector<1x16xf32>,
          %swap3A_233 = vector.shape_cast %swap3A_232 : vector<1x16xf32> to vector<16xf32>
          %swap3A_234 = vector.shape_cast %get3A_229 : vector<16xf32> to vector<1x16xf32>
          tpu.vector_store %arg7[%swap3A_230, %swap3A_231], %swap3A_234 {add = true, strides = array<i32>} : memref<400x64xf32, #tpu.memory_space<vmem>>, vector<1x16xf32>,
          %add3A_235 = arith.constant 0 : i32
          %add3A_236 = arith.addi %mul3A_200, %add3A_235 : i32
          %get3A_237 = arith.constant 0 : i32
          %get3A_238 = arith.index_cast %get3A_237 : i32 to index
          %get3A_239 = arith.constant 48 : index
          %get3A_240 = tpu.vector_load %arg9[%get3A_238, %get3A_239] {strides = array<i32>} : memref<25x64xf32, #tpu.memory_space<vmem>>, vector<1x16xf32>,
          %get3A_241 = vector.shape_cast %get3A_240 : vector<1x16xf32> to vector<16xf32>
          %swap3A_242 = arith.index_cast %add3A_236 : i32 to index
          %swap3A_243 = arith.constant 48 : index
          %swap3A_244 = tpu.vector_load %arg7[%swap3A_242, %swap3A_243] {strides = array<i32>} : memref<400x64xf32, #tpu.memory_space<vmem>>, vector<1x16xf32>,
          %swap3A_245 = vector.shape_cast %swap3A_244 : vector<1x16xf32> to vector<16xf32>
          %swap3A_246 = vector.shape_cast %get3A_241 : vector<16xf32> to vector<1x16xf32>
          tpu.vector_store %arg7[%swap3A_242, %swap3A_243], %swap3A_246 {add = true, strides = array<i32>} : memref<400x64xf32, #tpu.memory_space<vmem>>, vector<1x16xf32>,
          %add3A_247 = arith.constant 1 : i32
          %add3A_248 = arith.addi %mul3A_200, %add3A_247 : i32
          %get3A_249 = arith.constant 1 : i32
          %get3A_250 = arith.index_cast %get3A_249 : i32 to index
          %get3A_251 = arith.constant 0 : index
          %get3A_252 = tpu.vector_load %arg9[%get3A_250, %get3A_251] {strides = array<i32>} : memref<25x64xf32, #tpu.memory_space<vmem>>, vector<1x16xf32>,
          %get3A_253 = vector.shape_cast %get3A_252 : vector<1x16xf32> to vector<16xf32>
          %swap3A_254 = arith.index_cast %add3A_248 : i32 to index
          %swap3A_255 = arith.constant 0 : index
          %swap3A_256 = tpu.vector_load %arg7[%swap3A_254, %swap3A_255] {strides = array<i32>} : memref<400x64xf32, #tpu.memory_space<vmem>>, vector<1x16xf32>,
          %swap3A_257 = vector.shape_cast %swap3A_256 : vector<1x16xf32> to vector<16xf32>
          %swap3A_258 = vector.shape_cast %get3A_253 : vector<16xf32> to vector<1x16xf32>
          tpu.vector_store %arg7[%swap3A_254, %swap3A_255], %swap3A_258 {add = true, strides = array<i32>} : memref<400x64xf32, #tpu.memory_space<vmem>>, vector<1x16xf32>,
          %add3A_259 = arith.constant 1 : i32
          %add3A_260 = arith.addi %mul3A_200, %add3A_259 : i32
          %get3A_261 = arith.constant 1 : i32
          %get3A_262 = arith.index_cast %get3A_261 : i32 to index
          %get3A_263 = arith.constant 16 : index
          %get3A_264 = tpu.vector_load %arg9[%get3A_262, %get3A_263] {strides = array<i32>} : memref<25x64xf32, #tpu.memory_space<vmem>>, vector<1x16xf32>,
          %get3A_265 = vector.shape_cast %get3A_264 : vector<1x16xf32> to vector<16xf32>
          %swap3A_266 = arith.index_cast %add3A_260 : i32 to index
          %swap3A_267 = arith.constant 16 : index
          %swap3A_268 = tpu.vector_load %arg7[%swap3A_266, %swap3A_267] {strides = array<i32>} : memref<400x64xf32, #tpu.memory_space<vmem>>, vector<1x16xf32>,
          %swap3A_269 = vector.shape_cast %swap3A_268 : vector<1x16xf32> to vector<16xf32>
          %swap3A_270 = vector.shape_cast %get3A_265 : vector<16xf32> to vector<1x16xf32>
          tpu.vector_store %arg7[%swap3A_266, %swap3A_267], %swap3A_270 {add = true, strides = array<i32>} : memref<400x64xf32, #tpu.memory_space<vmem>>, vector<1x16xf32>,
          %add3A_271 = arith.constant 1 : i32
          %add3A_272 = arith.addi %mul3A_200, %add3A_271 : i32
          %get3A_273 = arith.constant 1 : i32
          %get3A_274 = arith.index_cast %get3A_273 : i32 to index
          %get3A_275 = arith.constant 32 : index
          %get3A_276 = tpu.vector_load %arg9[%get3A_274, %get3A_275] {strides = array<i32>} : memref<25x64xf32, #tpu.memory_space<vmem>>, vector<1x16xf32>,
          %get3A_277 = vector.shape_cast %get3A_276 : vector<1x16xf32> to vector<16xf32>
          %swap3A_278 = arith.index_cast %add3A_272 : i32 to index
          %swap3A_279 = arith.constant 32 : index
          %swap3A_280 = tpu.vector_load %arg7[%swap3A_278, %swap3A_279] {strides = array<i32>} : memref<400x64xf32, #tpu.memory_space<vmem>>, vector<1x16xf32>,
          %swap3A_281 = vector.shape_cast %swap3A_280 : vector<1x16xf32> to vector<16xf32>
          %swap3A_282 = vector.shape_cast %get3A_277 : vector<16xf32> to vector<1x16xf32>
          tpu.vector_store %arg7[%swap3A_278, %swap3A_279], %swap3A_282 {add = true, strides = array<i32>} : memref<400x64xf32, #tpu.memory_space<vmem>>, vector<1x16xf32>,
          %add3A_283 = arith.constant 1 : i32
          %add3A_284 = arith.addi %mul3A_200, %add3A_283 : i32
          %get3A_285 = arith.constant 1 : i32
          %get3A_286 = arith.index_cast %get3A_285 : i32 to index
          %get3A_287 = arith.constant 48 : index
          %get3A_288 = tpu.vector_load %arg9[%get3A_286, %get3A_287] {strides = array<i32>} : memref<25x64xf32, #tpu.memory_space<vmem>>, vector<1x16xf32>,
          %get3A_289 = vector.shape_cast %get3A_288 : vector<1x16xf32> to vector<16xf32>
          %swap3A_290 = arith.index_cast %add3A_284 : i32 to index
          %swap3A_291 = arith.constant 48 : index
          %swap3A_292 = tpu.vector_load %arg7[%swap3A_290, %swap3A_291] {strides = array<i32>} : memref<400x64xf32, #tpu.memory_space<vmem>>, vector<1x16xf32>,
          %swap3A_293 = vector.shape_cast %swap3A_292 : vector<1x16xf32> to vector<16xf32>
          %swap3A_294 = vector.shape_cast %get3A_289 : vector<16xf32> to vector<1x16xf32>
          tpu.vector_store %arg7[%swap3A_290, %swap3A_291], %swap3A_294 {add = true, strides = array<i32>} : memref<400x64xf32, #tpu.memory_space<vmem>>, vector<1x16xf32>,
          %add3A_295 = arith.constant 2 : i32
          %add3A_296 = arith.addi %mul3A_200, %add3A_295 : i32
          %get3A_297 = arith.constant 2 : i32
          %get3A_298 = arith.index_cast %get3A_297 : i32 to index
          %get3A_299 = arith.constant 0 : index
          %get3A_300 = tpu.vector_load %arg9[%get3A_298, %get3A_299] {strides = array<i32>} : memref<25x64xf32, #tpu.memory_space<vmem>>, vector<1x16xf32>,
          %get3A_301 = vector.shape_cast %get3A_300 : vector<1x16xf32> to vector<16xf32>
          %swap3A_302 = arith.index_cast %add3A_296 : i32 to index
          %swap3A_303 = arith.constant 0 : index
          %swap3A_304 = tpu.vector_load %arg7[%swap3A_302, %swap3A_303] {strides = array<i32>} : memref<400x64xf32, #tpu.memory_space<vmem>>, vector<1x16xf32>,
          %swap3A_305 = vector.shape_cast %swap3A_304 : vector<1x16xf32> to vector<16xf32>
          %swap3A_306 = vector.shape_cast %get3A_301 : vector<16xf32> to vector<1x16xf32>
          tpu.vector_store %arg7[%swap3A_302, %swap3A_303], %swap3A_306 {add = true, strides = array<i32>} : memref<400x64xf32, #tpu.memory_space<vmem>>, vector<1x16xf32>,
          %add3A_307 = arith.constant 2 : i32
          %add3A_308 = arith.addi %mul3A_200, %add3A_307 : i32
          %get3A_309 = arith.constant 2 : i32
          %get3A_310 = arith.index_cast %get3A_309 : i32 to index
          %get3A_311 = arith.constant 16 : index
          %get3A_312 = tpu.vector_load %arg9[%get3A_310, %get3A_311] {strides = array<i32>} : memref<25x64xf32, #tpu.memory_space<vmem>>, vector<1x16xf32>,
          %get3A_313 = vector.shape_cast %get3A_312 : vector<1x16xf32> to vector<16xf32>
          %swap3A_314 = arith.index_cast %add3A_308 : i32 to index
          %swap3A_315 = arith.constant 16 : index
          %swap3A_316 = tpu.vector_load %arg7[%swap3A_314, %swap3A_315] {strides = array<i32>} : memref<400x64xf32, #tpu.memory_space<vmem>>, vector<1x16xf32>,
          %swap3A_317 = vector.shape_cast %swap3A_316 : vector<1x16xf32> to vector<16xf32>
          %swap3A_318 = vector.shape_cast %get3A_313 : vector<16xf32> to vector<1x16xf32>
          tpu.vector_store %arg7[%swap3A_314, %swap3A_315], %swap3A_318 {add = true, strides = array<i32>} : memref<400x64xf32, #tpu.memory_space<vmem>>, vector<1x16xf32>,
          %add3A_319 = arith.constant 2 : i32
          %add3A_320 = arith.addi %mul3A_200, %add3A_319 : i32
          %get3A_321 = arith.constant 2 : i32
          %get3A_322 = arith.index_cast %get3A_321 : i32 to index
          %get3A_323 = arith.constant 32 : index
          %get3A_324 = tpu.vector_load %arg9[%get3A_322, %get3A_323] {strides = array<i32>} : memref<25x64xf32, #tpu.memory_space<vmem>>, vector<1x16xf32>,
          %get3A_325 = vector.shape_cast %get3A_324 : vector<1x16xf32> to vector<16xf32>
          %swap3A_326 = arith.index_cast %add3A_320 : i32 to index
          %swap3A_327 = arith.constant 32 : index
          %swap3A_328 = tpu.vector_load %arg7[%swap3A_326, %swap3A_327] {strides = array<i32>} : memref<400x64xf32, #tpu.memory_space<vmem>>, vector<1x16xf32>,
          %swap3A_329 = vector.shape_cast %swap3A_328 : vector<1x16xf32> to vector<16xf32>
          %swap3A_330 = vector.shape_cast %get3A_325 : vector<16xf32> to vector<1x16xf32>
          tpu.vector_store %arg7[%swap3A_326, %swap3A_327], %swap3A_330 {add = true, strides = array<i32>} : memref<400x64xf32, #tpu.memory_space<vmem>>, vector<1x16xf32>,
          %add3A_331 = arith.constant 2 : i32
          %add3A_332 = arith.addi %mul3A_200, %add3A_331 : i32
          %get3A_333 = arith.constant 2 : i32
          %get3A_334 = arith.index_cast %get3A_333 : i32 to index
          %get3A_335 = arith.constant 48 : index
          %get3A_336 = tpu.vector_load %arg9[%get3A_334, %get3A_335] {strides = array<i32>} : memref<25x64xf32, #tpu.memory_space<vmem>>, vector<1x16xf32>,
          %get3A_337 = vector.shape_cast %get3A_336 : vector<1x16xf32> to vector<16xf32>
          %swap3A_338 = arith.index_cast %add3A_332 : i32 to index
          %swap3A_339 = arith.constant 48 : index
          %swap3A_340 = tpu.vector_load %arg7[%swap3A_338, %swap3A_339] {strides = array<i32>} : memref<400x64xf32, #tpu.memory_space<vmem>>, vector<1x16xf32>,
          %swap3A_341 = vector.shape_cast %swap3A_340 : vector<1x16xf32> to vector<16xf32>
          %swap3A_342 = vector.shape_cast %get3A_337 : vector<16xf32> to vector<1x16xf32>
          tpu.vector_store %arg7[%swap3A_338, %swap3A_339], %swap3A_342 {add = true, strides = array<i32>} : memref<400x64xf32, #tpu.memory_space<vmem>>, vector<1x16xf32>,
          %add3A_343 = arith.constant 3 : i32
          %add3A_344 = arith.addi %mul3A_200, %add3A_343 : i32
          %get3A_345 = arith.constant 3 : i32
          %get3A_346 = arith.index_cast %get3A_345 : i32 to index
          %get3A_347 = arith.constant 0 : index
          %get3A_348 = tpu.vector_load %arg9[%get3A_346, %get3A_347] {strides = array<i32>} : memref<25x64xf32, #tpu.memory_space<vmem>>, vector<1x16xf32>,
          %get3A_349 = vector.shape_cast %get3A_348 : vector<1x16xf32> to vector<16xf32>
          %swap3A_350 = arith.index_cast %add3A_344 : i32 to index
          %swap3A_351 = arith.constant 0 : index
          %swap3A_352 = tpu.vector_load %arg7[%swap3A_350, %swap3A_351] {strides = array<i32>} : memref<400x64xf32, #tpu.memory_space<vmem>>, vector<1x16xf32>,
          %swap3A_353 = vector.shape_cast %swap3A_352 : vector<1x16xf32> to vector<16xf32>
          %swap3A_354 = vector.shape_cast %get3A_349 : vector<16xf32> to vector<1x16xf32>
          tpu.vector_store %arg7[%swap3A_350, %swap3A_351], %swap3A_354 {add = true, strides = array<i32>} : memref<400x64xf32, #tpu.memory_space<vmem>>, vector<1x16xf32>,
          %add3A_355 = arith.constant 3 : i32
          %add3A_356 = arith.addi %mul3A_200, %add3A_355 : i32
          %get3A_357 = arith.constant 3 : i32
          %get3A_358 = arith.index_cast %get3A_357 : i32 to index
          %get3A_359 = arith.constant 16 : index
          %get3A_360 = tpu.vector_load %arg9[%get3A_358, %get3A_359] {strides = array<i32>} : memref<25x64xf32, #tpu.memory_space<vmem>>, vector<1x16xf32>,
          %get3A_361 = vector.shape_cast %get3A_360 : vector<1x16xf32> to vector<16xf32>
          %swap3A_362 = arith.index_cast %add3A_356 : i32 to index
          %swap3A_363 = arith.constant 16 : index
          %swap3A_364 = tpu.vector_load %arg7[%swap3A_362, %swap3A_363] {strides = array<i32>} : memref<400x64xf32, #tpu.memory_space<vmem>>, vector<1x16xf32>,
          %swap3A_365 = vector.shape_cast %swap3A_364 : vector<1x16xf32> to vector<16xf32>
          %swap3A_366 = vector.shape_cast %get3A_361 : vector<16xf32> to vector<1x16xf32>
          tpu.vector_store %arg7[%swap3A_362, %swap3A_363], %swap3A_366 {add = true, strides = array<i32>} : memref<400x64xf32, #tpu.memory_space<vmem>>, vector<1x16xf32>,
          %add3A_367 = arith.constant 3 : i32
          %add3A_368 = arith.addi %mul3A_200, %add3A_367 : i32
          %get3A_369 = arith.constant 3 : i32
          %get3A_370 = arith.index_cast %get3A_369 : i32 to index
          %get3A_371 = arith.constant 32 : index
          %get3A_372 = tpu.vector_load %arg9[%get3A_370, %get3A_371] {strides = array<i32>} : memref<25x64xf32, #tpu.memory_space<vmem>>, vector<1x16xf32>,
          %get3A_373 = vector.shape_cast %get3A_372 : vector<1x16xf32> to vector<16xf32>
          %swap3A_374 = arith.index_cast %add3A_368 : i32 to index
          %swap3A_375 = arith.constant 32 : index
          %swap3A_376 = tpu.vector_load %arg7[%swap3A_374, %swap3A_375] {strides = array<i32>} : memref<400x64xf32, #tpu.memory_space<vmem>>, vector<1x16xf32>,
          %swap3A_377 = vector.shape_cast %swap3A_376 : vector<1x16xf32> to vector<16xf32>
          %swap3A_378 = vector.shape_cast %get3A_373 : vector<16xf32> to vector<1x16xf32>
          tpu.vector_store %arg7[%swap3A_374, %swap3A_375], %swap3A_378 {add = true, strides = array<i32>} : memref<400x64xf32, #tpu.memory_space<vmem>>, vector<1x16xf32>,
          %add3A_379 = arith.constant 3 : i32
          %add3A_380 = arith.addi %mul3A_200, %add3A_379 : i32
          %get3A_381 = arith.constant 3 : i32
          %get3A_382 = arith.index_cast %get3A_381 : i32 to index
          %get3A_383 = arith.constant 48 : index
          %get3A_384 = tpu.vector_load %arg9[%get3A_382, %get3A_383] {strides = array<i32>} : memref<25x64xf32, #tpu.memory_space<vmem>>, vector<1x16xf32>,
          %get3A_385 = vector.shape_cast %get3A_384 : vector<1x16xf32> to vector<16xf32>
          %swap3A_386 = arith.index_cast %add3A_380 : i32 to index
          %swap3A_387 = arith.constant 48 : index
          %swap3A_388 = tpu.vector_load %arg7[%swap3A_386, %swap3A_387] {strides = array<i32>} : memref<400x64xf32, #tpu.memory_space<vmem>>, vector<1x16xf32>,
          %swap3A_389 = vector.shape_cast %swap3A_388 : vector<1x16xf32> to vector<16xf32>
          %swap3A_390 = vector.shape_cast %get3A_385 : vector<16xf32> to vector<1x16xf32>
          tpu.vector_store %arg7[%swap3A_386, %swap3A_387], %swap3A_390 {add = true, strides = array<i32>} : memref<400x64xf32, #tpu.memory_space<vmem>>, vector<1x16xf32>,
          %add3A_391 = arith.constant 4 : i32
          %add3A_392 = arith.addi %mul3A_200, %add3A_391 : i32
          %get3A_393 = arith.constant 4 : i32
          %get3A_394 = arith.index_cast %get3A_393 : i32 to index
          %get3A_395 = arith.constant 0 : index
          %get3A_396 = tpu.vector_load %arg9[%get3A_394, %get3A_395] {strides = array<i32>} : memref<25x64xf32, #tpu.memory_space<vmem>>, vector<1x16xf32>,
          %get3A_397 = vector.shape_cast %get3A_396 : vector<1x16xf32> to vector<16xf32>
          %swap3A_398 = arith.index_cast %add3A_392 : i32 to index
          %swap3A_399 = arith.constant 0 : index
          %swap3A_400 = tpu.vector_load %arg7[%swap3A_398, %swap3A_399] {strides = array<i32>} : memref<400x64xf32, #tpu.memory_space<vmem>>, vector<1x16xf32>,
          %swap3A_401 = vector.shape_cast %swap3A_400 : vector<1x16xf32> to vector<16xf32>
          %swap3A_402 = vector.shape_cast %get3A_397 : vector<16xf32> to vector<1x16xf32>
          tpu.vector_store %arg7[%swap3A_398, %swap3A_399], %swap3A_402 {add = true, strides = array<i32>} : memref<400x64xf32, #tpu.memory_space<vmem>>, vector<1x16xf32>,
          %add3A_403 = arith.constant 4 : i32
          %add3A_404 = arith.addi %mul3A_200, %add3A_403 : i32
          %get3A_405 = arith.constant 4 : i32
          %get3A_406 = arith.index_cast %get3A_405 : i32 to index
          %get3A_407 = arith.constant 16 : index
          %get3A_408 = tpu.vector_load %arg9[%get3A_406, %get3A_407] {strides = array<i32>} : memref<25x64xf32, #tpu.memory_space<vmem>>, vector<1x16xf32>,
          %get3A_409 = vector.shape_cast %get3A_408 : vector<1x16xf32> to vector<16xf32>
          %swap3A_410 = arith.index_cast %add3A_404 : i32 to index
          %swap3A_411 = arith.constant 16 : index
          %swap3A_412 = tpu.vector_load %arg7[%swap3A_410, %swap3A_411] {strides = array<i32>} : memref<400x64xf32, #tpu.memory_space<vmem>>, vector<1x16xf32>,
          %swap3A_413 = vector.shape_cast %swap3A_412 : vector<1x16xf32> to vector<16xf32>
          %swap3A_414 = vector.shape_cast %get3A_409 : vector<16xf32> to vector<1x16xf32>
          tpu.vector_store %arg7[%swap3A_410, %swap3A_411], %swap3A_414 {add = true, strides = array<i32>} : memref<400x64xf32, #tpu.memory_space<vmem>>, vector<1x16xf32>,
          %add3A_415 = arith.constant 4 : i32
          %add3A_416 = arith.addi %mul3A_200, %add3A_415 : i32
          %get3A_417 = arith.constant 4 : i32
          %get3A_418 = arith.index_cast %get3A_417 : i32 to index
          %get3A_419 = arith.constant 32 : index
          %get3A_420 = tpu.vector_load %arg9[%get3A_418, %get3A_419] {strides = array<i32>} : memref<25x64xf32, #tpu.memory_space<vmem>>, vector<1x16xf32>,
          %get3A_421 = vector.shape_cast %get3A_420 : vector<1x16xf32> to vector<16xf32>
          %swap3A_422 = arith.index_cast %add3A_416 : i32 to index
          %swap3A_423 = arith.constant 32 : index
          %swap3A_424 = tpu.vector_load %arg7[%swap3A_422, %swap3A_423] {strides = array<i32>} : memref<400x64xf32, #tpu.memory_space<vmem>>, vector<1x16xf32>,
          %swap3A_425 = vector.shape_cast %swap3A_424 : vector<1x16xf32> to vector<16xf32>
          %swap3A_426 = vector.shape_cast %get3A_421 : vector<16xf32> to vector<1x16xf32>
          tpu.vector_store %arg7[%swap3A_422, %swap3A_423], %swap3A_426 {add = true, strides = array<i32>} : memref<400x64xf32, #tpu.memory_space<vmem>>, vector<1x16xf32>,
          %add3A_427 = arith.constant 4 : i32
          %add3A_428 = arith.addi %mul3A_200, %add3A_427 : i32
          %get3A_429 = arith.constant 4 : i32
          %get3A_430 = arith.index_cast %get3A_429 : i32 to index
          %get3A_431 = arith.constant 48 : index
          %get3A_432 = tpu.vector_load %arg9[%get3A_430, %get3A_431] {strides = array<i32>} : memref<25x64xf32, #tpu.memory_space<vmem>>, vector<1x16xf32>,
          %get3A_433 = vector.shape_cast %get3A_432 : vector<1x16xf32> to vector<16xf32>
          %swap3A_434 = arith.index_cast %add3A_428 : i32 to index
          %swap3A_435 = arith.constant 48 : index
          %swap3A_436 = tpu.vector_load %arg7[%swap3A_434, %swap3A_435] {strides = array<i32>} : memref<400x64xf32, #tpu.memory_space<vmem>>, vector<1x16xf32>,
          %swap3A_437 = vector.shape_cast %swap3A_436 : vector<1x16xf32> to vector<16xf32>
          %swap3A_438 = vector.shape_cast %get3A_433 : vector<16xf32> to vector<1x16xf32>
          tpu.vector_store %arg7[%swap3A_434, %swap3A_435], %swap3A_438 {add = true, strides = array<i32>} : memref<400x64xf32, #tpu.memory_space<vmem>>, vector<1x16xf32>,
          %add3A_439 = arith.constant 5 : i32
          %add3A_440 = arith.addi %mul3A_200, %add3A_439 : i32
          %get3A_441 = arith.constant 5 : i32
          %get3A_442 = arith.index_cast %get3A_441 : i32 to index
          %get3A_443 = arith.constant 0 : index
          %get3A_444 = tpu.vector_load %arg9[%get3A_442, %get3A_443] {strides = array<i32>} : memref<25x64xf32, #tpu.memory_space<vmem>>, vector<1x16xf32>,
          %get3A_445 = vector.shape_cast %get3A_444 : vector<1x16xf32> to vector<16xf32>
          %swap3A_446 = arith.index_cast %add3A_440 : i32 to index
          %swap3A_447 = arith.constant 0 : index
          %swap3A_448 = tpu.vector_load %arg7[%swap3A_446, %swap3A_447] {strides = array<i32>} : memref<400x64xf32, #tpu.memory_space<vmem>>, vector<1x16xf32>,
          %swap3A_449 = vector.shape_cast %swap3A_448 : vector<1x16xf32> to vector<16xf32>
          %swap3A_450 = vector.shape_cast %get3A_445 : vector<16xf32> to vector<1x16xf32>
          tpu.vector_store %arg7[%swap3A_446, %swap3A_447], %swap3A_450 {add = true, strides = array<i32>} : memref<400x64xf32, #tpu.memory_space<vmem>>, vector<1x16xf32>,
          %add3A_451 = arith.constant 5 : i32
          %add3A_452 = arith.addi %mul3A_200, %add3A_451 : i32
          %get3A_453 = arith.constant 5 : i32
          %get3A_454 = arith.index_cast %get3A_453 : i32 to index
          %get3A_455 = arith.constant 16 : index
          %get3A_456 = tpu.vector_load %arg9[%get3A_454, %get3A_455] {strides = array<i32>} : memref<25x64xf32, #tpu.memory_space<vmem>>, vector<1x16xf32>,
          %get3A_457 = vector.shape_cast %get3A_456 : vector<1x16xf32> to vector<16xf32>
          %swap3A_458 = arith.index_cast %add3A_452 : i32 to index
          %swap3A_459 = arith.constant 16 : index
          %swap3A_460 = tpu.vector_load %arg7[%swap3A_458, %swap3A_459] {strides = array<i32>} : memref<400x64xf32, #tpu.memory_space<vmem>>, vector<1x16xf32>,
          %swap3A_461 = vector.shape_cast %swap3A_460 : vector<1x16xf32> to vector<16xf32>
          %swap3A_462 = vector.shape_cast %get3A_457 : vector<16xf32> to vector<1x16xf32>
          tpu.vector_store %arg7[%swap3A_458, %swap3A_459], %swap3A_462 {add = true, strides = array<i32>} : memref<400x64xf32, #tpu.memory_space<vmem>>, vector<1x16xf32>,
          %add3A_463 = arith.constant 5 : i32
          %add3A_464 = arith.addi %mul3A_200, %add3A_463 : i32
          %get3A_465 = arith.constant 5 : i32
          %get3A_466 = arith.index_cast %get3A_465 : i32 to index
          %get3A_467 = arith.constant 32 : index
          %get3A_468 = tpu.vector_load %arg9[%get3A_466, %get3A_467] {strides = array<i32>} : memref<25x64xf32, #tpu.memory_space<vmem>>, vector<1x16xf32>,
          %get3A_469 = vector.shape_cast %get3A_468 : vector<1x16xf32> to vector<16xf32>
          %swap3A_470 = arith.index_cast %add3A_464 : i32 to index
          %swap3A_471 = arith.constant 32 : index
          %swap3A_472 = tpu.vector_load %arg7[%swap3A_470, %swap3A_471] {strides = array<i32>} : memref<400x64xf32, #tpu.memory_space<vmem>>, vector<1x16xf32>,
          %swap3A_473 = vector.shape_cast %swap3A_472 : vector<1x16xf32> to vector<16xf32>
          %swap3A_474 = vector.shape_cast %get3A_469 : vector<16xf32> to vector<1x16xf32>
          tpu.vector_store %arg7[%swap3A_470, %swap3A_471], %swap3A_474 {add = true, strides = array<i32>} : memref<400x64xf32, #tpu.memory_space<vmem>>, vector<1x16xf32>,
          %add3A_475 = arith.constant 5 : i32
          %add3A_476 = arith.addi %mul3A_200, %add3A_475 : i32
          %get3A_477 = arith.constant 5 : i32
          %get3A_478 = arith.index_cast %get3A_477 : i32 to index
          %get3A_479 = arith.constant 48 : index
          %get3A_480 = tpu.vector_load %arg9[%get3A_478, %get3A_479] {strides = array<i32>} : memref<25x64xf32, #tpu.memory_space<vmem>>, vector<1x16xf32>,
          %get3A_481 = vector.shape_cast %get3A_480 : vector<1x16xf32> to vector<16xf32>
          %swap3A_482 = arith.index_cast %add3A_476 : i32 to index
          %swap3A_483 = arith.constant 48 : index
          %swap3A_484 = tpu.vector_load %arg7[%swap3A_482, %swap3A_483] {strides = array<i32>} : memref<400x64xf32, #tpu.memory_space<vmem>>, vector<1x16xf32>,
          %swap3A_485 = vector.shape_cast %swap3A_484 : vector<1x16xf32> to vector<16xf32>
          %swap3A_486 = vector.shape_cast %get3A_481 : vector<16xf32> to vector<1x16xf32>
          tpu.vector_store %arg7[%swap3A_482, %swap3A_483], %swap3A_486 {add = true, strides = array<i32>} : memref<400x64xf32, #tpu.memory_space<vmem>>, vector<1x16xf32>,
          %add3A_487 = arith.constant 6 : i32
          %add3A_488 = arith.addi %mul3A_200, %add3A_487 : i32
          %get3A_489 = arith.constant 6 : i32
          %get3A_490 = arith.index_cast %get3A_489 : i32 to index
          %get3A_491 = arith.constant 0 : index
          %get3A_492 = tpu.vector_load %arg9[%get3A_490, %get3A_491] {strides = array<i32>} : memref<25x64xf32, #tpu.memory_space<vmem>>, vector<1x16xf32>,
          %get3A_493 = vector.shape_cast %get3A_492 : vector<1x16xf32> to vector<16xf32>
          %swap3A_494 = arith.index_cast %add3A_488 : i32 to index
          %swap3A_495 = arith.constant 0 : index
          %swap3A_496 = tpu.vector_load %arg7[%swap3A_494, %swap3A_495] {strides = array<i32>} : memref<400x64xf32, #tpu.memory_space<vmem>>, vector<1x16xf32>,
          %swap3A_497 = vector.shape_cast %swap3A_496 : vector<1x16xf32> to vector<16xf32>
          %swap3A_498 = vector.shape_cast %get3A_493 : vector<16xf32> to vector<1x16xf32>
          tpu.vector_store %arg7[%swap3A_494, %swap3A_495], %swap3A_498 {add = true, strides = array<i32>} : memref<400x64xf32, #tpu.memory_space<vmem>>, vector<1x16xf32>,
          %add3A_499 = arith.constant 6 : i32
          %add3A_500 = arith.addi %mul3A_200, %add3A_499 : i32
          %get3A_501 = arith.constant 6 : i32
          %get3A_502 = arith.index_cast %get3A_501 : i32 to index
          %get3A_503 = arith.constant 16 : index
          %get3A_504 = tpu.vector_load %arg9[%get3A_502, %get3A_503] {strides = array<i32>} : memref<25x64xf32, #tpu.memory_space<vmem>>, vector<1x16xf32>,
          %get3A_505 = vector.shape_cast %get3A_504 : vector<1x16xf32> to vector<16xf32>
          %swap3A_506 = arith.index_cast %add3A_500 : i32 to index
          %swap3A_507 = arith.constant 16 : index
          %swap3A_508 = tpu.vector_load %arg7[%swap3A_506, %swap3A_507] {strides = array<i32>} : memref<400x64xf32, #tpu.memory_space<vmem>>, vector<1x16xf32>,
          %swap3A_509 = vector.shape_cast %swap3A_508 : vector<1x16xf32> to vector<16xf32>
          %swap3A_510 = vector.shape_cast %get3A_505 : vector<16xf32> to vector<1x16xf32>
          tpu.vector_store %arg7[%swap3A_506, %swap3A_507], %swap3A_510 {add = true, strides = array<i32>} : memref<400x64xf32, #tpu.memory_space<vmem>>, vector<1x16xf32>,
          %add3A_511 = arith.constant 6 : i32
          %add3A_512 = arith.addi %mul3A_200, %add3A_511 : i32
          %get3A_513 = arith.constant 6 : i32
          %get3A_514 = arith.index_cast %get3A_513 : i32 to index
          %get3A_515 = arith.constant 32 : index
          %get3A_516 = tpu.vector_load %arg9[%get3A_514, %get3A_515] {strides = array<i32>} : memref<25x64xf32, #tpu.memory_space<vmem>>, vector<1x16xf32>,
          %get3A_517 = vector.shape_cast %get3A_516 : vector<1x16xf32> to vector<16xf32>
          %swap3A_518 = arith.index_cast %add3A_512 : i32 to index
          %swap3A_519 = arith.constant 32 : index
          %swap3A_520 = tpu.vector_load %arg7[%swap3A_518, %swap3A_519] {strides = array<i32>} : memref<400x64xf32, #tpu.memory_space<vmem>>, vector<1x16xf32>,
          %swap3A_521 = vector.shape_cast %swap3A_520 : vector<1x16xf32> to vector<16xf32>
          %swap3A_522 = vector.shape_cast %get3A_517 : vector<16xf32> to vector<1x16xf32>
          tpu.vector_store %arg7[%swap3A_518, %swap3A_519], %swap3A_522 {add = true, strides = array<i32>} : memref<400x64xf32, #tpu.memory_space<vmem>>, vector<1x16xf32>,
          %add3A_523 = arith.constant 6 : i32
          %add3A_524 = arith.addi %mul3A_200, %add3A_523 : i32
          %get3A_525 = arith.constant 6 : i32
          %get3A_526 = arith.index_cast %get3A_525 : i32 to index
          %get3A_527 = arith.constant 48 : index
          %get3A_528 = tpu.vector_load %arg9[%get3A_526, %get3A_527] {strides = array<i32>} : memref<25x64xf32, #tpu.memory_space<vmem>>, vector<1x16xf32>,
          %get3A_529 = vector.shape_cast %get3A_528 : vector<1x16xf32> to vector<16xf32>
          %swap3A_530 = arith.index_cast %add3A_524 : i32 to index
          %swap3A_531 = arith.constant 48 : index
          %swap3A_532 = tpu.vector_load %arg7[%swap3A_530, %swap3A_531] {strides = array<i32>} : memref<400x64xf32, #tpu.memory_space<vmem>>, vector<1x16xf32>,
          %swap3A_533 = vector.shape_cast %swap3A_532 : vector<1x16xf32> to vector<16xf32>
          %swap3A_534 = vector.shape_cast %get3A_529 : vector<16xf32> to vector<1x16xf32>
          tpu.vector_store %arg7[%swap3A_530, %swap3A_531], %swap3A_534 {add = true, strides = array<i32>} : memref<400x64xf32, #tpu.memory_space<vmem>>, vector<1x16xf32>,
          %add3A_535 = arith.constant 7 : i32
          %add3A_536 = arith.addi %mul3A_200, %add3A_535 : i32
          %get3A_537 = arith.constant 7 : i32
          %get3A_538 = arith.index_cast %get3A_537 : i32 to index
          %get3A_539 = arith.constant 0 : index
          %get3A_540 = tpu.vector_load %arg9[%get3A_538, %get3A_539] {strides = array<i32>} : memref<25x64xf32, #tpu.memory_space<vmem>>, vector<1x16xf32>,
          %get3A_541 = vector.shape_cast %get3A_540 : vector<1x16xf32> to vector<16xf32>
          %swap3A_542 = arith.index_cast %add3A_536 : i32 to index
          %swap3A_543 = arith.constant 0 : index
          %swap3A_544 = tpu.vector_load %arg7[%swap3A_542, %swap3A_543] {strides = array<i32>} : memref<400x64xf32, #tpu.memory_space<vmem>>, vector<1x16xf32>,
          %swap3A_545 = vector.shape_cast %swap3A_544 : vector<1x16xf32> to vector<16xf32>
          %swap3A_546 = vector.shape_cast %get3A_541 : vector<16xf32> to vector<1x16xf32>
          tpu.vector_store %arg7[%swap3A_542, %swap3A_543], %swap3A_546 {add = true, strides = array<i32>} : memref<400x64xf32, #tpu.memory_space<vmem>>, vector<1x16xf32>,
          %add3A_547 = arith.constant 7 : i32
          %add3A_548 = arith.addi %mul3A_200, %add3A_547 : i32
          %get3A_549 = arith.constant 7 : i32
          %get3A_550 = arith.index_cast %get3A_549 : i32 to index
          %get3A_551 = arith.constant 16 : index
          %get3A_552 = tpu.vector_load %arg9[%get3A_550, %get3A_551] {strides = array<i32>} : memref<25x64xf32, #tpu.memory_space<vmem>>, vector<1x16xf32>,
          %get3A_553 = vector.shape_cast %get3A_552 : vector<1x16xf32> to vector<16xf32>
          %swap3A_554 = arith.index_cast %add3A_548 : i32 to index
          %swap3A_555 = arith.constant 16 : index
          %swap3A_556 = tpu.vector_load %arg7[%swap3A_554, %swap3A_555] {strides = array<i32>} : memref<400x64xf32, #tpu.memory_space<vmem>>, vector<1x16xf32>,
          %swap3A_557 = vector.shape_cast %swap3A_556 : vector<1x16xf32> to vector<16xf32>
          %swap3A_558 = vector.shape_cast %get3A_553 : vector<16xf32> to vector<1x16xf32>
          tpu.vector_store %arg7[%swap3A_554, %swap3A_555], %swap3A_558 {add = true, strides = array<i32>} : memref<400x64xf32, #tpu.memory_space<vmem>>, vector<1x16xf32>,
          %add3A_559 = arith.constant 7 : i32
          %add3A_560 = arith.addi %mul3A_200, %add3A_559 : i32
          %get3A_561 = arith.constant 7 : i32
          %get3A_562 = arith.index_cast %get3A_561 : i32 to index
          %get3A_563 = arith.constant 32 : index
          %get3A_564 = tpu.vector_load %arg9[%get3A_562, %get3A_563] {strides = array<i32>} : memref<25x64xf32, #tpu.memory_space<vmem>>, vector<1x16xf32>,
          %get3A_565 = vector.shape_cast %get3A_564 : vector<1x16xf32> to vector<16xf32>
          %swap3A_566 = arith.index_cast %add3A_560 : i32 to index
          %swap3A_567 = arith.constant 32 : index
          %swap3A_568 = tpu.vector_load %arg7[%swap3A_566, %swap3A_567] {strides = array<i32>} : memref<400x64xf32, #tpu.memory_space<vmem>>, vector<1x16xf32>,
          %swap3A_569 = vector.shape_cast %swap3A_568 : vector<1x16xf32> to vector<16xf32>
          %swap3A_570 = vector.shape_cast %get3A_565 : vector<16xf32> to vector<1x16xf32>
          tpu.vector_store %arg7[%swap3A_566, %swap3A_567], %swap3A_570 {add = true, strides = array<i32>} : memref<400x64xf32, #tpu.memory_space<vmem>>, vector<1x16xf32>,
          %add3A_571 = arith.constant 7 : i32
          %add3A_572 = arith.addi %mul3A_200, %add3A_571 : i32
          %get3A_573 = arith.constant 7 : i32
          %get3A_574 = arith.index_cast %get3A_573 : i32 to index
          %get3A_575 = arith.constant 48 : index
          %get3A_576 = tpu.vector_load %arg9[%get3A_574, %get3A_575] {strides = array<i32>} : memref<25x64xf32, #tpu.memory_space<vmem>>, vector<1x16xf32>,
          %get3A_577 = vector.shape_cast %get3A_576 : vector<1x16xf32> to vector<16xf32>
          %swap3A_578 = arith.index_cast %add3A_572 : i32 to index
          %swap3A_579 = arith.constant 48 : index
          %swap3A_580 = tpu.vector_load %arg7[%swap3A_578, %swap3A_579] {strides = array<i32>} : memref<400x64xf32, #tpu.memory_space<vmem>>, vector<1x16xf32>,
          %swap3A_581 = vector.shape_cast %swap3A_580 : vector<1x16xf32> to vector<16xf32>
          %swap3A_582 = vector.shape_cast %get3A_577 : vector<16xf32> to vector<1x16xf32>
          tpu.vector_store %arg7[%swap3A_578, %swap3A_579], %swap3A_582 {add = true, strides = array<i32>} : memref<400x64xf32, #tpu.memory_space<vmem>>, vector<1x16xf32>,
          %add3A_583 = arith.constant 8 : i32
          %add3A_584 = arith.addi %mul3A_200, %add3A_583 : i32
          %get3A_585 = arith.constant 8 : i32
          %get3A_586 = arith.index_cast %get3A_585 : i32 to index
          %get3A_587 = arith.constant 0 : index
          %get3A_588 = tpu.vector_load %arg9[%get3A_586, %get3A_587] {strides = array<i32>} : memref<25x64xf32, #tpu.memory_space<vmem>>, vector<1x16xf32>,
          %get3A_589 = vector.shape_cast %get3A_588 : vector<1x16xf32> to vector<16xf32>
          %swap3A_590 = arith.index_cast %add3A_584 : i32 to index
          %swap3A_591 = arith.constant 0 : index
          %swap3A_592 = tpu.vector_load %arg7[%swap3A_590, %swap3A_591] {strides = array<i32>} : memref<400x64xf32, #tpu.memory_space<vmem>>, vector<1x16xf32>,
          %swap3A_593 = vector.shape_cast %swap3A_592 : vector<1x16xf32> to vector<16xf32>
          %swap3A_594 = vector.shape_cast %get3A_589 : vector<16xf32> to vector<1x16xf32>
          tpu.vector_store %arg7[%swap3A_590, %swap3A_591], %swap3A_594 {add = true, strides = array<i32>} : memref<400x64xf32, #tpu.memory_space<vmem>>, vector<1x16xf32>,
          %add3A_595 = arith.constant 8 : i32
          %add3A_596 = arith.addi %mul3A_200, %add3A_595 : i32
          %get3A_597 = arith.constant 8 : i32
          %get3A_598 = arith.index_cast %get3A_597 : i32 to index
          %get3A_599 = arith.constant 16 : index
          %get3A_600 = tpu.vector_load %arg9[%get3A_598, %get3A_599] {strides = array<i32>} : memref<25x64xf32, #tpu.memory_space<vmem>>, vector<1x16xf32>,
          %get3A_601 = vector.shape_cast %get3A_600 : vector<1x16xf32> to vector<16xf32>
          %swap3A_602 = arith.index_cast %add3A_596 : i32 to index
          %swap3A_603 = arith.constant 16 : index
          %swap3A_604 = tpu.vector_load %arg7[%swap3A_602, %swap3A_603] {strides = array<i32>} : memref<400x64xf32, #tpu.memory_space<vmem>>, vector<1x16xf32>,
          %swap3A_605 = vector.shape_cast %swap3A_604 : vector<1x16xf32> to vector<16xf32>
          %swap3A_606 = vector.shape_cast %get3A_601 : vector<16xf32> to vector<1x16xf32>
          tpu.vector_store %arg7[%swap3A_602, %swap3A_603], %swap3A_606 {add = true, strides = array<i32>} : memref<400x64xf32, #tpu.memory_space<vmem>>, vector<1x16xf32>,
          %add3A_607 = arith.constant 8 : i32
          %add3A_608 = arith.addi %mul3A_200, %add3A_607 : i32
          %get3A_609 = arith.constant 8 : i32
          %get3A_610 = arith.index_cast %get3A_609 : i32 to index
          %get3A_611 = arith.constant 32 : index
          %get3A_612 = tpu.vector_load %arg9[%get3A_610, %get3A_611] {strides = array<i32>} : memref<25x64xf32, #tpu.memory_space<vmem>>, vector<1x16xf32>,
          %get3A_613 = vector.shape_cast %get3A_612 : vector<1x16xf32> to vector<16xf32>
          %swap3A_614 = arith.index_cast %add3A_608 : i32 to index
          %swap3A_615 = arith.constant 32 : index
          %swap3A_616 = tpu.vector_load %arg7[%swap3A_614, %swap3A_615] {strides = array<i32>} : memref<400x64xf32, #tpu.memory_space<vmem>>, vector<1x16xf32>,
          %swap3A_617 = vector.shape_cast %swap3A_616 : vector<1x16xf32> to vector<16xf32>
          %swap3A_618 = vector.shape_cast %get3A_613 : vector<16xf32> to vector<1x16xf32>
          tpu.vector_store %arg7[%swap3A_614, %swap3A_615], %swap3A_618 {add = true, strides = array<i32>} : memref<400x64xf32, #tpu.memory_space<vmem>>, vector<1x16xf32>,
          %add3A_619 = arith.constant 8 : i32
          %add3A_620 = arith.addi %mul3A_200, %add3A_619 : i32
          %get3A_621 = arith.constant 8 : i32
          %get3A_622 = arith.index_cast %get3A_621 : i32 to index
          %get3A_623 = arith.constant 48 : index
          %get3A_624 = tpu.vector_load %arg9[%get3A_622, %get3A_623] {strides = array<i32>} : memref<25x64xf32, #tpu.memory_space<vmem>>, vector<1x16xf32>,
          %get3A_625 = vector.shape_cast %get3A_624 : vector<1x16xf32> to vector<16xf32>
          %swap3A_626 = arith.index_cast %add3A_620 : i32 to index
          %swap3A_627 = arith.constant 48 : index
          %swap3A_628 = tpu.vector_load %arg7[%swap3A_626, %swap3A_627] {strides = array<i32>} : memref<400x64xf32, #tpu.memory_space<vmem>>, vector<1x16xf32>,
          %swap3A_629 = vector.shape_cast %swap3A_628 : vector<1x16xf32> to vector<16xf32>
          %swap3A_630 = vector.shape_cast %get3A_625 : vector<16xf32> to vector<1x16xf32>
          tpu.vector_store %arg7[%swap3A_626, %swap3A_627], %swap3A_630 {add = true, strides = array<i32>} : memref<400x64xf32, #tpu.memory_space<vmem>>, vector<1x16xf32>,
          %add3A_631 = arith.constant 9 : i32
          %add3A_632 = arith.addi %mul3A_200, %add3A_631 : i32
          %get3A_633 = arith.constant 9 : i32
          %get3A_634 = arith.index_cast %get3A_633 : i32 to index
          %get3A_635 = arith.constant 0 : index
          %get3A_636 = tpu.vector_load %arg9[%get3A_634, %get3A_635] {strides = array<i32>} : memref<25x64xf32, #tpu.memory_space<vmem>>, vector<1x16xf32>,
          %get3A_637 = vector.shape_cast %get3A_636 : vector<1x16xf32> to vector<16xf32>
          %swap3A_638 = arith.index_cast %add3A_632 : i32 to index
          %swap3A_639 = arith.constant 0 : index
          %swap3A_640 = tpu.vector_load %arg7[%swap3A_638, %swap3A_639] {strides = array<i32>} : memref<400x64xf32, #tpu.memory_space<vmem>>, vector<1x16xf32>,
          %swap3A_641 = vector.shape_cast %swap3A_640 : vector<1x16xf32> to vector<16xf32>
          %swap3A_642 = vector.shape_cast %get3A_637 : vector<16xf32> to vector<1x16xf32>
          tpu.vector_store %arg7[%swap3A_638, %swap3A_639], %swap3A_642 {add = true, strides = array<i32>} : memref<400x64xf32, #tpu.memory_space<vmem>>, vector<1x16xf32>,
          %add3A_643 = arith.constant 9 : i32
          %add3A_644 = arith.addi %mul3A_200, %add3A_643 : i32
          %get3A_645 = arith.constant 9 : i32
          %get3A_646 = arith.index_cast %get3A_645 : i32 to index
          %get3A_647 = arith.constant 16 : index
          %get3A_648 = tpu.vector_load %arg9[%get3A_646, %get3A_647] {strides = array<i32>} : memref<25x64xf32, #tpu.memory_space<vmem>>, vector<1x16xf32>,
          %get3A_649 = vector.shape_cast %get3A_648 : vector<1x16xf32> to vector<16xf32>
          %swap3A_650 = arith.index_cast %add3A_644 : i32 to index
          %swap3A_651 = arith.constant 16 : index
          %swap3A_652 = tpu.vector_load %arg7[%swap3A_650, %swap3A_651] {strides = array<i32>} : memref<400x64xf32, #tpu.memory_space<vmem>>, vector<1x16xf32>,
          %swap3A_653 = vector.shape_cast %swap3A_652 : vector<1x16xf32> to vector<16xf32>
          %swap3A_654 = vector.shape_cast %get3A_649 : vector<16xf32> to vector<1x16xf32>
          tpu.vector_store %arg7[%swap3A_650, %swap3A_651], %swap3A_654 {add = true, strides = array<i32>} : memref<400x64xf32, #tpu.memory_space<vmem>>, vector<1x16xf32>,
          %add3A_655 = arith.constant 9 : i32
          %add3A_656 = arith.addi %mul3A_200, %add3A_655 : i32
          %get3A_657 = arith.constant 9 : i32
          %get3A_658 = arith.index_cast %get3A_657 : i32 to index
          %get3A_659 = arith.constant 32 : index
          %get3A_660 = tpu.vector_load %arg9[%get3A_658, %get3A_659] {strides = array<i32>} : memref<25x64xf32, #tpu.memory_space<vmem>>, vector<1x16xf32>,
          %get3A_661 = vector.shape_cast %get3A_660 : vector<1x16xf32> to vector<16xf32>
          %swap3A_662 = arith.index_cast %add3A_656 : i32 to index
          %swap3A_663 = arith.constant 32 : index
          %swap3A_664 = tpu.vector_load %arg7[%swap3A_662, %swap3A_663] {strides = array<i32>} : memref<400x64xf32, #tpu.memory_space<vmem>>, vector<1x16xf32>,
          %swap3A_665 = vector.shape_cast %swap3A_664 : vector<1x16xf32> to vector<16xf32>
          %swap3A_666 = vector.shape_cast %get3A_661 : vector<16xf32> to vector<1x16xf32>
          tpu.vector_store %arg7[%swap3A_662, %swap3A_663], %swap3A_666 {add = true, strides = array<i32>} : memref<400x64xf32, #tpu.memory_space<vmem>>, vector<1x16xf32>,
          %add3A_667 = arith.constant 9 : i32
          %add3A_668 = arith.addi %mul3A_200, %add3A_667 : i32
          %get3A_669 = arith.constant 9 : i32
          %get3A_670 = arith.index_cast %get3A_669 : i32 to index
          %get3A_671 = arith.constant 48 : index
          %get3A_672 = tpu.vector_load %arg9[%get3A_670, %get3A_671] {strides = array<i32>} : memref<25x64xf32, #tpu.memory_space<vmem>>, vector<1x16xf32>,
          %get3A_673 = vector.shape_cast %get3A_672 : vector<1x16xf32> to vector<16xf32>
          %swap3A_674 = arith.index_cast %add3A_668 : i32 to index
          %swap3A_675 = arith.constant 48 : index
          %swap3A_676 = tpu.vector_load %arg7[%swap3A_674, %swap3A_675] {strides = array<i32>} : memref<400x64xf32, #tpu.memory_space<vmem>>, vector<1x16xf32>,
          %swap3A_677 = vector.shape_cast %swap3A_676 : vector<1x16xf32> to vector<16xf32>
          %swap3A_678 = vector.shape_cast %get3A_673 : vector<16xf32> to vector<1x16xf32>
          tpu.vector_store %arg7[%swap3A_674, %swap3A_675], %swap3A_678 {add = true, strides = array<i32>} : memref<400x64xf32, #tpu.memory_space<vmem>>, vector<1x16xf32>,
          %add3A_679 = arith.constant 10 : i32
          %add3A_680 = arith.addi %mul3A_200, %add3A_679 : i32
          %get3A_681 = arith.constant 10 : i32
          %get3A_682 = arith.index_cast %get3A_681 : i32 to index
          %get3A_683 = arith.constant 0 : index
          %get3A_684 = tpu.vector_load %arg9[%get3A_682, %get3A_683] {strides = array<i32>} : memref<25x64xf32, #tpu.memory_space<vmem>>, vector<1x16xf32>,
          %get3A_685 = vector.shape_cast %get3A_684 : vector<1x16xf32> to vector<16xf32>
          %swap3A_686 = arith.index_cast %add3A_680 : i32 to index
          %swap3A_687 = arith.constant 0 : index
          %swap3A_688 = tpu.vector_load %arg7[%swap3A_686, %swap3A_687] {strides = array<i32>} : memref<400x64xf32, #tpu.memory_space<vmem>>, vector<1x16xf32>,
          %swap3A_689 = vector.shape_cast %swap3A_688 : vector<1x16xf32> to vector<16xf32>
          %swap3A_690 = vector.shape_cast %get3A_685 : vector<16xf32> to vector<1x16xf32>
          tpu.vector_store %arg7[%swap3A_686, %swap3A_687], %swap3A_690 {add = true, strides = array<i32>} : memref<400x64xf32, #tpu.memory_space<vmem>>, vector<1x16xf32>,
          %add3A_691 = arith.constant 10 : i32
          %add3A_692 = arith.addi %mul3A_200, %add3A_691 : i32
          %get3A_693 = arith.constant 10 : i32
          %get3A_694 = arith.index_cast %get3A_693 : i32 to index
          %get3A_695 = arith.constant 16 : index
          %get3A_696 = tpu.vector_load %arg9[%get3A_694, %get3A_695] {strides = array<i32>} : memref<25x64xf32, #tpu.memory_space<vmem>>, vector<1x16xf32>,
          %get3A_697 = vector.shape_cast %get3A_696 : vector<1x16xf32> to vector<16xf32>
          %swap3A_698 = arith.index_cast %add3A_692 : i32 to index
          %swap3A_699 = arith.constant 16 : index
          %swap3A_700 = tpu.vector_load %arg7[%swap3A_698, %swap3A_699] {strides = array<i32>} : memref<400x64xf32, #tpu.memory_space<vmem>>, vector<1x16xf32>,
          %swap3A_701 = vector.shape_cast %swap3A_700 : vector<1x16xf32> to vector<16xf32>
          %swap3A_702 = vector.shape_cast %get3A_697 : vector<16xf32> to vector<1x16xf32>
          tpu.vector_store %arg7[%swap3A_698, %swap3A_699], %swap3A_702 {add = true, strides = array<i32>} : memref<400x64xf32, #tpu.memory_space<vmem>>, vector<1x16xf32>,
          %add3A_703 = arith.constant 10 : i32
          %add3A_704 = arith.addi %mul3A_200, %add3A_703 : i32
          %get3A_705 = arith.constant 10 : i32
          %get3A_706 = arith.index_cast %get3A_705 : i32 to index
          %get3A_707 = arith.constant 32 : index
          %get3A_708 = tpu.vector_load %arg9[%get3A_706, %get3A_707] {strides = array<i32>} : memref<25x64xf32, #tpu.memory_space<vmem>>, vector<1x16xf32>,
          %get3A_709 = vector.shape_cast %get3A_708 : vector<1x16xf32> to vector<16xf32>
          %swap3A_710 = arith.index_cast %add3A_704 : i32 to index
          %swap3A_711 = arith.constant 32 : index
          %swap3A_712 = tpu.vector_load %arg7[%swap3A_710, %swap3A_711] {strides = array<i32>} : memref<400x64xf32, #tpu.memory_space<vmem>>, vector<1x16xf32>,
          %swap3A_713 = vector.shape_cast %swap3A_712 : vector<1x16xf32> to vector<16xf32>
          %swap3A_714 = vector.shape_cast %get3A_709 : vector<16xf32> to vector<1x16xf32>
          tpu.vector_store %arg7[%swap3A_710, %swap3A_711], %swap3A_714 {add = true, strides = array<i32>} : memref<400x64xf32, #tpu.memory_space<vmem>>, vector<1x16xf32>,
          %add3A_715 = arith.constant 10 : i32
          %add3A_716 = arith.addi %mul3A_200, %add3A_715 : i32
          %get3A_717 = arith.constant 10 : i32
          %get3A_718 = arith.index_cast %get3A_717 : i32 to index
          %get3A_719 = arith.constant 48 : index
          %get3A_720 = tpu.vector_load %arg9[%get3A_718, %get3A_719] {strides = array<i32>} : memref<25x64xf32, #tpu.memory_space<vmem>>, vector<1x16xf32>,
          %get3A_721 = vector.shape_cast %get3A_720 : vector<1x16xf32> to vector<16xf32>
          %swap3A_722 = arith.index_cast %add3A_716 : i32 to index
          %swap3A_723 = arith.constant 48 : index
          %swap3A_724 = tpu.vector_load %arg7[%swap3A_722, %swap3A_723] {strides = array<i32>} : memref<400x64xf32, #tpu.memory_space<vmem>>, vector<1x16xf32>,
          %swap3A_725 = vector.shape_cast %swap3A_724 : vector<1x16xf32> to vector<16xf32>
          %swap3A_726 = vector.shape_cast %get3A_721 : vector<16xf32> to vector<1x16xf32>
          tpu.vector_store %arg7[%swap3A_722, %swap3A_723], %swap3A_726 {add = true, strides = array<i32>} : memref<400x64xf32, #tpu.memory_space<vmem>>, vector<1x16xf32>,
          %add3A_727 = arith.constant 11 : i32
          %add3A_728 = arith.addi %mul3A_200, %add3A_727 : i32
          %get3A_729 = arith.constant 11 : i32
          %get3A_730 = arith.index_cast %get3A_729 : i32 to index
          %get3A_731 = arith.constant 0 : index
          %get3A_732 = tpu.vector_load %arg9[%get3A_730, %get3A_731] {strides = array<i32>} : memref<25x64xf32, #tpu.memory_space<vmem>>, vector<1x16xf32>,
          %get3A_733 = vector.shape_cast %get3A_732 : vector<1x16xf32> to vector<16xf32>
          %swap3A_734 = arith.index_cast %add3A_728 : i32 to index
          %swap3A_735 = arith.constant 0 : index
          %swap3A_736 = tpu.vector_load %arg7[%swap3A_734, %swap3A_735] {strides = array<i32>} : memref<400x64xf32, #tpu.memory_space<vmem>>, vector<1x16xf32>,
          %swap3A_737 = vector.shape_cast %swap3A_736 : vector<1x16xf32> to vector<16xf32>
          %swap3A_738 = vector.shape_cast %get3A_733 : vector<16xf32> to vector<1x16xf32>
          tpu.vector_store %arg7[%swap3A_734, %swap3A_735], %swap3A_738 {add = true, strides = array<i32>} : memref<400x64xf32, #tpu.memory_space<vmem>>, vector<1x16xf32>,
          %add3A_739 = arith.constant 11 : i32
          %add3A_740 = arith.addi %mul3A_200, %add3A_739 : i32
          %get3A_741 = arith.constant 11 : i32
          %get3A_742 = arith.index_cast %get3A_741 : i32 to index
          %get3A_743 = arith.constant 16 : index
          %get3A_744 = tpu.vector_load %arg9[%get3A_742, %get3A_743] {strides = array<i32>} : memref<25x64xf32, #tpu.memory_space<vmem>>, vector<1x16xf32>,
          %get3A_745 = vector.shape_cast %get3A_744 : vector<1x16xf32> to vector<16xf32>
          %swap3A_746 = arith.index_cast %add3A_740 : i32 to index
          %swap3A_747 = arith.constant 16 : index
          %swap3A_748 = tpu.vector_load %arg7[%swap3A_746, %swap3A_747] {strides = array<i32>} : memref<400x64xf32, #tpu.memory_space<vmem>>, vector<1x16xf32>,
          %swap3A_749 = vector.shape_cast %swap3A_748 : vector<1x16xf32> to vector<16xf32>
          %swap3A_750 = vector.shape_cast %get3A_745 : vector<16xf32> to vector<1x16xf32>
          tpu.vector_store %arg7[%swap3A_746, %swap3A_747], %swap3A_750 {add = true, strides = array<i32>} : memref<400x64xf32, #tpu.memory_space<vmem>>, vector<1x16xf32>,
          %add3A_751 = arith.constant 11 : i32
          %add3A_752 = arith.addi %mul3A_200, %add3A_751 : i32
          %get3A_753 = arith.constant 11 : i32
          %get3A_754 = arith.index_cast %get3A_753 : i32 to index
          %get3A_755 = arith.constant 32 : index
          %get3A_756 = tpu.vector_load %arg9[%get3A_754, %get3A_755] {strides = array<i32>} : memref<25x64xf32, #tpu.memory_space<vmem>>, vector<1x16xf32>,
          %get3A_757 = vector.shape_cast %get3A_756 : vector<1x16xf32> to vector<16xf32>
          %swap3A_758 = arith.index_cast %add3A_752 : i32 to index
          %swap3A_759 = arith.constant 32 : index
          %swap3A_760 = tpu.vector_load %arg7[%swap3A_758, %swap3A_759] {strides = array<i32>} : memref<400x64xf32, #tpu.memory_space<vmem>>, vector<1x16xf32>,
          %swap3A_761 = vector.shape_cast %swap3A_760 : vector<1x16xf32> to vector<16xf32>
          %swap3A_762 = vector.shape_cast %get3A_757 : vector<16xf32> to vector<1x16xf32>
          tpu.vector_store %arg7[%swap3A_758, %swap3A_759], %swap3A_762 {add = true, strides = array<i32>} : memref<400x64xf32, #tpu.memory_space<vmem>>, vector<1x16xf32>,
          %add3A_763 = arith.constant 11 : i32
          %add3A_764 = arith.addi %mul3A_200, %add3A_763 : i32
          %get3A_765 = arith.constant 11 : i32
          %get3A_766 = arith.index_cast %get3A_765 : i32 to index
          %get3A_767 = arith.constant 48 : index
          %get3A_768 = tpu.vector_load %arg9[%get3A_766, %get3A_767] {strides = array<i32>} : memref<25x64xf32, #tpu.memory_space<vmem>>, vector<1x16xf32>,
          %get3A_769 = vector.shape_cast %get3A_768 : vector<1x16xf32> to vector<16xf32>
          %swap3A_770 = arith.index_cast %add3A_764 : i32 to index
          %swap3A_771 = arith.constant 48 : index
          %swap3A_772 = tpu.vector_load %arg7[%swap3A_770, %swap3A_771] {strides = array<i32>} : memref<400x64xf32, #tpu.memory_space<vmem>>, vector<1x16xf32>,
          %swap3A_773 = vector.shape_cast %swap3A_772 : vector<1x16xf32> to vector<16xf32>
          %swap3A_774 = vector.shape_cast %get3A_769 : vector<16xf32> to vector<1x16xf32>
          tpu.vector_store %arg7[%swap3A_770, %swap3A_771], %swap3A_774 {add = true, strides = array<i32>} : memref<400x64xf32, #tpu.memory_space<vmem>>, vector<1x16xf32>,
          %add3A_775 = arith.constant 12 : i32
          %add3A_776 = arith.addi %mul3A_200, %add3A_775 : i32
          %get3A_777 = arith.constant 12 : i32
          %get3A_778 = arith.index_cast %get3A_777 : i32 to index
          %get3A_779 = arith.constant 0 : index
          %get3A_780 = tpu.vector_load %arg9[%get3A_778, %get3A_779] {strides = array<i32>} : memref<25x64xf32, #tpu.memory_space<vmem>>, vector<1x16xf32>,
          %get3A_781 = vector.shape_cast %get3A_780 : vector<1x16xf32> to vector<16xf32>
          %swap3A_782 = arith.index_cast %add3A_776 : i32 to index
          %swap3A_783 = arith.constant 0 : index
          %swap3A_784 = tpu.vector_load %arg7[%swap3A_782, %swap3A_783] {strides = array<i32>} : memref<400x64xf32, #tpu.memory_space<vmem>>, vector<1x16xf32>,
          %swap3A_785 = vector.shape_cast %swap3A_784 : vector<1x16xf32> to vector<16xf32>
          %swap3A_786 = vector.shape_cast %get3A_781 : vector<16xf32> to vector<1x16xf32>
          tpu.vector_store %arg7[%swap3A_782, %swap3A_783], %swap3A_786 {add = true, strides = array<i32>} : memref<400x64xf32, #tpu.memory_space<vmem>>, vector<1x16xf32>,
          %add3A_787 = arith.constant 12 : i32
          %add3A_788 = arith.addi %mul3A_200, %add3A_787 : i32
          %get3A_789 = arith.constant 12 : i32
          %get3A_790 = arith.index_cast %get3A_789 : i32 to index
          %get3A_791 = arith.constant 16 : index
          %get3A_792 = tpu.vector_load %arg9[%get3A_790, %get3A_791] {strides = array<i32>} : memref<25x64xf32, #tpu.memory_space<vmem>>, vector<1x16xf32>,
          %get3A_793 = vector.shape_cast %get3A_792 : vector<1x16xf32> to vector<16xf32>
          %swap3A_794 = arith.index_cast %add3A_788 : i32 to index
          %swap3A_795 = arith.constant 16 : index
          %swap3A_796 = tpu.vector_load %arg7[%swap3A_794, %swap3A_795] {strides = array<i32>} : memref<400x64xf32, #tpu.memory_space<vmem>>, vector<1x16xf32>,
          %swap3A_797 = vector.shape_cast %swap3A_796 : vector<1x16xf32> to vector<16xf32>
          %swap3A_798 = vector.shape_cast %get3A_793 : vector<16xf32> to vector<1x16xf32>
          tpu.vector_store %arg7[%swap3A_794, %swap3A_795], %swap3A_798 {add = true, strides = array<i32>} : memref<400x64xf32, #tpu.memory_space<vmem>>, vector<1x16xf32>,
          %add3A_799 = arith.constant 12 : i32
          %add3A_800 = arith.addi %mul3A_200, %add3A_799 : i32
          %get3A_801 = arith.constant 12 : i32
          %get3A_802 = arith.index_cast %get3A_801 : i32 to index
          %get3A_803 = arith.constant 32 : index
          %get3A_804 = tpu.vector_load %arg9[%get3A_802, %get3A_803] {strides = array<i32>} : memref<25x64xf32, #tpu.memory_space<vmem>>, vector<1x16xf32>,
          %get3A_805 = vector.shape_cast %get3A_804 : vector<1x16xf32> to vector<16xf32>
          %swap3A_806 = arith.index_cast %add3A_800 : i32 to index
          %swap3A_807 = arith.constant 32 : index
          %swap3A_808 = tpu.vector_load %arg7[%swap3A_806, %swap3A_807] {strides = array<i32>} : memref<400x64xf32, #tpu.memory_space<vmem>>, vector<1x16xf32>,
          %swap3A_809 = vector.shape_cast %swap3A_808 : vector<1x16xf32> to vector<16xf32>
          %swap3A_810 = vector.shape_cast %get3A_805 : vector<16xf32> to vector<1x16xf32>
          tpu.vector_store %arg7[%swap3A_806, %swap3A_807], %swap3A_810 {add = true, strides = array<i32>} : memref<400x64xf32, #tpu.memory_space<vmem>>, vector<1x16xf32>,
          %add3A_811 = arith.constant 12 : i32
          %add3A_812 = arith.addi %mul3A_200, %add3A_811 : i32
          %get3A_813 = arith.constant 12 : i32
          %get3A_814 = arith.index_cast %get3A_813 : i32 to index
          %get3A_815 = arith.constant 48 : index
          %get3A_816 = tpu.vector_load %arg9[%get3A_814, %get3A_815] {strides = array<i32>} : memref<25x64xf32, #tpu.memory_space<vmem>>, vector<1x16xf32>,
          %get3A_817 = vector.shape_cast %get3A_816 : vector<1x16xf32> to vector<16xf32>
          %swap3A_818 = arith.index_cast %add3A_812 : i32 to index
          %swap3A_819 = arith.constant 48 : index
          %swap3A_820 = tpu.vector_load %arg7[%swap3A_818, %swap3A_819] {strides = array<i32>} : memref<400x64xf32, #tpu.memory_space<vmem>>, vector<1x16xf32>,
          %swap3A_821 = vector.shape_cast %swap3A_820 : vector<1x16xf32> to vector<16xf32>
          %swap3A_822 = vector.shape_cast %get3A_817 : vector<16xf32> to vector<1x16xf32>
          tpu.vector_store %arg7[%swap3A_818, %swap3A_819], %swap3A_822 {add = true, strides = array<i32>} : memref<400x64xf32, #tpu.memory_space<vmem>>, vector<1x16xf32>,
          %add3A_823 = arith.constant 13 : i32
          %add3A_824 = arith.addi %mul3A_200, %add3A_823 : i32
          %get3A_825 = arith.constant 13 : i32
          %get3A_826 = arith.index_cast %get3A_825 : i32 to index
          %get3A_827 = arith.constant 0 : index
          %get3A_828 = tpu.vector_load %arg9[%get3A_826, %get3A_827] {strides = array<i32>} : memref<25x64xf32, #tpu.memory_space<vmem>>, vector<1x16xf32>,
          %get3A_829 = vector.shape_cast %get3A_828 : vector<1x16xf32> to vector<16xf32>
          %swap3A_830 = arith.index_cast %add3A_824 : i32 to index
          %swap3A_831 = arith.constant 0 : index
          %swap3A_832 = tpu.vector_load %arg7[%swap3A_830, %swap3A_831] {strides = array<i32>} : memref<400x64xf32, #tpu.memory_space<vmem>>, vector<1x16xf32>,
          %swap3A_833 = vector.shape_cast %swap3A_832 : vector<1x16xf32> to vector<16xf32>
          %swap3A_834 = vector.shape_cast %get3A_829 : vector<16xf32> to vector<1x16xf32>
          tpu.vector_store %arg7[%swap3A_830, %swap3A_831], %swap3A_834 {add = true, strides = array<i32>} : memref<400x64xf32, #tpu.memory_space<vmem>>, vector<1x16xf32>,
          %add3A_835 = arith.constant 13 : i32
          %add3A_836 = arith.addi %mul3A_200, %add3A_835 : i32
          %get3A_837 = arith.constant 13 : i32
          %get3A_838 = arith.index_cast %get3A_837 : i32 to index
          %get3A_839 = arith.constant 16 : index
          %get3A_840 = tpu.vector_load %arg9[%get3A_838, %get3A_839] {strides = array<i32>} : memref<25x64xf32, #tpu.memory_space<vmem>>, vector<1x16xf32>,
          %get3A_841 = vector.shape_cast %get3A_840 : vector<1x16xf32> to vector<16xf32>
          %swap3A_842 = arith.index_cast %add3A_836 : i32 to index
          %swap3A_843 = arith.constant 16 : index
          %swap3A_844 = tpu.vector_load %arg7[%swap3A_842, %swap3A_843] {strides = array<i32>} : memref<400x64xf32, #tpu.memory_space<vmem>>, vector<1x16xf32>,
          %swap3A_845 = vector.shape_cast %swap3A_844 : vector<1x16xf32> to vector<16xf32>
          %swap3A_846 = vector.shape_cast %get3A_841 : vector<16xf32> to vector<1x16xf32>
          tpu.vector_store %arg7[%swap3A_842, %swap3A_843], %swap3A_846 {add = true, strides = array<i32>} : memref<400x64xf32, #tpu.memory_space<vmem>>, vector<1x16xf32>,
          %add3A_847 = arith.constant 13 : i32
          %add3A_848 = arith.addi %mul3A_200, %add3A_847 : i32
          %get3A_849 = arith.constant 13 : i32
          %get3A_850 = arith.index_cast %get3A_849 : i32 to index
          %get3A_851 = arith.constant 32 : index
          %get3A_852 = tpu.vector_load %arg9[%get3A_850, %get3A_851] {strides = array<i32>} : memref<25x64xf32, #tpu.memory_space<vmem>>, vector<1x16xf32>,
          %get3A_853 = vector.shape_cast %get3A_852 : vector<1x16xf32> to vector<16xf32>
          %swap3A_854 = arith.index_cast %add3A_848 : i32 to index
          %swap3A_855 = arith.constant 32 : index
          %swap3A_856 = tpu.vector_load %arg7[%swap3A_854, %swap3A_855] {strides = array<i32>} : memref<400x64xf32, #tpu.memory_space<vmem>>, vector<1x16xf32>,
          %swap3A_857 = vector.shape_cast %swap3A_856 : vector<1x16xf32> to vector<16xf32>
          %swap3A_858 = vector.shape_cast %get3A_853 : vector<16xf32> to vector<1x16xf32>
          tpu.vector_store %arg7[%swap3A_854, %swap3A_855], %swap3A_858 {add = true, strides = array<i32>} : memref<400x64xf32, #tpu.memory_space<vmem>>, vector<1x16xf32>,
          %add3A_859 = arith.constant 13 : i32
          %add3A_860 = arith.addi %mul3A_200, %add3A_859 : i32
          %get3A_861 = arith.constant 13 : i32
          %get3A_862 = arith.index_cast %get3A_861 : i32 to index
          %get3A_863 = arith.constant 48 : index
          %get3A_864 = tpu.vector_load %arg9[%get3A_862, %get3A_863] {strides = array<i32>} : memref<25x64xf32, #tpu.memory_space<vmem>>, vector<1x16xf32>,
          %get3A_865 = vector.shape_cast %get3A_864 : vector<1x16xf32> to vector<16xf32>
          %swap3A_866 = arith.index_cast %add3A_860 : i32 to index
          %swap3A_867 = arith.constant 48 : index
          %swap3A_868 = tpu.vector_load %arg7[%swap3A_866, %swap3A_867] {strides = array<i32>} : memref<400x64xf32, #tpu.memory_space<vmem>>, vector<1x16xf32>,
          %swap3A_869 = vector.shape_cast %swap3A_868 : vector<1x16xf32> to vector<16xf32>
          %swap3A_870 = vector.shape_cast %get3A_865 : vector<16xf32> to vector<1x16xf32>
          tpu.vector_store %arg7[%swap3A_866, %swap3A_867], %swap3A_870 {add = true, strides = array<i32>} : memref<400x64xf32, #tpu.memory_space<vmem>>, vector<1x16xf32>,
          %add3A_871 = arith.constant 14 : i32
          %add3A_872 = arith.addi %mul3A_200, %add3A_871 : i32
          %get3A_873 = arith.constant 14 : i32
          %get3A_874 = arith.index_cast %get3A_873 : i32 to index
          %get3A_875 = arith.constant 0 : index
          %get3A_876 = tpu.vector_load %arg9[%get3A_874, %get3A_875] {strides = array<i32>} : memref<25x64xf32, #tpu.memory_space<vmem>>, vector<1x16xf32>,
          %get3A_877 = vector.shape_cast %get3A_876 : vector<1x16xf32> to vector<16xf32>
          %swap3A_878 = arith.index_cast %add3A_872 : i32 to index
          %swap3A_879 = arith.constant 0 : index
          %swap3A_880 = tpu.vector_load %arg7[%swap3A_878, %swap3A_879] {strides = array<i32>} : memref<400x64xf32, #tpu.memory_space<vmem>>, vector<1x16xf32>,
          %swap3A_881 = vector.shape_cast %swap3A_880 : vector<1x16xf32> to vector<16xf32>
          %swap3A_882 = vector.shape_cast %get3A_877 : vector<16xf32> to vector<1x16xf32>
          tpu.vector_store %arg7[%swap3A_878, %swap3A_879], %swap3A_882 {add = true, strides = array<i32>} : memref<400x64xf32, #tpu.memory_space<vmem>>, vector<1x16xf32>,
          %add3A_883 = arith.constant 14 : i32
          %add3A_884 = arith.addi %mul3A_200, %add3A_883 : i32
          %get3A_885 = arith.constant 14 : i32
          %get3A_886 = arith.index_cast %get3A_885 : i32 to index
          %get3A_887 = arith.constant 16 : index
          %get3A_888 = tpu.vector_load %arg9[%get3A_886, %get3A_887] {strides = array<i32>} : memref<25x64xf32, #tpu.memory_space<vmem>>, vector<1x16xf32>,
          %get3A_889 = vector.shape_cast %get3A_888 : vector<1x16xf32> to vector<16xf32>
          %swap3A_890 = arith.index_cast %add3A_884 : i32 to index
          %swap3A_891 = arith.constant 16 : index
          %swap3A_892 = tpu.vector_load %arg7[%swap3A_890, %swap3A_891] {strides = array<i32>} : memref<400x64xf32, #tpu.memory_space<vmem>>, vector<1x16xf32>,
          %swap3A_893 = vector.shape_cast %swap3A_892 : vector<1x16xf32> to vector<16xf32>
          %swap3A_894 = vector.shape_cast %get3A_889 : vector<16xf32> to vector<1x16xf32>
          tpu.vector_store %arg7[%swap3A_890, %swap3A_891], %swap3A_894 {add = true, strides = array<i32>} : memref<400x64xf32, #tpu.memory_space<vmem>>, vector<1x16xf32>,
          %add3A_895 = arith.constant 14 : i32
          %add3A_896 = arith.addi %mul3A_200, %add3A_895 : i32
          %get3A_897 = arith.constant 14 : i32
          %get3A_898 = arith.index_cast %get3A_897 : i32 to index
          %get3A_899 = arith.constant 32 : index
          %get3A_900 = tpu.vector_load %arg9[%get3A_898, %get3A_899] {strides = array<i32>} : memref<25x64xf32, #tpu.memory_space<vmem>>, vector<1x16xf32>,
          %get3A_901 = vector.shape_cast %get3A_900 : vector<1x16xf32> to vector<16xf32>
          %swap3A_902 = arith.index_cast %add3A_896 : i32 to index
          %swap3A_903 = arith.constant 32 : index
          %swap3A_904 = tpu.vector_load %arg7[%swap3A_902, %swap3A_903] {strides = array<i32>} : memref<400x64xf32, #tpu.memory_space<vmem>>, vector<1x16xf32>,
          %swap3A_905 = vector.shape_cast %swap3A_904 : vector<1x16xf32> to vector<16xf32>
          %swap3A_906 = vector.shape_cast %get3A_901 : vector<16xf32> to vector<1x16xf32>
          tpu.vector_store %arg7[%swap3A_902, %swap3A_903], %swap3A_906 {add = true, strides = array<i32>} : memref<400x64xf32, #tpu.memory_space<vmem>>, vector<1x16xf32>,
          %add3A_907 = arith.constant 14 : i32
          %add3A_908 = arith.addi %mul3A_200, %add3A_907 : i32
          %get3A_909 = arith.constant 14 : i32
          %get3A_910 = arith.index_cast %get3A_909 : i32 to index
          %get3A_911 = arith.constant 48 : index
          %get3A_912 = tpu.vector_load %arg9[%get3A_910, %get3A_911] {strides = array<i32>} : memref<25x64xf32, #tpu.memory_space<vmem>>, vector<1x16xf32>,
          %get3A_913 = vector.shape_cast %get3A_912 : vector<1x16xf32> to vector<16xf32>
          %swap3A_914 = arith.index_cast %add3A_908 : i32 to index
          %swap3A_915 = arith.constant 48 : index
          %swap3A_916 = tpu.vector_load %arg7[%swap3A_914, %swap3A_915] {strides = array<i32>} : memref<400x64xf32, #tpu.memory_space<vmem>>, vector<1x16xf32>,
          %swap3A_917 = vector.shape_cast %swap3A_916 : vector<1x16xf32> to vector<16xf32>
          %swap3A_918 = vector.shape_cast %get3A_913 : vector<16xf32> to vector<1x16xf32>
          tpu.vector_store %arg7[%swap3A_914, %swap3A_915], %swap3A_918 {add = true, strides = array<i32>} : memref<400x64xf32, #tpu.memory_space<vmem>>, vector<1x16xf32>,
          %add3A_919 = arith.constant 15 : i32
          %add3A_920 = arith.addi %mul3A_200, %add3A_919 : i32
          %get3A_921 = arith.constant 15 : i32
          %get3A_922 = arith.index_cast %get3A_921 : i32 to index
          %get3A_923 = arith.constant 0 : index
          %get3A_924 = tpu.vector_load %arg9[%get3A_922, %get3A_923] {strides = array<i32>} : memref<25x64xf32, #tpu.memory_space<vmem>>, vector<1x16xf32>,
          %get3A_925 = vector.shape_cast %get3A_924 : vector<1x16xf32> to vector<16xf32>
          %swap3A_926 = arith.index_cast %add3A_920 : i32 to index
          %swap3A_927 = arith.constant 0 : index
          %swap3A_928 = tpu.vector_load %arg7[%swap3A_926, %swap3A_927] {strides = array<i32>} : memref<400x64xf32, #tpu.memory_space<vmem>>, vector<1x16xf32>,
          %swap3A_929 = vector.shape_cast %swap3A_928 : vector<1x16xf32> to vector<16xf32>
          %swap3A_930 = vector.shape_cast %get3A_925 : vector<16xf32> to vector<1x16xf32>
          tpu.vector_store %arg7[%swap3A_926, %swap3A_927], %swap3A_930 {add = true, strides = array<i32>} : memref<400x64xf32, #tpu.memory_space<vmem>>, vector<1x16xf32>,
          %add3A_931 = arith.constant 15 : i32
          %add3A_932 = arith.addi %mul3A_200, %add3A_931 : i32
          %get3A_933 = arith.constant 15 : i32
          %get3A_934 = arith.index_cast %get3A_933 : i32 to index
          %get3A_935 = arith.constant 16 : index
          %get3A_936 = tpu.vector_load %arg9[%get3A_934, %get3A_935] {strides = array<i32>} : memref<25x64xf32, #tpu.memory_space<vmem>>, vector<1x16xf32>,
          %get3A_937 = vector.shape_cast %get3A_936 : vector<1x16xf32> to vector<16xf32>
          %swap3A_938 = arith.index_cast %add3A_932 : i32 to index
          %swap3A_939 = arith.constant 16 : index
          %swap3A_940 = tpu.vector_load %arg7[%swap3A_938, %swap3A_939] {strides = array<i32>} : memref<400x64xf32, #tpu.memory_space<vmem>>, vector<1x16xf32>,
          %swap3A_941 = vector.shape_cast %swap3A_940 : vector<1x16xf32> to vector<16xf32>
          %swap3A_942 = vector.shape_cast %get3A_937 : vector<16xf32> to vector<1x16xf32>
          tpu.vector_store %arg7[%swap3A_938, %swap3A_939], %swap3A_942 {add = true, strides = array<i32>} : memref<400x64xf32, #tpu.memory_space<vmem>>, vector<1x16xf32>,
          %add3A_943 = arith.constant 15 : i32
          %add3A_944 = arith.addi %mul3A_200, %add3A_943 : i32
          %get3A_945 = arith.constant 15 : i32
          %get3A_946 = arith.index_cast %get3A_945 : i32 to index
          %get3A_947 = arith.constant 32 : index
          %get3A_948 = tpu.vector_load %arg9[%get3A_946, %get3A_947] {strides = array<i32>} : memref<25x64xf32, #tpu.memory_space<vmem>>, vector<1x16xf32>,
          %get3A_949 = vector.shape_cast %get3A_948 : vector<1x16xf32> to vector<16xf32>
          %swap3A_950 = arith.index_cast %add3A_944 : i32 to index
          %swap3A_951 = arith.constant 32 : index
          %swap3A_952 = tpu.vector_load %arg7[%swap3A_950, %swap3A_951] {strides = array<i32>} : memref<400x64xf32, #tpu.memory_space<vmem>>, vector<1x16xf32>,
          %swap3A_953 = vector.shape_cast %swap3A_952 : vector<1x16xf32> to vector<16xf32>
          %swap3A_954 = vector.shape_cast %get3A_949 : vector<16xf32> to vector<1x16xf32>
          tpu.vector_store %arg7[%swap3A_950, %swap3A_951], %swap3A_954 {add = true, strides = array<i32>} : memref<400x64xf32, #tpu.memory_space<vmem>>, vector<1x16xf32>,
          %add3A_955 = arith.constant 15 : i32
          %add3A_956 = arith.addi %mul3A_200, %add3A_955 : i32
          %get3A_957 = arith.constant 15 : i32
          %get3A_958 = arith.index_cast %get3A_957 : i32 to index
          %get3A_959 = arith.constant 48 : index
          %get3A_960 = tpu.vector_load %arg9[%get3A_958, %get3A_959] {strides = array<i32>} : memref<25x64xf32, #tpu.memory_space<vmem>>, vector<1x16xf32>,
          %get3A_961 = vector.shape_cast %get3A_960 : vector<1x16xf32> to vector<16xf32>
          %swap3A_962 = arith.index_cast %add3A_956 : i32 to index
          %swap3A_963 = arith.constant 48 : index
          %swap3A_964 = tpu.vector_load %arg7[%swap3A_962, %swap3A_963] {strides = array<i32>} : memref<400x64xf32, #tpu.memory_space<vmem>>, vector<1x16xf32>,
          %swap3A_965 = vector.shape_cast %swap3A_964 : vector<1x16xf32> to vector<16xf32>
          %swap3A_966 = vector.shape_cast %get3A_961 : vector<16xf32> to vector<1x16xf32>
          tpu.vector_store %arg7[%swap3A_962, %swap3A_963], %swap3A_966 {add = true, strides = array<i32>} : memref<400x64xf32, #tpu.memory_space<vmem>>, vector<1x16xf32>,
          %add3A_967 = arith.constant 16 : i32
          %add3A_968 = arith.addi %mul3A_200, %add3A_967 : i32
          %get3A_969 = arith.constant 16 : i32
          %get3A_970 = arith.index_cast %get3A_969 : i32 to index
          %get3A_971 = arith.constant 0 : index
          %get3A_972 = tpu.vector_load %arg9[%get3A_970, %get3A_971] {strides = array<i32>} : memref<25x64xf32, #tpu.memory_space<vmem>>, vector<1x16xf32>,
          %get3A_973 = vector.shape_cast %get3A_972 : vector<1x16xf32> to vector<16xf32>
          %swap3A_974 = arith.index_cast %add3A_968 : i32 to index
          %swap3A_975 = arith.constant 0 : index
          %swap3A_976 = tpu.vector_load %arg7[%swap3A_974, %swap3A_975] {strides = array<i32>} : memref<400x64xf32, #tpu.memory_space<vmem>>, vector<1x16xf32>,
          %swap3A_977 = vector.shape_cast %swap3A_976 : vector<1x16xf32> to vector<16xf32>
          %swap3A_978 = vector.shape_cast %get3A_973 : vector<16xf32> to vector<1x16xf32>
          tpu.vector_store %arg7[%swap3A_974, %swap3A_975], %swap3A_978 {add = true, strides = array<i32>} : memref<400x64xf32, #tpu.memory_space<vmem>>, vector<1x16xf32>,
          %add3A_979 = arith.constant 16 : i32
          %add3A_980 = arith.addi %mul3A_200, %add3A_979 : i32
          %get3A_981 = arith.constant 16 : i32
          %get3A_982 = arith.index_cast %get3A_981 : i32 to index
          %get3A_983 = arith.constant 16 : index
          %get3A_984 = tpu.vector_load %arg9[%get3A_982, %get3A_983] {strides = array<i32>} : memref<25x64xf32, #tpu.memory_space<vmem>>, vector<1x16xf32>,
          %get3A_985 = vector.shape_cast %get3A_984 : vector<1x16xf32> to vector<16xf32>
          %swap3A_986 = arith.index_cast %add3A_980 : i32 to index
          %swap3A_987 = arith.constant 16 : index
          %swap3A_988 = tpu.vector_load %arg7[%swap3A_986, %swap3A_987] {strides = array<i32>} : memref<400x64xf32, #tpu.memory_space<vmem>>, vector<1x16xf32>,
          %swap3A_989 = vector.shape_cast %swap3A_988 : vector<1x16xf32> to vector<16xf32>
          %swap3A_990 = vector.shape_cast %get3A_985 : vector<16xf32> to vector<1x16xf32>
          tpu.vector_store %arg7[%swap3A_986, %swap3A_987], %swap3A_990 {add = true, strides = array<i32>} : memref<400x64xf32, #tpu.memory_space<vmem>>, vector<1x16xf32>,
          %add3A_991 = arith.constant 16 : i32
          %add3A_992 = arith.addi %mul3A_200, %add3A_991 : i32
          %get3A_993 = arith.constant 16 : i32
          %get3A_994 = arith.index_cast %get3A_993 : i32 to index
          %get3A_995 = arith.constant 32 : index
          %get3A_996 = tpu.vector_load %arg9[%get3A_994, %get3A_995] {strides = array<i32>} : memref<25x64xf32, #tpu.memory_space<vmem>>, vector<1x16xf32>,
          %get3A_997 = vector.shape_cast %get3A_996 : vector<1x16xf32> to vector<16xf32>
          %swap3A_998 = arith.index_cast %add3A_992 : i32 to index
          %swap3A_999 = arith.constant 32 : index
          %swap3A_1000 = tpu.vector_load %arg7[%swap3A_998, %swap3A_999] {strides = array<i32>} : memref<400x64xf32, #tpu.memory_space<vmem>>, vector<1x16xf32>,
          %swap3A_1001 = vector.shape_cast %swap3A_1000 : vector<1x16xf32> to vector<16xf32>
          %swap3A_1002 = vector.shape_cast %get3A_997 : vector<16xf32> to vector<1x16xf32>
          tpu.vector_store %arg7[%swap3A_998, %swap3A_999], %swap3A_1002 {add = true, strides = array<i32>} : memref<400x64xf32, #tpu.memory_space<vmem>>, vector<1x16xf32>,
          %add3A_1003 = arith.constant 16 : i32
          %add3A_1004 = arith.addi %mul3A_200, %add3A_1003 : i32
          %get3A_1005 = arith.constant 16 : i32
          %get3A_1006 = arith.index_cast %get3A_1005 : i32 to index
          %get3A_1007 = arith.constant 48 : index
          %get3A_1008 = tpu.vector_load %arg9[%get3A_1006, %get3A_1007] {strides = array<i32>} : memref<25x64xf32, #tpu.memory_space<vmem>>, vector<1x16xf32>,
          %get3A_1009 = vector.shape_cast %get3A_1008 : vector<1x16xf32> to vector<16xf32>
          %swap3A_1010 = arith.index_cast %add3A_1004 : i32 to index
          %swap3A_1011 = arith.constant 48 : index
          %swap3A_1012 = tpu.vector_load %arg7[%swap3A_1010, %swap3A_1011] {strides = array<i32>} : memref<400x64xf32, #tpu.memory_space<vmem>>, vector<1x16xf32>,
          %swap3A_1013 = vector.shape_cast %swap3A_1012 : vector<1x16xf32> to vector<16xf32>
          %swap3A_1014 = vector.shape_cast %get3A_1009 : vector<16xf32> to vector<1x16xf32>
          tpu.vector_store %arg7[%swap3A_1010, %swap3A_1011], %swap3A_1014 {add = true, strides = array<i32>} : memref<400x64xf32, #tpu.memory_space<vmem>>, vector<1x16xf32>,
          %add3A_1015 = arith.constant 17 : i32
          %add3A_1016 = arith.addi %mul3A_200, %add3A_1015 : i32
          %get3A_1017 = arith.constant 17 : i32
          %get3A_1018 = arith.index_cast %get3A_1017 : i32 to index
          %get3A_1019 = arith.constant 0 : index
          %get3A_1020 = tpu.vector_load %arg9[%get3A_1018, %get3A_1019] {strides = array<i32>} : memref<25x64xf32, #tpu.memory_space<vmem>>, vector<1x16xf32>,
          %get3A_1021 = vector.shape_cast %get3A_1020 : vector<1x16xf32> to vector<16xf32>
          %swap3A_1022 = arith.index_cast %add3A_1016 : i32 to index
          %swap3A_1023 = arith.constant 0 : index
          %swap3A_1024 = tpu.vector_load %arg7[%swap3A_1022, %swap3A_1023] {strides = array<i32>} : memref<400x64xf32, #tpu.memory_space<vmem>>, vector<1x16xf32>,
          %swap3A_1025 = vector.shape_cast %swap3A_1024 : vector<1x16xf32> to vector<16xf32>
          %swap3A_1026 = vector.shape_cast %get3A_1021 : vector<16xf32> to vector<1x16xf32>
          tpu.vector_store %arg7[%swap3A_1022, %swap3A_1023], %swap3A_1026 {add = true, strides = array<i32>} : memref<400x64xf32, #tpu.memory_space<vmem>>, vector<1x16xf32>,
          %add3A_1027 = arith.constant 17 : i32
          %add3A_1028 = arith.addi %mul3A_200, %add3A_1027 : i32
          %get3A_1029 = arith.constant 17 : i32
          %get3A_1030 = arith.index_cast %get3A_1029 : i32 to index
          %get3A_1031 = arith.constant 16 : index
          %get3A_1032 = tpu.vector_load %arg9[%get3A_1030, %get3A_1031] {strides = array<i32>} : memref<25x64xf32, #tpu.memory_space<vmem>>, vector<1x16xf32>,
          %get3A_1033 = vector.shape_cast %get3A_1032 : vector<1x16xf32> to vector<16xf32>
          %swap3A_1034 = arith.index_cast %add3A_1028 : i32 to index
          %swap3A_1035 = arith.constant 16 : index
          %swap3A_1036 = tpu.vector_load %arg7[%swap3A_1034, %swap3A_1035] {strides = array<i32>} : memref<400x64xf32, #tpu.memory_space<vmem>>, vector<1x16xf32>,
          %swap3A_1037 = vector.shape_cast %swap3A_1036 : vector<1x16xf32> to vector<16xf32>
          %swap3A_1038 = vector.shape_cast %get3A_1033 : vector<16xf32> to vector<1x16xf32>
          tpu.vector_store %arg7[%swap3A_1034, %swap3A_1035], %swap3A_1038 {add = true, strides = array<i32>} : memref<400x64xf32, #tpu.memory_space<vmem>>, vector<1x16xf32>,
          %add3A_1039 = arith.constant 17 : i32
          %add3A_1040 = arith.addi %mul3A_200, %add3A_1039 : i32
          %get3A_1041 = arith.constant 17 : i32
          %get3A_1042 = arith.index_cast %get3A_1041 : i32 to index
          %get3A_1043 = arith.constant 32 : index
          %get3A_1044 = tpu.vector_load %arg9[%get3A_1042, %get3A_1043] {strides = array<i32>} : memref<25x64xf32, #tpu.memory_space<vmem>>, vector<1x16xf32>,
          %get3A_1045 = vector.shape_cast %get3A_1044 : vector<1x16xf32> to vector<16xf32>
          %swap3A_1046 = arith.index_cast %add3A_1040 : i32 to index
          %swap3A_1047 = arith.constant 32 : index
          %swap3A_1048 = tpu.vector_load %arg7[%swap3A_1046, %swap3A_1047] {strides = array<i32>} : memref<400x64xf32, #tpu.memory_space<vmem>>, vector<1x16xf32>,
          %swap3A_1049 = vector.shape_cast %swap3A_1048 : vector<1x16xf32> to vector<16xf32>
          %swap3A_1050 = vector.shape_cast %get3A_1045 : vector<16xf32> to vector<1x16xf32>
          tpu.vector_store %arg7[%swap3A_1046, %swap3A_1047], %swap3A_1050 {add = true, strides = array<i32>} : memref<400x64xf32, #tpu.memory_space<vmem>>, vector<1x16xf32>,
          %add3A_1051 = arith.constant 17 : i32
          %add3A_1052 = arith.addi %mul3A_200, %add3A_1051 : i32
          %get3A_1053 = arith.constant 17 : i32
          %get3A_1054 = arith.index_cast %get3A_1053 : i32 to index
          %get3A_1055 = arith.constant 48 : index
          %get3A_1056 = tpu.vector_load %arg9[%get3A_1054, %get3A_1055] {strides = array<i32>} : memref<25x64xf32, #tpu.memory_space<vmem>>, vector<1x16xf32>,
          %get3A_1057 = vector.shape_cast %get3A_1056 : vector<1x16xf32> to vector<16xf32>
          %swap3A_1058 = arith.index_cast %add3A_1052 : i32 to index
          %swap3A_1059 = arith.constant 48 : index
          %swap3A_1060 = tpu.vector_load %arg7[%swap3A_1058, %swap3A_1059] {strides = array<i32>} : memref<400x64xf32, #tpu.memory_space<vmem>>, vector<1x16xf32>,
          %swap3A_1061 = vector.shape_cast %swap3A_1060 : vector<1x16xf32> to vector<16xf32>
          %swap3A_1062 = vector.shape_cast %get3A_1057 : vector<16xf32> to vector<1x16xf32>
          tpu.vector_store %arg7[%swap3A_1058, %swap3A_1059], %swap3A_1062 {add = true, strides = array<i32>} : memref<400x64xf32, #tpu.memory_space<vmem>>, vector<1x16xf32>,
          %add3A_1063 = arith.constant 18 : i32
          %add3A_1064 = arith.addi %mul3A_200, %add3A_1063 : i32
          %get3A_1065 = arith.constant 18 : i32
          %get3A_1066 = arith.index_cast %get3A_1065 : i32 to index
          %get3A_1067 = arith.constant 0 : index
          %get3A_1068 = tpu.vector_load %arg9[%get3A_1066, %get3A_1067] {strides = array<i32>} : memref<25x64xf32, #tpu.memory_space<vmem>>, vector<1x16xf32>,
          %get3A_1069 = vector.shape_cast %get3A_1068 : vector<1x16xf32> to vector<16xf32>
          %swap3A_1070 = arith.index_cast %add3A_1064 : i32 to index
          %swap3A_1071 = arith.constant 0 : index
          %swap3A_1072 = tpu.vector_load %arg7[%swap3A_1070, %swap3A_1071] {strides = array<i32>} : memref<400x64xf32, #tpu.memory_space<vmem>>, vector<1x16xf32>,
          %swap3A_1073 = vector.shape_cast %swap3A_1072 : vector<1x16xf32> to vector<16xf32>
          %swap3A_1074 = vector.shape_cast %get3A_1069 : vector<16xf32> to vector<1x16xf32>
          tpu.vector_store %arg7[%swap3A_1070, %swap3A_1071], %swap3A_1074 {add = true, strides = array<i32>} : memref<400x64xf32, #tpu.memory_space<vmem>>, vector<1x16xf32>,
          %add3A_1075 = arith.constant 18 : i32
          %add3A_1076 = arith.addi %mul3A_200, %add3A_1075 : i32
          %get3A_1077 = arith.constant 18 : i32
          %get3A_1078 = arith.index_cast %get3A_1077 : i32 to index
          %get3A_1079 = arith.constant 16 : index
          %get3A_1080 = tpu.vector_load %arg9[%get3A_1078, %get3A_1079] {strides = array<i32>} : memref<25x64xf32, #tpu.memory_space<vmem>>, vector<1x16xf32>,
          %get3A_1081 = vector.shape_cast %get3A_1080 : vector<1x16xf32> to vector<16xf32>
          %swap3A_1082 = arith.index_cast %add3A_1076 : i32 to index
          %swap3A_1083 = arith.constant 16 : index
          %swap3A_1084 = tpu.vector_load %arg7[%swap3A_1082, %swap3A_1083] {strides = array<i32>} : memref<400x64xf32, #tpu.memory_space<vmem>>, vector<1x16xf32>,
          %swap3A_1085 = vector.shape_cast %swap3A_1084 : vector<1x16xf32> to vector<16xf32>
          %swap3A_1086 = vector.shape_cast %get3A_1081 : vector<16xf32> to vector<1x16xf32>
          tpu.vector_store %arg7[%swap3A_1082, %swap3A_1083], %swap3A_1086 {add = true, strides = array<i32>} : memref<400x64xf32, #tpu.memory_space<vmem>>, vector<1x16xf32>,
          %add3A_1087 = arith.constant 18 : i32
          %add3A_1088 = arith.addi %mul3A_200, %add3A_1087 : i32
          %get3A_1089 = arith.constant 18 : i32
          %get3A_1090 = arith.index_cast %get3A_1089 : i32 to index
          %get3A_1091 = arith.constant 32 : index
          %get3A_1092 = tpu.vector_load %arg9[%get3A_1090, %get3A_1091] {strides = array<i32>} : memref<25x64xf32, #tpu.memory_space<vmem>>, vector<1x16xf32>,
          %get3A_1093 = vector.shape_cast %get3A_1092 : vector<1x16xf32> to vector<16xf32>
          %swap3A_1094 = arith.index_cast %add3A_1088 : i32 to index
          %swap3A_1095 = arith.constant 32 : index
          %swap3A_1096 = tpu.vector_load %arg7[%swap3A_1094, %swap3A_1095] {strides = array<i32>} : memref<400x64xf32, #tpu.memory_space<vmem>>, vector<1x16xf32>,
          %swap3A_1097 = vector.shape_cast %swap3A_1096 : vector<1x16xf32> to vector<16xf32>
          %swap3A_1098 = vector.shape_cast %get3A_1093 : vector<16xf32> to vector<1x16xf32>
          tpu.vector_store %arg7[%swap3A_1094, %swap3A_1095], %swap3A_1098 {add = true, strides = array<i32>} : memref<400x64xf32, #tpu.memory_space<vmem>>, vector<1x16xf32>,
          %add3A_1099 = arith.constant 18 : i32
          %add3A_1100 = arith.addi %mul3A_200, %add3A_1099 : i32
          %get3A_1101 = arith.constant 18 : i32
          %get3A_1102 = arith.index_cast %get3A_1101 : i32 to index
          %get3A_1103 = arith.constant 48 : index
          %get3A_1104 = tpu.vector_load %arg9[%get3A_1102, %get3A_1103] {strides = array<i32>} : memref<25x64xf32, #tpu.memory_space<vmem>>, vector<1x16xf32>,
          %get3A_1105 = vector.shape_cast %get3A_1104 : vector<1x16xf32> to vector<16xf32>
          %swap3A_1106 = arith.index_cast %add3A_1100 : i32 to index
          %swap3A_1107 = arith.constant 48 : index
          %swap3A_1108 = tpu.vector_load %arg7[%swap3A_1106, %swap3A_1107] {strides = array<i32>} : memref<400x64xf32, #tpu.memory_space<vmem>>, vector<1x16xf32>,
          %swap3A_1109 = vector.shape_cast %swap3A_1108 : vector<1x16xf32> to vector<16xf32>
          %swap3A_1110 = vector.shape_cast %get3A_1105 : vector<16xf32> to vector<1x16xf32>
          tpu.vector_store %arg7[%swap3A_1106, %swap3A_1107], %swap3A_1110 {add = true, strides = array<i32>} : memref<400x64xf32, #tpu.memory_space<vmem>>, vector<1x16xf32>,
          %add3A_1111 = arith.constant 19 : i32
          %add3A_1112 = arith.addi %mul3A_200, %add3A_1111 : i32
          %get3A_1113 = arith.constant 19 : i32
          %get3A_1114 = arith.index_cast %get3A_1113 : i32 to index
          %get3A_1115 = arith.constant 0 : index
          %get3A_1116 = tpu.vector_load %arg9[%get3A_1114, %get3A_1115] {strides = array<i32>} : memref<25x64xf32, #tpu.memory_space<vmem>>, vector<1x16xf32>,
          %get3A_1117 = vector.shape_cast %get3A_1116 : vector<1x16xf32> to vector<16xf32>
          %swap3A_1118 = arith.index_cast %add3A_1112 : i32 to index
          %swap3A_1119 = arith.constant 0 : index
          %swap3A_1120 = tpu.vector_load %arg7[%swap3A_1118, %swap3A_1119] {strides = array<i32>} : memref<400x64xf32, #tpu.memory_space<vmem>>, vector<1x16xf32>,
          %swap3A_1121 = vector.shape_cast %swap3A_1120 : vector<1x16xf32> to vector<16xf32>
          %swap3A_1122 = vector.shape_cast %get3A_1117 : vector<16xf32> to vector<1x16xf32>
          tpu.vector_store %arg7[%swap3A_1118, %swap3A_1119], %swap3A_1122 {add = true, strides = array<i32>} : memref<400x64xf32, #tpu.memory_space<vmem>>, vector<1x16xf32>,
          %add3A_1123 = arith.constant 19 : i32
          %add3A_1124 = arith.addi %mul3A_200, %add3A_1123 : i32
          %get3A_1125 = arith.constant 19 : i32
          %get3A_1126 = arith.index_cast %get3A_1125 : i32 to index
          %get3A_1127 = arith.constant 16 : index
          %get3A_1128 = tpu.vector_load %arg9[%get3A_1126, %get3A_1127] {strides = array<i32>} : memref<25x64xf32, #tpu.memory_space<vmem>>, vector<1x16xf32>,
          %get3A_1129 = vector.shape_cast %get3A_1128 : vector<1x16xf32> to vector<16xf32>
          %swap3A_1130 = arith.index_cast %add3A_1124 : i32 to index
          %swap3A_1131 = arith.constant 16 : index
          %swap3A_1132 = tpu.vector_load %arg7[%swap3A_1130, %swap3A_1131] {strides = array<i32>} : memref<400x64xf32, #tpu.memory_space<vmem>>, vector<1x16xf32>,
          %swap3A_1133 = vector.shape_cast %swap3A_1132 : vector<1x16xf32> to vector<16xf32>
          %swap3A_1134 = vector.shape_cast %get3A_1129 : vector<16xf32> to vector<1x16xf32>
          tpu.vector_store %arg7[%swap3A_1130, %swap3A_1131], %swap3A_1134 {add = true, strides = array<i32>} : memref<400x64xf32, #tpu.memory_space<vmem>>, vector<1x16xf32>,
          %add3A_1135 = arith.constant 19 : i32
          %add3A_1136 = arith.addi %mul3A_200, %add3A_1135 : i32
          %get3A_1137 = arith.constant 19 : i32
          %get3A_1138 = arith.index_cast %get3A_1137 : i32 to index
          %get3A_1139 = arith.constant 32 : index
          %get3A_1140 = tpu.vector_load %arg9[%get3A_1138, %get3A_1139] {strides = array<i32>} : memref<25x64xf32, #tpu.memory_space<vmem>>, vector<1x16xf32>,
          %get3A_1141 = vector.shape_cast %get3A_1140 : vector<1x16xf32> to vector<16xf32>
          %swap3A_1142 = arith.index_cast %add3A_1136 : i32 to index
          %swap3A_1143 = arith.constant 32 : index
          %swap3A_1144 = tpu.vector_load %arg7[%swap3A_1142, %swap3A_1143] {strides = array<i32>} : memref<400x64xf32, #tpu.memory_space<vmem>>, vector<1x16xf32>,
          %swap3A_1145 = vector.shape_cast %swap3A_1144 : vector<1x16xf32> to vector<16xf32>
          %swap3A_1146 = vector.shape_cast %get3A_1141 : vector<16xf32> to vector<1x16xf32>
          tpu.vector_store %arg7[%swap3A_1142, %swap3A_1143], %swap3A_1146 {add = true, strides = array<i32>} : memref<400x64xf32, #tpu.memory_space<vmem>>, vector<1x16xf32>,
          %add3A_1147 = arith.constant 19 : i32
          %add3A_1148 = arith.addi %mul3A_200, %add3A_1147 : i32
          %get3A_1149 = arith.constant 19 : i32
          %get3A_1150 = arith.index_cast %get3A_1149 : i32 to index
          %get3A_1151 = arith.constant 48 : index
          %get3A_1152 = tpu.vector_load %arg9[%get3A_1150, %get3A_1151] {strides = array<i32>} : memref<25x64xf32, #tpu.memory_space<vmem>>, vector<1x16xf32>,
          %get3A_1153 = vector.shape_cast %get3A_1152 : vector<1x16xf32> to vector<16xf32>
          %swap3A_1154 = arith.index_cast %add3A_1148 : i32 to index
          %swap3A_1155 = arith.constant 48 : index
          %swap3A_1156 = tpu.vector_load %arg7[%swap3A_1154, %swap3A_1155] {strides = array<i32>} : memref<400x64xf32, #tpu.memory_space<vmem>>, vector<1x16xf32>,
          %swap3A_1157 = vector.shape_cast %swap3A_1156 : vector<1x16xf32> to vector<16xf32>
          %swap3A_1158 = vector.shape_cast %get3A_1153 : vector<16xf32> to vector<1x16xf32>
          tpu.vector_store %arg7[%swap3A_1154, %swap3A_1155], %swap3A_1158 {add = true, strides = array<i32>} : memref<400x64xf32, #tpu.memory_space<vmem>>, vector<1x16xf32>,
          %add3A_1159 = arith.constant 20 : i32
          %add3A_1160 = arith.addi %mul3A_200, %add3A_1159 : i32
          %get3A_1161 = arith.constant 20 : i32
          %get3A_1162 = arith.index_cast %get3A_1161 : i32 to index
          %get3A_1163 = arith.constant 0 : index
          %get3A_1164 = tpu.vector_load %arg9[%get3A_1162, %get3A_1163] {strides = array<i32>} : memref<25x64xf32, #tpu.memory_space<vmem>>, vector<1x16xf32>,
          %get3A_1165 = vector.shape_cast %get3A_1164 : vector<1x16xf32> to vector<16xf32>
          %swap3A_1166 = arith.index_cast %add3A_1160 : i32 to index
          %swap3A_1167 = arith.constant 0 : index
          %swap3A_1168 = tpu.vector_load %arg7[%swap3A_1166, %swap3A_1167] {strides = array<i32>} : memref<400x64xf32, #tpu.memory_space<vmem>>, vector<1x16xf32>,
          %swap3A_1169 = vector.shape_cast %swap3A_1168 : vector<1x16xf32> to vector<16xf32>
          %swap3A_1170 = vector.shape_cast %get3A_1165 : vector<16xf32> to vector<1x16xf32>
          tpu.vector_store %arg7[%swap3A_1166, %swap3A_1167], %swap3A_1170 {add = true, strides = array<i32>} : memref<400x64xf32, #tpu.memory_space<vmem>>, vector<1x16xf32>,
          %add3A_1171 = arith.constant 20 : i32
          %add3A_1172 = arith.addi %mul3A_200, %add3A_1171 : i32
          %get3A_1173 = arith.constant 20 : i32
          %get3A_1174 = arith.index_cast %get3A_1173 : i32 to index
          %get3A_1175 = arith.constant 16 : index
          %get3A_1176 = tpu.vector_load %arg9[%get3A_1174, %get3A_1175] {strides = array<i32>} : memref<25x64xf32, #tpu.memory_space<vmem>>, vector<1x16xf32>,
          %get3A_1177 = vector.shape_cast %get3A_1176 : vector<1x16xf32> to vector<16xf32>
          %swap3A_1178 = arith.index_cast %add3A_1172 : i32 to index
          %swap3A_1179 = arith.constant 16 : index
          %swap3A_1180 = tpu.vector_load %arg7[%swap3A_1178, %swap3A_1179] {strides = array<i32>} : memref<400x64xf32, #tpu.memory_space<vmem>>, vector<1x16xf32>,
          %swap3A_1181 = vector.shape_cast %swap3A_1180 : vector<1x16xf32> to vector<16xf32>
          %swap3A_1182 = vector.shape_cast %get3A_1177 : vector<16xf32> to vector<1x16xf32>
          tpu.vector_store %arg7[%swap3A_1178, %swap3A_1179], %swap3A_1182 {add = true, strides = array<i32>} : memref<400x64xf32, #tpu.memory_space<vmem>>, vector<1x16xf32>,
          %add3A_1183 = arith.constant 20 : i32
          %add3A_1184 = arith.addi %mul3A_200, %add3A_1183 : i32
          %get3A_1185 = arith.constant 20 : i32
          %get3A_1186 = arith.index_cast %get3A_1185 : i32 to index
          %get3A_1187 = arith.constant 32 : index
          %get3A_1188 = tpu.vector_load %arg9[%get3A_1186, %get3A_1187] {strides = array<i32>} : memref<25x64xf32, #tpu.memory_space<vmem>>, vector<1x16xf32>,
          %get3A_1189 = vector.shape_cast %get3A_1188 : vector<1x16xf32> to vector<16xf32>
          %swap3A_1190 = arith.index_cast %add3A_1184 : i32 to index
          %swap3A_1191 = arith.constant 32 : index
          %swap3A_1192 = tpu.vector_load %arg7[%swap3A_1190, %swap3A_1191] {strides = array<i32>} : memref<400x64xf32, #tpu.memory_space<vmem>>, vector<1x16xf32>,
          %swap3A_1193 = vector.shape_cast %swap3A_1192 : vector<1x16xf32> to vector<16xf32>
          %swap3A_1194 = vector.shape_cast %get3A_1189 : vector<16xf32> to vector<1x16xf32>
          tpu.vector_store %arg7[%swap3A_1190, %swap3A_1191], %swap3A_1194 {add = true, strides = array<i32>} : memref<400x64xf32, #tpu.memory_space<vmem>>, vector<1x16xf32>,
          %add3A_1195 = arith.constant 20 : i32
          %add3A_1196 = arith.addi %mul3A_200, %add3A_1195 : i32
          %get3A_1197 = arith.constant 20 : i32
          %get3A_1198 = arith.index_cast %get3A_1197 : i32 to index
          %get3A_1199 = arith.constant 48 : index
          %get3A_1200 = tpu.vector_load %arg9[%get3A_1198, %get3A_1199] {strides = array<i32>} : memref<25x64xf32, #tpu.memory_space<vmem>>, vector<1x16xf32>,
          %get3A_1201 = vector.shape_cast %get3A_1200 : vector<1x16xf32> to vector<16xf32>
          %swap3A_1202 = arith.index_cast %add3A_1196 : i32 to index
          %swap3A_1203 = arith.constant 48 : index
          %swap3A_1204 = tpu.vector_load %arg7[%swap3A_1202, %swap3A_1203] {strides = array<i32>} : memref<400x64xf32, #tpu.memory_space<vmem>>, vector<1x16xf32>,
          %swap3A_1205 = vector.shape_cast %swap3A_1204 : vector<1x16xf32> to vector<16xf32>
          %swap3A_1206 = vector.shape_cast %get3A_1201 : vector<16xf32> to vector<1x16xf32>
          tpu.vector_store %arg7[%swap3A_1202, %swap3A_1203], %swap3A_1206 {add = true, strides = array<i32>} : memref<400x64xf32, #tpu.memory_space<vmem>>, vector<1x16xf32>,
          %add3A_1207 = arith.constant 21 : i32
          %add3A_1208 = arith.addi %mul3A_200, %add3A_1207 : i32
          %get3A_1209 = arith.constant 21 : i32
          %get3A_1210 = arith.index_cast %get3A_1209 : i32 to index
          %get3A_1211 = arith.constant 0 : index
          %get3A_1212 = tpu.vector_load %arg9[%get3A_1210, %get3A_1211] {strides = array<i32>} : memref<25x64xf32, #tpu.memory_space<vmem>>, vector<1x16xf32>,
          %get3A_1213 = vector.shape_cast %get3A_1212 : vector<1x16xf32> to vector<16xf32>
          %swap3A_1214 = arith.index_cast %add3A_1208 : i32 to index
          %swap3A_1215 = arith.constant 0 : index
          %swap3A_1216 = tpu.vector_load %arg7[%swap3A_1214, %swap3A_1215] {strides = array<i32>} : memref<400x64xf32, #tpu.memory_space<vmem>>, vector<1x16xf32>,
          %swap3A_1217 = vector.shape_cast %swap3A_1216 : vector<1x16xf32> to vector<16xf32>
          %swap3A_1218 = vector.shape_cast %get3A_1213 : vector<16xf32> to vector<1x16xf32>
          tpu.vector_store %arg7[%swap3A_1214, %swap3A_1215], %swap3A_1218 {add = true, strides = array<i32>} : memref<400x64xf32, #tpu.memory_space<vmem>>, vector<1x16xf32>,
          %add3A_1219 = arith.constant 21 : i32
          %add3A_1220 = arith.addi %mul3A_200, %add3A_1219 : i32
          %get3A_1221 = arith.constant 21 : i32
          %get3A_1222 = arith.index_cast %get3A_1221 : i32 to index
          %get3A_1223 = arith.constant 16 : index
          %get3A_1224 = tpu.vector_load %arg9[%get3A_1222, %get3A_1223] {strides = array<i32>} : memref<25x64xf32, #tpu.memory_space<vmem>>, vector<1x16xf32>,
          %get3A_1225 = vector.shape_cast %get3A_1224 : vector<1x16xf32> to vector<16xf32>
          %swap3A_1226 = arith.index_cast %add3A_1220 : i32 to index
          %swap3A_1227 = arith.constant 16 : index
          %swap3A_1228 = tpu.vector_load %arg7[%swap3A_1226, %swap3A_1227] {strides = array<i32>} : memref<400x64xf32, #tpu.memory_space<vmem>>, vector<1x16xf32>,
          %swap3A_1229 = vector.shape_cast %swap3A_1228 : vector<1x16xf32> to vector<16xf32>
          %swap3A_1230 = vector.shape_cast %get3A_1225 : vector<16xf32> to vector<1x16xf32>
          tpu.vector_store %arg7[%swap3A_1226, %swap3A_1227], %swap3A_1230 {add = true, strides = array<i32>} : memref<400x64xf32, #tpu.memory_space<vmem>>, vector<1x16xf32>,
          %add3A_1231 = arith.constant 21 : i32
          %add3A_1232 = arith.addi %mul3A_200, %add3A_1231 : i32
          %get3A_1233 = arith.constant 21 : i32
          %get3A_1234 = arith.index_cast %get3A_1233 : i32 to index
          %get3A_1235 = arith.constant 32 : index
          %get3A_1236 = tpu.vector_load %arg9[%get3A_1234, %get3A_1235] {strides = array<i32>} : memref<25x64xf32, #tpu.memory_space<vmem>>, vector<1x16xf32>,
          %get3A_1237 = vector.shape_cast %get3A_1236 : vector<1x16xf32> to vector<16xf32>
          %swap3A_1238 = arith.index_cast %add3A_1232 : i32 to index
          %swap3A_1239 = arith.constant 32 : index
          %swap3A_1240 = tpu.vector_load %arg7[%swap3A_1238, %swap3A_1239] {strides = array<i32>} : memref<400x64xf32, #tpu.memory_space<vmem>>, vector<1x16xf32>,
          %swap3A_1241 = vector.shape_cast %swap3A_1240 : vector<1x16xf32> to vector<16xf32>
          %swap3A_1242 = vector.shape_cast %get3A_1237 : vector<16xf32> to vector<1x16xf32>
          tpu.vector_store %arg7[%swap3A_1238, %swap3A_1239], %swap3A_1242 {add = true, strides = array<i32>} : memref<400x64xf32, #tpu.memory_space<vmem>>, vector<1x16xf32>,
          %add3A_1243 = arith.constant 21 : i32
          %add3A_1244 = arith.addi %mul3A_200, %add3A_1243 : i32
          %get3A_1245 = arith.constant 21 : i32
          %get3A_1246 = arith.index_cast %get3A_1245 : i32 to index
          %get3A_1247 = arith.constant 48 : index
          %get3A_1248 = tpu.vector_load %arg9[%get3A_1246, %get3A_1247] {strides = array<i32>} : memref<25x64xf32, #tpu.memory_space<vmem>>, vector<1x16xf32>,
          %get3A_1249 = vector.shape_cast %get3A_1248 : vector<1x16xf32> to vector<16xf32>
          %swap3A_1250 = arith.index_cast %add3A_1244 : i32 to index
          %swap3A_1251 = arith.constant 48 : index
          %swap3A_1252 = tpu.vector_load %arg7[%swap3A_1250, %swap3A_1251] {strides = array<i32>} : memref<400x64xf32, #tpu.memory_space<vmem>>, vector<1x16xf32>,
          %swap3A_1253 = vector.shape_cast %swap3A_1252 : vector<1x16xf32> to vector<16xf32>
          %swap3A_1254 = vector.shape_cast %get3A_1249 : vector<16xf32> to vector<1x16xf32>
          tpu.vector_store %arg7[%swap3A_1250, %swap3A_1251], %swap3A_1254 {add = true, strides = array<i32>} : memref<400x64xf32, #tpu.memory_space<vmem>>, vector<1x16xf32>,
          %add3A_1255 = arith.constant 22 : i32
          %add3A_1256 = arith.addi %mul3A_200, %add3A_1255 : i32
          %get3A_1257 = arith.constant 22 : i32
          %get3A_1258 = arith.index_cast %get3A_1257 : i32 to index
          %get3A_1259 = arith.constant 0 : index
          %get3A_1260 = tpu.vector_load %arg9[%get3A_1258, %get3A_1259] {strides = array<i32>} : memref<25x64xf32, #tpu.memory_space<vmem>>, vector<1x16xf32>,
          %get3A_1261 = vector.shape_cast %get3A_1260 : vector<1x16xf32> to vector<16xf32>
          %swap3A_1262 = arith.index_cast %add3A_1256 : i32 to index
          %swap3A_1263 = arith.constant 0 : index
          %swap3A_1264 = tpu.vector_load %arg7[%swap3A_1262, %swap3A_1263] {strides = array<i32>} : memref<400x64xf32, #tpu.memory_space<vmem>>, vector<1x16xf32>,
          %swap3A_1265 = vector.shape_cast %swap3A_1264 : vector<1x16xf32> to vector<16xf32>
          %swap3A_1266 = vector.shape_cast %get3A_1261 : vector<16xf32> to vector<1x16xf32>
          tpu.vector_store %arg7[%swap3A_1262, %swap3A_1263], %swap3A_1266 {add = true, strides = array<i32>} : memref<400x64xf32, #tpu.memory_space<vmem>>, vector<1x16xf32>,
          %add3A_1267 = arith.constant 22 : i32
          %add3A_1268 = arith.addi %mul3A_200, %add3A_1267 : i32
          %get3A_1269 = arith.constant 22 : i32
          %get3A_1270 = arith.index_cast %get3A_1269 : i32 to index
          %get3A_1271 = arith.constant 16 : index
          %get3A_1272 = tpu.vector_load %arg9[%get3A_1270, %get3A_1271] {strides = array<i32>} : memref<25x64xf32, #tpu.memory_space<vmem>>, vector<1x16xf32>,
          %get3A_1273 = vector.shape_cast %get3A_1272 : vector<1x16xf32> to vector<16xf32>
          %swap3A_1274 = arith.index_cast %add3A_1268 : i32 to index
          %swap3A_1275 = arith.constant 16 : index
          %swap3A_1276 = tpu.vector_load %arg7[%swap3A_1274, %swap3A_1275] {strides = array<i32>} : memref<400x64xf32, #tpu.memory_space<vmem>>, vector<1x16xf32>,
          %swap3A_1277 = vector.shape_cast %swap3A_1276 : vector<1x16xf32> to vector<16xf32>
          %swap3A_1278 = vector.shape_cast %get3A_1273 : vector<16xf32> to vector<1x16xf32>
          tpu.vector_store %arg7[%swap3A_1274, %swap3A_1275], %swap3A_1278 {add = true, strides = array<i32>} : memref<400x64xf32, #tpu.memory_space<vmem>>, vector<1x16xf32>,
          %add3A_1279 = arith.constant 22 : i32
          %add3A_1280 = arith.addi %mul3A_200, %add3A_1279 : i32
          %get3A_1281 = arith.constant 22 : i32
          %get3A_1282 = arith.index_cast %get3A_1281 : i32 to index
          %get3A_1283 = arith.constant 32 : index
          %get3A_1284 = tpu.vector_load %arg9[%get3A_1282, %get3A_1283] {strides = array<i32>} : memref<25x64xf32, #tpu.memory_space<vmem>>, vector<1x16xf32>,
          %get3A_1285 = vector.shape_cast %get3A_1284 : vector<1x16xf32> to vector<16xf32>
          %swap3A_1286 = arith.index_cast %add3A_1280 : i32 to index
          %swap3A_1287 = arith.constant 32 : index
          %swap3A_1288 = tpu.vector_load %arg7[%swap3A_1286, %swap3A_1287] {strides = array<i32>} : memref<400x64xf32, #tpu.memory_space<vmem>>, vector<1x16xf32>,
          %swap3A_1289 = vector.shape_cast %swap3A_1288 : vector<1x16xf32> to vector<16xf32>
          %swap3A_1290 = vector.shape_cast %get3A_1285 : vector<16xf32> to vector<1x16xf32>
          tpu.vector_store %arg7[%swap3A_1286, %swap3A_1287], %swap3A_1290 {add = true, strides = array<i32>} : memref<400x64xf32, #tpu.memory_space<vmem>>, vector<1x16xf32>,
          %add3A_1291 = arith.constant 22 : i32
          %add3A_1292 = arith.addi %mul3A_200, %add3A_1291 : i32
          %get3A_1293 = arith.constant 22 : i32
          %get3A_1294 = arith.index_cast %get3A_1293 : i32 to index
          %get3A_1295 = arith.constant 48 : index
          %get3A_1296 = tpu.vector_load %arg9[%get3A_1294, %get3A_1295] {strides = array<i32>} : memref<25x64xf32, #tpu.memory_space<vmem>>, vector<1x16xf32>,
          %get3A_1297 = vector.shape_cast %get3A_1296 : vector<1x16xf32> to vector<16xf32>
          %swap3A_1298 = arith.index_cast %add3A_1292 : i32 to index
          %swap3A_1299 = arith.constant 48 : index
          %swap3A_1300 = tpu.vector_load %arg7[%swap3A_1298, %swap3A_1299] {strides = array<i32>} : memref<400x64xf32, #tpu.memory_space<vmem>>, vector<1x16xf32>,
          %swap3A_1301 = vector.shape_cast %swap3A_1300 : vector<1x16xf32> to vector<16xf32>
          %swap3A_1302 = vector.shape_cast %get3A_1297 : vector<16xf32> to vector<1x16xf32>
          tpu.vector_store %arg7[%swap3A_1298, %swap3A_1299], %swap3A_1302 {add = true, strides = array<i32>} : memref<400x64xf32, #tpu.memory_space<vmem>>, vector<1x16xf32>,
          %add3A_1303 = arith.constant 23 : i32
          %add3A_1304 = arith.addi %mul3A_200, %add3A_1303 : i32
          %get3A_1305 = arith.constant 23 : i32
          %get3A_1306 = arith.index_cast %get3A_1305 : i32 to index
          %get3A_1307 = arith.constant 0 : index
          %get3A_1308 = tpu.vector_load %arg9[%get3A_1306, %get3A_1307] {strides = array<i32>} : memref<25x64xf32, #tpu.memory_space<vmem>>, vector<1x16xf32>,
          %get3A_1309 = vector.shape_cast %get3A_1308 : vector<1x16xf32> to vector<16xf32>
          %swap3A_1310 = arith.index_cast %add3A_1304 : i32 to index
          %swap3A_1311 = arith.constant 0 : index
          %swap3A_1312 = tpu.vector_load %arg7[%swap3A_1310, %swap3A_1311] {strides = array<i32>} : memref<400x64xf32, #tpu.memory_space<vmem>>, vector<1x16xf32>,
          %swap3A_1313 = vector.shape_cast %swap3A_1312 : vector<1x16xf32> to vector<16xf32>
          %swap3A_1314 = vector.shape_cast %get3A_1309 : vector<16xf32> to vector<1x16xf32>
          tpu.vector_store %arg7[%swap3A_1310, %swap3A_1311], %swap3A_1314 {add = true, strides = array<i32>} : memref<400x64xf32, #tpu.memory_space<vmem>>, vector<1x16xf32>,
          %add3A_1315 = arith.constant 23 : i32
          %add3A_1316 = arith.addi %mul3A_200, %add3A_1315 : i32
          %get3A_1317 = arith.constant 23 : i32
          %get3A_1318 = arith.index_cast %get3A_1317 : i32 to index
          %get3A_1319 = arith.constant 16 : index
          %get3A_1320 = tpu.vector_load %arg9[%get3A_1318, %get3A_1319] {strides = array<i32>} : memref<25x64xf32, #tpu.memory_space<vmem>>, vector<1x16xf32>,
          %get3A_1321 = vector.shape_cast %get3A_1320 : vector<1x16xf32> to vector<16xf32>
          %swap3A_1322 = arith.index_cast %add3A_1316 : i32 to index
          %swap3A_1323 = arith.constant 16 : index
          %swap3A_1324 = tpu.vector_load %arg7[%swap3A_1322, %swap3A_1323] {strides = array<i32>} : memref<400x64xf32, #tpu.memory_space<vmem>>, vector<1x16xf32>,
          %swap3A_1325 = vector.shape_cast %swap3A_1324 : vector<1x16xf32> to vector<16xf32>
          %swap3A_1326 = vector.shape_cast %get3A_1321 : vector<16xf32> to vector<1x16xf32>
          tpu.vector_store %arg7[%swap3A_1322, %swap3A_1323], %swap3A_1326 {add = true, strides = array<i32>} : memref<400x64xf32, #tpu.memory_space<vmem>>, vector<1x16xf32>,
          %add3A_1327 = arith.constant 23 : i32
          %add3A_1328 = arith.addi %mul3A_200, %add3A_1327 : i32
          %get3A_1329 = arith.constant 23 : i32
          %get3A_1330 = arith.index_cast %get3A_1329 : i32 to index
          %get3A_1331 = arith.constant 32 : index
          %get3A_1332 = tpu.vector_load %arg9[%get3A_1330, %get3A_1331] {strides = array<i32>} : memref<25x64xf32, #tpu.memory_space<vmem>>, vector<1x16xf32>,
          %get3A_1333 = vector.shape_cast %get3A_1332 : vector<1x16xf32> to vector<16xf32>
          %swap3A_1334 = arith.index_cast %add3A_1328 : i32 to index
          %swap3A_1335 = arith.constant 32 : index
          %swap3A_1336 = tpu.vector_load %arg7[%swap3A_1334, %swap3A_1335] {strides = array<i32>} : memref<400x64xf32, #tpu.memory_space<vmem>>, vector<1x16xf32>,
          %swap3A_1337 = vector.shape_cast %swap3A_1336 : vector<1x16xf32> to vector<16xf32>
          %swap3A_1338 = vector.shape_cast %get3A_1333 : vector<16xf32> to vector<1x16xf32>
          tpu.vector_store %arg7[%swap3A_1334, %swap3A_1335], %swap3A_1338 {add = true, strides = array<i32>} : memref<400x64xf32, #tpu.memory_space<vmem>>, vector<1x16xf32>,
          %add3A_1339 = arith.constant 23 : i32
          %add3A_1340 = arith.addi %mul3A_200, %add3A_1339 : i32
          %get3A_1341 = arith.constant 23 : i32
          %get3A_1342 = arith.index_cast %get3A_1341 : i32 to index
          %get3A_1343 = arith.constant 48 : index
          %get3A_1344 = tpu.vector_load %arg9[%get3A_1342, %get3A_1343] {strides = array<i32>} : memref<25x64xf32, #tpu.memory_space<vmem>>, vector<1x16xf32>,
          %get3A_1345 = vector.shape_cast %get3A_1344 : vector<1x16xf32> to vector<16xf32>
          %swap3A_1346 = arith.index_cast %add3A_1340 : i32 to index
          %swap3A_1347 = arith.constant 48 : index
          %swap3A_1348 = tpu.vector_load %arg7[%swap3A_1346, %swap3A_1347] {strides = array<i32>} : memref<400x64xf32, #tpu.memory_space<vmem>>, vector<1x16xf32>,
          %swap3A_1349 = vector.shape_cast %swap3A_1348 : vector<1x16xf32> to vector<16xf32>
          %swap3A_1350 = vector.shape_cast %get3A_1345 : vector<16xf32> to vector<1x16xf32>
          tpu.vector_store %arg7[%swap3A_1346, %swap3A_1347], %swap3A_1350 {add = true, strides = array<i32>} : memref<400x64xf32, #tpu.memory_space<vmem>>, vector<1x16xf32>,
          %add3A_1351 = arith.constant 24 : i32
          %add3A_1352 = arith.addi %mul3A_200, %add3A_1351 : i32
          %get3A_1353 = arith.constant 24 : i32
          %get3A_1354 = arith.index_cast %get3A_1353 : i32 to index
          %get3A_1355 = arith.constant 0 : index
          %get3A_1356 = tpu.vector_load %arg9[%get3A_1354, %get3A_1355] {strides = array<i32>} : memref<25x64xf32, #tpu.memory_space<vmem>>, vector<1x16xf32>,
          %get3A_1357 = vector.shape_cast %get3A_1356 : vector<1x16xf32> to vector<16xf32>
          %swap3A_1358 = arith.index_cast %add3A_1352 : i32 to index
          %swap3A_1359 = arith.constant 0 : index
          %swap3A_1360 = tpu.vector_load %arg7[%swap3A_1358, %swap3A_1359] {strides = array<i32>} : memref<400x64xf32, #tpu.memory_space<vmem>>, vector<1x16xf32>,
          %swap3A_1361 = vector.shape_cast %swap3A_1360 : vector<1x16xf32> to vector<16xf32>
          %swap3A_1362 = vector.shape_cast %get3A_1357 : vector<16xf32> to vector<1x16xf32>
          tpu.vector_store %arg7[%swap3A_1358, %swap3A_1359], %swap3A_1362 {add = true, strides = array<i32>} : memref<400x64xf32, #tpu.memory_space<vmem>>, vector<1x16xf32>,
          %add3A_1363 = arith.constant 24 : i32
          %add3A_1364 = arith.addi %mul3A_200, %add3A_1363 : i32
          %get3A_1365 = arith.constant 24 : i32
          %get3A_1366 = arith.index_cast %get3A_1365 : i32 to index
          %get3A_1367 = arith.constant 16 : index
          %get3A_1368 = tpu.vector_load %arg9[%get3A_1366, %get3A_1367] {strides = array<i32>} : memref<25x64xf32, #tpu.memory_space<vmem>>, vector<1x16xf32>,
          %get3A_1369 = vector.shape_cast %get3A_1368 : vector<1x16xf32> to vector<16xf32>
          %swap3A_1370 = arith.index_cast %add3A_1364 : i32 to index
          %swap3A_1371 = arith.constant 16 : index
          %swap3A_1372 = tpu.vector_load %arg7[%swap3A_1370, %swap3A_1371] {strides = array<i32>} : memref<400x64xf32, #tpu.memory_space<vmem>>, vector<1x16xf32>,
          %swap3A_1373 = vector.shape_cast %swap3A_1372 : vector<1x16xf32> to vector<16xf32>
          %swap3A_1374 = vector.shape_cast %get3A_1369 : vector<16xf32> to vector<1x16xf32>
          tpu.vector_store %arg7[%swap3A_1370, %swap3A_1371], %swap3A_1374 {add = true, strides = array<i32>} : memref<400x64xf32, #tpu.memory_space<vmem>>, vector<1x16xf32>,
          %add3A_1375 = arith.constant 24 : i32
          %add3A_1376 = arith.addi %mul3A_200, %add3A_1375 : i32
          %get3A_1377 = arith.constant 24 : i32
          %get3A_1378 = arith.index_cast %get3A_1377 : i32 to index
          %get3A_1379 = arith.constant 32 : index
          %get3A_1380 = tpu.vector_load %arg9[%get3A_1378, %get3A_1379] {strides = array<i32>} : memref<25x64xf32, #tpu.memory_space<vmem>>, vector<1x16xf32>,
          %get3A_1381 = vector.shape_cast %get3A_1380 : vector<1x16xf32> to vector<16xf32>
          %swap3A_1382 = arith.index_cast %add3A_1376 : i32 to index
          %swap3A_1383 = arith.constant 32 : index
          %swap3A_1384 = tpu.vector_load %arg7[%swap3A_1382, %swap3A_1383] {strides = array<i32>} : memref<400x64xf32, #tpu.memory_space<vmem>>, vector<1x16xf32>,
          %swap3A_1385 = vector.shape_cast %swap3A_1384 : vector<1x16xf32> to vector<16xf32>
          %swap3A_1386 = vector.shape_cast %get3A_1381 : vector<16xf32> to vector<1x16xf32>
          tpu.vector_store %arg7[%swap3A_1382, %swap3A_1383], %swap3A_1386 {add = true, strides = array<i32>} : memref<400x64xf32, #tpu.memory_space<vmem>>, vector<1x16xf32>,
          %add3A_1387 = arith.constant 24 : i32
          %add3A_1388 = arith.addi %mul3A_200, %add3A_1387 : i32
          %get3A_1389 = arith.constant 24 : i32
          %get3A_1390 = arith.index_cast %get3A_1389 : i32 to index
          %get3A_1391 = arith.constant 48 : index
          %get3A_1392 = tpu.vector_load %arg9[%get3A_1390, %get3A_1391] {strides = array<i32>} : memref<25x64xf32, #tpu.memory_space<vmem>>, vector<1x16xf32>,
          %get3A_1393 = vector.shape_cast %get3A_1392 : vector<1x16xf32> to vector<16xf32>
          %swap3A_1394 = arith.index_cast %add3A_1388 : i32 to index
          %swap3A_1395 = arith.constant 48 : index
          %swap3A_1396 = tpu.vector_load %arg7[%swap3A_1394, %swap3A_1395] {strides = array<i32>} : memref<400x64xf32, #tpu.memory_space<vmem>>, vector<1x16xf32>,
          %swap3A_1397 = vector.shape_cast %swap3A_1396 : vector<1x16xf32> to vector<16xf32>
          %swap3A_1398 = vector.shape_cast %get3A_1393 : vector<16xf32> to vector<1x16xf32>
          tpu.vector_store %arg7[%swap3A_1394, %swap3A_1395], %swap3A_1398 {add = true, strides = array<i32>} : memref<400x64xf32, #tpu.memory_space<vmem>>, vector<1x16xf32>,
          %scan3A_1399 = arith.constant 0 : i32
          scf.yield %scan3A_1399 : i32
        }
        %scan3A_187 = arith.constant 16 : i32
        %sub3A = arith.constant 1 : i32
        %sub3A_188 = arith.subi %add3A_108, %sub3A : i32
        %mul3A_189 = arith.constant 400 : i32
        %mul3A_190 = arith.muli %sub3A_188, %mul3A_189 : i32
        %add3A_191 = arith.addi %multiple_of3A, %mul3A_190 : i32
        %multiple_of3A_192 = tpu.assume_multiple %add3A_191, 8 : i32
        %dma_start3A_193 = arith.constant 0 : i32
        %dma_start3A_194 = tpu.memref_slice %arg5[%multiple_of3A_192, %dma_start3A_193] : memref<512000x64xf32, #tpu.memory_space<hbm>> -> memref<400x64xf32, #tpu.memory_space<hbm>>
        %dma_start3A_195 = arith.constant 0 : i32
        %dma_start3A_196 = tpu.memref_slice %arg5[%multiple_of3A_192, %dma_start3A_195] : memref<512000x64xf32, #tpu.memory_space<hbm>> -> memref<400x64xf32, #tpu.memory_space<hbm>>
        tpu.enqueue_dma source(%arg7 : memref<400x64xf32, #tpu.memory_space<vmem>>) target(%dma_start3A_196 : memref<400x64xf32, #tpu.memory_space<hbm>>) target_semaphore(%arg12 : memref<!tpu.dma_semaphore, #tpu.memory_space<semaphore_mem>>)
      } else {
      }
      %scan3A_174 = arith.constant 0 : i32
      scf.yield %scan3A_174 : i32
    }
    %scan3A_8 = arith.constant 20 : i32
    %dma_wait3A = arith.constant 0 : i32
    %dma_wait3A_9 = arith.constant 0 : i32
    %dma_wait3A_10 = tpu.memref_slice %arg5[%dma_wait3A, %dma_wait3A_9] : memref<512000x64xf32, #tpu.memory_space<hbm>> -> memref<400x64xf32, #tpu.memory_space<hbm>>
    %dma_wait3A_11 = arith.constant 0 : i32
    %dma_wait3A_12 = arith.constant 0 : i32
    %dma_wait3A_13 = tpu.memref_slice %arg5[%dma_wait3A_11, %dma_wait3A_12] : memref<512000x64xf32, #tpu.memory_space<hbm>> -> memref<400x64xf32, #tpu.memory_space<hbm>>
    tpu.wait_dma2 semaphore(%arg11 : memref<!tpu.dma_semaphore, #tpu.memory_space<semaphore_mem>>) src(%dma_wait3A_13 : memref<400x64xf32, #tpu.memory_space<hbm>>) dst(%arg8 : memref<400x64xf32, #tpu.memory_space<vmem>>)
    %scan3A_14 = arith.constant 0 : i32
    %scan3A_15 = arith.constant 0 : i32
    %scan3A_16 = arith.constant 16 : i32
    %scan3A_17 = arith.addi %scan3A_15, %scan3A_16 : i32
    %scan3A_18 = arith.constant 1 : i32
    %scan3A_19 = scf.for %scan3A_39 = %scan3A_15 to %scan3A_17 step %scan3A_18 iter_args(%scan3A_40 = %scan3A_14) -> (i32)  : i32 {
      %mul3A_41 = arith.constant 25 : i32
      %mul3A_42 = arith.muli %scan3A_39, %mul3A_41 : i32
      %add3A_43 = arith.constant 0 : i32
      %add3A_44 = arith.addi %mul3A_42, %add3A_43 : i32
      %get3A = arith.constant 0 : i32
      %get3A_45 = arith.index_cast %get3A : i32 to index
      %get3A_46 = arith.constant 0 : index
      %get3A_47 = tpu.vector_load %arg9[%get3A_45, %get3A_46] {strides = array<i32>} : memref<25x64xf32, #tpu.memory_space<vmem>>, vector<1x16xf32>,
      %get3A_48 = vector.shape_cast %get3A_47 : vector<1x16xf32> to vector<16xf32>
      %swap3A = arith.index_cast %add3A_44 : i32 to index
      %swap3A_49 = arith.constant 0 : index
      %swap3A_50 = tpu.vector_load %arg8[%swap3A, %swap3A_49] {strides = array<i32>} : memref<400x64xf32, #tpu.memory_space<vmem>>, vector<1x16xf32>,
      %swap3A_51 = vector.shape_cast %swap3A_50 : vector<1x16xf32> to vector<16xf32>
      %swap3A_52 = vector.shape_cast %get3A_48 : vector<16xf32> to vector<1x16xf32>
      tpu.vector_store %arg8[%swap3A, %swap3A_49], %swap3A_52 {add = true, strides = array<i32>} : memref<400x64xf32, #tpu.memory_space<vmem>>, vector<1x16xf32>,
      %add3A_53 = arith.constant 0 : i32
      %add3A_54 = arith.addi %mul3A_42, %add3A_53 : i32
      %get3A_55 = arith.constant 0 : i32
      %get3A_56 = arith.index_cast %get3A_55 : i32 to index
      %get3A_57 = arith.constant 16 : index
      %get3A_58 = tpu.vector_load %arg9[%get3A_56, %get3A_57] {strides = array<i32>} : memref<25x64xf32, #tpu.memory_space<vmem>>, vector<1x16xf32>,
      %get3A_59 = vector.shape_cast %get3A_58 : vector<1x16xf32> to vector<16xf32>
      %swap3A_60 = arith.index_cast %add3A_54 : i32 to index
      %swap3A_61 = arith.constant 16 : index
      %swap3A_62 = tpu.vector_load %arg8[%swap3A_60, %swap3A_61] {strides = array<i32>} : memref<400x64xf32, #tpu.memory_space<vmem>>, vector<1x16xf32>,
      %swap3A_63 = vector.shape_cast %swap3A_62 : vector<1x16xf32> to vector<16xf32>
      %swap3A_64 = vector.shape_cast %get3A_59 : vector<16xf32> to vector<1x16xf32>
      tpu.vector_store %arg8[%swap3A_60, %swap3A_61], %swap3A_64 {add = true, strides = array<i32>} : memref<400x64xf32, #tpu.memory_space<vmem>>, vector<1x16xf32>,
      %add3A_65 = arith.constant 0 : i32
      %add3A_66 = arith.addi %mul3A_42, %add3A_65 : i32
      %get3A_67 = arith.constant 0 : i32
      %get3A_68 = arith.index_cast %get3A_67 : i32 to index
      %get3A_69 = arith.constant 32 : index
      %get3A_70 = tpu.vector_load %arg9[%get3A_68, %get3A_69] {strides = array<i32>} : memref<25x64xf32, #tpu.memory_space<vmem>>, vector<1x16xf32>,
      %get3A_71 = vector.shape_cast %get3A_70 : vector<1x16xf32> to vector<16xf32>
      %swap3A_72 = arith.index_cast %add3A_66 : i32 to index
      %swap3A_73 = arith.constant 32 : index
      %swap3A_74 = tpu.vector_load %arg8[%swap3A_72, %swap3A_73] {strides = array<i32>} : memref<400x64xf32, #tpu.memory_space<vmem>>, vector<1x16xf32>,
      %swap3A_75 = vector.shape_cast %swap3A_74 : vector<1x16xf32> to vector<16xf32>
      %swap3A_76 = vector.shape_cast %get3A_71 : vector<16xf32> to vector<1x16xf32>
      tpu.vector_store %arg8[%swap3A_72, %swap3A_73], %swap3A_76 {add = true, strides = array<i32>} : memref<400x64xf32, #tpu.memory_space<vmem>>, vector<1x16xf32>,
      %add3A_77 = arith.constant 0 : i32
      %add3A_78 = arith.addi %mul3A_42, %add3A_77 : i32
      %get3A_79 = arith.constant 0 : i32
      %get3A_80 = arith.index_cast %get3A_79 : i32 to index
      %get3A_81 = arith.constant 48 : index
      %get3A_82 = tpu.vector_load %arg9[%get3A_80, %get3A_81] {strides = array<i32>} : memref<25x64xf32, #tpu.memory_space<vmem>>, vector<1x16xf32>,
      %get3A_83 = vector.shape_cast %get3A_82 : vector<1x16xf32> to vector<16xf32>
      %swap3A_84 = arith.index_cast %add3A_78 : i32 to index
      %swap3A_85 = arith.constant 48 : index
      %swap3A_86 = tpu.vector_load %arg8[%swap3A_84, %swap3A_85] {strides = array<i32>} : memref<400x64xf32, #tpu.memory_space<vmem>>, vector<1x16xf32>,
      %swap3A_87 = vector.shape_cast %swap3A_86 : vector<1x16xf32> to vector<16xf32>
      %swap3A_88 = vector.shape_cast %get3A_83 : vector<16xf32> to vector<1x16xf32>
      tpu.vector_store %arg8[%swap3A_84, %swap3A_85], %swap3A_88 {add = true, strides = array<i32>} : memref<400x64xf32, #tpu.memory_space<vmem>>, vector<1x16xf32>,
      %add3A_89 = arith.constant 1 : i32
      %add3A_90 = arith.addi %mul3A_42, %add3A_89 : i32
      %get3A_91 = arith.constant 1 : i32
      %get3A_92 = arith.index_cast %get3A_91 : i32 to index
      %get3A_93 = arith.constant 0 : index
      %get3A_94 = tpu.vector_load %arg9[%get3A_92, %get3A_93] {strides = array<i32>} : memref<25x64xf32, #tpu.memory_space<vmem>>, vector<1x16xf32>,
      %get3A_95 = vector.shape_cast %get3A_94 : vector<1x16xf32> to vector<16xf32>
      %swap3A_96 = arith.index_cast %add3A_90 : i32 to index
      %swap3A_97 = arith.constant 0 : index
      %swap3A_98 = tpu.vector_load %arg8[%swap3A_96, %swap3A_97] {strides = array<i32>} : memref<400x64xf32, #tpu.memory_space<vmem>>, vector<1x16xf32>,
      %swap3A_99 = vector.shape_cast %swap3A_98 : vector<1x16xf32> to vector<16xf32>
      %swap3A_100 = vector.shape_cast %get3A_95 : vector<16xf32> to vector<1x16xf32>
      tpu.vector_store %arg8[%swap3A_96, %swap3A_97], %swap3A_100 {add = true, strides = array<i32>} : memref<400x64xf32, #tpu.memory_space<vmem>>, vector<1x16xf32>,
      %add3A_101 = arith.constant 1 : i32
      %add3A_102 = arith.addi %mul3A_42, %add3A_101 : i32
      %get3A_103 = arith.constant 1 : i32
      %get3A_104 = arith.index_cast %get3A_103 : i32 to index
      %get3A_105 = arith.constant 16 : index
      %get3A_106 = tpu.vector_load %arg9[%get3A_104, %get3A_105] {strides = array<i32>} : memref<25x64xf32, #tpu.memory_space<vmem>>, vector<1x16xf32>,
      %get3A_107 = vector.shape_cast %get3A_106 : vector<1x16xf32> to vector<16xf32>
      %swap3A_108 = arith.index_cast %add3A_102 : i32 to index
      %swap3A_109 = arith.constant 16 : index
      %swap3A_110 = tpu.vector_load %arg8[%swap3A_108, %swap3A_109] {strides = array<i32>} : memref<400x64xf32, #tpu.memory_space<vmem>>, vector<1x16xf32>,
      %swap3A_111 = vector.shape_cast %swap3A_110 : vector<1x16xf32> to vector<16xf32>
      %swap3A_112 = vector.shape_cast %get3A_107 : vector<16xf32> to vector<1x16xf32>
      tpu.vector_store %arg8[%swap3A_108, %swap3A_109], %swap3A_112 {add = true, strides = array<i32>} : memref<400x64xf32, #tpu.memory_space<vmem>>, vector<1x16xf32>,
      %add3A_113 = arith.constant 1 : i32
      %add3A_114 = arith.addi %mul3A_42, %add3A_113 : i32
      %get3A_115 = arith.constant 1 : i32
      %get3A_116 = arith.index_cast %get3A_115 : i32 to index
      %get3A_117 = arith.constant 32 : index
      %get3A_118 = tpu.vector_load %arg9[%get3A_116, %get3A_117] {strides = array<i32>} : memref<25x64xf32, #tpu.memory_space<vmem>>, vector<1x16xf32>,
      %get3A_119 = vector.shape_cast %get3A_118 : vector<1x16xf32> to vector<16xf32>
      %swap3A_120 = arith.index_cast %add3A_114 : i32 to index
      %swap3A_121 = arith.constant 32 : index
      %swap3A_122 = tpu.vector_load %arg8[%swap3A_120, %swap3A_121] {strides = array<i32>} : memref<400x64xf32, #tpu.memory_space<vmem>>, vector<1x16xf32>,
      %swap3A_123 = vector.shape_cast %swap3A_122 : vector<1x16xf32> to vector<16xf32>
      %swap3A_124 = vector.shape_cast %get3A_119 : vector<16xf32> to vector<1x16xf32>
      tpu.vector_store %arg8[%swap3A_120, %swap3A_121], %swap3A_124 {add = true, strides = array<i32>} : memref<400x64xf32, #tpu.memory_space<vmem>>, vector<1x16xf32>,
      %add3A_125 = arith.constant 1 : i32
      %add3A_126 = arith.addi %mul3A_42, %add3A_125 : i32
      %get3A_127 = arith.constant 1 : i32
      %get3A_128 = arith.index_cast %get3A_127 : i32 to index
      %get3A_129 = arith.constant 48 : index
      %get3A_130 = tpu.vector_load %arg9[%get3A_128, %get3A_129] {strides = array<i32>} : memref<25x64xf32, #tpu.memory_space<vmem>>, vector<1x16xf32>,
      %get3A_131 = vector.shape_cast %get3A_130 : vector<1x16xf32> to vector<16xf32>
      %swap3A_132 = arith.index_cast %add3A_126 : i32 to index
      %swap3A_133 = arith.constant 48 : index
      %swap3A_134 = tpu.vector_load %arg8[%swap3A_132, %swap3A_133] {strides = array<i32>} : memref<400x64xf32, #tpu.memory_space<vmem>>, vector<1x16xf32>,
      %swap3A_135 = vector.shape_cast %swap3A_134 : vector<1x16xf32> to vector<16xf32>
      %swap3A_136 = vector.shape_cast %get3A_131 : vector<16xf32> to vector<1x16xf32>
      tpu.vector_store %arg8[%swap3A_132, %swap3A_133], %swap3A_136 {add = true, strides = array<i32>} : memref<400x64xf32, #tpu.memory_space<vmem>>, vector<1x16xf32>,
      %add3A_137 = arith.constant 2 : i32
      %add3A_138 = arith.addi %mul3A_42, %add3A_137 : i32
      %get3A_139 = arith.constant 2 : i32
      %get3A_140 = arith.index_cast %get3A_139 : i32 to index
      %get3A_141 = arith.constant 0 : index
      %get3A_142 = tpu.vector_load %arg9[%get3A_140, %get3A_141] {strides = array<i32>} : memref<25x64xf32, #tpu.memory_space<vmem>>, vector<1x16xf32>,
      %get3A_143 = vector.shape_cast %get3A_142 : vector<1x16xf32> to vector<16xf32>
      %swap3A_144 = arith.index_cast %add3A_138 : i32 to index
      %swap3A_145 = arith.constant 0 : index
      %swap3A_146 = tpu.vector_load %arg8[%swap3A_144, %swap3A_145] {strides = array<i32>} : memref<400x64xf32, #tpu.memory_space<vmem>>, vector<1x16xf32>,
      %swap3A_147 = vector.shape_cast %swap3A_146 : vector<1x16xf32> to vector<16xf32>
      %swap3A_148 = vector.shape_cast %get3A_143 : vector<16xf32> to vector<1x16xf32>
      tpu.vector_store %arg8[%swap3A_144, %swap3A_145], %swap3A_148 {add = true, strides = array<i32>} : memref<400x64xf32, #tpu.memory_space<vmem>>, vector<1x16xf32>,
      %add3A_149 = arith.constant 2 : i32
      %add3A_150 = arith.addi %mul3A_42, %add3A_149 : i32
      %get3A_151 = arith.constant 2 : i32
      %get3A_152 = arith.index_cast %get3A_151 : i32 to index
      %get3A_153 = arith.constant 16 : index
      %get3A_154 = tpu.vector_load %arg9[%get3A_152, %get3A_153] {strides = array<i32>} : memref<25x64xf32, #tpu.memory_space<vmem>>, vector<1x16xf32>,
      %get3A_155 = vector.shape_cast %get3A_154 : vector<1x16xf32> to vector<16xf32>
      %swap3A_156 = arith.index_cast %add3A_150 : i32 to index
      %swap3A_157 = arith.constant 16 : index
      %swap3A_158 = tpu.vector_load %arg8[%swap3A_156, %swap3A_157] {strides = array<i32>} : memref<400x64xf32, #tpu.memory_space<vmem>>, vector<1x16xf32>,
      %swap3A_159 = vector.shape_cast %swap3A_158 : vector<1x16xf32> to vector<16xf32>
      %swap3A_160 = vector.shape_cast %get3A_155 : vector<16xf32> to vector<1x16xf32>
      tpu.vector_store %arg8[%swap3A_156, %swap3A_157], %swap3A_160 {add = true, strides = array<i32>} : memref<400x64xf32, #tpu.memory_space<vmem>>, vector<1x16xf32>,
      %add3A_161 = arith.constant 2 : i32
      %add3A_162 = arith.addi %mul3A_42, %add3A_161 : i32
      %get3A_163 = arith.constant 2 : i32
      %get3A_164 = arith.index_cast %get3A_163 : i32 to index
      %get3A_165 = arith.constant 32 : index
      %get3A_166 = tpu.vector_load %arg9[%get3A_164, %get3A_165] {strides = array<i32>} : memref<25x64xf32, #tpu.memory_space<vmem>>, vector<1x16xf32>,
      %get3A_167 = vector.shape_cast %get3A_166 : vector<1x16xf32> to vector<16xf32>
      %swap3A_168 = arith.index_cast %add3A_162 : i32 to index
      %swap3A_169 = arith.constant 32 : index
      %swap3A_170 = tpu.vector_load %arg8[%swap3A_168, %swap3A_169] {strides = array<i32>} : memref<400x64xf32, #tpu.memory_space<vmem>>, vector<1x16xf32>,
      %swap3A_171 = vector.shape_cast %swap3A_170 : vector<1x16xf32> to vector<16xf32>
      %swap3A_172 = vector.shape_cast %get3A_167 : vector<16xf32> to vector<1x16xf32>
      tpu.vector_store %arg8[%swap3A_168, %swap3A_169], %swap3A_172 {add = true, strides = array<i32>} : memref<400x64xf32, #tpu.memory_space<vmem>>, vector<1x16xf32>,
      %add3A_173 = arith.constant 2 : i32
      %add3A_174 = arith.addi %mul3A_42, %add3A_173 : i32
      %get3A_175 = arith.constant 2 : i32
      %get3A_176 = arith.index_cast %get3A_175 : i32 to index
      %get3A_177 = arith.constant 48 : index
      %get3A_178 = tpu.vector_load %arg9[%get3A_176, %get3A_177] {strides = array<i32>} : memref<25x64xf32, #tpu.memory_space<vmem>>, vector<1x16xf32>,
      %get3A_179 = vector.shape_cast %get3A_178 : vector<1x16xf32> to vector<16xf32>
      %swap3A_180 = arith.index_cast %add3A_174 : i32 to index
      %swap3A_181 = arith.constant 48 : index
      %swap3A_182 = tpu.vector_load %arg8[%swap3A_180, %swap3A_181] {strides = array<i32>} : memref<400x64xf32, #tpu.memory_space<vmem>>, vector<1x16xf32>,
      %swap3A_183 = vector.shape_cast %swap3A_182 : vector<1x16xf32> to vector<16xf32>
      %swap3A_184 = vector.shape_cast %get3A_179 : vector<16xf32> to vector<1x16xf32>
      tpu.vector_store %arg8[%swap3A_180, %swap3A_181], %swap3A_184 {add = true, strides = array<i32>} : memref<400x64xf32, #tpu.memory_space<vmem>>, vector<1x16xf32>,
      %add3A_185 = arith.constant 3 : i32
      %add3A_186 = arith.addi %mul3A_42, %add3A_185 : i32
      %get3A_187 = arith.constant 3 : i32
      %get3A_188 = arith.index_cast %get3A_187 : i32 to index
      %get3A_189 = arith.constant 0 : index
      %get3A_190 = tpu.vector_load %arg9[%get3A_188, %get3A_189] {strides = array<i32>} : memref<25x64xf32, #tpu.memory_space<vmem>>, vector<1x16xf32>,
      %get3A_191 = vector.shape_cast %get3A_190 : vector<1x16xf32> to vector<16xf32>
      %swap3A_192 = arith.index_cast %add3A_186 : i32 to index
      %swap3A_193 = arith.constant 0 : index
      %swap3A_194 = tpu.vector_load %arg8[%swap3A_192, %swap3A_193] {strides = array<i32>} : memref<400x64xf32, #tpu.memory_space<vmem>>, vector<1x16xf32>,
      %swap3A_195 = vector.shape_cast %swap3A_194 : vector<1x16xf32> to vector<16xf32>
      %swap3A_196 = vector.shape_cast %get3A_191 : vector<16xf32> to vector<1x16xf32>
      tpu.vector_store %arg8[%swap3A_192, %swap3A_193], %swap3A_196 {add = true, strides = array<i32>} : memref<400x64xf32, #tpu.memory_space<vmem>>, vector<1x16xf32>,
      %add3A_197 = arith.constant 3 : i32
      %add3A_198 = arith.addi %mul3A_42, %add3A_197 : i32
      %get3A_199 = arith.constant 3 : i32
      %get3A_200 = arith.index_cast %get3A_199 : i32 to index
      %get3A_201 = arith.constant 16 : index
      %get3A_202 = tpu.vector_load %arg9[%get3A_200, %get3A_201] {strides = array<i32>} : memref<25x64xf32, #tpu.memory_space<vmem>>, vector<1x16xf32>,
      %get3A_203 = vector.shape_cast %get3A_202 : vector<1x16xf32> to vector<16xf32>
      %swap3A_204 = arith.index_cast %add3A_198 : i32 to index
      %swap3A_205 = arith.constant 16 : index
      %swap3A_206 = tpu.vector_load %arg8[%swap3A_204, %swap3A_205] {strides = array<i32>} : memref<400x64xf32, #tpu.memory_space<vmem>>, vector<1x16xf32>,
      %swap3A_207 = vector.shape_cast %swap3A_206 : vector<1x16xf32> to vector<16xf32>
      %swap3A_208 = vector.shape_cast %get3A_203 : vector<16xf32> to vector<1x16xf32>
      tpu.vector_store %arg8[%swap3A_204, %swap3A_205], %swap3A_208 {add = true, strides = array<i32>} : memref<400x64xf32, #tpu.memory_space<vmem>>, vector<1x16xf32>,
      %add3A_209 = arith.constant 3 : i32
      %add3A_210 = arith.addi %mul3A_42, %add3A_209 : i32
      %get3A_211 = arith.constant 3 : i32
      %get3A_212 = arith.index_cast %get3A_211 : i32 to index
      %get3A_213 = arith.constant 32 : index
      %get3A_214 = tpu.vector_load %arg9[%get3A_212, %get3A_213] {strides = array<i32>} : memref<25x64xf32, #tpu.memory_space<vmem>>, vector<1x16xf32>,
      %get3A_215 = vector.shape_cast %get3A_214 : vector<1x16xf32> to vector<16xf32>
      %swap3A_216 = arith.index_cast %add3A_210 : i32 to index
      %swap3A_217 = arith.constant 32 : index
      %swap3A_218 = tpu.vector_load %arg8[%swap3A_216, %swap3A_217] {strides = array<i32>} : memref<400x64xf32, #tpu.memory_space<vmem>>, vector<1x16xf32>,
      %swap3A_219 = vector.shape_cast %swap3A_218 : vector<1x16xf32> to vector<16xf32>
      %swap3A_220 = vector.shape_cast %get3A_215 : vector<16xf32> to vector<1x16xf32>
      tpu.vector_store %arg8[%swap3A_216, %swap3A_217], %swap3A_220 {add = true, strides = array<i32>} : memref<400x64xf32, #tpu.memory_space<vmem>>, vector<1x16xf32>,
      %add3A_221 = arith.constant 3 : i32
      %add3A_222 = arith.addi %mul3A_42, %add3A_221 : i32
      %get3A_223 = arith.constant 3 : i32
      %get3A_224 = arith.index_cast %get3A_223 : i32 to index
      %get3A_225 = arith.constant 48 : index
      %get3A_226 = tpu.vector_load %arg9[%get3A_224, %get3A_225] {strides = array<i32>} : memref<25x64xf32, #tpu.memory_space<vmem>>, vector<1x16xf32>,
      %get3A_227 = vector.shape_cast %get3A_226 : vector<1x16xf32> to vector<16xf32>
      %swap3A_228 = arith.index_cast %add3A_222 : i32 to index
      %swap3A_229 = arith.constant 48 : index
      %swap3A_230 = tpu.vector_load %arg8[%swap3A_228, %swap3A_229] {strides = array<i32>} : memref<400x64xf32, #tpu.memory_space<vmem>>, vector<1x16xf32>,
      %swap3A_231 = vector.shape_cast %swap3A_230 : vector<1x16xf32> to vector<16xf32>
      %swap3A_232 = vector.shape_cast %get3A_227 : vector<16xf32> to vector<1x16xf32>
      tpu.vector_store %arg8[%swap3A_228, %swap3A_229], %swap3A_232 {add = true, strides = array<i32>} : memref<400x64xf32, #tpu.memory_space<vmem>>, vector<1x16xf32>,
      %add3A_233 = arith.constant 4 : i32
      %add3A_234 = arith.addi %mul3A_42, %add3A_233 : i32
      %get3A_235 = arith.constant 4 : i32
      %get3A_236 = arith.index_cast %get3A_235 : i32 to index
      %get3A_237 = arith.constant 0 : index
      %get3A_238 = tpu.vector_load %arg9[%get3A_236, %get3A_237] {strides = array<i32>} : memref<25x64xf32, #tpu.memory_space<vmem>>, vector<1x16xf32>,
      %get3A_239 = vector.shape_cast %get3A_238 : vector<1x16xf32> to vector<16xf32>
      %swap3A_240 = arith.index_cast %add3A_234 : i32 to index
      %swap3A_241 = arith.constant 0 : index
      %swap3A_242 = tpu.vector_load %arg8[%swap3A_240, %swap3A_241] {strides = array<i32>} : memref<400x64xf32, #tpu.memory_space<vmem>>, vector<1x16xf32>,
      %swap3A_243 = vector.shape_cast %swap3A_242 : vector<1x16xf32> to vector<16xf32>
      %swap3A_244 = vector.shape_cast %get3A_239 : vector<16xf32> to vector<1x16xf32>
      tpu.vector_store %arg8[%swap3A_240, %swap3A_241], %swap3A_244 {add = true, strides = array<i32>} : memref<400x64xf32, #tpu.memory_space<vmem>>, vector<1x16xf32>,
      %add3A_245 = arith.constant 4 : i32
      %add3A_246 = arith.addi %mul3A_42, %add3A_245 : i32
      %get3A_247 = arith.constant 4 : i32
      %get3A_248 = arith.index_cast %get3A_247 : i32 to index
      %get3A_249 = arith.constant 16 : index
      %get3A_250 = tpu.vector_load %arg9[%get3A_248, %get3A_249] {strides = array<i32>} : memref<25x64xf32, #tpu.memory_space<vmem>>, vector<1x16xf32>,
      %get3A_251 = vector.shape_cast %get3A_250 : vector<1x16xf32> to vector<16xf32>
      %swap3A_252 = arith.index_cast %add3A_246 : i32 to index
      %swap3A_253 = arith.constant 16 : index
      %swap3A_254 = tpu.vector_load %arg8[%swap3A_252, %swap3A_253] {strides = array<i32>} : memref<400x64xf32, #tpu.memory_space<vmem>>, vector<1x16xf32>,
      %swap3A_255 = vector.shape_cast %swap3A_254 : vector<1x16xf32> to vector<16xf32>
      %swap3A_256 = vector.shape_cast %get3A_251 : vector<16xf32> to vector<1x16xf32>
      tpu.vector_store %arg8[%swap3A_252, %swap3A_253], %swap3A_256 {add = true, strides = array<i32>} : memref<400x64xf32, #tpu.memory_space<vmem>>, vector<1x16xf32>,
      %add3A_257 = arith.constant 4 : i32
      %add3A_258 = arith.addi %mul3A_42, %add3A_257 : i32
      %get3A_259 = arith.constant 4 : i32
      %get3A_260 = arith.index_cast %get3A_259 : i32 to index
      %get3A_261 = arith.constant 32 : index
      %get3A_262 = tpu.vector_load %arg9[%get3A_260, %get3A_261] {strides = array<i32>} : memref<25x64xf32, #tpu.memory_space<vmem>>, vector<1x16xf32>,
      %get3A_263 = vector.shape_cast %get3A_262 : vector<1x16xf32> to vector<16xf32>
      %swap3A_264 = arith.index_cast %add3A_258 : i32 to index
      %swap3A_265 = arith.constant 32 : index
      %swap3A_266 = tpu.vector_load %arg8[%swap3A_264, %swap3A_265] {strides = array<i32>} : memref<400x64xf32, #tpu.memory_space<vmem>>, vector<1x16xf32>,
      %swap3A_267 = vector.shape_cast %swap3A_266 : vector<1x16xf32> to vector<16xf32>
      %swap3A_268 = vector.shape_cast %get3A_263 : vector<16xf32> to vector<1x16xf32>
      tpu.vector_store %arg8[%swap3A_264, %swap3A_265], %swap3A_268 {add = true, strides = array<i32>} : memref<400x64xf32, #tpu.memory_space<vmem>>, vector<1x16xf32>,
      %add3A_269 = arith.constant 4 : i32
      %add3A_270 = arith.addi %mul3A_42, %add3A_269 : i32
      %get3A_271 = arith.constant 4 : i32
      %get3A_272 = arith.index_cast %get3A_271 : i32 to index
      %get3A_273 = arith.constant 48 : index
      %get3A_274 = tpu.vector_load %arg9[%get3A_272, %get3A_273] {strides = array<i32>} : memref<25x64xf32, #tpu.memory_space<vmem>>, vector<1x16xf32>,
      %get3A_275 = vector.shape_cast %get3A_274 : vector<1x16xf32> to vector<16xf32>
      %swap3A_276 = arith.index_cast %add3A_270 : i32 to index
      %swap3A_277 = arith.constant 48 : index
      %swap3A_278 = tpu.vector_load %arg8[%swap3A_276, %swap3A_277] {strides = array<i32>} : memref<400x64xf32, #tpu.memory_space<vmem>>, vector<1x16xf32>,
      %swap3A_279 = vector.shape_cast %swap3A_278 : vector<1x16xf32> to vector<16xf32>
      %swap3A_280 = vector.shape_cast %get3A_275 : vector<16xf32> to vector<1x16xf32>
      tpu.vector_store %arg8[%swap3A_276, %swap3A_277], %swap3A_280 {add = true, strides = array<i32>} : memref<400x64xf32, #tpu.memory_space<vmem>>, vector<1x16xf32>,
      %add3A_281 = arith.constant 5 : i32
      %add3A_282 = arith.addi %mul3A_42, %add3A_281 : i32
      %get3A_283 = arith.constant 5 : i32
      %get3A_284 = arith.index_cast %get3A_283 : i32 to index
      %get3A_285 = arith.constant 0 : index
      %get3A_286 = tpu.vector_load %arg9[%get3A_284, %get3A_285] {strides = array<i32>} : memref<25x64xf32, #tpu.memory_space<vmem>>, vector<1x16xf32>,
      %get3A_287 = vector.shape_cast %get3A_286 : vector<1x16xf32> to vector<16xf32>
      %swap3A_288 = arith.index_cast %add3A_282 : i32 to index
      %swap3A_289 = arith.constant 0 : index
      %swap3A_290 = tpu.vector_load %arg8[%swap3A_288, %swap3A_289] {strides = array<i32>} : memref<400x64xf32, #tpu.memory_space<vmem>>, vector<1x16xf32>,
      %swap3A_291 = vector.shape_cast %swap3A_290 : vector<1x16xf32> to vector<16xf32>
      %swap3A_292 = vector.shape_cast %get3A_287 : vector<16xf32> to vector<1x16xf32>
      tpu.vector_store %arg8[%swap3A_288, %swap3A_289], %swap3A_292 {add = true, strides = array<i32>} : memref<400x64xf32, #tpu.memory_space<vmem>>, vector<1x16xf32>,
      %add3A_293 = arith.constant 5 : i32
      %add3A_294 = arith.addi %mul3A_42, %add3A_293 : i32
      %get3A_295 = arith.constant 5 : i32
      %get3A_296 = arith.index_cast %get3A_295 : i32 to index
      %get3A_297 = arith.constant 16 : index
      %get3A_298 = tpu.vector_load %arg9[%get3A_296, %get3A_297] {strides = array<i32>} : memref<25x64xf32, #tpu.memory_space<vmem>>, vector<1x16xf32>,
      %get3A_299 = vector.shape_cast %get3A_298 : vector<1x16xf32> to vector<16xf32>
      %swap3A_300 = arith.index_cast %add3A_294 : i32 to index
      %swap3A_301 = arith.constant 16 : index
      %swap3A_302 = tpu.vector_load %arg8[%swap3A_300, %swap3A_301] {strides = array<i32>} : memref<400x64xf32, #tpu.memory_space<vmem>>, vector<1x16xf32>,
      %swap3A_303 = vector.shape_cast %swap3A_302 : vector<1x16xf32> to vector<16xf32>
      %swap3A_304 = vector.shape_cast %get3A_299 : vector<16xf32> to vector<1x16xf32>
      tpu.vector_store %arg8[%swap3A_300, %swap3A_301], %swap3A_304 {add = true, strides = array<i32>} : memref<400x64xf32, #tpu.memory_space<vmem>>, vector<1x16xf32>,
      %add3A_305 = arith.constant 5 : i32
      %add3A_306 = arith.addi %mul3A_42, %add3A_305 : i32
      %get3A_307 = arith.constant 5 : i32
      %get3A_308 = arith.index_cast %get3A_307 : i32 to index
      %get3A_309 = arith.constant 32 : index
      %get3A_310 = tpu.vector_load %arg9[%get3A_308, %get3A_309] {strides = array<i32>} : memref<25x64xf32, #tpu.memory_space<vmem>>, vector<1x16xf32>,
      %get3A_311 = vector.shape_cast %get3A_310 : vector<1x16xf32> to vector<16xf32>
      %swap3A_312 = arith.index_cast %add3A_306 : i32 to index
      %swap3A_313 = arith.constant 32 : index
      %swap3A_314 = tpu.vector_load %arg8[%swap3A_312, %swap3A_313] {strides = array<i32>} : memref<400x64xf32, #tpu.memory_space<vmem>>, vector<1x16xf32>,
      %swap3A_315 = vector.shape_cast %swap3A_314 : vector<1x16xf32> to vector<16xf32>
      %swap3A_316 = vector.shape_cast %get3A_311 : vector<16xf32> to vector<1x16xf32>
      tpu.vector_store %arg8[%swap3A_312, %swap3A_313], %swap3A_316 {add = true, strides = array<i32>} : memref<400x64xf32, #tpu.memory_space<vmem>>, vector<1x16xf32>,
      %add3A_317 = arith.constant 5 : i32
      %add3A_318 = arith.addi %mul3A_42, %add3A_317 : i32
      %get3A_319 = arith.constant 5 : i32
      %get3A_320 = arith.index_cast %get3A_319 : i32 to index
      %get3A_321 = arith.constant 48 : index
      %get3A_322 = tpu.vector_load %arg9[%get3A_320, %get3A_321] {strides = array<i32>} : memref<25x64xf32, #tpu.memory_space<vmem>>, vector<1x16xf32>,
      %get3A_323 = vector.shape_cast %get3A_322 : vector<1x16xf32> to vector<16xf32>
      %swap3A_324 = arith.index_cast %add3A_318 : i32 to index
      %swap3A_325 = arith.constant 48 : index
      %swap3A_326 = tpu.vector_load %arg8[%swap3A_324, %swap3A_325] {strides = array<i32>} : memref<400x64xf32, #tpu.memory_space<vmem>>, vector<1x16xf32>,
      %swap3A_327 = vector.shape_cast %swap3A_326 : vector<1x16xf32> to vector<16xf32>
      %swap3A_328 = vector.shape_cast %get3A_323 : vector<16xf32> to vector<1x16xf32>
      tpu.vector_store %arg8[%swap3A_324, %swap3A_325], %swap3A_328 {add = true, strides = array<i32>} : memref<400x64xf32, #tpu.memory_space<vmem>>, vector<1x16xf32>,
      %add3A_329 = arith.constant 6 : i32
      %add3A_330 = arith.addi %mul3A_42, %add3A_329 : i32
      %get3A_331 = arith.constant 6 : i32
      %get3A_332 = arith.index_cast %get3A_331 : i32 to index
      %get3A_333 = arith.constant 0 : index
      %get3A_334 = tpu.vector_load %arg9[%get3A_332, %get3A_333] {strides = array<i32>} : memref<25x64xf32, #tpu.memory_space<vmem>>, vector<1x16xf32>,
      %get3A_335 = vector.shape_cast %get3A_334 : vector<1x16xf32> to vector<16xf32>
      %swap3A_336 = arith.index_cast %add3A_330 : i32 to index
      %swap3A_337 = arith.constant 0 : index
      %swap3A_338 = tpu.vector_load %arg8[%swap3A_336, %swap3A_337] {strides = array<i32>} : memref<400x64xf32, #tpu.memory_space<vmem>>, vector<1x16xf32>,
      %swap3A_339 = vector.shape_cast %swap3A_338 : vector<1x16xf32> to vector<16xf32>
      %swap3A_340 = vector.shape_cast %get3A_335 : vector<16xf32> to vector<1x16xf32>
      tpu.vector_store %arg8[%swap3A_336, %swap3A_337], %swap3A_340 {add = true, strides = array<i32>} : memref<400x64xf32, #tpu.memory_space<vmem>>, vector<1x16xf32>,
      %add3A_341 = arith.constant 6 : i32
      %add3A_342 = arith.addi %mul3A_42, %add3A_341 : i32
      %get3A_343 = arith.constant 6 : i32
      %get3A_344 = arith.index_cast %get3A_343 : i32 to index
      %get3A_345 = arith.constant 16 : index
      %get3A_346 = tpu.vector_load %arg9[%get3A_344, %get3A_345] {strides = array<i32>} : memref<25x64xf32, #tpu.memory_space<vmem>>, vector<1x16xf32>,
      %get3A_347 = vector.shape_cast %get3A_346 : vector<1x16xf32> to vector<16xf32>
      %swap3A_348 = arith.index_cast %add3A_342 : i32 to index
      %swap3A_349 = arith.constant 16 : index
      %swap3A_350 = tpu.vector_load %arg8[%swap3A_348, %swap3A_349] {strides = array<i32>} : memref<400x64xf32, #tpu.memory_space<vmem>>, vector<1x16xf32>,
      %swap3A_351 = vector.shape_cast %swap3A_350 : vector<1x16xf32> to vector<16xf32>
      %swap3A_352 = vector.shape_cast %get3A_347 : vector<16xf32> to vector<1x16xf32>
      tpu.vector_store %arg8[%swap3A_348, %swap3A_349], %swap3A_352 {add = true, strides = array<i32>} : memref<400x64xf32, #tpu.memory_space<vmem>>, vector<1x16xf32>,
      %add3A_353 = arith.constant 6 : i32
      %add3A_354 = arith.addi %mul3A_42, %add3A_353 : i32
      %get3A_355 = arith.constant 6 : i32
      %get3A_356 = arith.index_cast %get3A_355 : i32 to index
      %get3A_357 = arith.constant 32 : index
      %get3A_358 = tpu.vector_load %arg9[%get3A_356, %get3A_357] {strides = array<i32>} : memref<25x64xf32, #tpu.memory_space<vmem>>, vector<1x16xf32>,
      %get3A_359 = vector.shape_cast %get3A_358 : vector<1x16xf32> to vector<16xf32>
      %swap3A_360 = arith.index_cast %add3A_354 : i32 to index
      %swap3A_361 = arith.constant 32 : index
      %swap3A_362 = tpu.vector_load %arg8[%swap3A_360, %swap3A_361] {strides = array<i32>} : memref<400x64xf32, #tpu.memory_space<vmem>>, vector<1x16xf32>,
      %swap3A_363 = vector.shape_cast %swap3A_362 : vector<1x16xf32> to vector<16xf32>
      %swap3A_364 = vector.shape_cast %get3A_359 : vector<16xf32> to vector<1x16xf32>
      tpu.vector_store %arg8[%swap3A_360, %swap3A_361], %swap3A_364 {add = true, strides = array<i32>} : memref<400x64xf32, #tpu.memory_space<vmem>>, vector<1x16xf32>,
      %add3A_365 = arith.constant 6 : i32
      %add3A_366 = arith.addi %mul3A_42, %add3A_365 : i32
      %get3A_367 = arith.constant 6 : i32
      %get3A_368 = arith.index_cast %get3A_367 : i32 to index
      %get3A_369 = arith.constant 48 : index
      %get3A_370 = tpu.vector_load %arg9[%get3A_368, %get3A_369] {strides = array<i32>} : memref<25x64xf32, #tpu.memory_space<vmem>>, vector<1x16xf32>,
      %get3A_371 = vector.shape_cast %get3A_370 : vector<1x16xf32> to vector<16xf32>
      %swap3A_372 = arith.index_cast %add3A_366 : i32 to index
      %swap3A_373 = arith.constant 48 : index
      %swap3A_374 = tpu.vector_load %arg8[%swap3A_372, %swap3A_373] {strides = array<i32>} : memref<400x64xf32, #tpu.memory_space<vmem>>, vector<1x16xf32>,
      %swap3A_375 = vector.shape_cast %swap3A_374 : vector<1x16xf32> to vector<16xf32>
      %swap3A_376 = vector.shape_cast %get3A_371 : vector<16xf32> to vector<1x16xf32>
      tpu.vector_store %arg8[%swap3A_372, %swap3A_373], %swap3A_376 {add = true, strides = array<i32>} : memref<400x64xf32, #tpu.memory_space<vmem>>, vector<1x16xf32>,
      %add3A_377 = arith.constant 7 : i32
      %add3A_378 = arith.addi %mul3A_42, %add3A_377 : i32
      %get3A_379 = arith.constant 7 : i32
      %get3A_380 = arith.index_cast %get3A_379 : i32 to index
      %get3A_381 = arith.constant 0 : index
      %get3A_382 = tpu.vector_load %arg9[%get3A_380, %get3A_381] {strides = array<i32>} : memref<25x64xf32, #tpu.memory_space<vmem>>, vector<1x16xf32>,
      %get3A_383 = vector.shape_cast %get3A_382 : vector<1x16xf32> to vector<16xf32>
      %swap3A_384 = arith.index_cast %add3A_378 : i32 to index
      %swap3A_385 = arith.constant 0 : index
      %swap3A_386 = tpu.vector_load %arg8[%swap3A_384, %swap3A_385] {strides = array<i32>} : memref<400x64xf32, #tpu.memory_space<vmem>>, vector<1x16xf32>,
      %swap3A_387 = vector.shape_cast %swap3A_386 : vector<1x16xf32> to vector<16xf32>
      %swap3A_388 = vector.shape_cast %get3A_383 : vector<16xf32> to vector<1x16xf32>
      tpu.vector_store %arg8[%swap3A_384, %swap3A_385], %swap3A_388 {add = true, strides = array<i32>} : memref<400x64xf32, #tpu.memory_space<vmem>>, vector<1x16xf32>,
      %add3A_389 = arith.constant 7 : i32
      %add3A_390 = arith.addi %mul3A_42, %add3A_389 : i32
      %get3A_391 = arith.constant 7 : i32
      %get3A_392 = arith.index_cast %get3A_391 : i32 to index
      %get3A_393 = arith.constant 16 : index
      %get3A_394 = tpu.vector_load %arg9[%get3A_392, %get3A_393] {strides = array<i32>} : memref<25x64xf32, #tpu.memory_space<vmem>>, vector<1x16xf32>,
      %get3A_395 = vector.shape_cast %get3A_394 : vector<1x16xf32> to vector<16xf32>
      %swap3A_396 = arith.index_cast %add3A_390 : i32 to index
      %swap3A_397 = arith.constant 16 : index
      %swap3A_398 = tpu.vector_load %arg8[%swap3A_396, %swap3A_397] {strides = array<i32>} : memref<400x64xf32, #tpu.memory_space<vmem>>, vector<1x16xf32>,
      %swap3A_399 = vector.shape_cast %swap3A_398 : vector<1x16xf32> to vector<16xf32>
      %swap3A_400 = vector.shape_cast %get3A_395 : vector<16xf32> to vector<1x16xf32>
      tpu.vector_store %arg8[%swap3A_396, %swap3A_397], %swap3A_400 {add = true, strides = array<i32>} : memref<400x64xf32, #tpu.memory_space<vmem>>, vector<1x16xf32>,
      %add3A_401 = arith.constant 7 : i32
      %add3A_402 = arith.addi %mul3A_42, %add3A_401 : i32
      %get3A_403 = arith.constant 7 : i32
      %get3A_404 = arith.index_cast %get3A_403 : i32 to index
      %get3A_405 = arith.constant 32 : index
      %get3A_406 = tpu.vector_load %arg9[%get3A_404, %get3A_405] {strides = array<i32>} : memref<25x64xf32, #tpu.memory_space<vmem>>, vector<1x16xf32>,
      %get3A_407 = vector.shape_cast %get3A_406 : vector<1x16xf32> to vector<16xf32>
      %swap3A_408 = arith.index_cast %add3A_402 : i32 to index
      %swap3A_409 = arith.constant 32 : index
      %swap3A_410 = tpu.vector_load %arg8[%swap3A_408, %swap3A_409] {strides = array<i32>} : memref<400x64xf32, #tpu.memory_space<vmem>>, vector<1x16xf32>,
      %swap3A_411 = vector.shape_cast %swap3A_410 : vector<1x16xf32> to vector<16xf32>
      %swap3A_412 = vector.shape_cast %get3A_407 : vector<16xf32> to vector<1x16xf32>
      tpu.vector_store %arg8[%swap3A_408, %swap3A_409], %swap3A_412 {add = true, strides = array<i32>} : memref<400x64xf32, #tpu.memory_space<vmem>>, vector<1x16xf32>,
      %add3A_413 = arith.constant 7 : i32
      %add3A_414 = arith.addi %mul3A_42, %add3A_413 : i32
      %get3A_415 = arith.constant 7 : i32
      %get3A_416 = arith.index_cast %get3A_415 : i32 to index
      %get3A_417 = arith.constant 48 : index
      %get3A_418 = tpu.vector_load %arg9[%get3A_416, %get3A_417] {strides = array<i32>} : memref<25x64xf32, #tpu.memory_space<vmem>>, vector<1x16xf32>,
      %get3A_419 = vector.shape_cast %get3A_418 : vector<1x16xf32> to vector<16xf32>
      %swap3A_420 = arith.index_cast %add3A_414 : i32 to index
      %swap3A_421 = arith.constant 48 : index
      %swap3A_422 = tpu.vector_load %arg8[%swap3A_420, %swap3A_421] {strides = array<i32>} : memref<400x64xf32, #tpu.memory_space<vmem>>, vector<1x16xf32>,
      %swap3A_423 = vector.shape_cast %swap3A_422 : vector<1x16xf32> to vector<16xf32>
      %swap3A_424 = vector.shape_cast %get3A_419 : vector<16xf32> to vector<1x16xf32>
      tpu.vector_store %arg8[%swap3A_420, %swap3A_421], %swap3A_424 {add = true, strides = array<i32>} : memref<400x64xf32, #tpu.memory_space<vmem>>, vector<1x16xf32>,
      %add3A_425 = arith.constant 8 : i32
      %add3A_426 = arith.addi %mul3A_42, %add3A_425 : i32
      %get3A_427 = arith.constant 8 : i32
      %get3A_428 = arith.index_cast %get3A_427 : i32 to index
      %get3A_429 = arith.constant 0 : index
      %get3A_430 = tpu.vector_load %arg9[%get3A_428, %get3A_429] {strides = array<i32>} : memref<25x64xf32, #tpu.memory_space<vmem>>, vector<1x16xf32>,
      %get3A_431 = vector.shape_cast %get3A_430 : vector<1x16xf32> to vector<16xf32>
      %swap3A_432 = arith.index_cast %add3A_426 : i32 to index
      %swap3A_433 = arith.constant 0 : index
      %swap3A_434 = tpu.vector_load %arg8[%swap3A_432, %swap3A_433] {strides = array<i32>} : memref<400x64xf32, #tpu.memory_space<vmem>>, vector<1x16xf32>,
      %swap3A_435 = vector.shape_cast %swap3A_434 : vector<1x16xf32> to vector<16xf32>
      %swap3A_436 = vector.shape_cast %get3A_431 : vector<16xf32> to vector<1x16xf32>
      tpu.vector_store %arg8[%swap3A_432, %swap3A_433], %swap3A_436 {add = true, strides = array<i32>} : memref<400x64xf32, #tpu.memory_space<vmem>>, vector<1x16xf32>,
      %add3A_437 = arith.constant 8 : i32
      %add3A_438 = arith.addi %mul3A_42, %add3A_437 : i32
      %get3A_439 = arith.constant 8 : i32
      %get3A_440 = arith.index_cast %get3A_439 : i32 to index
      %get3A_441 = arith.constant 16 : index
      %get3A_442 = tpu.vector_load %arg9[%get3A_440, %get3A_441] {strides = array<i32>} : memref<25x64xf32, #tpu.memory_space<vmem>>, vector<1x16xf32>,
      %get3A_443 = vector.shape_cast %get3A_442 : vector<1x16xf32> to vector<16xf32>
      %swap3A_444 = arith.index_cast %add3A_438 : i32 to index
      %swap3A_445 = arith.constant 16 : index
      %swap3A_446 = tpu.vector_load %arg8[%swap3A_444, %swap3A_445] {strides = array<i32>} : memref<400x64xf32, #tpu.memory_space<vmem>>, vector<1x16xf32>,
      %swap3A_447 = vector.shape_cast %swap3A_446 : vector<1x16xf32> to vector<16xf32>
      %swap3A_448 = vector.shape_cast %get3A_443 : vector<16xf32> to vector<1x16xf32>
      tpu.vector_store %arg8[%swap3A_444, %swap3A_445], %swap3A_448 {add = true, strides = array<i32>} : memref<400x64xf32, #tpu.memory_space<vmem>>, vector<1x16xf32>,
      %add3A_449 = arith.constant 8 : i32
      %add3A_450 = arith.addi %mul3A_42, %add3A_449 : i32
      %get3A_451 = arith.constant 8 : i32
      %get3A_452 = arith.index_cast %get3A_451 : i32 to index
      %get3A_453 = arith.constant 32 : index
      %get3A_454 = tpu.vector_load %arg9[%get3A_452, %get3A_453] {strides = array<i32>} : memref<25x64xf32, #tpu.memory_space<vmem>>, vector<1x16xf32>,
      %get3A_455 = vector.shape_cast %get3A_454 : vector<1x16xf32> to vector<16xf32>
      %swap3A_456 = arith.index_cast %add3A_450 : i32 to index
      %swap3A_457 = arith.constant 32 : index
      %swap3A_458 = tpu.vector_load %arg8[%swap3A_456, %swap3A_457] {strides = array<i32>} : memref<400x64xf32, #tpu.memory_space<vmem>>, vector<1x16xf32>,
      %swap3A_459 = vector.shape_cast %swap3A_458 : vector<1x16xf32> to vector<16xf32>
      %swap3A_460 = vector.shape_cast %get3A_455 : vector<16xf32> to vector<1x16xf32>
      tpu.vector_store %arg8[%swap3A_456, %swap3A_457], %swap3A_460 {add = true, strides = array<i32>} : memref<400x64xf32, #tpu.memory_space<vmem>>, vector<1x16xf32>,
      %add3A_461 = arith.constant 8 : i32
      %add3A_462 = arith.addi %mul3A_42, %add3A_461 : i32
      %get3A_463 = arith.constant 8 : i32
      %get3A_464 = arith.index_cast %get3A_463 : i32 to index
      %get3A_465 = arith.constant 48 : index
      %get3A_466 = tpu.vector_load %arg9[%get3A_464, %get3A_465] {strides = array<i32>} : memref<25x64xf32, #tpu.memory_space<vmem>>, vector<1x16xf32>,
      %get3A_467 = vector.shape_cast %get3A_466 : vector<1x16xf32> to vector<16xf32>
      %swap3A_468 = arith.index_cast %add3A_462 : i32 to index
      %swap3A_469 = arith.constant 48 : index
      %swap3A_470 = tpu.vector_load %arg8[%swap3A_468, %swap3A_469] {strides = array<i32>} : memref<400x64xf32, #tpu.memory_space<vmem>>, vector<1x16xf32>,
      %swap3A_471 = vector.shape_cast %swap3A_470 : vector<1x16xf32> to vector<16xf32>
      %swap3A_472 = vector.shape_cast %get3A_467 : vector<16xf32> to vector<1x16xf32>
      tpu.vector_store %arg8[%swap3A_468, %swap3A_469], %swap3A_472 {add = true, strides = array<i32>} : memref<400x64xf32, #tpu.memory_space<vmem>>, vector<1x16xf32>,
      %add3A_473 = arith.constant 9 : i32
      %add3A_474 = arith.addi %mul3A_42, %add3A_473 : i32
      %get3A_475 = arith.constant 9 : i32
      %get3A_476 = arith.index_cast %get3A_475 : i32 to index
      %get3A_477 = arith.constant 0 : index
      %get3A_478 = tpu.vector_load %arg9[%get3A_476, %get3A_477] {strides = array<i32>} : memref<25x64xf32, #tpu.memory_space<vmem>>, vector<1x16xf32>,
      %get3A_479 = vector.shape_cast %get3A_478 : vector<1x16xf32> to vector<16xf32>
      %swap3A_480 = arith.index_cast %add3A_474 : i32 to index
      %swap3A_481 = arith.constant 0 : index
      %swap3A_482 = tpu.vector_load %arg8[%swap3A_480, %swap3A_481] {strides = array<i32>} : memref<400x64xf32, #tpu.memory_space<vmem>>, vector<1x16xf32>,
      %swap3A_483 = vector.shape_cast %swap3A_482 : vector<1x16xf32> to vector<16xf32>
      %swap3A_484 = vector.shape_cast %get3A_479 : vector<16xf32> to vector<1x16xf32>
      tpu.vector_store %arg8[%swap3A_480, %swap3A_481], %swap3A_484 {add = true, strides = array<i32>} : memref<400x64xf32, #tpu.memory_space<vmem>>, vector<1x16xf32>,
      %add3A_485 = arith.constant 9 : i32
      %add3A_486 = arith.addi %mul3A_42, %add3A_485 : i32
      %get3A_487 = arith.constant 9 : i32
      %get3A_488 = arith.index_cast %get3A_487 : i32 to index
      %get3A_489 = arith.constant 16 : index
      %get3A_490 = tpu.vector_load %arg9[%get3A_488, %get3A_489] {strides = array<i32>} : memref<25x64xf32, #tpu.memory_space<vmem>>, vector<1x16xf32>,
      %get3A_491 = vector.shape_cast %get3A_490 : vector<1x16xf32> to vector<16xf32>
      %swap3A_492 = arith.index_cast %add3A_486 : i32 to index
      %swap3A_493 = arith.constant 16 : index
      %swap3A_494 = tpu.vector_load %arg8[%swap3A_492, %swap3A_493] {strides = array<i32>} : memref<400x64xf32, #tpu.memory_space<vmem>>, vector<1x16xf32>,
      %swap3A_495 = vector.shape_cast %swap3A_494 : vector<1x16xf32> to vector<16xf32>
      %swap3A_496 = vector.shape_cast %get3A_491 : vector<16xf32> to vector<1x16xf32>
      tpu.vector_store %arg8[%swap3A_492, %swap3A_493], %swap3A_496 {add = true, strides = array<i32>} : memref<400x64xf32, #tpu.memory_space<vmem>>, vector<1x16xf32>,
      %add3A_497 = arith.constant 9 : i32
      %add3A_498 = arith.addi %mul3A_42, %add3A_497 : i32
      %get3A_499 = arith.constant 9 : i32
      %get3A_500 = arith.index_cast %get3A_499 : i32 to index
      %get3A_501 = arith.constant 32 : index
      %get3A_502 = tpu.vector_load %arg9[%get3A_500, %get3A_501] {strides = array<i32>} : memref<25x64xf32, #tpu.memory_space<vmem>>, vector<1x16xf32>,
      %get3A_503 = vector.shape_cast %get3A_502 : vector<1x16xf32> to vector<16xf32>
      %swap3A_504 = arith.index_cast %add3A_498 : i32 to index
      %swap3A_505 = arith.constant 32 : index
      %swap3A_506 = tpu.vector_load %arg8[%swap3A_504, %swap3A_505] {strides = array<i32>} : memref<400x64xf32, #tpu.memory_space<vmem>>, vector<1x16xf32>,
      %swap3A_507 = vector.shape_cast %swap3A_506 : vector<1x16xf32> to vector<16xf32>
      %swap3A_508 = vector.shape_cast %get3A_503 : vector<16xf32> to vector<1x16xf32>
      tpu.vector_store %arg8[%swap3A_504, %swap3A_505], %swap3A_508 {add = true, strides = array<i32>} : memref<400x64xf32, #tpu.memory_space<vmem>>, vector<1x16xf32>,
      %add3A_509 = arith.constant 9 : i32
      %add3A_510 = arith.addi %mul3A_42, %add3A_509 : i32
      %get3A_511 = arith.constant 9 : i32
      %get3A_512 = arith.index_cast %get3A_511 : i32 to index
      %get3A_513 = arith.constant 48 : index
      %get3A_514 = tpu.vector_load %arg9[%get3A_512, %get3A_513] {strides = array<i32>} : memref<25x64xf32, #tpu.memory_space<vmem>>, vector<1x16xf32>,
      %get3A_515 = vector.shape_cast %get3A_514 : vector<1x16xf32> to vector<16xf32>
      %swap3A_516 = arith.index_cast %add3A_510 : i32 to index
      %swap3A_517 = arith.constant 48 : index
      %swap3A_518 = tpu.vector_load %arg8[%swap3A_516, %swap3A_517] {strides = array<i32>} : memref<400x64xf32, #tpu.memory_space<vmem>>, vector<1x16xf32>,
      %swap3A_519 = vector.shape_cast %swap3A_518 : vector<1x16xf32> to vector<16xf32>
      %swap3A_520 = vector.shape_cast %get3A_515 : vector<16xf32> to vector<1x16xf32>
      tpu.vector_store %arg8[%swap3A_516, %swap3A_517], %swap3A_520 {add = true, strides = array<i32>} : memref<400x64xf32, #tpu.memory_space<vmem>>, vector<1x16xf32>,
      %add3A_521 = arith.constant 10 : i32
      %add3A_522 = arith.addi %mul3A_42, %add3A_521 : i32
      %get3A_523 = arith.constant 10 : i32
      %get3A_524 = arith.index_cast %get3A_523 : i32 to index
      %get3A_525 = arith.constant 0 : index
      %get3A_526 = tpu.vector_load %arg9[%get3A_524, %get3A_525] {strides = array<i32>} : memref<25x64xf32, #tpu.memory_space<vmem>>, vector<1x16xf32>,
      %get3A_527 = vector.shape_cast %get3A_526 : vector<1x16xf32> to vector<16xf32>
      %swap3A_528 = arith.index_cast %add3A_522 : i32 to index
      %swap3A_529 = arith.constant 0 : index
      %swap3A_530 = tpu.vector_load %arg8[%swap3A_528, %swap3A_529] {strides = array<i32>} : memref<400x64xf32, #tpu.memory_space<vmem>>, vector<1x16xf32>,
      %swap3A_531 = vector.shape_cast %swap3A_530 : vector<1x16xf32> to vector<16xf32>
      %swap3A_532 = vector.shape_cast %get3A_527 : vector<16xf32> to vector<1x16xf32>
      tpu.vector_store %arg8[%swap3A_528, %swap3A_529], %swap3A_532 {add = true, strides = array<i32>} : memref<400x64xf32, #tpu.memory_space<vmem>>, vector<1x16xf32>,
      %add3A_533 = arith.constant 10 : i32
      %add3A_534 = arith.addi %mul3A_42, %add3A_533 : i32
      %get3A_535 = arith.constant 10 : i32
      %get3A_536 = arith.index_cast %get3A_535 : i32 to index
      %get3A_537 = arith.constant 16 : index
      %get3A_538 = tpu.vector_load %arg9[%get3A_536, %get3A_537] {strides = array<i32>} : memref<25x64xf32, #tpu.memory_space<vmem>>, vector<1x16xf32>,
      %get3A_539 = vector.shape_cast %get3A_538 : vector<1x16xf32> to vector<16xf32>
      %swap3A_540 = arith.index_cast %add3A_534 : i32 to index
      %swap3A_541 = arith.constant 16 : index
      %swap3A_542 = tpu.vector_load %arg8[%swap3A_540, %swap3A_541] {strides = array<i32>} : memref<400x64xf32, #tpu.memory_space<vmem>>, vector<1x16xf32>,
      %swap3A_543 = vector.shape_cast %swap3A_542 : vector<1x16xf32> to vector<16xf32>
      %swap3A_544 = vector.shape_cast %get3A_539 : vector<16xf32> to vector<1x16xf32>
      tpu.vector_store %arg8[%swap3A_540, %swap3A_541], %swap3A_544 {add = true, strides = array<i32>} : memref<400x64xf32, #tpu.memory_space<vmem>>, vector<1x16xf32>,
      %add3A_545 = arith.constant 10 : i32
      %add3A_546 = arith.addi %mul3A_42, %add3A_545 : i32
      %get3A_547 = arith.constant 10 : i32
      %get3A_548 = arith.index_cast %get3A_547 : i32 to index
      %get3A_549 = arith.constant 32 : index
      %get3A_550 = tpu.vector_load %arg9[%get3A_548, %get3A_549] {strides = array<i32>} : memref<25x64xf32, #tpu.memory_space<vmem>>, vector<1x16xf32>,
      %get3A_551 = vector.shape_cast %get3A_550 : vector<1x16xf32> to vector<16xf32>
      %swap3A_552 = arith.index_cast %add3A_546 : i32 to index
      %swap3A_553 = arith.constant 32 : index
      %swap3A_554 = tpu.vector_load %arg8[%swap3A_552, %swap3A_553] {strides = array<i32>} : memref<400x64xf32, #tpu.memory_space<vmem>>, vector<1x16xf32>,
      %swap3A_555 = vector.shape_cast %swap3A_554 : vector<1x16xf32> to vector<16xf32>
      %swap3A_556 = vector.shape_cast %get3A_551 : vector<16xf32> to vector<1x16xf32>
      tpu.vector_store %arg8[%swap3A_552, %swap3A_553], %swap3A_556 {add = true, strides = array<i32>} : memref<400x64xf32, #tpu.memory_space<vmem>>, vector<1x16xf32>,
      %add3A_557 = arith.constant 10 : i32
      %add3A_558 = arith.addi %mul3A_42, %add3A_557 : i32
      %get3A_559 = arith.constant 10 : i32
      %get3A_560 = arith.index_cast %get3A_559 : i32 to index
      %get3A_561 = arith.constant 48 : index
      %get3A_562 = tpu.vector_load %arg9[%get3A_560, %get3A_561] {strides = array<i32>} : memref<25x64xf32, #tpu.memory_space<vmem>>, vector<1x16xf32>,
      %get3A_563 = vector.shape_cast %get3A_562 : vector<1x16xf32> to vector<16xf32>
      %swap3A_564 = arith.index_cast %add3A_558 : i32 to index
      %swap3A_565 = arith.constant 48 : index
      %swap3A_566 = tpu.vector_load %arg8[%swap3A_564, %swap3A_565] {strides = array<i32>} : memref<400x64xf32, #tpu.memory_space<vmem>>, vector<1x16xf32>,
      %swap3A_567 = vector.shape_cast %swap3A_566 : vector<1x16xf32> to vector<16xf32>
      %swap3A_568 = vector.shape_cast %get3A_563 : vector<16xf32> to vector<1x16xf32>
      tpu.vector_store %arg8[%swap3A_564, %swap3A_565], %swap3A_568 {add = true, strides = array<i32>} : memref<400x64xf32, #tpu.memory_space<vmem>>, vector<1x16xf32>,
      %add3A_569 = arith.constant 11 : i32
      %add3A_570 = arith.addi %mul3A_42, %add3A_569 : i32
      %get3A_571 = arith.constant 11 : i32
      %get3A_572 = arith.index_cast %get3A_571 : i32 to index
      %get3A_573 = arith.constant 0 : index
      %get3A_574 = tpu.vector_load %arg9[%get3A_572, %get3A_573] {strides = array<i32>} : memref<25x64xf32, #tpu.memory_space<vmem>>, vector<1x16xf32>,
      %get3A_575 = vector.shape_cast %get3A_574 : vector<1x16xf32> to vector<16xf32>
      %swap3A_576 = arith.index_cast %add3A_570 : i32 to index
      %swap3A_577 = arith.constant 0 : index
      %swap3A_578 = tpu.vector_load %arg8[%swap3A_576, %swap3A_577] {strides = array<i32>} : memref<400x64xf32, #tpu.memory_space<vmem>>, vector<1x16xf32>,
      %swap3A_579 = vector.shape_cast %swap3A_578 : vector<1x16xf32> to vector<16xf32>
      %swap3A_580 = vector.shape_cast %get3A_575 : vector<16xf32> to vector<1x16xf32>
      tpu.vector_store %arg8[%swap3A_576, %swap3A_577], %swap3A_580 {add = true, strides = array<i32>} : memref<400x64xf32, #tpu.memory_space<vmem>>, vector<1x16xf32>,
      %add3A_581 = arith.constant 11 : i32
      %add3A_582 = arith.addi %mul3A_42, %add3A_581 : i32
      %get3A_583 = arith.constant 11 : i32
      %get3A_584 = arith.index_cast %get3A_583 : i32 to index
      %get3A_585 = arith.constant 16 : index
      %get3A_586 = tpu.vector_load %arg9[%get3A_584, %get3A_585] {strides = array<i32>} : memref<25x64xf32, #tpu.memory_space<vmem>>, vector<1x16xf32>,
      %get3A_587 = vector.shape_cast %get3A_586 : vector<1x16xf32> to vector<16xf32>
      %swap3A_588 = arith.index_cast %add3A_582 : i32 to index
      %swap3A_589 = arith.constant 16 : index
      %swap3A_590 = tpu.vector_load %arg8[%swap3A_588, %swap3A_589] {strides = array<i32>} : memref<400x64xf32, #tpu.memory_space<vmem>>, vector<1x16xf32>,
      %swap3A_591 = vector.shape_cast %swap3A_590 : vector<1x16xf32> to vector<16xf32>
      %swap3A_592 = vector.shape_cast %get3A_587 : vector<16xf32> to vector<1x16xf32>
      tpu.vector_store %arg8[%swap3A_588, %swap3A_589], %swap3A_592 {add = true, strides = array<i32>} : memref<400x64xf32, #tpu.memory_space<vmem>>, vector<1x16xf32>,
      %add3A_593 = arith.constant 11 : i32
      %add3A_594 = arith.addi %mul3A_42, %add3A_593 : i32
      %get3A_595 = arith.constant 11 : i32
      %get3A_596 = arith.index_cast %get3A_595 : i32 to index
      %get3A_597 = arith.constant 32 : index
      %get3A_598 = tpu.vector_load %arg9[%get3A_596, %get3A_597] {strides = array<i32>} : memref<25x64xf32, #tpu.memory_space<vmem>>, vector<1x16xf32>,
      %get3A_599 = vector.shape_cast %get3A_598 : vector<1x16xf32> to vector<16xf32>
      %swap3A_600 = arith.index_cast %add3A_594 : i32 to index
      %swap3A_601 = arith.constant 32 : index
      %swap3A_602 = tpu.vector_load %arg8[%swap3A_600, %swap3A_601] {strides = array<i32>} : memref<400x64xf32, #tpu.memory_space<vmem>>, vector<1x16xf32>,
      %swap3A_603 = vector.shape_cast %swap3A_602 : vector<1x16xf32> to vector<16xf32>
      %swap3A_604 = vector.shape_cast %get3A_599 : vector<16xf32> to vector<1x16xf32>
      tpu.vector_store %arg8[%swap3A_600, %swap3A_601], %swap3A_604 {add = true, strides = array<i32>} : memref<400x64xf32, #tpu.memory_space<vmem>>, vector<1x16xf32>,
      %add3A_605 = arith.constant 11 : i32
      %add3A_606 = arith.addi %mul3A_42, %add3A_605 : i32
      %get3A_607 = arith.constant 11 : i32
      %get3A_608 = arith.index_cast %get3A_607 : i32 to index
      %get3A_609 = arith.constant 48 : index
      %get3A_610 = tpu.vector_load %arg9[%get3A_608, %get3A_609] {strides = array<i32>} : memref<25x64xf32, #tpu.memory_space<vmem>>, vector<1x16xf32>,
      %get3A_611 = vector.shape_cast %get3A_610 : vector<1x16xf32> to vector<16xf32>
      %swap3A_612 = arith.index_cast %add3A_606 : i32 to index
      %swap3A_613 = arith.constant 48 : index
      %swap3A_614 = tpu.vector_load %arg8[%swap3A_612, %swap3A_613] {strides = array<i32>} : memref<400x64xf32, #tpu.memory_space<vmem>>, vector<1x16xf32>,
      %swap3A_615 = vector.shape_cast %swap3A_614 : vector<1x16xf32> to vector<16xf32>
      %swap3A_616 = vector.shape_cast %get3A_611 : vector<16xf32> to vector<1x16xf32>
      tpu.vector_store %arg8[%swap3A_612, %swap3A_613], %swap3A_616 {add = true, strides = array<i32>} : memref<400x64xf32, #tpu.memory_space<vmem>>, vector<1x16xf32>,
      %add3A_617 = arith.constant 12 : i32
      %add3A_618 = arith.addi %mul3A_42, %add3A_617 : i32
      %get3A_619 = arith.constant 12 : i32
      %get3A_620 = arith.index_cast %get3A_619 : i32 to index
      %get3A_621 = arith.constant 0 : index
      %get3A_622 = tpu.vector_load %arg9[%get3A_620, %get3A_621] {strides = array<i32>} : memref<25x64xf32, #tpu.memory_space<vmem>>, vector<1x16xf32>,
      %get3A_623 = vector.shape_cast %get3A_622 : vector<1x16xf32> to vector<16xf32>
      %swap3A_624 = arith.index_cast %add3A_618 : i32 to index
      %swap3A_625 = arith.constant 0 : index
      %swap3A_626 = tpu.vector_load %arg8[%swap3A_624, %swap3A_625] {strides = array<i32>} : memref<400x64xf32, #tpu.memory_space<vmem>>, vector<1x16xf32>,
      %swap3A_627 = vector.shape_cast %swap3A_626 : vector<1x16xf32> to vector<16xf32>
      %swap3A_628 = vector.shape_cast %get3A_623 : vector<16xf32> to vector<1x16xf32>
      tpu.vector_store %arg8[%swap3A_624, %swap3A_625], %swap3A_628 {add = true, strides = array<i32>} : memref<400x64xf32, #tpu.memory_space<vmem>>, vector<1x16xf32>,
      %add3A_629 = arith.constant 12 : i32
      %add3A_630 = arith.addi %mul3A_42, %add3A_629 : i32
      %get3A_631 = arith.constant 12 : i32
      %get3A_632 = arith.index_cast %get3A_631 : i32 to index
      %get3A_633 = arith.constant 16 : index
      %get3A_634 = tpu.vector_load %arg9[%get3A_632, %get3A_633] {strides = array<i32>} : memref<25x64xf32, #tpu.memory_space<vmem>>, vector<1x16xf32>,
      %get3A_635 = vector.shape_cast %get3A_634 : vector<1x16xf32> to vector<16xf32>
      %swap3A_636 = arith.index_cast %add3A_630 : i32 to index
      %swap3A_637 = arith.constant 16 : index
      %swap3A_638 = tpu.vector_load %arg8[%swap3A_636, %swap3A_637] {strides = array<i32>} : memref<400x64xf32, #tpu.memory_space<vmem>>, vector<1x16xf32>,
      %swap3A_639 = vector.shape_cast %swap3A_638 : vector<1x16xf32> to vector<16xf32>
      %swap3A_640 = vector.shape_cast %get3A_635 : vector<16xf32> to vector<1x16xf32>
      tpu.vector_store %arg8[%swap3A_636, %swap3A_637], %swap3A_640 {add = true, strides = array<i32>} : memref<400x64xf32, #tpu.memory_space<vmem>>, vector<1x16xf32>,
      %add3A_641 = arith.constant 12 : i32
      %add3A_642 = arith.addi %mul3A_42, %add3A_641 : i32
      %get3A_643 = arith.constant 12 : i32
      %get3A_644 = arith.index_cast %get3A_643 : i32 to index
      %get3A_645 = arith.constant 32 : index
      %get3A_646 = tpu.vector_load %arg9[%get3A_644, %get3A_645] {strides = array<i32>} : memref<25x64xf32, #tpu.memory_space<vmem>>, vector<1x16xf32>,
      %get3A_647 = vector.shape_cast %get3A_646 : vector<1x16xf32> to vector<16xf32>
      %swap3A_648 = arith.index_cast %add3A_642 : i32 to index
      %swap3A_649 = arith.constant 32 : index
      %swap3A_650 = tpu.vector_load %arg8[%swap3A_648, %swap3A_649] {strides = array<i32>} : memref<400x64xf32, #tpu.memory_space<vmem>>, vector<1x16xf32>,
      %swap3A_651 = vector.shape_cast %swap3A_650 : vector<1x16xf32> to vector<16xf32>
      %swap3A_652 = vector.shape_cast %get3A_647 : vector<16xf32> to vector<1x16xf32>
      tpu.vector_store %arg8[%swap3A_648, %swap3A_649], %swap3A_652 {add = true, strides = array<i32>} : memref<400x64xf32, #tpu.memory_space<vmem>>, vector<1x16xf32>,
      %add3A_653 = arith.constant 12 : i32
      %add3A_654 = arith.addi %mul3A_42, %add3A_653 : i32
      %get3A_655 = arith.constant 12 : i32
      %get3A_656 = arith.index_cast %get3A_655 : i32 to index
      %get3A_657 = arith.constant 48 : index
      %get3A_658 = tpu.vector_load %arg9[%get3A_656, %get3A_657] {strides = array<i32>} : memref<25x64xf32, #tpu.memory_space<vmem>>, vector<1x16xf32>,
      %get3A_659 = vector.shape_cast %get3A_658 : vector<1x16xf32> to vector<16xf32>
      %swap3A_660 = arith.index_cast %add3A_654 : i32 to index
      %swap3A_661 = arith.constant 48 : index
      %swap3A_662 = tpu.vector_load %arg8[%swap3A_660, %swap3A_661] {strides = array<i32>} : memref<400x64xf32, #tpu.memory_space<vmem>>, vector<1x16xf32>,
      %swap3A_663 = vector.shape_cast %swap3A_662 : vector<1x16xf32> to vector<16xf32>
      %swap3A_664 = vector.shape_cast %get3A_659 : vector<16xf32> to vector<1x16xf32>
      tpu.vector_store %arg8[%swap3A_660, %swap3A_661], %swap3A_664 {add = true, strides = array<i32>} : memref<400x64xf32, #tpu.memory_space<vmem>>, vector<1x16xf32>,
      %add3A_665 = arith.constant 13 : i32
      %add3A_666 = arith.addi %mul3A_42, %add3A_665 : i32
      %get3A_667 = arith.constant 13 : i32
      %get3A_668 = arith.index_cast %get3A_667 : i32 to index
      %get3A_669 = arith.constant 0 : index
      %get3A_670 = tpu.vector_load %arg9[%get3A_668, %get3A_669] {strides = array<i32>} : memref<25x64xf32, #tpu.memory_space<vmem>>, vector<1x16xf32>,
      %get3A_671 = vector.shape_cast %get3A_670 : vector<1x16xf32> to vector<16xf32>
      %swap3A_672 = arith.index_cast %add3A_666 : i32 to index
      %swap3A_673 = arith.constant 0 : index
      %swap3A_674 = tpu.vector_load %arg8[%swap3A_672, %swap3A_673] {strides = array<i32>} : memref<400x64xf32, #tpu.memory_space<vmem>>, vector<1x16xf32>,
      %swap3A_675 = vector.shape_cast %swap3A_674 : vector<1x16xf32> to vector<16xf32>
      %swap3A_676 = vector.shape_cast %get3A_671 : vector<16xf32> to vector<1x16xf32>
      tpu.vector_store %arg8[%swap3A_672, %swap3A_673], %swap3A_676 {add = true, strides = array<i32>} : memref<400x64xf32, #tpu.memory_space<vmem>>, vector<1x16xf32>,
      %add3A_677 = arith.constant 13 : i32
      %add3A_678 = arith.addi %mul3A_42, %add3A_677 : i32
      %get3A_679 = arith.constant 13 : i32
      %get3A_680 = arith.index_cast %get3A_679 : i32 to index
      %get3A_681 = arith.constant 16 : index
      %get3A_682 = tpu.vector_load %arg9[%get3A_680, %get3A_681] {strides = array<i32>} : memref<25x64xf32, #tpu.memory_space<vmem>>, vector<1x16xf32>,
      %get3A_683 = vector.shape_cast %get3A_682 : vector<1x16xf32> to vector<16xf32>
      %swap3A_684 = arith.index_cast %add3A_678 : i32 to index
      %swap3A_685 = arith.constant 16 : index
      %swap3A_686 = tpu.vector_load %arg8[%swap3A_684, %swap3A_685] {strides = array<i32>} : memref<400x64xf32, #tpu.memory_space<vmem>>, vector<1x16xf32>,
      %swap3A_687 = vector.shape_cast %swap3A_686 : vector<1x16xf32> to vector<16xf32>
      %swap3A_688 = vector.shape_cast %get3A_683 : vector<16xf32> to vector<1x16xf32>
      tpu.vector_store %arg8[%swap3A_684, %swap3A_685], %swap3A_688 {add = true, strides = array<i32>} : memref<400x64xf32, #tpu.memory_space<vmem>>, vector<1x16xf32>,
      %add3A_689 = arith.constant 13 : i32
      %add3A_690 = arith.addi %mul3A_42, %add3A_689 : i32
      %get3A_691 = arith.constant 13 : i32
      %get3A_692 = arith.index_cast %get3A_691 : i32 to index
      %get3A_693 = arith.constant 32 : index
      %get3A_694 = tpu.vector_load %arg9[%get3A_692, %get3A_693] {strides = array<i32>} : memref<25x64xf32, #tpu.memory_space<vmem>>, vector<1x16xf32>,
      %get3A_695 = vector.shape_cast %get3A_694 : vector<1x16xf32> to vector<16xf32>
      %swap3A_696 = arith.index_cast %add3A_690 : i32 to index
      %swap3A_697 = arith.constant 32 : index
      %swap3A_698 = tpu.vector_load %arg8[%swap3A_696, %swap3A_697] {strides = array<i32>} : memref<400x64xf32, #tpu.memory_space<vmem>>, vector<1x16xf32>,
      %swap3A_699 = vector.shape_cast %swap3A_698 : vector<1x16xf32> to vector<16xf32>
      %swap3A_700 = vector.shape_cast %get3A_695 : vector<16xf32> to vector<1x16xf32>
      tpu.vector_store %arg8[%swap3A_696, %swap3A_697], %swap3A_700 {add = true, strides = array<i32>} : memref<400x64xf32, #tpu.memory_space<vmem>>, vector<1x16xf32>,
      %add3A_701 = arith.constant 13 : i32
      %add3A_702 = arith.addi %mul3A_42, %add3A_701 : i32
      %get3A_703 = arith.constant 13 : i32
      %get3A_704 = arith.index_cast %get3A_703 : i32 to index
      %get3A_705 = arith.constant 48 : index
      %get3A_706 = tpu.vector_load %arg9[%get3A_704, %get3A_705] {strides = array<i32>} : memref<25x64xf32, #tpu.memory_space<vmem>>, vector<1x16xf32>,
      %get3A_707 = vector.shape_cast %get3A_706 : vector<1x16xf32> to vector<16xf32>
      %swap3A_708 = arith.index_cast %add3A_702 : i32 to index
      %swap3A_709 = arith.constant 48 : index
      %swap3A_710 = tpu.vector_load %arg8[%swap3A_708, %swap3A_709] {strides = array<i32>} : memref<400x64xf32, #tpu.memory_space<vmem>>, vector<1x16xf32>,
      %swap3A_711 = vector.shape_cast %swap3A_710 : vector<1x16xf32> to vector<16xf32>
      %swap3A_712 = vector.shape_cast %get3A_707 : vector<16xf32> to vector<1x16xf32>
      tpu.vector_store %arg8[%swap3A_708, %swap3A_709], %swap3A_712 {add = true, strides = array<i32>} : memref<400x64xf32, #tpu.memory_space<vmem>>, vector<1x16xf32>,
      %add3A_713 = arith.constant 14 : i32
      %add3A_714 = arith.addi %mul3A_42, %add3A_713 : i32
      %get3A_715 = arith.constant 14 : i32
      %get3A_716 = arith.index_cast %get3A_715 : i32 to index
      %get3A_717 = arith.constant 0 : index
      %get3A_718 = tpu.vector_load %arg9[%get3A_716, %get3A_717] {strides = array<i32>} : memref<25x64xf32, #tpu.memory_space<vmem>>, vector<1x16xf32>,
      %get3A_719 = vector.shape_cast %get3A_718 : vector<1x16xf32> to vector<16xf32>
      %swap3A_720 = arith.index_cast %add3A_714 : i32 to index
      %swap3A_721 = arith.constant 0 : index
      %swap3A_722 = tpu.vector_load %arg8[%swap3A_720, %swap3A_721] {strides = array<i32>} : memref<400x64xf32, #tpu.memory_space<vmem>>, vector<1x16xf32>,
      %swap3A_723 = vector.shape_cast %swap3A_722 : vector<1x16xf32> to vector<16xf32>
      %swap3A_724 = vector.shape_cast %get3A_719 : vector<16xf32> to vector<1x16xf32>
      tpu.vector_store %arg8[%swap3A_720, %swap3A_721], %swap3A_724 {add = true, strides = array<i32>} : memref<400x64xf32, #tpu.memory_space<vmem>>, vector<1x16xf32>,
      %add3A_725 = arith.constant 14 : i32
      %add3A_726 = arith.addi %mul3A_42, %add3A_725 : i32
      %get3A_727 = arith.constant 14 : i32
      %get3A_728 = arith.index_cast %get3A_727 : i32 to index
      %get3A_729 = arith.constant 16 : index
      %get3A_730 = tpu.vector_load %arg9[%get3A_728, %get3A_729] {strides = array<i32>} : memref<25x64xf32, #tpu.memory_space<vmem>>, vector<1x16xf32>,
      %get3A_731 = vector.shape_cast %get3A_730 : vector<1x16xf32> to vector<16xf32>
      %swap3A_732 = arith.index_cast %add3A_726 : i32 to index
      %swap3A_733 = arith.constant 16 : index
      %swap3A_734 = tpu.vector_load %arg8[%swap3A_732, %swap3A_733] {strides = array<i32>} : memref<400x64xf32, #tpu.memory_space<vmem>>, vector<1x16xf32>,
      %swap3A_735 = vector.shape_cast %swap3A_734 : vector<1x16xf32> to vector<16xf32>
      %swap3A_736 = vector.shape_cast %get3A_731 : vector<16xf32> to vector<1x16xf32>
      tpu.vector_store %arg8[%swap3A_732, %swap3A_733], %swap3A_736 {add = true, strides = array<i32>} : memref<400x64xf32, #tpu.memory_space<vmem>>, vector<1x16xf32>,
      %add3A_737 = arith.constant 14 : i32
      %add3A_738 = arith.addi %mul3A_42, %add3A_737 : i32
      %get3A_739 = arith.constant 14 : i32
      %get3A_740 = arith.index_cast %get3A_739 : i32 to index
      %get3A_741 = arith.constant 32 : index
      %get3A_742 = tpu.vector_load %arg9[%get3A_740, %get3A_741] {strides = array<i32>} : memref<25x64xf32, #tpu.memory_space<vmem>>, vector<1x16xf32>,
      %get3A_743 = vector.shape_cast %get3A_742 : vector<1x16xf32> to vector<16xf32>
      %swap3A_744 = arith.index_cast %add3A_738 : i32 to index
      %swap3A_745 = arith.constant 32 : index
      %swap3A_746 = tpu.vector_load %arg8[%swap3A_744, %swap3A_745] {strides = array<i32>} : memref<400x64xf32, #tpu.memory_space<vmem>>, vector<1x16xf32>,
      %swap3A_747 = vector.shape_cast %swap3A_746 : vector<1x16xf32> to vector<16xf32>
      %swap3A_748 = vector.shape_cast %get3A_743 : vector<16xf32> to vector<1x16xf32>
      tpu.vector_store %arg8[%swap3A_744, %swap3A_745], %swap3A_748 {add = true, strides = array<i32>} : memref<400x64xf32, #tpu.memory_space<vmem>>, vector<1x16xf32>,
      %add3A_749 = arith.constant 14 : i32
      %add3A_750 = arith.addi %mul3A_42, %add3A_749 : i32
      %get3A_751 = arith.constant 14 : i32
      %get3A_752 = arith.index_cast %get3A_751 : i32 to index
      %get3A_753 = arith.constant 48 : index
      %get3A_754 = tpu.vector_load %arg9[%get3A_752, %get3A_753] {strides = array<i32>} : memref<25x64xf32, #tpu.memory_space<vmem>>, vector<1x16xf32>,
      %get3A_755 = vector.shape_cast %get3A_754 : vector<1x16xf32> to vector<16xf32>
      %swap3A_756 = arith.index_cast %add3A_750 : i32 to index
      %swap3A_757 = arith.constant 48 : index
      %swap3A_758 = tpu.vector_load %arg8[%swap3A_756, %swap3A_757] {strides = array<i32>} : memref<400x64xf32, #tpu.memory_space<vmem>>, vector<1x16xf32>,
      %swap3A_759 = vector.shape_cast %swap3A_758 : vector<1x16xf32> to vector<16xf32>
      %swap3A_760 = vector.shape_cast %get3A_755 : vector<16xf32> to vector<1x16xf32>
      tpu.vector_store %arg8[%swap3A_756, %swap3A_757], %swap3A_760 {add = true, strides = array<i32>} : memref<400x64xf32, #tpu.memory_space<vmem>>, vector<1x16xf32>,
      %add3A_761 = arith.constant 15 : i32
      %add3A_762 = arith.addi %mul3A_42, %add3A_761 : i32
      %get3A_763 = arith.constant 15 : i32
      %get3A_764 = arith.index_cast %get3A_763 : i32 to index
      %get3A_765 = arith.constant 0 : index
      %get3A_766 = tpu.vector_load %arg9[%get3A_764, %get3A_765] {strides = array<i32>} : memref<25x64xf32, #tpu.memory_space<vmem>>, vector<1x16xf32>,
      %get3A_767 = vector.shape_cast %get3A_766 : vector<1x16xf32> to vector<16xf32>
      %swap3A_768 = arith.index_cast %add3A_762 : i32 to index
      %swap3A_769 = arith.constant 0 : index
      %swap3A_770 = tpu.vector_load %arg8[%swap3A_768, %swap3A_769] {strides = array<i32>} : memref<400x64xf32, #tpu.memory_space<vmem>>, vector<1x16xf32>,
      %swap3A_771 = vector.shape_cast %swap3A_770 : vector<1x16xf32> to vector<16xf32>
      %swap3A_772 = vector.shape_cast %get3A_767 : vector<16xf32> to vector<1x16xf32>
      tpu.vector_store %arg8[%swap3A_768, %swap3A_769], %swap3A_772 {add = true, strides = array<i32>} : memref<400x64xf32, #tpu.memory_space<vmem>>, vector<1x16xf32>,
      %add3A_773 = arith.constant 15 : i32
      %add3A_774 = arith.addi %mul3A_42, %add3A_773 : i32
      %get3A_775 = arith.constant 15 : i32
      %get3A_776 = arith.index_cast %get3A_775 : i32 to index
      %get3A_777 = arith.constant 16 : index
      %get3A_778 = tpu.vector_load %arg9[%get3A_776, %get3A_777] {strides = array<i32>} : memref<25x64xf32, #tpu.memory_space<vmem>>, vector<1x16xf32>,
      %get3A_779 = vector.shape_cast %get3A_778 : vector<1x16xf32> to vector<16xf32>
      %swap3A_780 = arith.index_cast %add3A_774 : i32 to index
      %swap3A_781 = arith.constant 16 : index
      %swap3A_782 = tpu.vector_load %arg8[%swap3A_780, %swap3A_781] {strides = array<i32>} : memref<400x64xf32, #tpu.memory_space<vmem>>, vector<1x16xf32>,
      %swap3A_783 = vector.shape_cast %swap3A_782 : vector<1x16xf32> to vector<16xf32>
      %swap3A_784 = vector.shape_cast %get3A_779 : vector<16xf32> to vector<1x16xf32>
      tpu.vector_store %arg8[%swap3A_780, %swap3A_781], %swap3A_784 {add = true, strides = array<i32>} : memref<400x64xf32, #tpu.memory_space<vmem>>, vector<1x16xf32>,
      %add3A_785 = arith.constant 15 : i32
      %add3A_786 = arith.addi %mul3A_42, %add3A_785 : i32
      %get3A_787 = arith.constant 15 : i32
      %get3A_788 = arith.index_cast %get3A_787 : i32 to index
      %get3A_789 = arith.constant 32 : index
      %get3A_790 = tpu.vector_load %arg9[%get3A_788, %get3A_789] {strides = array<i32>} : memref<25x64xf32, #tpu.memory_space<vmem>>, vector<1x16xf32>,
      %get3A_791 = vector.shape_cast %get3A_790 : vector<1x16xf32> to vector<16xf32>
      %swap3A_792 = arith.index_cast %add3A_786 : i32 to index
      %swap3A_793 = arith.constant 32 : index
      %swap3A_794 = tpu.vector_load %arg8[%swap3A_792, %swap3A_793] {strides = array<i32>} : memref<400x64xf32, #tpu.memory_space<vmem>>, vector<1x16xf32>,
      %swap3A_795 = vector.shape_cast %swap3A_794 : vector<1x16xf32> to vector<16xf32>
      %swap3A_796 = vector.shape_cast %get3A_791 : vector<16xf32> to vector<1x16xf32>
      tpu.vector_store %arg8[%swap3A_792, %swap3A_793], %swap3A_796 {add = true, strides = array<i32>} : memref<400x64xf32, #tpu.memory_space<vmem>>, vector<1x16xf32>,
      %add3A_797 = arith.constant 15 : i32
      %add3A_798 = arith.addi %mul3A_42, %add3A_797 : i32
      %get3A_799 = arith.constant 15 : i32
      %get3A_800 = arith.index_cast %get3A_799 : i32 to index
      %get3A_801 = arith.constant 48 : index
      %get3A_802 = tpu.vector_load %arg9[%get3A_800, %get3A_801] {strides = array<i32>} : memref<25x64xf32, #tpu.memory_space<vmem>>, vector<1x16xf32>,
      %get3A_803 = vector.shape_cast %get3A_802 : vector<1x16xf32> to vector<16xf32>
      %swap3A_804 = arith.index_cast %add3A_798 : i32 to index
      %swap3A_805 = arith.constant 48 : index
      %swap3A_806 = tpu.vector_load %arg8[%swap3A_804, %swap3A_805] {strides = array<i32>} : memref<400x64xf32, #tpu.memory_space<vmem>>, vector<1x16xf32>,
      %swap3A_807 = vector.shape_cast %swap3A_806 : vector<1x16xf32> to vector<16xf32>
      %swap3A_808 = vector.shape_cast %get3A_803 : vector<16xf32> to vector<1x16xf32>
      tpu.vector_store %arg8[%swap3A_804, %swap3A_805], %swap3A_808 {add = true, strides = array<i32>} : memref<400x64xf32, #tpu.memory_space<vmem>>, vector<1x16xf32>,
      %add3A_809 = arith.constant 16 : i32
      %add3A_810 = arith.addi %mul3A_42, %add3A_809 : i32
      %get3A_811 = arith.constant 16 : i32
      %get3A_812 = arith.index_cast %get3A_811 : i32 to index
      %get3A_813 = arith.constant 0 : index
      %get3A_814 = tpu.vector_load %arg9[%get3A_812, %get3A_813] {strides = array<i32>} : memref<25x64xf32, #tpu.memory_space<vmem>>, vector<1x16xf32>,
      %get3A_815 = vector.shape_cast %get3A_814 : vector<1x16xf32> to vector<16xf32>
      %swap3A_816 = arith.index_cast %add3A_810 : i32 to index
      %swap3A_817 = arith.constant 0 : index
      %swap3A_818 = tpu.vector_load %arg8[%swap3A_816, %swap3A_817] {strides = array<i32>} : memref<400x64xf32, #tpu.memory_space<vmem>>, vector<1x16xf32>,
      %swap3A_819 = vector.shape_cast %swap3A_818 : vector<1x16xf32> to vector<16xf32>
      %swap3A_820 = vector.shape_cast %get3A_815 : vector<16xf32> to vector<1x16xf32>
      tpu.vector_store %arg8[%swap3A_816, %swap3A_817], %swap3A_820 {add = true, strides = array<i32>} : memref<400x64xf32, #tpu.memory_space<vmem>>, vector<1x16xf32>,
      %add3A_821 = arith.constant 16 : i32
      %add3A_822 = arith.addi %mul3A_42, %add3A_821 : i32
      %get3A_823 = arith.constant 16 : i32
      %get3A_824 = arith.index_cast %get3A_823 : i32 to index
      %get3A_825 = arith.constant 16 : index
      %get3A_826 = tpu.vector_load %arg9[%get3A_824, %get3A_825] {strides = array<i32>} : memref<25x64xf32, #tpu.memory_space<vmem>>, vector<1x16xf32>,
      %get3A_827 = vector.shape_cast %get3A_826 : vector<1x16xf32> to vector<16xf32>
      %swap3A_828 = arith.index_cast %add3A_822 : i32 to index
      %swap3A_829 = arith.constant 16 : index
      %swap3A_830 = tpu.vector_load %arg8[%swap3A_828, %swap3A_829] {strides = array<i32>} : memref<400x64xf32, #tpu.memory_space<vmem>>, vector<1x16xf32>,
      %swap3A_831 = vector.shape_cast %swap3A_830 : vector<1x16xf32> to vector<16xf32>
      %swap3A_832 = vector.shape_cast %get3A_827 : vector<16xf32> to vector<1x16xf32>
      tpu.vector_store %arg8[%swap3A_828, %swap3A_829], %swap3A_832 {add = true, strides = array<i32>} : memref<400x64xf32, #tpu.memory_space<vmem>>, vector<1x16xf32>,
      %add3A_833 = arith.constant 16 : i32
      %add3A_834 = arith.addi %mul3A_42, %add3A_833 : i32
      %get3A_835 = arith.constant 16 : i32
      %get3A_836 = arith.index_cast %get3A_835 : i32 to index
      %get3A_837 = arith.constant 32 : index
      %get3A_838 = tpu.vector_load %arg9[%get3A_836, %get3A_837] {strides = array<i32>} : memref<25x64xf32, #tpu.memory_space<vmem>>, vector<1x16xf32>,
      %get3A_839 = vector.shape_cast %get3A_838 : vector<1x16xf32> to vector<16xf32>
      %swap3A_840 = arith.index_cast %add3A_834 : i32 to index
      %swap3A_841 = arith.constant 32 : index
      %swap3A_842 = tpu.vector_load %arg8[%swap3A_840, %swap3A_841] {strides = array<i32>} : memref<400x64xf32, #tpu.memory_space<vmem>>, vector<1x16xf32>,
      %swap3A_843 = vector.shape_cast %swap3A_842 : vector<1x16xf32> to vector<16xf32>
      %swap3A_844 = vector.shape_cast %get3A_839 : vector<16xf32> to vector<1x16xf32>
      tpu.vector_store %arg8[%swap3A_840, %swap3A_841], %swap3A_844 {add = true, strides = array<i32>} : memref<400x64xf32, #tpu.memory_space<vmem>>, vector<1x16xf32>,
      %add3A_845 = arith.constant 16 : i32
      %add3A_846 = arith.addi %mul3A_42, %add3A_845 : i32
      %get3A_847 = arith.constant 16 : i32
      %get3A_848 = arith.index_cast %get3A_847 : i32 to index
      %get3A_849 = arith.constant 48 : index
      %get3A_850 = tpu.vector_load %arg9[%get3A_848, %get3A_849] {strides = array<i32>} : memref<25x64xf32, #tpu.memory_space<vmem>>, vector<1x16xf32>,
      %get3A_851 = vector.shape_cast %get3A_850 : vector<1x16xf32> to vector<16xf32>
      %swap3A_852 = arith.index_cast %add3A_846 : i32 to index
      %swap3A_853 = arith.constant 48 : index
      %swap3A_854 = tpu.vector_load %arg8[%swap3A_852, %swap3A_853] {strides = array<i32>} : memref<400x64xf32, #tpu.memory_space<vmem>>, vector<1x16xf32>,
      %swap3A_855 = vector.shape_cast %swap3A_854 : vector<1x16xf32> to vector<16xf32>
      %swap3A_856 = vector.shape_cast %get3A_851 : vector<16xf32> to vector<1x16xf32>
      tpu.vector_store %arg8[%swap3A_852, %swap3A_853], %swap3A_856 {add = true, strides = array<i32>} : memref<400x64xf32, #tpu.memory_space<vmem>>, vector<1x16xf32>,
      %add3A_857 = arith.constant 17 : i32
      %add3A_858 = arith.addi %mul3A_42, %add3A_857 : i32
      %get3A_859 = arith.constant 17 : i32
      %get3A_860 = arith.index_cast %get3A_859 : i32 to index
      %get3A_861 = arith.constant 0 : index
      %get3A_862 = tpu.vector_load %arg9[%get3A_860, %get3A_861] {strides = array<i32>} : memref<25x64xf32, #tpu.memory_space<vmem>>, vector<1x16xf32>,
      %get3A_863 = vector.shape_cast %get3A_862 : vector<1x16xf32> to vector<16xf32>
      %swap3A_864 = arith.index_cast %add3A_858 : i32 to index
      %swap3A_865 = arith.constant 0 : index
      %swap3A_866 = tpu.vector_load %arg8[%swap3A_864, %swap3A_865] {strides = array<i32>} : memref<400x64xf32, #tpu.memory_space<vmem>>, vector<1x16xf32>,
      %swap3A_867 = vector.shape_cast %swap3A_866 : vector<1x16xf32> to vector<16xf32>
      %swap3A_868 = vector.shape_cast %get3A_863 : vector<16xf32> to vector<1x16xf32>
      tpu.vector_store %arg8[%swap3A_864, %swap3A_865], %swap3A_868 {add = true, strides = array<i32>} : memref<400x64xf32, #tpu.memory_space<vmem>>, vector<1x16xf32>,
      %add3A_869 = arith.constant 17 : i32
      %add3A_870 = arith.addi %mul3A_42, %add3A_869 : i32
      %get3A_871 = arith.constant 17 : i32
      %get3A_872 = arith.index_cast %get3A_871 : i32 to index
      %get3A_873 = arith.constant 16 : index
      %get3A_874 = tpu.vector_load %arg9[%get3A_872, %get3A_873] {strides = array<i32>} : memref<25x64xf32, #tpu.memory_space<vmem>>, vector<1x16xf32>,
      %get3A_875 = vector.shape_cast %get3A_874 : vector<1x16xf32> to vector<16xf32>
      %swap3A_876 = arith.index_cast %add3A_870 : i32 to index
      %swap3A_877 = arith.constant 16 : index
      %swap3A_878 = tpu.vector_load %arg8[%swap3A_876, %swap3A_877] {strides = array<i32>} : memref<400x64xf32, #tpu.memory_space<vmem>>, vector<1x16xf32>,
      %swap3A_879 = vector.shape_cast %swap3A_878 : vector<1x16xf32> to vector<16xf32>
      %swap3A_880 = vector.shape_cast %get3A_875 : vector<16xf32> to vector<1x16xf32>
      tpu.vector_store %arg8[%swap3A_876, %swap3A_877], %swap3A_880 {add = true, strides = array<i32>} : memref<400x64xf32, #tpu.memory_space<vmem>>, vector<1x16xf32>,
      %add3A_881 = arith.constant 17 : i32
      %add3A_882 = arith.addi %mul3A_42, %add3A_881 : i32
      %get3A_883 = arith.constant 17 : i32
      %get3A_884 = arith.index_cast %get3A_883 : i32 to index
      %get3A_885 = arith.constant 32 : index
      %get3A_886 = tpu.vector_load %arg9[%get3A_884, %get3A_885] {strides = array<i32>} : memref<25x64xf32, #tpu.memory_space<vmem>>, vector<1x16xf32>,
      %get3A_887 = vector.shape_cast %get3A_886 : vector<1x16xf32> to vector<16xf32>
      %swap3A_888 = arith.index_cast %add3A_882 : i32 to index
      %swap3A_889 = arith.constant 32 : index
      %swap3A_890 = tpu.vector_load %arg8[%swap3A_888, %swap3A_889] {strides = array<i32>} : memref<400x64xf32, #tpu.memory_space<vmem>>, vector<1x16xf32>,
      %swap3A_891 = vector.shape_cast %swap3A_890 : vector<1x16xf32> to vector<16xf32>
      %swap3A_892 = vector.shape_cast %get3A_887 : vector<16xf32> to vector<1x16xf32>
      tpu.vector_store %arg8[%swap3A_888, %swap3A_889], %swap3A_892 {add = true, strides = array<i32>} : memref<400x64xf32, #tpu.memory_space<vmem>>, vector<1x16xf32>,
      %add3A_893 = arith.constant 17 : i32
      %add3A_894 = arith.addi %mul3A_42, %add3A_893 : i32
      %get3A_895 = arith.constant 17 : i32
      %get3A_896 = arith.index_cast %get3A_895 : i32 to index
      %get3A_897 = arith.constant 48 : index
      %get3A_898 = tpu.vector_load %arg9[%get3A_896, %get3A_897] {strides = array<i32>} : memref<25x64xf32, #tpu.memory_space<vmem>>, vector<1x16xf32>,
      %get3A_899 = vector.shape_cast %get3A_898 : vector<1x16xf32> to vector<16xf32>
      %swap3A_900 = arith.index_cast %add3A_894 : i32 to index
      %swap3A_901 = arith.constant 48 : index
      %swap3A_902 = tpu.vector_load %arg8[%swap3A_900, %swap3A_901] {strides = array<i32>} : memref<400x64xf32, #tpu.memory_space<vmem>>, vector<1x16xf32>,
      %swap3A_903 = vector.shape_cast %swap3A_902 : vector<1x16xf32> to vector<16xf32>
      %swap3A_904 = vector.shape_cast %get3A_899 : vector<16xf32> to vector<1x16xf32>
      tpu.vector_store %arg8[%swap3A_900, %swap3A_901], %swap3A_904 {add = true, strides = array<i32>} : memref<400x64xf32, #tpu.memory_space<vmem>>, vector<1x16xf32>,
      %add3A_905 = arith.constant 18 : i32
      %add3A_906 = arith.addi %mul3A_42, %add3A_905 : i32
      %get3A_907 = arith.constant 18 : i32
      %get3A_908 = arith.index_cast %get3A_907 : i32 to index
      %get3A_909 = arith.constant 0 : index
      %get3A_910 = tpu.vector_load %arg9[%get3A_908, %get3A_909] {strides = array<i32>} : memref<25x64xf32, #tpu.memory_space<vmem>>, vector<1x16xf32>,
      %get3A_911 = vector.shape_cast %get3A_910 : vector<1x16xf32> to vector<16xf32>
      %swap3A_912 = arith.index_cast %add3A_906 : i32 to index
      %swap3A_913 = arith.constant 0 : index
      %swap3A_914 = tpu.vector_load %arg8[%swap3A_912, %swap3A_913] {strides = array<i32>} : memref<400x64xf32, #tpu.memory_space<vmem>>, vector<1x16xf32>,
      %swap3A_915 = vector.shape_cast %swap3A_914 : vector<1x16xf32> to vector<16xf32>
      %swap3A_916 = vector.shape_cast %get3A_911 : vector<16xf32> to vector<1x16xf32>
      tpu.vector_store %arg8[%swap3A_912, %swap3A_913], %swap3A_916 {add = true, strides = array<i32>} : memref<400x64xf32, #tpu.memory_space<vmem>>, vector<1x16xf32>,
      %add3A_917 = arith.constant 18 : i32
      %add3A_918 = arith.addi %mul3A_42, %add3A_917 : i32
      %get3A_919 = arith.constant 18 : i32
      %get3A_920 = arith.index_cast %get3A_919 : i32 to index
      %get3A_921 = arith.constant 16 : index
      %get3A_922 = tpu.vector_load %arg9[%get3A_920, %get3A_921] {strides = array<i32>} : memref<25x64xf32, #tpu.memory_space<vmem>>, vector<1x16xf32>,
      %get3A_923 = vector.shape_cast %get3A_922 : vector<1x16xf32> to vector<16xf32>
      %swap3A_924 = arith.index_cast %add3A_918 : i32 to index
      %swap3A_925 = arith.constant 16 : index
      %swap3A_926 = tpu.vector_load %arg8[%swap3A_924, %swap3A_925] {strides = array<i32>} : memref<400x64xf32, #tpu.memory_space<vmem>>, vector<1x16xf32>,
      %swap3A_927 = vector.shape_cast %swap3A_926 : vector<1x16xf32> to vector<16xf32>
      %swap3A_928 = vector.shape_cast %get3A_923 : vector<16xf32> to vector<1x16xf32>
      tpu.vector_store %arg8[%swap3A_924, %swap3A_925], %swap3A_928 {add = true, strides = array<i32>} : memref<400x64xf32, #tpu.memory_space<vmem>>, vector<1x16xf32>,
      %add3A_929 = arith.constant 18 : i32
      %add3A_930 = arith.addi %mul3A_42, %add3A_929 : i32
      %get3A_931 = arith.constant 18 : i32
      %get3A_932 = arith.index_cast %get3A_931 : i32 to index
      %get3A_933 = arith.constant 32 : index
      %get3A_934 = tpu.vector_load %arg9[%get3A_932, %get3A_933] {strides = array<i32>} : memref<25x64xf32, #tpu.memory_space<vmem>>, vector<1x16xf32>,
      %get3A_935 = vector.shape_cast %get3A_934 : vector<1x16xf32> to vector<16xf32>
      %swap3A_936 = arith.index_cast %add3A_930 : i32 to index
      %swap3A_937 = arith.constant 32 : index
      %swap3A_938 = tpu.vector_load %arg8[%swap3A_936, %swap3A_937] {strides = array<i32>} : memref<400x64xf32, #tpu.memory_space<vmem>>, vector<1x16xf32>,
      %swap3A_939 = vector.shape_cast %swap3A_938 : vector<1x16xf32> to vector<16xf32>
      %swap3A_940 = vector.shape_cast %get3A_935 : vector<16xf32> to vector<1x16xf32>
      tpu.vector_store %arg8[%swap3A_936, %swap3A_937], %swap3A_940 {add = true, strides = array<i32>} : memref<400x64xf32, #tpu.memory_space<vmem>>, vector<1x16xf32>,
      %add3A_941 = arith.constant 18 : i32
      %add3A_942 = arith.addi %mul3A_42, %add3A_941 : i32
      %get3A_943 = arith.constant 18 : i32
      %get3A_944 = arith.index_cast %get3A_943 : i32 to index
      %get3A_945 = arith.constant 48 : index
      %get3A_946 = tpu.vector_load %arg9[%get3A_944, %get3A_945] {strides = array<i32>} : memref<25x64xf32, #tpu.memory_space<vmem>>, vector<1x16xf32>,
      %get3A_947 = vector.shape_cast %get3A_946 : vector<1x16xf32> to vector<16xf32>
      %swap3A_948 = arith.index_cast %add3A_942 : i32 to index
      %swap3A_949 = arith.constant 48 : index
      %swap3A_950 = tpu.vector_load %arg8[%swap3A_948, %swap3A_949] {strides = array<i32>} : memref<400x64xf32, #tpu.memory_space<vmem>>, vector<1x16xf32>,
      %swap3A_951 = vector.shape_cast %swap3A_950 : vector<1x16xf32> to vector<16xf32>
      %swap3A_952 = vector.shape_cast %get3A_947 : vector<16xf32> to vector<1x16xf32>
      tpu.vector_store %arg8[%swap3A_948, %swap3A_949], %swap3A_952 {add = true, strides = array<i32>} : memref<400x64xf32, #tpu.memory_space<vmem>>, vector<1x16xf32>,
      %add3A_953 = arith.constant 19 : i32
      %add3A_954 = arith.addi %mul3A_42, %add3A_953 : i32
      %get3A_955 = arith.constant 19 : i32
      %get3A_956 = arith.index_cast %get3A_955 : i32 to index
      %get3A_957 = arith.constant 0 : index
      %get3A_958 = tpu.vector_load %arg9[%get3A_956, %get3A_957] {strides = array<i32>} : memref<25x64xf32, #tpu.memory_space<vmem>>, vector<1x16xf32>,
      %get3A_959 = vector.shape_cast %get3A_958 : vector<1x16xf32> to vector<16xf32>
      %swap3A_960 = arith.index_cast %add3A_954 : i32 to index
      %swap3A_961 = arith.constant 0 : index
      %swap3A_962 = tpu.vector_load %arg8[%swap3A_960, %swap3A_961] {strides = array<i32>} : memref<400x64xf32, #tpu.memory_space<vmem>>, vector<1x16xf32>,
      %swap3A_963 = vector.shape_cast %swap3A_962 : vector<1x16xf32> to vector<16xf32>
      %swap3A_964 = vector.shape_cast %get3A_959 : vector<16xf32> to vector<1x16xf32>
      tpu.vector_store %arg8[%swap3A_960, %swap3A_961], %swap3A_964 {add = true, strides = array<i32>} : memref<400x64xf32, #tpu.memory_space<vmem>>, vector<1x16xf32>,
      %add3A_965 = arith.constant 19 : i32
      %add3A_966 = arith.addi %mul3A_42, %add3A_965 : i32
      %get3A_967 = arith.constant 19 : i32
      %get3A_968 = arith.index_cast %get3A_967 : i32 to index
      %get3A_969 = arith.constant 16 : index
      %get3A_970 = tpu.vector_load %arg9[%get3A_968, %get3A_969] {strides = array<i32>} : memref<25x64xf32, #tpu.memory_space<vmem>>, vector<1x16xf32>,
      %get3A_971 = vector.shape_cast %get3A_970 : vector<1x16xf32> to vector<16xf32>
      %swap3A_972 = arith.index_cast %add3A_966 : i32 to index
      %swap3A_973 = arith.constant 16 : index
      %swap3A_974 = tpu.vector_load %arg8[%swap3A_972, %swap3A_973] {strides = array<i32>} : memref<400x64xf32, #tpu.memory_space<vmem>>, vector<1x16xf32>,
      %swap3A_975 = vector.shape_cast %swap3A_974 : vector<1x16xf32> to vector<16xf32>
      %swap3A_976 = vector.shape_cast %get3A_971 : vector<16xf32> to vector<1x16xf32>
      tpu.vector_store %arg8[%swap3A_972, %swap3A_973], %swap3A_976 {add = true, strides = array<i32>} : memref<400x64xf32, #tpu.memory_space<vmem>>, vector<1x16xf32>,
      %add3A_977 = arith.constant 19 : i32
      %add3A_978 = arith.addi %mul3A_42, %add3A_977 : i32
      %get3A_979 = arith.constant 19 : i32
      %get3A_980 = arith.index_cast %get3A_979 : i32 to index
      %get3A_981 = arith.constant 32 : index
      %get3A_982 = tpu.vector_load %arg9[%get3A_980, %get3A_981] {strides = array<i32>} : memref<25x64xf32, #tpu.memory_space<vmem>>, vector<1x16xf32>,
      %get3A_983 = vector.shape_cast %get3A_982 : vector<1x16xf32> to vector<16xf32>
      %swap3A_984 = arith.index_cast %add3A_978 : i32 to index
      %swap3A_985 = arith.constant 32 : index
      %swap3A_986 = tpu.vector_load %arg8[%swap3A_984, %swap3A_985] {strides = array<i32>} : memref<400x64xf32, #tpu.memory_space<vmem>>, vector<1x16xf32>,
      %swap3A_987 = vector.shape_cast %swap3A_986 : vector<1x16xf32> to vector<16xf32>
      %swap3A_988 = vector.shape_cast %get3A_983 : vector<16xf32> to vector<1x16xf32>
      tpu.vector_store %arg8[%swap3A_984, %swap3A_985], %swap3A_988 {add = true, strides = array<i32>} : memref<400x64xf32, #tpu.memory_space<vmem>>, vector<1x16xf32>,
      %add3A_989 = arith.constant 19 : i32
      %add3A_990 = arith.addi %mul3A_42, %add3A_989 : i32
      %get3A_991 = arith.constant 19 : i32
      %get3A_992 = arith.index_cast %get3A_991 : i32 to index
      %get3A_993 = arith.constant 48 : index
      %get3A_994 = tpu.vector_load %arg9[%get3A_992, %get3A_993] {strides = array<i32>} : memref<25x64xf32, #tpu.memory_space<vmem>>, vector<1x16xf32>,
      %get3A_995 = vector.shape_cast %get3A_994 : vector<1x16xf32> to vector<16xf32>
      %swap3A_996 = arith.index_cast %add3A_990 : i32 to index
      %swap3A_997 = arith.constant 48 : index
      %swap3A_998 = tpu.vector_load %arg8[%swap3A_996, %swap3A_997] {strides = array<i32>} : memref<400x64xf32, #tpu.memory_space<vmem>>, vector<1x16xf32>,
      %swap3A_999 = vector.shape_cast %swap3A_998 : vector<1x16xf32> to vector<16xf32>
      %swap3A_1000 = vector.shape_cast %get3A_995 : vector<16xf32> to vector<1x16xf32>
      tpu.vector_store %arg8[%swap3A_996, %swap3A_997], %swap3A_1000 {add = true, strides = array<i32>} : memref<400x64xf32, #tpu.memory_space<vmem>>, vector<1x16xf32>,
      %add3A_1001 = arith.constant 20 : i32
      %add3A_1002 = arith.addi %mul3A_42, %add3A_1001 : i32
      %get3A_1003 = arith.constant 20 : i32
      %get3A_1004 = arith.index_cast %get3A_1003 : i32 to index
      %get3A_1005 = arith.constant 0 : index
      %get3A_1006 = tpu.vector_load %arg9[%get3A_1004, %get3A_1005] {strides = array<i32>} : memref<25x64xf32, #tpu.memory_space<vmem>>, vector<1x16xf32>,
      %get3A_1007 = vector.shape_cast %get3A_1006 : vector<1x16xf32> to vector<16xf32>
      %swap3A_1008 = arith.index_cast %add3A_1002 : i32 to index
      %swap3A_1009 = arith.constant 0 : index
      %swap3A_1010 = tpu.vector_load %arg8[%swap3A_1008, %swap3A_1009] {strides = array<i32>} : memref<400x64xf32, #tpu.memory_space<vmem>>, vector<1x16xf32>,
      %swap3A_1011 = vector.shape_cast %swap3A_1010 : vector<1x16xf32> to vector<16xf32>
      %swap3A_1012 = vector.shape_cast %get3A_1007 : vector<16xf32> to vector<1x16xf32>
      tpu.vector_store %arg8[%swap3A_1008, %swap3A_1009], %swap3A_1012 {add = true, strides = array<i32>} : memref<400x64xf32, #tpu.memory_space<vmem>>, vector<1x16xf32>,
      %add3A_1013 = arith.constant 20 : i32
      %add3A_1014 = arith.addi %mul3A_42, %add3A_1013 : i32
      %get3A_1015 = arith.constant 20 : i32
      %get3A_1016 = arith.index_cast %get3A_1015 : i32 to index
      %get3A_1017 = arith.constant 16 : index
      %get3A_1018 = tpu.vector_load %arg9[%get3A_1016, %get3A_1017] {strides = array<i32>} : memref<25x64xf32, #tpu.memory_space<vmem>>, vector<1x16xf32>,
      %get3A_1019 = vector.shape_cast %get3A_1018 : vector<1x16xf32> to vector<16xf32>
      %swap3A_1020 = arith.index_cast %add3A_1014 : i32 to index
      %swap3A_1021 = arith.constant 16 : index
      %swap3A_1022 = tpu.vector_load %arg8[%swap3A_1020, %swap3A_1021] {strides = array<i32>} : memref<400x64xf32, #tpu.memory_space<vmem>>, vector<1x16xf32>,
      %swap3A_1023 = vector.shape_cast %swap3A_1022 : vector<1x16xf32> to vector<16xf32>
      %swap3A_1024 = vector.shape_cast %get3A_1019 : vector<16xf32> to vector<1x16xf32>
      tpu.vector_store %arg8[%swap3A_1020, %swap3A_1021], %swap3A_1024 {add = true, strides = array<i32>} : memref<400x64xf32, #tpu.memory_space<vmem>>, vector<1x16xf32>,
      %add3A_1025 = arith.constant 20 : i32
      %add3A_1026 = arith.addi %mul3A_42, %add3A_1025 : i32
      %get3A_1027 = arith.constant 20 : i32
      %get3A_1028 = arith.index_cast %get3A_1027 : i32 to index
      %get3A_1029 = arith.constant 32 : index
      %get3A_1030 = tpu.vector_load %arg9[%get3A_1028, %get3A_1029] {strides = array<i32>} : memref<25x64xf32, #tpu.memory_space<vmem>>, vector<1x16xf32>,
      %get3A_1031 = vector.shape_cast %get3A_1030 : vector<1x16xf32> to vector<16xf32>
      %swap3A_1032 = arith.index_cast %add3A_1026 : i32 to index
      %swap3A_1033 = arith.constant 32 : index
      %swap3A_1034 = tpu.vector_load %arg8[%swap3A_1032, %swap3A_1033] {strides = array<i32>} : memref<400x64xf32, #tpu.memory_space<vmem>>, vector<1x16xf32>,
      %swap3A_1035 = vector.shape_cast %swap3A_1034 : vector<1x16xf32> to vector<16xf32>
      %swap3A_1036 = vector.shape_cast %get3A_1031 : vector<16xf32> to vector<1x16xf32>
      tpu.vector_store %arg8[%swap3A_1032, %swap3A_1033], %swap3A_1036 {add = true, strides = array<i32>} : memref<400x64xf32, #tpu.memory_space<vmem>>, vector<1x16xf32>,
      %add3A_1037 = arith.constant 20 : i32
      %add3A_1038 = arith.addi %mul3A_42, %add3A_1037 : i32
      %get3A_1039 = arith.constant 20 : i32
      %get3A_1040 = arith.index_cast %get3A_1039 : i32 to index
      %get3A_1041 = arith.constant 48 : index
      %get3A_1042 = tpu.vector_load %arg9[%get3A_1040, %get3A_1041] {strides = array<i32>} : memref<25x64xf32, #tpu.memory_space<vmem>>, vector<1x16xf32>,
      %get3A_1043 = vector.shape_cast %get3A_1042 : vector<1x16xf32> to vector<16xf32>
      %swap3A_1044 = arith.index_cast %add3A_1038 : i32 to index
      %swap3A_1045 = arith.constant 48 : index
      %swap3A_1046 = tpu.vector_load %arg8[%swap3A_1044, %swap3A_1045] {strides = array<i32>} : memref<400x64xf32, #tpu.memory_space<vmem>>, vector<1x16xf32>,
      %swap3A_1047 = vector.shape_cast %swap3A_1046 : vector<1x16xf32> to vector<16xf32>
      %swap3A_1048 = vector.shape_cast %get3A_1043 : vector<16xf32> to vector<1x16xf32>
      tpu.vector_store %arg8[%swap3A_1044, %swap3A_1045], %swap3A_1048 {add = true, strides = array<i32>} : memref<400x64xf32, #tpu.memory_space<vmem>>, vector<1x16xf32>,
      %add3A_1049 = arith.constant 21 : i32
      %add3A_1050 = arith.addi %mul3A_42, %add3A_1049 : i32
      %get3A_1051 = arith.constant 21 : i32
      %get3A_1052 = arith.index_cast %get3A_1051 : i32 to index
      %get3A_1053 = arith.constant 0 : index
      %get3A_1054 = tpu.vector_load %arg9[%get3A_1052, %get3A_1053] {strides = array<i32>} : memref<25x64xf32, #tpu.memory_space<vmem>>, vector<1x16xf32>,
      %get3A_1055 = vector.shape_cast %get3A_1054 : vector<1x16xf32> to vector<16xf32>
      %swap3A_1056 = arith.index_cast %add3A_1050 : i32 to index
      %swap3A_1057 = arith.constant 0 : index
      %swap3A_1058 = tpu.vector_load %arg8[%swap3A_1056, %swap3A_1057] {strides = array<i32>} : memref<400x64xf32, #tpu.memory_space<vmem>>, vector<1x16xf32>,
      %swap3A_1059 = vector.shape_cast %swap3A_1058 : vector<1x16xf32> to vector<16xf32>
      %swap3A_1060 = vector.shape_cast %get3A_1055 : vector<16xf32> to vector<1x16xf32>
      tpu.vector_store %arg8[%swap3A_1056, %swap3A_1057], %swap3A_1060 {add = true, strides = array<i32>} : memref<400x64xf32, #tpu.memory_space<vmem>>, vector<1x16xf32>,
      %add3A_1061 = arith.constant 21 : i32
      %add3A_1062 = arith.addi %mul3A_42, %add3A_1061 : i32
      %get3A_1063 = arith.constant 21 : i32
      %get3A_1064 = arith.index_cast %get3A_1063 : i32 to index
      %get3A_1065 = arith.constant 16 : index
      %get3A_1066 = tpu.vector_load %arg9[%get3A_1064, %get3A_1065] {strides = array<i32>} : memref<25x64xf32, #tpu.memory_space<vmem>>, vector<1x16xf32>,
      %get3A_1067 = vector.shape_cast %get3A_1066 : vector<1x16xf32> to vector<16xf32>
      %swap3A_1068 = arith.index_cast %add3A_1062 : i32 to index
      %swap3A_1069 = arith.constant 16 : index
      %swap3A_1070 = tpu.vector_load %arg8[%swap3A_1068, %swap3A_1069] {strides = array<i32>} : memref<400x64xf32, #tpu.memory_space<vmem>>, vector<1x16xf32>,
      %swap3A_1071 = vector.shape_cast %swap3A_1070 : vector<1x16xf32> to vector<16xf32>
      %swap3A_1072 = vector.shape_cast %get3A_1067 : vector<16xf32> to vector<1x16xf32>
      tpu.vector_store %arg8[%swap3A_1068, %swap3A_1069], %swap3A_1072 {add = true, strides = array<i32>} : memref<400x64xf32, #tpu.memory_space<vmem>>, vector<1x16xf32>,
      %add3A_1073 = arith.constant 21 : i32
      %add3A_1074 = arith.addi %mul3A_42, %add3A_1073 : i32
      %get3A_1075 = arith.constant 21 : i32
      %get3A_1076 = arith.index_cast %get3A_1075 : i32 to index
      %get3A_1077 = arith.constant 32 : index
      %get3A_1078 = tpu.vector_load %arg9[%get3A_1076, %get3A_1077] {strides = array<i32>} : memref<25x64xf32, #tpu.memory_space<vmem>>, vector<1x16xf32>,
      %get3A_1079 = vector.shape_cast %get3A_1078 : vector<1x16xf32> to vector<16xf32>
      %swap3A_1080 = arith.index_cast %add3A_1074 : i32 to index
      %swap3A_1081 = arith.constant 32 : index
      %swap3A_1082 = tpu.vector_load %arg8[%swap3A_1080, %swap3A_1081] {strides = array<i32>} : memref<400x64xf32, #tpu.memory_space<vmem>>, vector<1x16xf32>,
      %swap3A_1083 = vector.shape_cast %swap3A_1082 : vector<1x16xf32> to vector<16xf32>
      %swap3A_1084 = vector.shape_cast %get3A_1079 : vector<16xf32> to vector<1x16xf32>
      tpu.vector_store %arg8[%swap3A_1080, %swap3A_1081], %swap3A_1084 {add = true, strides = array<i32>} : memref<400x64xf32, #tpu.memory_space<vmem>>, vector<1x16xf32>,
      %add3A_1085 = arith.constant 21 : i32
      %add3A_1086 = arith.addi %mul3A_42, %add3A_1085 : i32
      %get3A_1087 = arith.constant 21 : i32
      %get3A_1088 = arith.index_cast %get3A_1087 : i32 to index
      %get3A_1089 = arith.constant 48 : index
      %get3A_1090 = tpu.vector_load %arg9[%get3A_1088, %get3A_1089] {strides = array<i32>} : memref<25x64xf32, #tpu.memory_space<vmem>>, vector<1x16xf32>,
      %get3A_1091 = vector.shape_cast %get3A_1090 : vector<1x16xf32> to vector<16xf32>
      %swap3A_1092 = arith.index_cast %add3A_1086 : i32 to index
      %swap3A_1093 = arith.constant 48 : index
      %swap3A_1094 = tpu.vector_load %arg8[%swap3A_1092, %swap3A_1093] {strides = array<i32>} : memref<400x64xf32, #tpu.memory_space<vmem>>, vector<1x16xf32>,
      %swap3A_1095 = vector.shape_cast %swap3A_1094 : vector<1x16xf32> to vector<16xf32>
      %swap3A_1096 = vector.shape_cast %get3A_1091 : vector<16xf32> to vector<1x16xf32>
      tpu.vector_store %arg8[%swap3A_1092, %swap3A_1093], %swap3A_1096 {add = true, strides = array<i32>} : memref<400x64xf32, #tpu.memory_space<vmem>>, vector<1x16xf32>,
      %add3A_1097 = arith.constant 22 : i32
      %add3A_1098 = arith.addi %mul3A_42, %add3A_1097 : i32
      %get3A_1099 = arith.constant 22 : i32
      %get3A_1100 = arith.index_cast %get3A_1099 : i32 to index
      %get3A_1101 = arith.constant 0 : index
      %get3A_1102 = tpu.vector_load %arg9[%get3A_1100, %get3A_1101] {strides = array<i32>} : memref<25x64xf32, #tpu.memory_space<vmem>>, vector<1x16xf32>,
      %get3A_1103 = vector.shape_cast %get3A_1102 : vector<1x16xf32> to vector<16xf32>
      %swap3A_1104 = arith.index_cast %add3A_1098 : i32 to index
      %swap3A_1105 = arith.constant 0 : index
      %swap3A_1106 = tpu.vector_load %arg8[%swap3A_1104, %swap3A_1105] {strides = array<i32>} : memref<400x64xf32, #tpu.memory_space<vmem>>, vector<1x16xf32>,
      %swap3A_1107 = vector.shape_cast %swap3A_1106 : vector<1x16xf32> to vector<16xf32>
      %swap3A_1108 = vector.shape_cast %get3A_1103 : vector<16xf32> to vector<1x16xf32>
      tpu.vector_store %arg8[%swap3A_1104, %swap3A_1105], %swap3A_1108 {add = true, strides = array<i32>} : memref<400x64xf32, #tpu.memory_space<vmem>>, vector<1x16xf32>,
      %add3A_1109 = arith.constant 22 : i32
      %add3A_1110 = arith.addi %mul3A_42, %add3A_1109 : i32
      %get3A_1111 = arith.constant 22 : i32
      %get3A_1112 = arith.index_cast %get3A_1111 : i32 to index
      %get3A_1113 = arith.constant 16 : index
      %get3A_1114 = tpu.vector_load %arg9[%get3A_1112, %get3A_1113] {strides = array<i32>} : memref<25x64xf32, #tpu.memory_space<vmem>>, vector<1x16xf32>,
      %get3A_1115 = vector.shape_cast %get3A_1114 : vector<1x16xf32> to vector<16xf32>
      %swap3A_1116 = arith.index_cast %add3A_1110 : i32 to index
      %swap3A_1117 = arith.constant 16 : index
      %swap3A_1118 = tpu.vector_load %arg8[%swap3A_1116, %swap3A_1117] {strides = array<i32>} : memref<400x64xf32, #tpu.memory_space<vmem>>, vector<1x16xf32>,
      %swap3A_1119 = vector.shape_cast %swap3A_1118 : vector<1x16xf32> to vector<16xf32>
      %swap3A_1120 = vector.shape_cast %get3A_1115 : vector<16xf32> to vector<1x16xf32>
      tpu.vector_store %arg8[%swap3A_1116, %swap3A_1117], %swap3A_1120 {add = true, strides = array<i32>} : memref<400x64xf32, #tpu.memory_space<vmem>>, vector<1x16xf32>,
      %add3A_1121 = arith.constant 22 : i32
      %add3A_1122 = arith.addi %mul3A_42, %add3A_1121 : i32
      %get3A_1123 = arith.constant 22 : i32
      %get3A_1124 = arith.index_cast %get3A_1123 : i32 to index
      %get3A_1125 = arith.constant 32 : index
      %get3A_1126 = tpu.vector_load %arg9[%get3A_1124, %get3A_1125] {strides = array<i32>} : memref<25x64xf32, #tpu.memory_space<vmem>>, vector<1x16xf32>,
      %get3A_1127 = vector.shape_cast %get3A_1126 : vector<1x16xf32> to vector<16xf32>
      %swap3A_1128 = arith.index_cast %add3A_1122 : i32 to index
      %swap3A_1129 = arith.constant 32 : index
      %swap3A_1130 = tpu.vector_load %arg8[%swap3A_1128, %swap3A_1129] {strides = array<i32>} : memref<400x64xf32, #tpu.memory_space<vmem>>, vector<1x16xf32>,
      %swap3A_1131 = vector.shape_cast %swap3A_1130 : vector<1x16xf32> to vector<16xf32>
      %swap3A_1132 = vector.shape_cast %get3A_1127 : vector<16xf32> to vector<1x16xf32>
      tpu.vector_store %arg8[%swap3A_1128, %swap3A_1129], %swap3A_1132 {add = true, strides = array<i32>} : memref<400x64xf32, #tpu.memory_space<vmem>>, vector<1x16xf32>,
      %add3A_1133 = arith.constant 22 : i32
      %add3A_1134 = arith.addi %mul3A_42, %add3A_1133 : i32
      %get3A_1135 = arith.constant 22 : i32
      %get3A_1136 = arith.index_cast %get3A_1135 : i32 to index
      %get3A_1137 = arith.constant 48 : index
      %get3A_1138 = tpu.vector_load %arg9[%get3A_1136, %get3A_1137] {strides = array<i32>} : memref<25x64xf32, #tpu.memory_space<vmem>>, vector<1x16xf32>,
      %get3A_1139 = vector.shape_cast %get3A_1138 : vector<1x16xf32> to vector<16xf32>
      %swap3A_1140 = arith.index_cast %add3A_1134 : i32 to index
      %swap3A_1141 = arith.constant 48 : index
      %swap3A_1142 = tpu.vector_load %arg8[%swap3A_1140, %swap3A_1141] {strides = array<i32>} : memref<400x64xf32, #tpu.memory_space<vmem>>, vector<1x16xf32>,
      %swap3A_1143 = vector.shape_cast %swap3A_1142 : vector<1x16xf32> to vector<16xf32>
      %swap3A_1144 = vector.shape_cast %get3A_1139 : vector<16xf32> to vector<1x16xf32>
      tpu.vector_store %arg8[%swap3A_1140, %swap3A_1141], %swap3A_1144 {add = true, strides = array<i32>} : memref<400x64xf32, #tpu.memory_space<vmem>>, vector<1x16xf32>,
      %add3A_1145 = arith.constant 23 : i32
      %add3A_1146 = arith.addi %mul3A_42, %add3A_1145 : i32
      %get3A_1147 = arith.constant 23 : i32
      %get3A_1148 = arith.index_cast %get3A_1147 : i32 to index
      %get3A_1149 = arith.constant 0 : index
      %get3A_1150 = tpu.vector_load %arg9[%get3A_1148, %get3A_1149] {strides = array<i32>} : memref<25x64xf32, #tpu.memory_space<vmem>>, vector<1x16xf32>,
      %get3A_1151 = vector.shape_cast %get3A_1150 : vector<1x16xf32> to vector<16xf32>
      %swap3A_1152 = arith.index_cast %add3A_1146 : i32 to index
      %swap3A_1153 = arith.constant 0 : index
      %swap3A_1154 = tpu.vector_load %arg8[%swap3A_1152, %swap3A_1153] {strides = array<i32>} : memref<400x64xf32, #tpu.memory_space<vmem>>, vector<1x16xf32>,
      %swap3A_1155 = vector.shape_cast %swap3A_1154 : vector<1x16xf32> to vector<16xf32>
      %swap3A_1156 = vector.shape_cast %get3A_1151 : vector<16xf32> to vector<1x16xf32>
      tpu.vector_store %arg8[%swap3A_1152, %swap3A_1153], %swap3A_1156 {add = true, strides = array<i32>} : memref<400x64xf32, #tpu.memory_space<vmem>>, vector<1x16xf32>,
      %add3A_1157 = arith.constant 23 : i32
      %add3A_1158 = arith.addi %mul3A_42, %add3A_1157 : i32
      %get3A_1159 = arith.constant 23 : i32
      %get3A_1160 = arith.index_cast %get3A_1159 : i32 to index
      %get3A_1161 = arith.constant 16 : index
      %get3A_1162 = tpu.vector_load %arg9[%get3A_1160, %get3A_1161] {strides = array<i32>} : memref<25x64xf32, #tpu.memory_space<vmem>>, vector<1x16xf32>,
      %get3A_1163 = vector.shape_cast %get3A_1162 : vector<1x16xf32> to vector<16xf32>
      %swap3A_1164 = arith.index_cast %add3A_1158 : i32 to index
      %swap3A_1165 = arith.constant 16 : index
      %swap3A_1166 = tpu.vector_load %arg8[%swap3A_1164, %swap3A_1165] {strides = array<i32>} : memref<400x64xf32, #tpu.memory_space<vmem>>, vector<1x16xf32>,
      %swap3A_1167 = vector.shape_cast %swap3A_1166 : vector<1x16xf32> to vector<16xf32>
      %swap3A_1168 = vector.shape_cast %get3A_1163 : vector<16xf32> to vector<1x16xf32>
      tpu.vector_store %arg8[%swap3A_1164, %swap3A_1165], %swap3A_1168 {add = true, strides = array<i32>} : memref<400x64xf32, #tpu.memory_space<vmem>>, vector<1x16xf32>,
      %add3A_1169 = arith.constant 23 : i32
      %add3A_1170 = arith.addi %mul3A_42, %add3A_1169 : i32
      %get3A_1171 = arith.constant 23 : i32
      %get3A_1172 = arith.index_cast %get3A_1171 : i32 to index
      %get3A_1173 = arith.constant 32 : index
      %get3A_1174 = tpu.vector_load %arg9[%get3A_1172, %get3A_1173] {strides = array<i32>} : memref<25x64xf32, #tpu.memory_space<vmem>>, vector<1x16xf32>,
      %get3A_1175 = vector.shape_cast %get3A_1174 : vector<1x16xf32> to vector<16xf32>
      %swap3A_1176 = arith.index_cast %add3A_1170 : i32 to index
      %swap3A_1177 = arith.constant 32 : index
      %swap3A_1178 = tpu.vector_load %arg8[%swap3A_1176, %swap3A_1177] {strides = array<i32>} : memref<400x64xf32, #tpu.memory_space<vmem>>, vector<1x16xf32>,
      %swap3A_1179 = vector.shape_cast %swap3A_1178 : vector<1x16xf32> to vector<16xf32>
      %swap3A_1180 = vector.shape_cast %get3A_1175 : vector<16xf32> to vector<1x16xf32>
      tpu.vector_store %arg8[%swap3A_1176, %swap3A_1177], %swap3A_1180 {add = true, strides = array<i32>} : memref<400x64xf32, #tpu.memory_space<vmem>>, vector<1x16xf32>,
      %add3A_1181 = arith.constant 23 : i32
      %add3A_1182 = arith.addi %mul3A_42, %add3A_1181 : i32
      %get3A_1183 = arith.constant 23 : i32
      %get3A_1184 = arith.index_cast %get3A_1183 : i32 to index
      %get3A_1185 = arith.constant 48 : index
      %get3A_1186 = tpu.vector_load %arg9[%get3A_1184, %get3A_1185] {strides = array<i32>} : memref<25x64xf32, #tpu.memory_space<vmem>>, vector<1x16xf32>,
      %get3A_1187 = vector.shape_cast %get3A_1186 : vector<1x16xf32> to vector<16xf32>
      %swap3A_1188 = arith.index_cast %add3A_1182 : i32 to index
      %swap3A_1189 = arith.constant 48 : index
      %swap3A_1190 = tpu.vector_load %arg8[%swap3A_1188, %swap3A_1189] {strides = array<i32>} : memref<400x64xf32, #tpu.memory_space<vmem>>, vector<1x16xf32>,
      %swap3A_1191 = vector.shape_cast %swap3A_1190 : vector<1x16xf32> to vector<16xf32>
      %swap3A_1192 = vector.shape_cast %get3A_1187 : vector<16xf32> to vector<1x16xf32>
      tpu.vector_store %arg8[%swap3A_1188, %swap3A_1189], %swap3A_1192 {add = true, strides = array<i32>} : memref<400x64xf32, #tpu.memory_space<vmem>>, vector<1x16xf32>,
      %add3A_1193 = arith.constant 24 : i32
      %add3A_1194 = arith.addi %mul3A_42, %add3A_1193 : i32
      %get3A_1195 = arith.constant 24 : i32
      %get3A_1196 = arith.index_cast %get3A_1195 : i32 to index
      %get3A_1197 = arith.constant 0 : index
      %get3A_1198 = tpu.vector_load %arg9[%get3A_1196, %get3A_1197] {strides = array<i32>} : memref<25x64xf32, #tpu.memory_space<vmem>>, vector<1x16xf32>,
      %get3A_1199 = vector.shape_cast %get3A_1198 : vector<1x16xf32> to vector<16xf32>
      %swap3A_1200 = arith.index_cast %add3A_1194 : i32 to index
      %swap3A_1201 = arith.constant 0 : index
      %swap3A_1202 = tpu.vector_load %arg8[%swap3A_1200, %swap3A_1201] {strides = array<i32>} : memref<400x64xf32, #tpu.memory_space<vmem>>, vector<1x16xf32>,
      %swap3A_1203 = vector.shape_cast %swap3A_1202 : vector<1x16xf32> to vector<16xf32>
      %swap3A_1204 = vector.shape_cast %get3A_1199 : vector<16xf32> to vector<1x16xf32>
      tpu.vector_store %arg8[%swap3A_1200, %swap3A_1201], %swap3A_1204 {add = true, strides = array<i32>} : memref<400x64xf32, #tpu.memory_space<vmem>>, vector<1x16xf32>,
      %add3A_1205 = arith.constant 24 : i32
      %add3A_1206 = arith.addi %mul3A_42, %add3A_1205 : i32
      %get3A_1207 = arith.constant 24 : i32
      %get3A_1208 = arith.index_cast %get3A_1207 : i32 to index
      %get3A_1209 = arith.constant 16 : index
      %get3A_1210 = tpu.vector_load %arg9[%get3A_1208, %get3A_1209] {strides = array<i32>} : memref<25x64xf32, #tpu.memory_space<vmem>>, vector<1x16xf32>,
      %get3A_1211 = vector.shape_cast %get3A_1210 : vector<1x16xf32> to vector<16xf32>
      %swap3A_1212 = arith.index_cast %add3A_1206 : i32 to index
      %swap3A_1213 = arith.constant 16 : index
      %swap3A_1214 = tpu.vector_load %arg8[%swap3A_1212, %swap3A_1213] {strides = array<i32>} : memref<400x64xf32, #tpu.memory_space<vmem>>, vector<1x16xf32>,
      %swap3A_1215 = vector.shape_cast %swap3A_1214 : vector<1x16xf32> to vector<16xf32>
      %swap3A_1216 = vector.shape_cast %get3A_1211 : vector<16xf32> to vector<1x16xf32>
      tpu.vector_store %arg8[%swap3A_1212, %swap3A_1213], %swap3A_1216 {add = true, strides = array<i32>} : memref<400x64xf32, #tpu.memory_space<vmem>>, vector<1x16xf32>,
      %add3A_1217 = arith.constant 24 : i32
      %add3A_1218 = arith.addi %mul3A_42, %add3A_1217 : i32
      %get3A_1219 = arith.constant 24 : i32
      %get3A_1220 = arith.index_cast %get3A_1219 : i32 to index
      %get3A_1221 = arith.constant 32 : index
      %get3A_1222 = tpu.vector_load %arg9[%get3A_1220, %get3A_1221] {strides = array<i32>} : memref<25x64xf32, #tpu.memory_space<vmem>>, vector<1x16xf32>,
      %get3A_1223 = vector.shape_cast %get3A_1222 : vector<1x16xf32> to vector<16xf32>
      %swap3A_1224 = arith.index_cast %add3A_1218 : i32 to index
      %swap3A_1225 = arith.constant 32 : index
      %swap3A_1226 = tpu.vector_load %arg8[%swap3A_1224, %swap3A_1225] {strides = array<i32>} : memref<400x64xf32, #tpu.memory_space<vmem>>, vector<1x16xf32>,
      %swap3A_1227 = vector.shape_cast %swap3A_1226 : vector<1x16xf32> to vector<16xf32>
      %swap3A_1228 = vector.shape_cast %get3A_1223 : vector<16xf32> to vector<1x16xf32>
      tpu.vector_store %arg8[%swap3A_1224, %swap3A_1225], %swap3A_1228 {add = true, strides = array<i32>} : memref<400x64xf32, #tpu.memory_space<vmem>>, vector<1x16xf32>,
      %add3A_1229 = arith.constant 24 : i32
      %add3A_1230 = arith.addi %mul3A_42, %add3A_1229 : i32
      %get3A_1231 = arith.constant 24 : i32
      %get3A_1232 = arith.index_cast %get3A_1231 : i32 to index
      %get3A_1233 = arith.constant 48 : index
      %get3A_1234 = tpu.vector_load %arg9[%get3A_1232, %get3A_1233] {strides = array<i32>} : memref<25x64xf32, #tpu.memory_space<vmem>>, vector<1x16xf32>,
      %get3A_1235 = vector.shape_cast %get3A_1234 : vector<1x16xf32> to vector<16xf32>
      %swap3A_1236 = arith.index_cast %add3A_1230 : i32 to index
      %swap3A_1237 = arith.constant 48 : index
      %swap3A_1238 = tpu.vector_load %arg8[%swap3A_1236, %swap3A_1237] {strides = array<i32>} : memref<400x64xf32, #tpu.memory_space<vmem>>, vector<1x16xf32>,
      %swap3A_1239 = vector.shape_cast %swap3A_1238 : vector<1x16xf32> to vector<16xf32>
      %swap3A_1240 = vector.shape_cast %get3A_1235 : vector<16xf32> to vector<1x16xf32>
      tpu.vector_store %arg8[%swap3A_1236, %swap3A_1237], %swap3A_1240 {add = true, strides = array<i32>} : memref<400x64xf32, #tpu.memory_space<vmem>>, vector<1x16xf32>,
      %scan3A_1241 = arith.constant 0 : i32
      scf.yield %scan3A_1241 : i32
    }
    %scan3A_20 = arith.constant 16 : i32
    %add3A_21 = arith.constant 15600 : i32
    %add3A_22 = arith.addi %multiple_of3A, %add3A_21 : i32
    %multiple_of3A_23 = tpu.assume_multiple %add3A_22, 8 : i32
    %dma_start3A = arith.constant 0 : i32
    %dma_start3A_24 = tpu.memref_slice %arg5[%multiple_of3A_23, %dma_start3A] : memref<512000x64xf32, #tpu.memory_space<hbm>> -> memref<400x64xf32, #tpu.memory_space<hbm>>
    %dma_start3A_25 = arith.constant 0 : i32
    %dma_start3A_26 = tpu.memref_slice %arg5[%multiple_of3A_23, %dma_start3A_25] : memref<512000x64xf32, #tpu.memory_space<hbm>> -> memref<400x64xf32, #tpu.memory_space<hbm>>
    tpu.enqueue_dma source(%arg8 : memref<400x64xf32, #tpu.memory_space<vmem>>) target(%dma_start3A_26 : memref<400x64xf32, #tpu.memory_space<hbm>>) target_semaphore(%arg13 : memref<!tpu.dma_semaphore, #tpu.memory_space<semaphore_mem>>)
    %dma_wait3A_27 = arith.constant 0 : i32
    %dma_wait3A_28 = arith.constant 0 : i32
    %dma_wait3A_29 = tpu.memref_slice %arg5[%dma_wait3A_27, %dma_wait3A_28] : memref<512000x64xf32, #tpu.memory_space<hbm>> -> memref<400x64xf32, #tpu.memory_space<hbm>>
    %dma_wait3A_30 = arith.constant 0 : i32
    %dma_wait3A_31 = arith.constant 0 : i32
    %dma_wait3A_32 = tpu.memref_slice %arg5[%dma_wait3A_30, %dma_wait3A_31] : memref<512000x64xf32, #tpu.memory_space<hbm>> -> memref<400x64xf32, #tpu.memory_space<hbm>>
    tpu.wait_dma2 semaphore(%arg12 : memref<!tpu.dma_semaphore, #tpu.memory_space<semaphore_mem>>) src(%dma_wait3A_32 : memref<400x64xf32, #tpu.memory_space<hbm>>) dst(%arg7 : memref<400x64xf32, #tpu.memory_space<vmem>>)
    %dma_wait3A_33 = arith.constant 0 : i32
    %dma_wait3A_34 = arith.constant 0 : i32
    %dma_wait3A_35 = tpu.memref_slice %arg5[%dma_wait3A_33, %dma_wait3A_34] : memref<512000x64xf32, #tpu.memory_space<hbm>> -> memref<400x64xf32, #tpu.memory_space<hbm>>
    %dma_wait3A_36 = arith.constant 0 : i32
    %dma_wait3A_37 = arith.constant 0 : i32
    %dma_wait3A_38 = tpu.memref_slice %arg5[%dma_wait3A_36, %dma_wait3A_37] : memref<512000x64xf32, #tpu.memory_space<hbm>> -> memref<400x64xf32, #tpu.memory_space<hbm>>
    tpu.wait_dma2 semaphore(%arg13 : memref<!tpu.dma_semaphore, #tpu.memory_space<semaphore_mem>>) src(%dma_wait3A_38 : memref<400x64xf32, #tpu.memory_space<hbm>>) dst(%arg8 : memref<400x64xf32, #tpu.memory_space<vmem>>)
    return
  }
}

</mosaic_0001>

<sc_bundles>
// kernel: kernel.3.cloned.1.call-start
scs
__scs_entry_jumppad:
0x0: {  	(pc) =	sbr.rel $0x88, $3  }
0x1: {  	(tag) =	ssettag $0x0;
	lr =	simm.s32 $0x1  }
0x2: {  	[smem:$0x3F9D] =	sst lr;
	_ =	strace $0xD0000000  }
0x3: {  	_ = 	snop  }
0x4: {  	_ = 	snop  }
0x5: {  	_ = 	snop  }
0x6: {  	_ = 	snop  }
0x7: {  	_ = 	snop  }
__scs_overlays_trampoline_lowered:
0x8: {  	[smem:$0x3FAC] =	sst s0  }
0x9: {  	[smem:$0x3FAD] =	sst s1  }
0xa: {  	[smem:$0x3FAE] =	sst s2  }
0xb: {  	[smem:$0x3FAF] =	sst s3  }
0xc: {  	[smem:$0x3FB0] =	sst s4  }
0xd: {  	[smem:$0x3FB1] =	sst s5  }
0xe: {  	[smem:$0x3FB2] =	sst s6  }
0xf: {  	[smem:$0x3FB3] =	sst s7  }
0x10: {  	[smem:$0x3FB4] =	sst s8  }
0x11: {  	[smem:$0x3FB5] =	sst s9;
	s0 =	simm.s32 @!p0 $0x0  }
0x12: {  	s1 =	sld [smem:$0x3F9B];
	s0 =	simm.s32 @p0 $0x1  }
0x13: {  	[smem:$0x3FB6] =	sst s0;
	s0 =	simm.s32 @!p1 $0x0  }
0x14: {  	s2 =	sld [smem:$0x3F9A];
	s0 =	simm.s32 @p1 $0x1  }
0x15: {  	[smem:$0x3FB7] =	sst s0;
	s0 =	simm.s32 @!p2 $0x0  }
0x16: {  	s3 =	sld [smem:$0x3FDB];
	s0 =	simm.s32 @p2 $0x1  }
0x17: {  	s4 =	simm.s32 $0x1BF5;
	[smem:$0x3FB9] =	sst s0  }
0x18: {  	s0 =	sld [smem:$0x3F9C];
	_ =	swait.ge [sflag:s4], $0x0  }
0x19: {  	s7 =	sld [smem:$0x3F9D]  }
0x1a: {  	s8 =	sadd.s32 $0xFFFFE003, lr  }
0x1b: {  	s9 =	sadd.s32 $0xFFFFFEF7, lr;
	s5 =	simm.s32 $0xFFFFFFFF;
	p2 =	slt.u32 s8, $0xFFFFF086  }
0x1c: {  	p1 =	slt.u32 s9, $0xF7A;
	s5 =	simm.s32 @!p2 $0x0  }
0x1d: {  	s5 =	simm.s32 @p1 $0x1;
	p0 =	seq.s32 s7, s2  }
0x1e: {  	s7 =	smul.u32 @!p0 $0xF7A, s2;
	p2 =	seq.s32 @!p0 s5, $0x0  }
0x1f: {  	s9 =	smul.u32 $0xF7A, s1;
	s8 =	simm.s32 @!p0 $0x1BF5;
	p2 =	por !p2, p0  }
0x20: {  	[sflag:s8] =	ssyncset.s32 @!p0 $0xFFFFF086;
	s6 =	sadd.s32 @!p0 s3, s7;
	s7 =	simm.s32 @!p0 $0x108  }
0x21: {  	s3 =	sadd.s32 s3, s9;
	s6 =	sadd.s32 @!p0 $0x88, s6;
	s7 =	simm.s32 @p2 $0x1082  }
0x22: {  	[simem:s7], [sflag:s8] =	dma.local @!p0 [hbm:s6], $0xF7A  }
0x23: {  	s9 =	sor.u32 $0xD0000000, s2;
	s6 =	simm.s32 $0x108;
	_ =	swait.ge @!p0 [sflag:s8], $0x0  }
0x24: {  	s3 =	sadd.s32 $0x88, s3;
	s6 =	simm.s32 @!p1 $0x1082;
	[sflag:s4] =	ssyncset.s32 $0xFFFFF086  }
0x25: {  	[simem:s6], [sflag:s4] =	dma.local [hbm:s3], $0xF7A  }
0x26: {  	[smem:$0x3F9D] =	sst s1;
	(tag) =	ssettag s2;
	_ =	strace s9  }
0x27: {  	s1 =	sld [smem:$0x3FAD]  }
0x28: {  	s2 =	sld [smem:$0x3FAE]  }
0x29: {  	s4 =	sld [smem:$0x3FB0]  }
0x2a: {  	p0 =	seq.s32 s5, $0x0;
	s5 =	sld [smem:$0x3FB1]  }
0x2b: {  	s6 =	sld [smem:$0x3FB2]  }
0x2c: {  	s7 =	sld [smem:$0x3FB3]  }
0x2d: {  	s3 =	simm.s32 $0x108;
	s8 =	sld [smem:$0x3FB4]  }
0x2e: {  	s3 =	simm.s32 @!p0 $0x1082;
	s9 =	sld [smem:$0x3FB5]  }
0x2f: {  	lr =	sadd.s32 s0, s3;
	s0 =	sld [smem:$0x3FAC]  }
0x30: {  	s3 =	sld [smem:$0x3FAF]  }
0x31: {  	[smem:$0x3FB8] =	sst s10  }
0x32: {  	s10 =	sld [smem:$0x3FB6];
	_ =	sdelay $0x3  }
0x33: {  	p0 =	seq.s32 s10, $0x1;
	s10 =	sld [smem:$0x3FB8];
	_ =	sdelay $0x3  }
0x34: {  	[smem:$0x3FB8] =	sst s10  }
0x35: {  	s10 =	sld [smem:$0x3FB7];
	_ =	sdelay $0x3  }
0x36: {  	p1 =	seq.s32 s10, $0x1;
	s10 =	sld [smem:$0x3FB8];
	_ =	sdelay $0x3  }
0x37: {  	[smem:$0x3FB8] =	sst s10  }
0x38: {  	s10 =	sld [smem:$0x3FB9]  }
0x39: {  	_ = 	snop;
	(pc) =	sbr.ind lr, $3  }
0x3a: {  	_ = 	snop  }
0x3b: {  	_ = 	snop  }
0x3c: {  	p2 =	seq.s32 s10, $0x1;
	s10 =	sld [smem:$0x3FB8]  }
0x3d: {  	_ =	shalt  }
0x3e: {  	_ =	shalt  }
0x3f: {  	_ =	shalt  }
0x40: {  	_ =	shalt  }
0x41: {  	_ =	shalt  }
0x42: {  	_ =	shalt  }
0x43: {  	_ =	shalt  }
0x44: {  	_ =	shalt  }
0x45: {  	_ =	shalt  }
0x46: {  	_ =	shalt  }
0x47: {  	_ =	shalt  }
0x48: {  	_ =	shalt  }
0x49: {  	_ =	shalt  }
0x4a: {  	_ =	shalt  }
0x4b: {  	_ =	shalt  }
0x4c: {  	_ =	shalt  }
0x4d: {  	_ =	shalt  }
0x4e: {  	_ =	shalt  }
0x4f: {  	_ =	shalt  }
0x50: {  	_ =	shalt  }
0x51: {  	_ =	shalt  }
0x52: {  	_ =	shalt  }
0x53: {  	_ =	shalt  }
0x54: {  	_ =	shalt  }
0x55: {  	_ =	shalt  }
0x56: {  	_ =	shalt  }
0x57: {  	_ =	shalt  }
0x58: {  	_ =	shalt  }
0x59: {  	_ =	shalt  }
0x5a: {  	_ =	shalt  }
0x5b: {  	_ =	shalt  }
0x5c: {  	_ =	shalt  }
0x5d: {  	_ =	shalt  }
0x5e: {  	_ =	shalt  }
0x5f: {  	_ =	shalt  }
0x60: {  	_ =	shalt  }
0x61: {  	_ =	shalt  }
0x62: {  	_ =	shalt  }
0x63: {  	_ =	shalt  }
0x64: {  	_ =	shalt  }
0x65: {  	_ =	shalt  }
0x66: {  	_ =	shalt  }
0x67: {  	_ =	shalt  }
0x68: {  	_ =	shalt  }
0x69: {  	_ =	shalt  }
0x6a: {  	_ =	shalt  }
0x6b: {  	_ =	shalt  }
0x6c: {  	_ =	shalt  }
0x6d: {  	_ =	shalt  }
0x6e: {  	_ =	shalt  }
0x6f: {  	_ =	shalt  }
0x70: {  	_ =	shalt  }
0x71: {  	_ =	shalt  }
0x72: {  	_ =	shalt  }
0x73: {  	_ =	shalt  }
0x74: {  	_ =	shalt  }
0x75: {  	_ =	shalt  }
0x76: {  	_ =	shalt  }
0x77: {  	_ =	shalt  }
0x78: {  	_ =	shalt  }
0x79: {  	_ =	shalt  }
0x7a: {  	_ =	shalt  }
0x7b: {  	_ =	shalt  }
0x7c: {  	_ =	shalt  }
0x7d: {  	_ =	shalt  }
0x7e: {  	_ =	shalt  }
0x7f: {  	_ =	shalt  }
0x80: {  	_ =	shalt  }
0x81: {  	_ =	shalt  }
0x82: {  	_ =	shalt  }
0x83: {  	_ =	shalt  }
0x84: {  	_ =	shalt  }
0x85: {  	_ =	shalt  }
0x86: {  	_ =	shalt  }
0x87: {  	_ =	shalt  }
.Lfunc_end0:
.L_simem_size_0:
called_computation.1_lowered:
.L_overlay_start_0:
0x88: {  	s2 =	sld [smem:$0x3FD9]  }
0x89: {  	s3 =	sld [smem:$0x3FFE];
	_ =	sdelay $0x1  }
0x8a: {  	s1 =	srdreg.scid  }
0x8b: {  	s0 =	sand.u32 $0x1, s1  }
0x8c: {  	s17 =	sshll.u32 s0, $0xA;
	s2 =	sadd.s32 s3, s2  }
0x8d: {  	s2 =	sadd.s32 s2, s17  }
0x8e: {  	[smem:$0x3FC4] =	sst s2  }
0x8f: {  	_ = 	snop  }
0x90: {  	s2 =	sld [smem:$0x3FD0];
	(tm) =	ssettm $0x1  }
0x91: {  	s18 =	sld [smem:$0x3FFB];
	_ =	sdelay $0x3  }
0x92: {  	_ =	strace s18  }
0x93: {  	s3 =	sld [smem:$0x3FFC];
	_ =	sdelay $0x3  }
0x94: {  	_ =	strace s3  }
0x95: {  	s3 =	sld [smem:$0x3FFD];
	_ =	sdelay $0x3  }
0x96: {  	_ =	strace s3  }
0x97: {  	_ =	strace $0x8FFFFFFF  }
0x98: {  	s19 =	sld [smem:$0x3FDB];
	_ =	sdelay $0x1  }
0x99: {  	s4 =	simm.s32 $_scs_section_size  }
0x9a: {  	s5 =	simm.s32 $_size__tile_overlayer_lowered;
	s6 =	simm.s32 $_tile_overlayer_lowered  }
0x9b: {  	s22 =	simm.s32 $0x1BFF;
	s21 =	sshll.u32 s6, $0x1;
	s3 =	sadd.s32 s4, s19  }
0x9c: {  	s7 =	simm.s32 $0x0;
	s20 =	sshll.u32 s5, $0x1;
	s5 =	sadd.s32 s21, s3  }
0x9d: {  	[timem:s7], [sflag:s22] =	dma.local [hbm:s5], s20  }
0x9e: {  	_ =	swait.ge [sflag:s22], s20  }
0x9f: {  	s4 =	ssub.s32 $0x0, s20;
	[sflag:s22] =	ssyncset.done $0x0  }
0xa0: {  	[sflag:s22] =	ssyncadd.s32 s4;
	_ =	sdelay $0x1  }
0xa1: {  	s23 =	simm.s32 $0x1B8B  }
0xa2: {  	_ =	swait.ge [sflag:s23], $0x1  }
0xa3: {  	[sflag:s23] =	ssyncset.done $0x0  }
0xa4: {  	s25 =	simm.s32 $0x1B8E;
	s24 =	sld [smem:$0x3FFE];
	[sflag:s23] =	ssyncadd.s32 $0xFFFFFFFF  }
0xa5: {  	s26 =	simm.s32 $execute0_lowered;
	[smem:$0x3FD2] =	sst s25  }
0xa6: {  	s5 =	sshll.u32 s26, $0x1;
	_ =	strace $0x80000046;
	[dreg:$0x1] =	wrdreg $0xFFFFFFFF  }
0xa7: {  	s28 =	simm.s32 $_size_execute0_lowered;
	s3 =	sadd.s32 s3, s5;
	[dreg:$0x0] =	wrdreg $0x0  }
0xa8: {  	s5 =	sshll.u32 s28, $0x1;
	[dreg:$0x2] =	wrdreg s3  }
0xa9: {  	[dreg:$0x3] =	wrdreg s5  }
0xaa: {  	[dreg:$0x4] =	wrdreg $0xC0  }
0xab: {  	_ =	task [dreg:s7], $0x5FFFF  }
0xac: {  	[dreg:$0x1] =	wrdreg $0xFFFFFFFF  }
0xad: {  	[dreg:$0x0] =	wrdreg $0x60  }
0xae: {  	[dreg:$0x2] =	wrdreg s24  }
0xaf: {  	[dreg:$0x3] =	wrdreg s2  }
0xb0: {  	[dreg:$0x4] =	wrdreg $0x9  }
0xb1: {  	_ =	task.clear_ibuf [dreg:s7], $0x5FFFF;
	_ =	strace $0x90000046  }
0xb2: {  	s29 =	simm.s32 $0x9;
	_ =	strace $0x80000048  }
0xb3: {  	_ =	swait.ge [sflag:s29], $0x1  }
0xb4: {  	[sflag:s29] =	ssyncadd.s32 $0xFFFFFFFF  }
0xb5: {  	_ =	strace $0x90000048  }
0xb6: {  	_ =	sfence  }
0xb7: {  	s30 =	sld [smem:$0x0];
	_ =	sdelay $0x2  }
0xb8: {  	s31 =	sshll.u32 s1, $0xD;
	s1 =	sshrl.u32 s1, $0x2  }
0xb9: {  	s3 =	sand.u32 $0x4000, s31;
	s1 =	sadd.s32 s1, s30  }
0xba: {  	s0 =	sor.u32 s3, s0;
	s1 =	sshll.u32 s1, $0x11  }
0xbb: {  	s0 =	sor.u32 s1, s0  }
0xbc: {  	s0 =	sadd.s32 $0x8F2B, s0  }
0xbd: {  	[sflag:s0] =	ssyncadd.remote.s32 $0x1  }
0xbe: {  	_ =	sfence.sel $0xFFFF  }
0xbf: {  	[dreg:$0x0] =	wrdreg $0xFFFFFFFF;
	(pc) =	sbr.abs _section_cstart, $3  }
0xc0: {  	[dreg:$0x1] =	wrdreg $0xFFFFFFFF  }
0xc1: {  	_ =	task.clear_ibuf [dreg:s7], $0x2FFFF;
	_ =	strace $0x9FFFFFFF  }
0xc2: {  	(tm) =	ssettm $0x7FFFFFFF  }
0xc3: {  	_ =	shalt  }
tec
execute0_lowered:
.L_overlay_start_1:
0x0: {  	(tag) =	ssettag $0x1  }
0x1: {  	s0 =	srdreg.scid  }
0x2: {  	s2 =	stileid.u32;
	s1 =	rddreg [dreg:$0x0]  }
0x3: {  	s11 =	simm.s32 $0x5;
	s13 =	simm.s32 $0x50;
	s14 =	simm.s32 $0x3E80  }
0x4: {  	s15 =	simm.s32 $0x5280;
	s16 =	simm.s32 $0x6680;
	s17 =	simm.s32 $0x7A80  }
0x5: {  	s18 =	simm.s32 $0x8E80;
	s19 =	simm.s32 $0xA280;
	s20 =	simm.s32 $0xB680  }
0x6: {  	s21 =	simm.s32 $0xCA80;
	s22 =	simm.s32 $0xDE80;
	s23 =	simm.s32 $0xF280  }
0x7: {  	s24 =	simm.s32 $0x1;
	s25 =	simm.s32 $0x2;
	s26 =	simm.s32 $0x3  }
0x8: {  	s28 =	simm.s32 $0x4;
	s0 =	sand.u32 $0x1, s0;
	s3 =	sshll.u32 s2, $0x1  }
0x9: {  	s29 =	simm.s32 $0x0;
	s2 =	rddreg [dreg:$0x1];
	s5 =	sor.u32 s0, s3  }
0xa: {  	s3 =	simm.s32 $0x0;
	s0 =	ssub.s32 $0x2, s0;
	s4 =	smul.u32 $0x3E80, s5  }
0xb: {  	[smem:$0x7FF] =	sst s3;
	s7 =	smul.u32 $0xFA000, s5;
	s30 =	sshrl.u32 s0, $0x1  }
0xc: {  	s5 =	sadd.s32 $0x10000, s1;
	_ =	strace $0x80000047;
	s0 =	ssub.s32 s0, s30  }
0xd: {  	s6 =	sshrl.u32 s4, $0x3;
	s9 =	sshrl.u32 s7, $0x3;
	s10 =	smax.u32 s0, $0x1  }
0xe: {  	s8 =	sadd.s32 s6, s1;
	s6 =	sadd.s32 $0x400, s1;
	s31 =	sadd.s32 s2, s9  }
0xf: {  	s7 =	sadd.s32 $0x600, s8;
	s8 =	sadd.s32 $0x3FFFE70, s4;
	s9 =	sadd.s32 $0x1E780, s31  }
.LBB2_1:
0x10: {  	[tilespmem:s3], [sflag:$0x5] =	stream.linear.gather [hbm4b:s7+s3], $0x3E80, $0x38;
	[tilespmem:$0x10CC0] =	vst v63  }
0x11: {  	_ =	swait.ge [sflag:s11], $0x3E80  }
0x12: {  	[sflag:s11] =	ssyncset.done $0x0  }
0x13: {  	s0 =	simm.s32 $0x10680;
	[sflag:s11] =	ssyncadd.s32 $0xFFFFC180  }
0x14: {  	[tilespmem:s0], [sflag:$0x5] =	stream.linear.gather [hbm4b:s6+s3], $0x640, $0x38;
	[tilespmem:$0x10CC0] =	vst v63  }
0x15: {  	_ =	swait.ge [sflag:s11], $0x640  }
0x16: {  	[sflag:s11] =	ssyncset.done $0x0  }
0x17: {  	s30 =	simm.s32 $0x0;
	[sflag:s11] =	ssyncadd.s32 $0xFFFFF9C0  }
.LBB2_2:
0x18: {  	p0 =	seq.s32 s30, $0x0  }
0x19: {  	s0 =	simm.s32 @!p0 $0x3  }
0x1a: {  	_ =	swait.ge @!p0 [sflag:s0], $0x6400  }
0x1b: {  	s31 =	smul.u32 $0x320, s30;
	[sflag:s0] =	ssyncset.done @!p0 $0x0  }
0x1c: {  	[sflag:s0] =	ssyncadd.s32 @!p0 $0xFFFF9C00  }
0x1d: {  	[tilespmem:s14], [sflag:$0x1] =	stream.indirect.gather [hbm4b:s5+s13], $0x40, s31, s13, $0xb8;
	[tilespmem:$0x10CC0] =	vst v63  }
0x1e: {  	s1 =	sadd.s32 $0x50, s31  }
0x1f: {  	[tilespmem:s15], [sflag:$0x1] =	stream.indirect.gather [hbm4b:s5+s13], $0x40, s1, s13, $0xb8;
	[tilespmem:$0x10CC0] =	vst v63  }
0x20: {  	s12 =	sadd.s32 $0xA0, s31  }
0x21: {  	[tilespmem:s16], [sflag:$0x1] =	stream.indirect.gather [hbm4b:s5+s13], $0x40, s12, s13, $0xb8;
	[tilespmem:$0x10CC0] =	vst v63  }
.Ltmp0:
0x22: {  	_ = 	snop;
	(pc) =	sbr.rel @p0 .LBB2_6-.Ltmp0, $4  }
0x23: {  	s1 =	sadd.s32 $0xF0, s31  }
0x24: {  	[tilespmem:s17], [sflag:$0x1] =	stream.indirect.gather [hbm4b:s5+s13], $0x40, s1, s13, $0xb8;
	[tilespmem:$0x10CC0] =	vst v63  }
0x25: {  	s12 =	sadd.s32 $0x140, s31  }
0x26: {  	[tilespmem:s18], [sflag:$0x1] =	stream.indirect.gather [hbm4b:s5+s13], $0x40, s12, s13, $0xb8;
	[tilespmem:$0x10CC0] =	vst v63  }
0x27: {  	_ =	swait.ge [sflag:s25], $0x6400  }
0x28: {  	[sflag:s25] =	ssyncset.done $0x0  }
0x29: {  	[sflag:s25] =	ssyncadd.s32 $0xFFFF9C00  }
0x2a: {  	s1 =	simm.s32 $0x0;
	s0 =	simm.s32 $0x1900;
	v0 =	vld [tilespmem:$0x10680]  }
.LBB2_4:
0x2b: {  	p0 =	sne.s32 s0, $0x17700;
	_ =	sdelay $0x2  }
0x2c: {  	s12 =	sshra.s32 s1, $0x2;
	s1 =	smov.u32 s0  }
0x2d: {  	[tilespmem:s12+$0xA280] =	vst.add.f32.msk $0xffff, v0  }
0x2e: {  	v0 =	vld [tilespmem:$0x10690];
	_ =	sdelay $0x4  }
0x2f: {  	[tilespmem:s12+$0xA290] =	vst.add.f32.msk $0xffff, v0  }
0x30: {  	v0 =	vld [tilespmem:$0x106A0];
	_ =	sdelay $0x4  }
0x31: {  	[tilespmem:s12+$0xA2A0] =	vst.add.f32.msk $0xffff, v0  }
0x32: {  	v0 =	vld [tilespmem:$0x106B0];
	_ =	sdelay $0x4  }
0x33: {  	[tilespmem:s12+$0xA2B0] =	vst.add.f32.msk $0xffff, v0  }
0x34: {  	v0 =	vld [tilespmem:$0x106C0];
	_ =	sdelay $0x4  }
0x35: {  	[tilespmem:s12+$0xA2C0] =	vst.add.f32.msk $0xffff, v0  }
0x36: {  	v0 =	vld [tilespmem:$0x106D0];
	_ =	sdelay $0x4  }
0x37: {  	[tilespmem:s12+$0xA2D0] =	vst.add.f32.msk $0xffff, v0  }
0x38: {  	v0 =	vld [tilespmem:$0x106E0];
	_ =	sdelay $0x4  }
0x39: {  	[tilespmem:s12+$0xA2E0] =	vst.add.f32.msk $0xffff, v0  }
0x3a: {  	v0 =	vld [tilespmem:$0x106F0];
	_ =	sdelay $0x4  }
0x3b: {  	[tilespmem:s12+$0xA2F0] =	vst.add.f32.msk $0xffff, v0  }
0x3c: {  	v0 =	vld [tilespmem:$0x10700];
	_ =	sdelay $0x4  }
0x3d: {  	[tilespmem:s12+$0xA300] =	vst.add.f32.msk $0xffff, v0  }
0x3e: {  	v0 =	vld [tilespmem:$0x10710];
	_ =	sdelay $0x4  }
0x3f: {  	[tilespmem:s12+$0xA310] =	vst.add.f32.msk $0xffff, v0  }
0x40: {  	v0 =	vld [tilespmem:$0x10720];
	_ =	sdelay $0x4  }
0x41: {  	[tilespmem:s12+$0xA320] =	vst.add.f32.msk $0xffff, v0  }
0x42: {  	v0 =	vld [tilespmem:$0x10730];
	_ =	sdelay $0x4  }
0x43: {  	[tilespmem:s12+$0xA330] =	vst.add.f32.msk $0xffff, v0  }
0x44: {  	v0 =	vld [tilespmem:$0x10740];
	_ =	sdelay $0x4  }
0x45: {  	[tilespmem:s12+$0xA340] =	vst.add.f32.msk $0xffff, v0  }
0x46: {  	v0 =	vld [tilespmem:$0x10750];
	_ =	sdelay $0x4  }
0x47: {  	[tilespmem:s12+$0xA350] =	vst.add.f32.msk $0xffff, v0  }
0x48: {  	v0 =	vld [tilespmem:$0x10760];
	_ =	sdelay $0x4  }
0x49: {  	[tilespmem:s12+$0xA360] =	vst.add.f32.msk $0xffff, v0  }
0x4a: {  	v0 =	vld [tilespmem:$0x10770];
	_ =	sdelay $0x4  }
0x4b: {  	[tilespmem:s12+$0xA370] =	vst.add.f32.msk $0xffff, v0  }
0x4c: {  	v0 =	vld [tilespmem:$0x10780];
	_ =	sdelay $0x4  }
0x4d: {  	[tilespmem:s12+$0xA380] =	vst.add.f32.msk $0xffff, v0  }
0x4e: {  	v0 =	vld [tilespmem:$0x10790];
	_ =	sdelay $0x4  }
0x4f: {  	[tilespmem:s12+$0xA390] =	vst.add.f32.msk $0xffff, v0  }
0x50: {  	v0 =	vld [tilespmem:$0x107A0];
	_ =	sdelay $0x4  }
0x51: {  	[tilespmem:s12+$0xA3A0] =	vst.add.f32.msk $0xffff, v0  }
0x52: {  	v0 =	vld [tilespmem:$0x107B0];
	_ =	sdelay $0x4  }
0x53: {  	[tilespmem:s12+$0xA3B0] =	vst.add.f32.msk $0xffff, v0  }
0x54: {  	v0 =	vld [tilespmem:$0x107C0];
	_ =	sdelay $0x4  }
0x55: {  	[tilespmem:s12+$0xA3C0] =	vst.add.f32.msk $0xffff, v0  }
0x56: {  	v0 =	vld [tilespmem:$0x107D0];
	_ =	sdelay $0x4  }
0x57: {  	[tilespmem:s12+$0xA3D0] =	vst.add.f32.msk $0xffff, v0  }
0x58: {  	v0 =	vld [tilespmem:$0x107E0];
	_ =	sdelay $0x4  }
0x59: {  	[tilespmem:s12+$0xA3E0] =	vst.add.f32.msk $0xffff, v0  }
0x5a: {  	v0 =	vld [tilespmem:$0x107F0];
	_ =	sdelay $0x4  }
0x5b: {  	[tilespmem:s12+$0xA3F0] =	vst.add.f32.msk $0xffff, v0  }
0x5c: {  	v0 =	vld [tilespmem:$0x10800];
	_ =	sdelay $0x4  }
0x5d: {  	[tilespmem:s12+$0xA400] =	vst.add.f32.msk $0xffff, v0  }
0x5e: {  	v0 =	vld [tilespmem:$0x10810];
	_ =	sdelay $0x4  }
0x5f: {  	[tilespmem:s12+$0xA410] =	vst.add.f32.msk $0xffff, v0  }
0x60: {  	v0 =	vld [tilespmem:$0x10820];
	_ =	sdelay $0x4  }
0x61: {  	[tilespmem:s12+$0xA420] =	vst.add.f32.msk $0xffff, v0  }
0x62: {  	v0 =	vld [tilespmem:$0x10830];
	_ =	sdelay $0x4  }
0x63: {  	[tilespmem:s12+$0xA430] =	vst.add.f32.msk $0xffff, v0  }
0x64: {  	v0 =	vld [tilespmem:$0x10840];
	_ =	sdelay $0x4  }
0x65: {  	[tilespmem:s12+$0xA440] =	vst.add.f32.msk $0xffff, v0  }
0x66: {  	v0 =	vld [tilespmem:$0x10850];
	_ =	sdelay $0x4  }
0x67: {  	[tilespmem:s12+$0xA450] =	vst.add.f32.msk $0xffff, v0  }
0x68: {  	v0 =	vld [tilespmem:$0x10860];
	_ =	sdelay $0x4  }
0x69: {  	[tilespmem:s12+$0xA460] =	vst.add.f32.msk $0xffff, v0  }
0x6a: {  	v0 =	vld [tilespmem:$0x10870];
	_ =	sdelay $0x4  }
0x6b: {  	[tilespmem:s12+$0xA470] =	vst.add.f32.msk $0xffff, v0  }
0x6c: {  	v0 =	vld [tilespmem:$0x10880];
	_ =	sdelay $0x4  }
0x6d: {  	[tilespmem:s12+$0xA480] =	vst.add.f32.msk $0xffff, v0  }
0x6e: {  	v0 =	vld [tilespmem:$0x10890];
	_ =	sdelay $0x4  }
0x6f: {  	[tilespmem:s12+$0xA490] =	vst.add.f32.msk $0xffff, v0  }
0x70: {  	v0 =	vld [tilespmem:$0x108A0];
	_ =	sdelay $0x4  }
0x71: {  	[tilespmem:s12+$0xA4A0] =	vst.add.f32.msk $0xffff, v0  }
0x72: {  	v0 =	vld [tilespmem:$0x108B0];
	_ =	sdelay $0x4  }
0x73: {  	[tilespmem:s12+$0xA4B0] =	vst.add.f32.msk $0xffff, v0  }
0x74: {  	v0 =	vld [tilespmem:$0x108C0];
	_ =	sdelay $0x4  }
0x75: {  	[tilespmem:s12+$0xA4C0] =	vst.add.f32.msk $0xffff, v0  }
0x76: {  	v0 =	vld [tilespmem:$0x108D0];
	_ =	sdelay $0x4  }
0x77: {  	[tilespmem:s12+$0xA4D0] =	vst.add.f32.msk $0xffff, v0  }
0x78: {  	v0 =	vld [tilespmem:$0x108E0];
	_ =	sdelay $0x4  }
0x79: {  	[tilespmem:s12+$0xA4E0] =	vst.add.f32.msk $0xffff, v0  }
0x7a: {  	v0 =	vld [tilespmem:$0x108F0];
	_ =	sdelay $0x4  }
0x7b: {  	[tilespmem:s12+$0xA4F0] =	vst.add.f32.msk $0xffff, v0  }
0x7c: {  	v0 =	vld [tilespmem:$0x10900];
	_ =	sdelay $0x4  }
0x7d: {  	[tilespmem:s12+$0xA500] =	vst.add.f32.msk $0xffff, v0  }
0x7e: {  	v0 =	vld [tilespmem:$0x10910];
	_ =	sdelay $0x4  }
0x7f: {  	[tilespmem:s12+$0xA510] =	vst.add.f32.msk $0xffff, v0  }
0x80: {  	v0 =	vld [tilespmem:$0x10920];
	_ =	sdelay $0x4  }
0x81: {  	[tilespmem:s12+$0xA520] =	vst.add.f32.msk $0xffff, v0  }
0x82: {  	v0 =	vld [tilespmem:$0x10930];
	_ =	sdelay $0x4  }
0x83: {  	[tilespmem:s12+$0xA530] =	vst.add.f32.msk $0xffff, v0  }
0x84: {  	v0 =	vld [tilespmem:$0x10940];
	_ =	sdelay $0x4  }
0x85: {  	[tilespmem:s12+$0xA540] =	vst.add.f32.msk $0xffff, v0  }
0x86: {  	v0 =	vld [tilespmem:$0x10950];
	_ =	sdelay $0x4  }
0x87: {  	[tilespmem:s12+$0xA550] =	vst.add.f32.msk $0xffff, v0  }
0x88: {  	v0 =	vld [tilespmem:$0x10960];
	_ =	sdelay $0x4  }
0x89: {  	[tilespmem:s12+$0xA560] =	vst.add.f32.msk $0xffff, v0  }
0x8a: {  	v0 =	vld [tilespmem:$0x10970];
	_ =	sdelay $0x4  }
0x8b: {  	[tilespmem:s12+$0xA570] =	vst.add.f32.msk $0xffff, v0  }
0x8c: {  	v0 =	vld [tilespmem:$0x10980];
	_ =	sdelay $0x4  }
0x8d: {  	[tilespmem:s12+$0xA580] =	vst.add.f32.msk $0xffff, v0  }
0x8e: {  	v0 =	vld [tilespmem:$0x10990];
	_ =	sdelay $0x4  }
0x8f: {  	[tilespmem:s12+$0xA590] =	vst.add.f32.msk $0xffff, v0  }
0x90: {  	v0 =	vld [tilespmem:$0x109A0];
	_ =	sdelay $0x4  }
0x91: {  	[tilespmem:s12+$0xA5A0] =	vst.add.f32.msk $0xffff, v0  }
0x92: {  	v0 =	vld [tilespmem:$0x109B0];
	_ =	sdelay $0x4  }
0x93: {  	[tilespmem:s12+$0xA5B0] =	vst.add.f32.msk $0xffff, v0  }
0x94: {  	v0 =	vld [tilespmem:$0x109C0];
	_ =	sdelay $0x4  }
0x95: {  	[tilespmem:s12+$0xA5C0] =	vst.add.f32.msk $0xffff, v0  }
0x96: {  	v0 =	vld [tilespmem:$0x109D0];
	_ =	sdelay $0x4  }
0x97: {  	[tilespmem:s12+$0xA5D0] =	vst.add.f32.msk $0xffff, v0  }
0x98: {  	v0 =	vld [tilespmem:$0x109E0];
	_ =	sdelay $0x4  }
0x99: {  	[tilespmem:s12+$0xA5E0] =	vst.add.f32.msk $0xffff, v0  }
0x9a: {  	v0 =	vld [tilespmem:$0x109F0];
	_ =	sdelay $0x4  }
0x9b: {  	[tilespmem:s12+$0xA5F0] =	vst.add.f32.msk $0xffff, v0  }
0x9c: {  	v0 =	vld [tilespmem:$0x10A00];
	_ =	sdelay $0x4  }
0x9d: {  	[tilespmem:s12+$0xA600] =	vst.add.f32.msk $0xffff, v0  }
0x9e: {  	v0 =	vld [tilespmem:$0x10A10];
	_ =	sdelay $0x4  }
0x9f: {  	[tilespmem:s12+$0xA610] =	vst.add.f32.msk $0xffff, v0  }
0xa0: {  	v0 =	vld [tilespmem:$0x10A20];
	_ =	sdelay $0x4  }
0xa1: {  	[tilespmem:s12+$0xA620] =	vst.add.f32.msk $0xffff, v0  }
0xa2: {  	v0 =	vld [tilespmem:$0x10A30];
	_ =	sdelay $0x4  }
0xa3: {  	[tilespmem:s12+$0xA630] =	vst.add.f32.msk $0xffff, v0  }
0xa4: {  	v0 =	vld [tilespmem:$0x10A40];
	_ =	sdelay $0x4  }
0xa5: {  	[tilespmem:s12+$0xA640] =	vst.add.f32.msk $0xffff, v0  }
0xa6: {  	v0 =	vld [tilespmem:$0x10A50];
	_ =	sdelay $0x4  }
0xa7: {  	[tilespmem:s12+$0xA650] =	vst.add.f32.msk $0xffff, v0  }
0xa8: {  	v0 =	vld [tilespmem:$0x10A60];
	_ =	sdelay $0x4  }
0xa9: {  	[tilespmem:s12+$0xA660] =	vst.add.f32.msk $0xffff, v0  }
0xaa: {  	v0 =	vld [tilespmem:$0x10A70];
	_ =	sdelay $0x4  }
0xab: {  	[tilespmem:s12+$0xA670] =	vst.add.f32.msk $0xffff, v0  }
0xac: {  	v0 =	vld [tilespmem:$0x10A80];
	_ =	sdelay $0x4  }
0xad: {  	[tilespmem:s12+$0xA680] =	vst.add.f32.msk $0xffff, v0  }
0xae: {  	v0 =	vld [tilespmem:$0x10A90];
	_ =	sdelay $0x4  }
0xaf: {  	[tilespmem:s12+$0xA690] =	vst.add.f32.msk $0xffff, v0  }
0xb0: {  	v0 =	vld [tilespmem:$0x10AA0];
	_ =	sdelay $0x4  }
0xb1: {  	[tilespmem:s12+$0xA6A0] =	vst.add.f32.msk $0xffff, v0  }
0xb2: {  	v0 =	vld [tilespmem:$0x10AB0];
	_ =	sdelay $0x4  }
0xb3: {  	[tilespmem:s12+$0xA6B0] =	vst.add.f32.msk $0xffff, v0  }
0xb4: {  	v0 =	vld [tilespmem:$0x10AC0];
	_ =	sdelay $0x4  }
0xb5: {  	[tilespmem:s12+$0xA6C0] =	vst.add.f32.msk $0xffff, v0  }
0xb6: {  	v0 =	vld [tilespmem:$0x10AD0];
	_ =	sdelay $0x4  }
0xb7: {  	[tilespmem:s12+$0xA6D0] =	vst.add.f32.msk $0xffff, v0  }
0xb8: {  	v0 =	vld [tilespmem:$0x10AE0];
	_ =	sdelay $0x4  }
0xb9: {  	[tilespmem:s12+$0xA6E0] =	vst.add.f32.msk $0xffff, v0  }
0xba: {  	v0 =	vld [tilespmem:$0x10AF0];
	_ =	sdelay $0x4  }
0xbb: {  	[tilespmem:s12+$0xA6F0] =	vst.add.f32.msk $0xffff, v0  }
0xbc: {  	v0 =	vld [tilespmem:$0x10B00];
	_ =	sdelay $0x4  }
0xbd: {  	[tilespmem:s12+$0xA700] =	vst.add.f32.msk $0xffff, v0  }
0xbe: {  	v0 =	vld [tilespmem:$0x10B10];
	_ =	sdelay $0x4  }
0xbf: {  	[tilespmem:s12+$0xA710] =	vst.add.f32.msk $0xffff, v0  }
0xc0: {  	v0 =	vld [tilespmem:$0x10B20];
	_ =	sdelay $0x4  }
0xc1: {  	[tilespmem:s12+$0xA720] =	vst.add.f32.msk $0xffff, v0  }
0xc2: {  	v0 =	vld [tilespmem:$0x10B30];
	_ =	sdelay $0x4  }
0xc3: {  	[tilespmem:s12+$0xA730] =	vst.add.f32.msk $0xffff, v0  }
0xc4: {  	v0 =	vld [tilespmem:$0x10B40];
	_ =	sdelay $0x4  }
0xc5: {  	[tilespmem:s12+$0xA740] =	vst.add.f32.msk $0xffff, v0  }
0xc6: {  	v0 =	vld [tilespmem:$0x10B50];
	_ =	sdelay $0x4  }
0xc7: {  	[tilespmem:s12+$0xA750] =	vst.add.f32.msk $0xffff, v0  }
0xc8: {  	v0 =	vld [tilespmem:$0x10B60];
	_ =	sdelay $0x4  }
0xc9: {  	[tilespmem:s12+$0xA760] =	vst.add.f32.msk $0xffff, v0  }
0xca: {  	v0 =	vld [tilespmem:$0x10B70];
	_ =	sdelay $0x4  }
0xcb: {  	[tilespmem:s12+$0xA770] =	vst.add.f32.msk $0xffff, v0  }
0xcc: {  	v0 =	vld [tilespmem:$0x10B80];
	_ =	sdelay $0x4  }
0xcd: {  	[tilespmem:s12+$0xA780] =	vst.add.f32.msk $0xffff, v0  }
0xce: {  	v0 =	vld [tilespmem:$0x10B90];
	_ =	sdelay $0x4  }
0xcf: {  	[tilespmem:s12+$0xA790] =	vst.add.f32.msk $0xffff, v0  }
0xd0: {  	v0 =	vld [tilespmem:$0x10BA0];
	_ =	sdelay $0x4  }
0xd1: {  	[tilespmem:s12+$0xA7A0] =	vst.add.f32.msk $0xffff, v0  }
0xd2: {  	v0 =	vld [tilespmem:$0x10BB0];
	_ =	sdelay $0x4  }
0xd3: {  	[tilespmem:s12+$0xA7B0] =	vst.add.f32.msk $0xffff, v0  }
0xd4: {  	v0 =	vld [tilespmem:$0x10BC0];
	_ =	sdelay $0x4  }
0xd5: {  	[tilespmem:s12+$0xA7C0] =	vst.add.f32.msk $0xffff, v0  }
0xd6: {  	v0 =	vld [tilespmem:$0x10BD0];
	_ =	sdelay $0x4  }
0xd7: {  	[tilespmem:s12+$0xA7D0] =	vst.add.f32.msk $0xffff, v0  }
0xd8: {  	v0 =	vld [tilespmem:$0x10BE0];
	_ =	sdelay $0x4  }
0xd9: {  	[tilespmem:s12+$0xA7E0] =	vst.add.f32.msk $0xffff, v0  }
0xda: {  	v0 =	vld [tilespmem:$0x10BF0];
	_ =	sdelay $0x4  }
0xdb: {  	[tilespmem:s12+$0xA7F0] =	vst.add.f32.msk $0xffff, v0  }
0xdc: {  	v0 =	vld [tilespmem:$0x10C00];
	_ =	sdelay $0x4  }
0xdd: {  	[tilespmem:s12+$0xA800] =	vst.add.f32.msk $0xffff, v0  }
0xde: {  	v0 =	vld [tilespmem:$0x10C10];
	_ =	sdelay $0x4  }
0xdf: {  	[tilespmem:s12+$0xA810] =	vst.add.f32.msk $0xffff, v0  }
0xe0: {  	v0 =	vld [tilespmem:$0x10C20];
	_ =	sdelay $0x4  }
0xe1: {  	[tilespmem:s12+$0xA820] =	vst.add.f32.msk $0xffff, v0  }
0xe2: {  	v0 =	vld [tilespmem:$0x10C30];
	_ =	sdelay $0x4  }
0xe3: {  	[tilespmem:s12+$0xA830] =	vst.add.f32.msk $0xffff, v0  }
0xe4: {  	v0 =	vld [tilespmem:$0x10C40];
	_ =	sdelay $0x4  }
0xe5: {  	[tilespmem:s12+$0xA840] =	vst.add.f32.msk $0xffff, v0  }
0xe6: {  	v0 =	vld [tilespmem:$0x10C50];
	_ =	sdelay $0x4  }
0xe7: {  	[tilespmem:s12+$0xA850] =	vst.add.f32.msk $0xffff, v0  }
0xe8: {  	v0 =	vld [tilespmem:$0x10C60];
	_ =	sdelay $0x4  }
0xe9: {  	[tilespmem:s12+$0xA860] =	vst.add.f32.msk $0xffff, v0  }
0xea: {  	v0 =	vld [tilespmem:$0x10C70];
	_ =	sdelay $0x4  }
0xeb: {  	[tilespmem:s12+$0xA870] =	vst.add.f32.msk $0xffff, v0  }
0xec: {  	v0 =	vld [tilespmem:$0x10C80];
	_ =	sdelay $0x4  }
0xed: {  	[tilespmem:s12+$0xA880] =	vst.add.f32.msk $0xffff, v0  }
0xee: {  	v0 =	vld [tilespmem:$0x10C90];
	_ =	sdelay $0x4  }
0xef: {  	[tilespmem:s12+$0xA890] =	vst.add.f32.msk $0xffff, v0  }
0xf0: {  	v0 =	vld [tilespmem:$0x10CA0];
	_ =	sdelay $0x4  }
0xf1: {  	[tilespmem:s12+$0xA8A0] =	vst.add.f32.msk $0xffff, v0  }
0xf2: {  	v0 =	vld [tilespmem:$0x10CB0];
	_ =	sdelay $0x1  }
.Ltmp1:
0xf3: {  	(pc) =	sbr.rel @p0 .LBB2_4-.Ltmp1, $3  }
0xf4: {  	_ =	sdelay $0x1  }
0xf5: {  	[tilespmem:s12+$0xA8B0] =	vst.add.f32.msk $0xffff, v0  }
0xf6: {  	s0 =	sadd.s32 $0x1900, s0;
	v0 =	vld [tilespmem:$0x10680]  }
0xf7: {  	_ =	sdelay $0x2  }
0xf8: {  	s0 =	sshra.s32 s1, $0x2  }
0xf9: {  	[tilespmem:s0+$0xA280] =	vst.add.f32.msk $0xffff, v0  }
0xfa: {  	v0 =	vld [tilespmem:$0x10690];
	_ =	sdelay $0x4  }
0xfb: {  	[tilespmem:s0+$0xA290] =	vst.add.f32.msk $0xffff, v0  }
0xfc: {  	v0 =	vld [tilespmem:$0x106A0];
	_ =	sdelay $0x4  }
0xfd: {  	[tilespmem:s0+$0xA2A0] =	vst.add.f32.msk $0xffff, v0  }
0xfe: {  	v0 =	vld [tilespmem:$0x106B0];
	_ =	sdelay $0x4  }
0xff: {  	[tilespmem:s0+$0xA2B0] =	vst.add.f32.msk $0xffff, v0  }
0x100: {  	v0 =	vld [tilespmem:$0x106C0];
	_ =	sdelay $0x4  }
0x101: {  	[tilespmem:s0+$0xA2C0] =	vst.add.f32.msk $0xffff, v0  }
0x102: {  	v0 =	vld [tilespmem:$0x106D0];
	_ =	sdelay $0x4  }
0x103: {  	[tilespmem:s0+$0xA2D0] =	vst.add.f32.msk $0xffff, v0  }
0x104: {  	v0 =	vld [tilespmem:$0x106E0];
	_ =	sdelay $0x4  }
0x105: {  	[tilespmem:s0+$0xA2E0] =	vst.add.f32.msk $0xffff, v0  }
0x106: {  	v0 =	vld [tilespmem:$0x106F0];
	_ =	sdelay $0x4  }
0x107: {  	[tilespmem:s0+$0xA2F0] =	vst.add.f32.msk $0xffff, v0  }
0x108: {  	v0 =	vld [tilespmem:$0x10700];
	_ =	sdelay $0x4  }
0x109: {  	[tilespmem:s0+$0xA300] =	vst.add.f32.msk $0xffff, v0  }
0x10a: {  	v0 =	vld [tilespmem:$0x10710];
	_ =	sdelay $0x4  }
0x10b: {  	[tilespmem:s0+$0xA310] =	vst.add.f32.msk $0xffff, v0  }
0x10c: {  	v0 =	vld [tilespmem:$0x10720];
	_ =	sdelay $0x4  }
0x10d: {  	[tilespmem:s0+$0xA320] =	vst.add.f32.msk $0xffff, v0  }
0x10e: {  	v0 =	vld [tilespmem:$0x10730];
	_ =	sdelay $0x4  }
0x10f: {  	[tilespmem:s0+$0xA330] =	vst.add.f32.msk $0xffff, v0  }
0x110: {  	v0 =	vld [tilespmem:$0x10740];
	_ =	sdelay $0x4  }
0x111: {  	[tilespmem:s0+$0xA340] =	vst.add.f32.msk $0xffff, v0  }
0x112: {  	v0 =	vld [tilespmem:$0x10750];
	_ =	sdelay $0x4  }
0x113: {  	[tilespmem:s0+$0xA350] =	vst.add.f32.msk $0xffff, v0  }
0x114: {  	v0 =	vld [tilespmem:$0x10760];
	_ =	sdelay $0x4  }
0x115: {  	[tilespmem:s0+$0xA360] =	vst.add.f32.msk $0xffff, v0  }
0x116: {  	v0 =	vld [tilespmem:$0x10770];
	_ =	sdelay $0x4  }
0x117: {  	[tilespmem:s0+$0xA370] =	vst.add.f32.msk $0xffff, v0  }
0x118: {  	v0 =	vld [tilespmem:$0x10780];
	_ =	sdelay $0x4  }
0x119: {  	[tilespmem:s0+$0xA380] =	vst.add.f32.msk $0xffff, v0  }
0x11a: {  	v0 =	vld [tilespmem:$0x10790];
	_ =	sdelay $0x4  }
0x11b: {  	[tilespmem:s0+$0xA390] =	vst.add.f32.msk $0xffff, v0  }
0x11c: {  	v0 =	vld [tilespmem:$0x107A0];
	_ =	sdelay $0x4  }
0x11d: {  	[tilespmem:s0+$0xA3A0] =	vst.add.f32.msk $0xffff, v0  }
0x11e: {  	v0 =	vld [tilespmem:$0x107B0];
	_ =	sdelay $0x4  }
0x11f: {  	[tilespmem:s0+$0xA3B0] =	vst.add.f32.msk $0xffff, v0  }
0x120: {  	v0 =	vld [tilespmem:$0x107C0];
	_ =	sdelay $0x4  }
0x121: {  	[tilespmem:s0+$0xA3C0] =	vst.add.f32.msk $0xffff, v0  }
0x122: {  	v0 =	vld [tilespmem:$0x107D0];
	_ =	sdelay $0x4  }
0x123: {  	[tilespmem:s0+$0xA3D0] =	vst.add.f32.msk $0xffff, v0  }
0x124: {  	v0 =	vld [tilespmem:$0x107E0];
	_ =	sdelay $0x4  }
0x125: {  	[tilespmem:s0+$0xA3E0] =	vst.add.f32.msk $0xffff, v0  }
0x126: {  	v0 =	vld [tilespmem:$0x107F0];
	_ =	sdelay $0x4  }
0x127: {  	[tilespmem:s0+$0xA3F0] =	vst.add.f32.msk $0xffff, v0  }
0x128: {  	v0 =	vld [tilespmem:$0x10800];
	_ =	sdelay $0x4  }
0x129: {  	[tilespmem:s0+$0xA400] =	vst.add.f32.msk $0xffff, v0  }
0x12a: {  	v0 =	vld [tilespmem:$0x10810];
	_ =	sdelay $0x4  }
0x12b: {  	[tilespmem:s0+$0xA410] =	vst.add.f32.msk $0xffff, v0  }
0x12c: {  	v0 =	vld [tilespmem:$0x10820];
	_ =	sdelay $0x4  }
0x12d: {  	[tilespmem:s0+$0xA420] =	vst.add.f32.msk $0xffff, v0  }
0x12e: {  	v0 =	vld [tilespmem:$0x10830];
	_ =	sdelay $0x4  }
0x12f: {  	[tilespmem:s0+$0xA430] =	vst.add.f32.msk $0xffff, v0  }
0x130: {  	v0 =	vld [tilespmem:$0x10840];
	_ =	sdelay $0x4  }
0x131: {  	[tilespmem:s0+$0xA440] =	vst.add.f32.msk $0xffff, v0  }
0x132: {  	v0 =	vld [tilespmem:$0x10850];
	_ =	sdelay $0x4  }
0x133: {  	[tilespmem:s0+$0xA450] =	vst.add.f32.msk $0xffff, v0  }
0x134: {  	v0 =	vld [tilespmem:$0x10860];
	_ =	sdelay $0x4  }
0x135: {  	[tilespmem:s0+$0xA460] =	vst.add.f32.msk $0xffff, v0  }
0x136: {  	v0 =	vld [tilespmem:$0x10870];
	_ =	sdelay $0x4  }
0x137: {  	[tilespmem:s0+$0xA470] =	vst.add.f32.msk $0xffff, v0  }
0x138: {  	v0 =	vld [tilespmem:$0x10880];
	_ =	sdelay $0x4  }
0x139: {  	[tilespmem:s0+$0xA480] =	vst.add.f32.msk $0xffff, v0  }
0x13a: {  	v0 =	vld [tilespmem:$0x10890];
	_ =	sdelay $0x4  }
0x13b: {  	[tilespmem:s0+$0xA490] =	vst.add.f32.msk $0xffff, v0  }
0x13c: {  	v0 =	vld [tilespmem:$0x108A0];
	_ =	sdelay $0x4  }
0x13d: {  	[tilespmem:s0+$0xA4A0] =	vst.add.f32.msk $0xffff, v0  }
0x13e: {  	v0 =	vld [tilespmem:$0x108B0];
	_ =	sdelay $0x4  }
0x13f: {  	[tilespmem:s0+$0xA4B0] =	vst.add.f32.msk $0xffff, v0  }
0x140: {  	v0 =	vld [tilespmem:$0x108C0];
	_ =	sdelay $0x4  }
0x141: {  	[tilespmem:s0+$0xA4C0] =	vst.add.f32.msk $0xffff, v0  }
0x142: {  	v0 =	vld [tilespmem:$0x108D0];
	_ =	sdelay $0x4  }
0x143: {  	[tilespmem:s0+$0xA4D0] =	vst.add.f32.msk $0xffff, v0  }
0x144: {  	v0 =	vld [tilespmem:$0x108E0];
	_ =	sdelay $0x4  }
0x145: {  	[tilespmem:s0+$0xA4E0] =	vst.add.f32.msk $0xffff, v0  }
0x146: {  	v0 =	vld [tilespmem:$0x108F0];
	_ =	sdelay $0x4  }
0x147: {  	[tilespmem:s0+$0xA4F0] =	vst.add.f32.msk $0xffff, v0  }
0x148: {  	v0 =	vld [tilespmem:$0x10900];
	_ =	sdelay $0x4  }
0x149: {  	[tilespmem:s0+$0xA500] =	vst.add.f32.msk $0xffff, v0  }
0x14a: {  	v0 =	vld [tilespmem:$0x10910];
	_ =	sdelay $0x4  }
0x14b: {  	[tilespmem:s0+$0xA510] =	vst.add.f32.msk $0xffff, v0  }
0x14c: {  	v0 =	vld [tilespmem:$0x10920];
	_ =	sdelay $0x4  }
0x14d: {  	[tilespmem:s0+$0xA520] =	vst.add.f32.msk $0xffff, v0  }
0x14e: {  	v0 =	vld [tilespmem:$0x10930];
	_ =	sdelay $0x4  }
0x14f: {  	[tilespmem:s0+$0xA530] =	vst.add.f32.msk $0xffff, v0  }
0x150: {  	v0 =	vld [tilespmem:$0x10940];
	_ =	sdelay $0x4  }
0x151: {  	[tilespmem:s0+$0xA540] =	vst.add.f32.msk $0xffff, v0  }
0x152: {  	v0 =	vld [tilespmem:$0x10950];
	_ =	sdelay $0x4  }
0x153: {  	[tilespmem:s0+$0xA550] =	vst.add.f32.msk $0xffff, v0  }
0x154: {  	v0 =	vld [tilespmem:$0x10960];
	_ =	sdelay $0x4  }
0x155: {  	[tilespmem:s0+$0xA560] =	vst.add.f32.msk $0xffff, v0  }
0x156: {  	v0 =	vld [tilespmem:$0x10970];
	_ =	sdelay $0x4  }
0x157: {  	[tilespmem:s0+$0xA570] =	vst.add.f32.msk $0xffff, v0  }
0x158: {  	v0 =	vld [tilespmem:$0x10980];
	_ =	sdelay $0x4  }
0x159: {  	[tilespmem:s0+$0xA580] =	vst.add.f32.msk $0xffff, v0  }
0x15a: {  	v0 =	vld [tilespmem:$0x10990];
	_ =	sdelay $0x4  }
0x15b: {  	[tilespmem:s0+$0xA590] =	vst.add.f32.msk $0xffff, v0  }
0x15c: {  	v0 =	vld [tilespmem:$0x109A0];
	_ =	sdelay $0x4  }
0x15d: {  	[tilespmem:s0+$0xA5A0] =	vst.add.f32.msk $0xffff, v0  }
0x15e: {  	v0 =	vld [tilespmem:$0x109B0];
	_ =	sdelay $0x4  }
0x15f: {  	[tilespmem:s0+$0xA5B0] =	vst.add.f32.msk $0xffff, v0  }
0x160: {  	v0 =	vld [tilespmem:$0x109C0];
	_ =	sdelay $0x4  }
0x161: {  	[tilespmem:s0+$0xA5C0] =	vst.add.f32.msk $0xffff, v0  }
0x162: {  	v0 =	vld [tilespmem:$0x109D0];
	_ =	sdelay $0x4  }
0x163: {  	[tilespmem:s0+$0xA5D0] =	vst.add.f32.msk $0xffff, v0  }
0x164: {  	v0 =	vld [tilespmem:$0x109E0];
	_ =	sdelay $0x4  }
0x165: {  	[tilespmem:s0+$0xA5E0] =	vst.add.f32.msk $0xffff, v0  }
0x166: {  	v0 =	vld [tilespmem:$0x109F0];
	_ =	sdelay $0x4  }
0x167: {  	[tilespmem:s0+$0xA5F0] =	vst.add.f32.msk $0xffff, v0  }
0x168: {  	v0 =	vld [tilespmem:$0x10A00];
	_ =	sdelay $0x4  }
0x169: {  	[tilespmem:s0+$0xA600] =	vst.add.f32.msk $0xffff, v0  }
0x16a: {  	v0 =	vld [tilespmem:$0x10A10];
	_ =	sdelay $0x4  }
0x16b: {  	[tilespmem:s0+$0xA610] =	vst.add.f32.msk $0xffff, v0  }
0x16c: {  	v0 =	vld [tilespmem:$0x10A20];
	_ =	sdelay $0x4  }
0x16d: {  	[tilespmem:s0+$0xA620] =	vst.add.f32.msk $0xffff, v0  }
0x16e: {  	v0 =	vld [tilespmem:$0x10A30];
	_ =	sdelay $0x4  }
0x16f: {  	[tilespmem:s0+$0xA630] =	vst.add.f32.msk $0xffff, v0  }
0x170: {  	v0 =	vld [tilespmem:$0x10A40];
	_ =	sdelay $0x4  }
0x171: {  	[tilespmem:s0+$0xA640] =	vst.add.f32.msk $0xffff, v0  }
0x172: {  	v0 =	vld [tilespmem:$0x10A50];
	_ =	sdelay $0x4  }
0x173: {  	[tilespmem:s0+$0xA650] =	vst.add.f32.msk $0xffff, v0  }
0x174: {  	v0 =	vld [tilespmem:$0x10A60];
	_ =	sdelay $0x4  }
0x175: {  	[tilespmem:s0+$0xA660] =	vst.add.f32.msk $0xffff, v0  }
0x176: {  	v0 =	vld [tilespmem:$0x10A70];
	_ =	sdelay $0x4  }
0x177: {  	[tilespmem:s0+$0xA670] =	vst.add.f32.msk $0xffff, v0  }
0x178: {  	v0 =	vld [tilespmem:$0x10A80];
	_ =	sdelay $0x4  }
0x179: {  	[tilespmem:s0+$0xA680] =	vst.add.f32.msk $0xffff, v0  }
0x17a: {  	v0 =	vld [tilespmem:$0x10A90];
	_ =	sdelay $0x4  }
0x17b: {  	[tilespmem:s0+$0xA690] =	vst.add.f32.msk $0xffff, v0  }
0x17c: {  	v0 =	vld [tilespmem:$0x10AA0];
	_ =	sdelay $0x4  }
0x17d: {  	[tilespmem:s0+$0xA6A0] =	vst.add.f32.msk $0xffff, v0  }
0x17e: {  	v0 =	vld [tilespmem:$0x10AB0];
	_ =	sdelay $0x4  }
0x17f: {  	[tilespmem:s0+$0xA6B0] =	vst.add.f32.msk $0xffff, v0  }
0x180: {  	v0 =	vld [tilespmem:$0x10AC0];
	_ =	sdelay $0x4  }
0x181: {  	[tilespmem:s0+$0xA6C0] =	vst.add.f32.msk $0xffff, v0  }
0x182: {  	v0 =	vld [tilespmem:$0x10AD0];
	_ =	sdelay $0x4  }
0x183: {  	[tilespmem:s0+$0xA6D0] =	vst.add.f32.msk $0xffff, v0  }
0x184: {  	v0 =	vld [tilespmem:$0x10AE0];
	_ =	sdelay $0x4  }
0x185: {  	[tilespmem:s0+$0xA6E0] =	vst.add.f32.msk $0xffff, v0  }
0x186: {  	v0 =	vld [tilespmem:$0x10AF0];
	_ =	sdelay $0x4  }
0x187: {  	[tilespmem:s0+$0xA6F0] =	vst.add.f32.msk $0xffff, v0  }
0x188: {  	v0 =	vld [tilespmem:$0x10B00];
	_ =	sdelay $0x4  }
0x189: {  	[tilespmem:s0+$0xA700] =	vst.add.f32.msk $0xffff, v0  }
0x18a: {  	v0 =	vld [tilespmem:$0x10B10];
	_ =	sdelay $0x4  }
0x18b: {  	[tilespmem:s0+$0xA710] =	vst.add.f32.msk $0xffff, v0  }
0x18c: {  	v0 =	vld [tilespmem:$0x10B20];
	_ =	sdelay $0x4  }
0x18d: {  	[tilespmem:s0+$0xA720] =	vst.add.f32.msk $0xffff, v0  }
0x18e: {  	v0 =	vld [tilespmem:$0x10B30];
	_ =	sdelay $0x4  }
0x18f: {  	[tilespmem:s0+$0xA730] =	vst.add.f32.msk $0xffff, v0  }
0x190: {  	v0 =	vld [tilespmem:$0x10B40];
	_ =	sdelay $0x4  }
0x191: {  	[tilespmem:s0+$0xA740] =	vst.add.f32.msk $0xffff, v0  }
0x192: {  	v0 =	vld [tilespmem:$0x10B50];
	_ =	sdelay $0x4  }
0x193: {  	[tilespmem:s0+$0xA750] =	vst.add.f32.msk $0xffff, v0  }
0x194: {  	v0 =	vld [tilespmem:$0x10B60];
	_ =	sdelay $0x4  }
0x195: {  	[tilespmem:s0+$0xA760] =	vst.add.f32.msk $0xffff, v0  }
0x196: {  	v0 =	vld [tilespmem:$0x10B70];
	_ =	sdelay $0x4  }
0x197: {  	[tilespmem:s0+$0xA770] =	vst.add.f32.msk $0xffff, v0  }
0x198: {  	v0 =	vld [tilespmem:$0x10B80];
	_ =	sdelay $0x4  }
0x199: {  	[tilespmem:s0+$0xA780] =	vst.add.f32.msk $0xffff, v0  }
0x19a: {  	v0 =	vld [tilespmem:$0x10B90];
	_ =	sdelay $0x4  }
0x19b: {  	[tilespmem:s0+$0xA790] =	vst.add.f32.msk $0xffff, v0  }
0x19c: {  	v0 =	vld [tilespmem:$0x10BA0];
	_ =	sdelay $0x4  }
0x19d: {  	[tilespmem:s0+$0xA7A0] =	vst.add.f32.msk $0xffff, v0  }
0x19e: {  	v0 =	vld [tilespmem:$0x10BB0];
	_ =	sdelay $0x4  }
0x19f: {  	[tilespmem:s0+$0xA7B0] =	vst.add.f32.msk $0xffff, v0  }
0x1a0: {  	v0 =	vld [tilespmem:$0x10BC0];
	_ =	sdelay $0x4  }
0x1a1: {  	[tilespmem:s0+$0xA7C0] =	vst.add.f32.msk $0xffff, v0  }
0x1a2: {  	v0 =	vld [tilespmem:$0x10BD0];
	_ =	sdelay $0x4  }
0x1a3: {  	[tilespmem:s0+$0xA7D0] =	vst.add.f32.msk $0xffff, v0  }
0x1a4: {  	v0 =	vld [tilespmem:$0x10BE0];
	_ =	sdelay $0x4  }
0x1a5: {  	[tilespmem:s0+$0xA7E0] =	vst.add.f32.msk $0xffff, v0  }
0x1a6: {  	v0 =	vld [tilespmem:$0x10BF0];
	_ =	sdelay $0x4  }
0x1a7: {  	[tilespmem:s0+$0xA7F0] =	vst.add.f32.msk $0xffff, v0  }
0x1a8: {  	v0 =	vld [tilespmem:$0x10C00];
	_ =	sdelay $0x4  }
0x1a9: {  	[tilespmem:s0+$0xA800] =	vst.add.f32.msk $0xffff, v0  }
0x1aa: {  	v0 =	vld [tilespmem:$0x10C10];
	_ =	sdelay $0x4  }
0x1ab: {  	[tilespmem:s0+$0xA810] =	vst.add.f32.msk $0xffff, v0  }
0x1ac: {  	v0 =	vld [tilespmem:$0x10C20];
	_ =	sdelay $0x4  }
0x1ad: {  	[tilespmem:s0+$0xA820] =	vst.add.f32.msk $0xffff, v0  }
0x1ae: {  	v0 =	vld [tilespmem:$0x10C30];
	_ =	sdelay $0x4  }
0x1af: {  	[tilespmem:s0+$0xA830] =	vst.add.f32.msk $0xffff, v0  }
0x1b0: {  	v0 =	vld [tilespmem:$0x10C40];
	_ =	sdelay $0x4  }
0x1b1: {  	[tilespmem:s0+$0xA840] =	vst.add.f32.msk $0xffff, v0  }
0x1b2: {  	v0 =	vld [tilespmem:$0x10C50];
	_ =	sdelay $0x4  }
0x1b3: {  	[tilespmem:s0+$0xA850] =	vst.add.f32.msk $0xffff, v0  }
0x1b4: {  	v0 =	vld [tilespmem:$0x10C60];
	_ =	sdelay $0x4  }
0x1b5: {  	[tilespmem:s0+$0xA860] =	vst.add.f32.msk $0xffff, v0  }
0x1b6: {  	v0 =	vld [tilespmem:$0x10C70];
	_ =	sdelay $0x4  }
0x1b7: {  	[tilespmem:s0+$0xA870] =	vst.add.f32.msk $0xffff, v0  }
0x1b8: {  	v0 =	vld [tilespmem:$0x10C80];
	_ =	sdelay $0x4  }
0x1b9: {  	[tilespmem:s0+$0xA880] =	vst.add.f32.msk $0xffff, v0  }
0x1ba: {  	v0 =	vld [tilespmem:$0x10C90];
	_ =	sdelay $0x4  }
0x1bb: {  	[tilespmem:s0+$0xA890] =	vst.add.f32.msk $0xffff, v0  }
0x1bc: {  	v0 =	vld [tilespmem:$0x10CA0];
	_ =	sdelay $0x4  }
0x1bd: {  	[tilespmem:s0+$0xA8A0] =	vst.add.f32.msk $0xffff, v0  }
0x1be: {  	v0 =	vld [tilespmem:$0x10CB0];
	_ =	sdelay $0x1  }
0x1bf: {  	s12 =	sadd.s32 s31, s8  }
0x1c0: {  	s1 =	sshll.u32 s12, $0x3  }
0x1c1: {  	s1 =	sand.u32 $0x1FFFFF80, s1  }
0x1c2: {  	s12 =	sadd.s32 s2, s1;
	[tilespmem:s0+$0xA8B0] =	vst.add.f32.msk $0xffff, v0  }
0x1c3: {  	[hbm4b:s12+s3] =	stream.linear.scatter [tilespmem:s19], [sflag:$0x4], $0x6400, $0x38;
	[tilespmem:$0x10CC0] =	vst v63  }
0x1c4: {  	_ =	swait.ge [sflag:s28], $0x6400  }
0x1c5: {  	[sflag:s28] =	ssyncset.done $0x0  }
0x1c6: {  	[sflag:s28] =	ssyncadd.s32 $0xFFFF9C00  }
.LBB2_6:
0x1c7: {  	s0 =	sadd.s32 $0x190, s31  }
0x1c8: {  	[tilespmem:s19], [sflag:$0x2] =	stream.indirect.gather [hbm4b:s5+s13], $0x40, s0, s13, $0xb8;
	[tilespmem:$0x10CC0] =	vst v63  }
0x1c9: {  	s1 =	sadd.s32 $0x1E0, s31  }
0x1ca: {  	[tilespmem:s20], [sflag:$0x2] =	stream.indirect.gather [hbm4b:s5+s13], $0x40, s1, s13, $0xb8;
	[tilespmem:$0x10CC0] =	vst v63  }
0x1cb: {  	s12 =	sadd.s32 $0x230, s31  }
0x1cc: {  	[tilespmem:s21], [sflag:$0x2] =	stream.indirect.gather [hbm4b:s5+s13], $0x40, s12, s13, $0xb8;
	[tilespmem:$0x10CC0] =	vst v63  }
0x1cd: {  	s1 =	sadd.s32 $0x280, s31  }
0x1ce: {  	[tilespmem:s22], [sflag:$0x2] =	stream.indirect.gather [hbm4b:s5+s13], $0x40, s1, s13, $0xb8;
	[tilespmem:$0x10CC0] =	vst v63  }
0x1cf: {  	s12 =	sadd.s32 $0x2D0, s31  }
0x1d0: {  	[tilespmem:s23], [sflag:$0x2] =	stream.indirect.gather [hbm4b:s5+s13], $0x40, s12, s13, $0xb8;
	[tilespmem:$0x10CC0] =	vst v63  }
0x1d1: {  	_ =	swait.ge [sflag:s24], $0x6400  }
0x1d2: {  	[sflag:s24] =	ssyncset.done $0x0  }
0x1d3: {  	[sflag:s24] =	ssyncadd.s32 $0xFFFF9C00  }
0x1d4: {  	s0 =	simm.s32 $0x1900;
	s1 =	simm.s32 $0x0;
	v0 =	vld [tilespmem:$0x10680]  }
.LBB2_7:
0x1d5: {  	p0 =	sne.s32 s0, $0x17700;
	_ =	sdelay $0x2  }
0x1d6: {  	s12 =	sshra.s32 s1, $0x2;
	s1 =	smov.u32 s0  }
0x1d7: {  	[tilespmem:s12+$0x3E80] =	vst.add.f32.msk $0xffff, v0  }
0x1d8: {  	v0 =	vld [tilespmem:$0x10690];
	_ =	sdelay $0x4  }
0x1d9: {  	[tilespmem:s12+$0x3E90] =	vst.add.f32.msk $0xffff, v0  }
0x1da: {  	v0 =	vld [tilespmem:$0x106A0];
	_ =	sdelay $0x4  }
0x1db: {  	[tilespmem:s12+$0x3EA0] =	vst.add.f32.msk $0xffff, v0  }
0x1dc: {  	v0 =	vld [tilespmem:$0x106B0];
	_ =	sdelay $0x4  }
0x1dd: {  	[tilespmem:s12+$0x3EB0] =	vst.add.f32.msk $0xffff, v0  }
0x1de: {  	v0 =	vld [tilespmem:$0x106C0];
	_ =	sdelay $0x4  }
0x1df: {  	[tilespmem:s12+$0x3EC0] =	vst.add.f32.msk $0xffff, v0  }
0x1e0: {  	v0 =	vld [tilespmem:$0x106D0];
	_ =	sdelay $0x4  }
0x1e1: {  	[tilespmem:s12+$0x3ED0] =	vst.add.f32.msk $0xffff, v0  }
0x1e2: {  	v0 =	vld [tilespmem:$0x106E0];
	_ =	sdelay $0x4  }
0x1e3: {  	[tilespmem:s12+$0x3EE0] =	vst.add.f32.msk $0xffff, v0  }
0x1e4: {  	v0 =	vld [tilespmem:$0x106F0];
	_ =	sdelay $0x4  }
0x1e5: {  	[tilespmem:s12+$0x3EF0] =	vst.add.f32.msk $0xffff, v0  }
0x1e6: {  	v0 =	vld [tilespmem:$0x10700];
	_ =	sdelay $0x4  }
0x1e7: {  	[tilespmem:s12+$0x3F00] =	vst.add.f32.msk $0xffff, v0  }
0x1e8: {  	v0 =	vld [tilespmem:$0x10710];
	_ =	sdelay $0x4  }
0x1e9: {  	[tilespmem:s12+$0x3F10] =	vst.add.f32.msk $0xffff, v0  }
0x1ea: {  	v0 =	vld [tilespmem:$0x10720];
	_ =	sdelay $0x4  }
0x1eb: {  	[tilespmem:s12+$0x3F20] =	vst.add.f32.msk $0xffff, v0  }
0x1ec: {  	v0 =	vld [tilespmem:$0x10730];
	_ =	sdelay $0x4  }
0x1ed: {  	[tilespmem:s12+$0x3F30] =	vst.add.f32.msk $0xffff, v0  }
0x1ee: {  	v0 =	vld [tilespmem:$0x10740];
	_ =	sdelay $0x4  }
0x1ef: {  	[tilespmem:s12+$0x3F40] =	vst.add.f32.msk $0xffff, v0  }
0x1f0: {  	v0 =	vld [tilespmem:$0x10750];
	_ =	sdelay $0x4  }
0x1f1: {  	[tilespmem:s12+$0x3F50] =	vst.add.f32.msk $0xffff, v0  }
0x1f2: {  	v0 =	vld [tilespmem:$0x10760];
	_ =	sdelay $0x4  }
0x1f3: {  	[tilespmem:s12+$0x3F60] =	vst.add.f32.msk $0xffff, v0  }
0x1f4: {  	v0 =	vld [tilespmem:$0x10770];
	_ =	sdelay $0x4  }
0x1f5: {  	[tilespmem:s12+$0x3F70] =	vst.add.f32.msk $0xffff, v0  }
0x1f6: {  	v0 =	vld [tilespmem:$0x10780];
	_ =	sdelay $0x4  }
0x1f7: {  	[tilespmem:s12+$0x3F80] =	vst.add.f32.msk $0xffff, v0  }
0x1f8: {  	v0 =	vld [tilespmem:$0x10790];
	_ =	sdelay $0x4  }
0x1f9: {  	[tilespmem:s12+$0x3F90] =	vst.add.f32.msk $0xffff, v0  }
0x1fa: {  	v0 =	vld [tilespmem:$0x107A0];
	_ =	sdelay $0x4  }
0x1fb: {  	[tilespmem:s12+$0x3FA0] =	vst.add.f32.msk $0xffff, v0  }
0x1fc: {  	v0 =	vld [tilespmem:$0x107B0];
	_ =	sdelay $0x4  }
0x1fd: {  	[tilespmem:s12+$0x3FB0] =	vst.add.f32.msk $0xffff, v0  }
0x1fe: {  	v0 =	vld [tilespmem:$0x107C0];
	_ =	sdelay $0x4  }
0x1ff: {  	[tilespmem:s12+$0x3FC0] =	vst.add.f32.msk $0xffff, v0  }
0x200: {  	v0 =	vld [tilespmem:$0x107D0];
	_ =	sdelay $0x4  }
0x201: {  	[tilespmem:s12+$0x3FD0] =	vst.add.f32.msk $0xffff, v0  }
0x202: {  	v0 =	vld [tilespmem:$0x107E0];
	_ =	sdelay $0x4  }
0x203: {  	[tilespmem:s12+$0x3FE0] =	vst.add.f32.msk $0xffff, v0  }
0x204: {  	v0 =	vld [tilespmem:$0x107F0];
	_ =	sdelay $0x4  }
0x205: {  	[tilespmem:s12+$0x3FF0] =	vst.add.f32.msk $0xffff, v0  }
0x206: {  	v0 =	vld [tilespmem:$0x10800];
	_ =	sdelay $0x4  }
0x207: {  	[tilespmem:s12+$0x4000] =	vst.add.f32.msk $0xffff, v0  }
0x208: {  	v0 =	vld [tilespmem:$0x10810];
	_ =	sdelay $0x4  }
0x209: {  	[tilespmem:s12+$0x4010] =	vst.add.f32.msk $0xffff, v0  }
0x20a: {  	v0 =	vld [tilespmem:$0x10820];
	_ =	sdelay $0x4  }
0x20b: {  	[tilespmem:s12+$0x4020] =	vst.add.f32.msk $0xffff, v0  }
0x20c: {  	v0 =	vld [tilespmem:$0x10830];
	_ =	sdelay $0x4  }
0x20d: {  	[tilespmem:s12+$0x4030] =	vst.add.f32.msk $0xffff, v0  }
0x20e: {  	v0 =	vld [tilespmem:$0x10840];
	_ =	sdelay $0x4  }
0x20f: {  	[tilespmem:s12+$0x4040] =	vst.add.f32.msk $0xffff, v0  }
0x210: {  	v0 =	vld [tilespmem:$0x10850];
	_ =	sdelay $0x4  }
0x211: {  	[tilespmem:s12+$0x4050] =	vst.add.f32.msk $0xffff, v0  }
0x212: {  	v0 =	vld [tilespmem:$0x10860];
	_ =	sdelay $0x4  }
0x213: {  	[tilespmem:s12+$0x4060] =	vst.add.f32.msk $0xffff, v0  }
0x214: {  	v0 =	vld [tilespmem:$0x10870];
	_ =	sdelay $0x4  }
0x215: {  	[tilespmem:s12+$0x4070] =	vst.add.f32.msk $0xffff, v0  }
0x216: {  	v0 =	vld [tilespmem:$0x10880];
	_ =	sdelay $0x4  }
0x217: {  	[tilespmem:s12+$0x4080] =	vst.add.f32.msk $0xffff, v0  }
0x218: {  	v0 =	vld [tilespmem:$0x10890];
	_ =	sdelay $0x4  }
0x219: {  	[tilespmem:s12+$0x4090] =	vst.add.f32.msk $0xffff, v0  }
0x21a: {  	v0 =	vld [tilespmem:$0x108A0];
	_ =	sdelay $0x4  }
0x21b: {  	[tilespmem:s12+$0x40A0] =	vst.add.f32.msk $0xffff, v0  }
0x21c: {  	v0 =	vld [tilespmem:$0x108B0];
	_ =	sdelay $0x4  }
0x21d: {  	[tilespmem:s12+$0x40B0] =	vst.add.f32.msk $0xffff, v0  }
0x21e: {  	v0 =	vld [tilespmem:$0x108C0];
	_ =	sdelay $0x4  }
0x21f: {  	[tilespmem:s12+$0x40C0] =	vst.add.f32.msk $0xffff, v0  }
0x220: {  	v0 =	vld [tilespmem:$0x108D0];
	_ =	sdelay $0x4  }
0x221: {  	[tilespmem:s12+$0x40D0] =	vst.add.f32.msk $0xffff, v0  }
0x222: {  	v0 =	vld [tilespmem:$0x108E0];
	_ =	sdelay $0x4  }
0x223: {  	[tilespmem:s12+$0x40E0] =	vst.add.f32.msk $0xffff, v0  }
0x224: {  	v0 =	vld [tilespmem:$0x108F0];
	_ =	sdelay $0x4  }
0x225: {  	[tilespmem:s12+$0x40F0] =	vst.add.f32.msk $0xffff, v0  }
0x226: {  	v0 =	vld [tilespmem:$0x10900];
	_ =	sdelay $0x4  }
0x227: {  	[tilespmem:s12+$0x4100] =	vst.add.f32.msk $0xffff, v0  }
0x228: {  	v0 =	vld [tilespmem:$0x10910];
	_ =	sdelay $0x4  }
0x229: {  	[tilespmem:s12+$0x4110] =	vst.add.f32.msk $0xffff, v0  }
0x22a: {  	v0 =	vld [tilespmem:$0x10920];
	_ =	sdelay $0x4  }
0x22b: {  	[tilespmem:s12+$0x4120] =	vst.add.f32.msk $0xffff, v0  }
0x22c: {  	v0 =	vld [tilespmem:$0x10930];
	_ =	sdelay $0x4  }
0x22d: {  	[tilespmem:s12+$0x4130] =	vst.add.f32.msk $0xffff, v0  }
0x22e: {  	v0 =	vld [tilespmem:$0x10940];
	_ =	sdelay $0x4  }
0x22f: {  	[tilespmem:s12+$0x4140] =	vst.add.f32.msk $0xffff, v0  }
0x230: {  	v0 =	vld [tilespmem:$0x10950];
	_ =	sdelay $0x4  }
0x231: {  	[tilespmem:s12+$0x4150] =	vst.add.f32.msk $0xffff, v0  }
0x232: {  	v0 =	vld [tilespmem:$0x10960];
	_ =	sdelay $0x4  }
0x233: {  	[tilespmem:s12+$0x4160] =	vst.add.f32.msk $0xffff, v0  }
0x234: {  	v0 =	vld [tilespmem:$0x10970];
	_ =	sdelay $0x4  }
0x235: {  	[tilespmem:s12+$0x4170] =	vst.add.f32.msk $0xffff, v0  }
0x236: {  	v0 =	vld [tilespmem:$0x10980];
	_ =	sdelay $0x4  }
0x237: {  	[tilespmem:s12+$0x4180] =	vst.add.f32.msk $0xffff, v0  }
0x238: {  	v0 =	vld [tilespmem:$0x10990];
	_ =	sdelay $0x4  }
0x239: {  	[tilespmem:s12+$0x4190] =	vst.add.f32.msk $0xffff, v0  }
0x23a: {  	v0 =	vld [tilespmem:$0x109A0];
	_ =	sdelay $0x4  }
0x23b: {  	[tilespmem:s12+$0x41A0] =	vst.add.f32.msk $0xffff, v0  }
0x23c: {  	v0 =	vld [tilespmem:$0x109B0];
	_ =	sdelay $0x4  }
0x23d: {  	[tilespmem:s12+$0x41B0] =	vst.add.f32.msk $0xffff, v0  }
0x23e: {  	v0 =	vld [tilespmem:$0x109C0];
	_ =	sdelay $0x4  }
0x23f: {  	[tilespmem:s12+$0x41C0] =	vst.add.f32.msk $0xffff, v0  }
0x240: {  	v0 =	vld [tilespmem:$0x109D0];
	_ =	sdelay $0x4  }
0x241: {  	[tilespmem:s12+$0x41D0] =	vst.add.f32.msk $0xffff, v0  }
0x242: {  	v0 =	vld [tilespmem:$0x109E0];
	_ =	sdelay $0x4  }
0x243: {  	[tilespmem:s12+$0x41E0] =	vst.add.f32.msk $0xffff, v0  }
0x244: {  	v0 =	vld [tilespmem:$0x109F0];
	_ =	sdelay $0x4  }
0x245: {  	[tilespmem:s12+$0x41F0] =	vst.add.f32.msk $0xffff, v0  }
0x246: {  	v0 =	vld [tilespmem:$0x10A00];
	_ =	sdelay $0x4  }
0x247: {  	[tilespmem:s12+$0x4200] =	vst.add.f32.msk $0xffff, v0  }
0x248: {  	v0 =	vld [tilespmem:$0x10A10];
	_ =	sdelay $0x4  }
0x249: {  	[tilespmem:s12+$0x4210] =	vst.add.f32.msk $0xffff, v0  }
0x24a: {  	v0 =	vld [tilespmem:$0x10A20];
	_ =	sdelay $0x4  }
0x24b: {  	[tilespmem:s12+$0x4220] =	vst.add.f32.msk $0xffff, v0  }
0x24c: {  	v0 =	vld [tilespmem:$0x10A30];
	_ =	sdelay $0x4  }
0x24d: {  	[tilespmem:s12+$0x4230] =	vst.add.f32.msk $0xffff, v0  }
0x24e: {  	v0 =	vld [tilespmem:$0x10A40];
	_ =	sdelay $0x4  }
0x24f: {  	[tilespmem:s12+$0x4240] =	vst.add.f32.msk $0xffff, v0  }
0x250: {  	v0 =	vld [tilespmem:$0x10A50];
	_ =	sdelay $0x4  }
0x251: {  	[tilespmem:s12+$0x4250] =	vst.add.f32.msk $0xffff, v0  }
0x252: {  	v0 =	vld [tilespmem:$0x10A60];
	_ =	sdelay $0x4  }
0x253: {  	[tilespmem:s12+$0x4260] =	vst.add.f32.msk $0xffff, v0  }
0x254: {  	v0 =	vld [tilespmem:$0x10A70];
	_ =	sdelay $0x4  }
0x255: {  	[tilespmem:s12+$0x4270] =	vst.add.f32.msk $0xffff, v0  }
0x256: {  	v0 =	vld [tilespmem:$0x10A80];
	_ =	sdelay $0x4  }
0x257: {  	[tilespmem:s12+$0x4280] =	vst.add.f32.msk $0xffff, v0  }
0x258: {  	v0 =	vld [tilespmem:$0x10A90];
	_ =	sdelay $0x4  }
0x259: {  	[tilespmem:s12+$0x4290] =	vst.add.f32.msk $0xffff, v0  }
0x25a: {  	v0 =	vld [tilespmem:$0x10AA0];
	_ =	sdelay $0x4  }
0x25b: {  	[tilespmem:s12+$0x42A0] =	vst.add.f32.msk $0xffff, v0  }
0x25c: {  	v0 =	vld [tilespmem:$0x10AB0];
	_ =	sdelay $0x4  }
0x25d: {  	[tilespmem:s12+$0x42B0] =	vst.add.f32.msk $0xffff, v0  }
0x25e: {  	v0 =	vld [tilespmem:$0x10AC0];
	_ =	sdelay $0x4  }
0x25f: {  	[tilespmem:s12+$0x42C0] =	vst.add.f32.msk $0xffff, v0  }
0x260: {  	v0 =	vld [tilespmem:$0x10AD0];
	_ =	sdelay $0x4  }
0x261: {  	[tilespmem:s12+$0x42D0] =	vst.add.f32.msk $0xffff, v0  }
0x262: {  	v0 =	vld [tilespmem:$0x10AE0];
	_ =	sdelay $0x4  }
0x263: {  	[tilespmem:s12+$0x42E0] =	vst.add.f32.msk $0xffff, v0  }
0x264: {  	v0 =	vld [tilespmem:$0x10AF0];
	_ =	sdelay $0x4  }
0x265: {  	[tilespmem:s12+$0x42F0] =	vst.add.f32.msk $0xffff, v0  }
0x266: {  	v0 =	vld [tilespmem:$0x10B00];
	_ =	sdelay $0x4  }
0x267: {  	[tilespmem:s12+$0x4300] =	vst.add.f32.msk $0xffff, v0  }
0x268: {  	v0 =	vld [tilespmem:$0x10B10];
	_ =	sdelay $0x4  }
0x269: {  	[tilespmem:s12+$0x4310] =	vst.add.f32.msk $0xffff, v0  }
0x26a: {  	v0 =	vld [tilespmem:$0x10B20];
	_ =	sdelay $0x4  }
0x26b: {  	[tilespmem:s12+$0x4320] =	vst.add.f32.msk $0xffff, v0  }
0x26c: {  	v0 =	vld [tilespmem:$0x10B30];
	_ =	sdelay $0x4  }
0x26d: {  	[tilespmem:s12+$0x4330] =	vst.add.f32.msk $0xffff, v0  }
0x26e: {  	v0 =	vld [tilespmem:$0x10B40];
	_ =	sdelay $0x4  }
0x26f: {  	[tilespmem:s12+$0x4340] =	vst.add.f32.msk $0xffff, v0  }
0x270: {  	v0 =	vld [tilespmem:$0x10B50];
	_ =	sdelay $0x4  }
0x271: {  	[tilespmem:s12+$0x4350] =	vst.add.f32.msk $0xffff, v0  }
0x272: {  	v0 =	vld [tilespmem:$0x10B60];
	_ =	sdelay $0x4  }
0x273: {  	[tilespmem:s12+$0x4360] =	vst.add.f32.msk $0xffff, v0  }
0x274: {  	v0 =	vld [tilespmem:$0x10B70];
	_ =	sdelay $0x4  }
0x275: {  	[tilespmem:s12+$0x4370] =	vst.add.f32.msk $0xffff, v0  }
0x276: {  	v0 =	vld [tilespmem:$0x10B80];
	_ =	sdelay $0x4  }
0x277: {  	[tilespmem:s12+$0x4380] =	vst.add.f32.msk $0xffff, v0  }
0x278: {  	v0 =	vld [tilespmem:$0x10B90];
	_ =	sdelay $0x4  }
0x279: {  	[tilespmem:s12+$0x4390] =	vst.add.f32.msk $0xffff, v0  }
0x27a: {  	v0 =	vld [tilespmem:$0x10BA0];
	_ =	sdelay $0x4  }
0x27b: {  	[tilespmem:s12+$0x43A0] =	vst.add.f32.msk $0xffff, v0  }
0x27c: {  	v0 =	vld [tilespmem:$0x10BB0];
	_ =	sdelay $0x4  }
0x27d: {  	[tilespmem:s12+$0x43B0] =	vst.add.f32.msk $0xffff, v0  }
0x27e: {  	v0 =	vld [tilespmem:$0x10BC0];
	_ =	sdelay $0x4  }
0x27f: {  	[tilespmem:s12+$0x43C0] =	vst.add.f32.msk $0xffff, v0  }
0x280: {  	v0 =	vld [tilespmem:$0x10BD0];
	_ =	sdelay $0x4  }
0x281: {  	[tilespmem:s12+$0x43D0] =	vst.add.f32.msk $0xffff, v0  }
0x282: {  	v0 =	vld [tilespmem:$0x10BE0];
	_ =	sdelay $0x4  }
0x283: {  	[tilespmem:s12+$0x43E0] =	vst.add.f32.msk $0xffff, v0  }
0x284: {  	v0 =	vld [tilespmem:$0x10BF0];
	_ =	sdelay $0x4  }
0x285: {  	[tilespmem:s12+$0x43F0] =	vst.add.f32.msk $0xffff, v0  }
0x286: {  	v0 =	vld [tilespmem:$0x10C00];
	_ =	sdelay $0x4  }
0x287: {  	[tilespmem:s12+$0x4400] =	vst.add.f32.msk $0xffff, v0  }
0x288: {  	v0 =	vld [tilespmem:$0x10C10];
	_ =	sdelay $0x4  }
0x289: {  	[tilespmem:s12+$0x4410] =	vst.add.f32.msk $0xffff, v0  }
0x28a: {  	v0 =	vld [tilespmem:$0x10C20];
	_ =	sdelay $0x4  }
0x28b: {  	[tilespmem:s12+$0x4420] =	vst.add.f32.msk $0xffff, v0  }
0x28c: {  	v0 =	vld [tilespmem:$0x10C30];
	_ =	sdelay $0x4  }
0x28d: {  	[tilespmem:s12+$0x4430] =	vst.add.f32.msk $0xffff, v0  }
0x28e: {  	v0 =	vld [tilespmem:$0x10C40];
	_ =	sdelay $0x4  }
0x28f: {  	[tilespmem:s12+$0x4440] =	vst.add.f32.msk $0xffff, v0  }
0x290: {  	v0 =	vld [tilespmem:$0x10C50];
	_ =	sdelay $0x4  }
0x291: {  	[tilespmem:s12+$0x4450] =	vst.add.f32.msk $0xffff, v0  }
0x292: {  	v0 =	vld [tilespmem:$0x10C60];
	_ =	sdelay $0x4  }
0x293: {  	[tilespmem:s12+$0x4460] =	vst.add.f32.msk $0xffff, v0  }
0x294: {  	v0 =	vld [tilespmem:$0x10C70];
	_ =	sdelay $0x4  }
0x295: {  	[tilespmem:s12+$0x4470] =	vst.add.f32.msk $0xffff, v0  }
0x296: {  	v0 =	vld [tilespmem:$0x10C80];
	_ =	sdelay $0x4  }
0x297: {  	[tilespmem:s12+$0x4480] =	vst.add.f32.msk $0xffff, v0  }
0x298: {  	v0 =	vld [tilespmem:$0x10C90];
	_ =	sdelay $0x4  }
0x299: {  	[tilespmem:s12+$0x4490] =	vst.add.f32.msk $0xffff, v0  }
0x29a: {  	v0 =	vld [tilespmem:$0x10CA0];
	_ =	sdelay $0x4  }
0x29b: {  	[tilespmem:s12+$0x44A0] =	vst.add.f32.msk $0xffff, v0  }
0x29c: {  	v0 =	vld [tilespmem:$0x10CB0];
	_ =	sdelay $0x1  }
.Ltmp2:
0x29d: {  	(pc) =	sbr.rel @p0 .LBB2_7-.Ltmp2, $3  }
0x29e: {  	_ =	sdelay $0x1  }
0x29f: {  	[tilespmem:s12+$0x44B0] =	vst.add.f32.msk $0xffff, v0  }
0x2a0: {  	s0 =	sadd.s32 $0x1900, s0;
	v0 =	vld [tilespmem:$0x10680]  }
0x2a1: {  	_ =	sdelay $0x2  }
0x2a2: {  	s0 =	sshra.s32 s1, $0x2  }
0x2a3: {  	[tilespmem:s0+$0x3E80] =	vst.add.f32.msk $0xffff, v0  }
0x2a4: {  	v0 =	vld [tilespmem:$0x10690];
	_ =	sdelay $0x4  }
0x2a5: {  	[tilespmem:s0+$0x3E90] =	vst.add.f32.msk $0xffff, v0  }
0x2a6: {  	v0 =	vld [tilespmem:$0x106A0];
	_ =	sdelay $0x4  }
0x2a7: {  	[tilespmem:s0+$0x3EA0] =	vst.add.f32.msk $0xffff, v0  }
0x2a8: {  	v0 =	vld [tilespmem:$0x106B0];
	_ =	sdelay $0x4  }
0x2a9: {  	[tilespmem:s0+$0x3EB0] =	vst.add.f32.msk $0xffff, v0  }
0x2aa: {  	v0 =	vld [tilespmem:$0x106C0];
	_ =	sdelay $0x4  }
0x2ab: {  	[tilespmem:s0+$0x3EC0] =	vst.add.f32.msk $0xffff, v0  }
0x2ac: {  	v0 =	vld [tilespmem:$0x106D0];
	_ =	sdelay $0x4  }
0x2ad: {  	[tilespmem:s0+$0x3ED0] =	vst.add.f32.msk $0xffff, v0  }
0x2ae: {  	v0 =	vld [tilespmem:$0x106E0];
	_ =	sdelay $0x4  }
0x2af: {  	[tilespmem:s0+$0x3EE0] =	vst.add.f32.msk $0xffff, v0  }
0x2b0: {  	v0 =	vld [tilespmem:$0x106F0];
	_ =	sdelay $0x4  }
0x2b1: {  	[tilespmem:s0+$0x3EF0] =	vst.add.f32.msk $0xffff, v0  }
0x2b2: {  	v0 =	vld [tilespmem:$0x10700];
	_ =	sdelay $0x4  }
0x2b3: {  	[tilespmem:s0+$0x3F00] =	vst.add.f32.msk $0xffff, v0  }
0x2b4: {  	v0 =	vld [tilespmem:$0x10710];
	_ =	sdelay $0x4  }
0x2b5: {  	[tilespmem:s0+$0x3F10] =	vst.add.f32.msk $0xffff, v0  }
0x2b6: {  	v0 =	vld [tilespmem:$0x10720];
	_ =	sdelay $0x4  }
0x2b7: {  	[tilespmem:s0+$0x3F20] =	vst.add.f32.msk $0xffff, v0  }
0x2b8: {  	v0 =	vld [tilespmem:$0x10730];
	_ =	sdelay $0x4  }
0x2b9: {  	[tilespmem:s0+$0x3F30] =	vst.add.f32.msk $0xffff, v0  }
0x2ba: {  	v0 =	vld [tilespmem:$0x10740];
	_ =	sdelay $0x4  }
0x2bb: {  	[tilespmem:s0+$0x3F40] =	vst.add.f32.msk $0xffff, v0  }
0x2bc: {  	v0 =	vld [tilespmem:$0x10750];
	_ =	sdelay $0x4  }
0x2bd: {  	[tilespmem:s0+$0x3F50] =	vst.add.f32.msk $0xffff, v0  }
0x2be: {  	v0 =	vld [tilespmem:$0x10760];
	_ =	sdelay $0x4  }
0x2bf: {  	[tilespmem:s0+$0x3F60] =	vst.add.f32.msk $0xffff, v0  }
0x2c0: {  	v0 =	vld [tilespmem:$0x10770];
	_ =	sdelay $0x4  }
0x2c1: {  	[tilespmem:s0+$0x3F70] =	vst.add.f32.msk $0xffff, v0  }
0x2c2: {  	v0 =	vld [tilespmem:$0x10780];
	_ =	sdelay $0x4  }
0x2c3: {  	[tilespmem:s0+$0x3F80] =	vst.add.f32.msk $0xffff, v0  }
0x2c4: {  	v0 =	vld [tilespmem:$0x10790];
	_ =	sdelay $0x4  }
0x2c5: {  	[tilespmem:s0+$0x3F90] =	vst.add.f32.msk $0xffff, v0  }
0x2c6: {  	v0 =	vld [tilespmem:$0x107A0];
	_ =	sdelay $0x4  }
0x2c7: {  	[tilespmem:s0+$0x3FA0] =	vst.add.f32.msk $0xffff, v0  }
0x2c8: {  	v0 =	vld [tilespmem:$0x107B0];
	_ =	sdelay $0x4  }
0x2c9: {  	[tilespmem:s0+$0x3FB0] =	vst.add.f32.msk $0xffff, v0  }
0x2ca: {  	v0 =	vld [tilespmem:$0x107C0];
	_ =	sdelay $0x4  }
0x2cb: {  	[tilespmem:s0+$0x3FC0] =	vst.add.f32.msk $0xffff, v0  }
0x2cc: {  	v0 =	vld [tilespmem:$0x107D0];
	_ =	sdelay $0x4  }
0x2cd: {  	[tilespmem:s0+$0x3FD0] =	vst.add.f32.msk $0xffff, v0  }
0x2ce: {  	v0 =	vld [tilespmem:$0x107E0];
	_ =	sdelay $0x4  }
0x2cf: {  	[tilespmem:s0+$0x3FE0] =	vst.add.f32.msk $0xffff, v0  }
0x2d0: {  	v0 =	vld [tilespmem:$0x107F0];
	_ =	sdelay $0x4  }
0x2d1: {  	[tilespmem:s0+$0x3FF0] =	vst.add.f32.msk $0xffff, v0  }
0x2d2: {  	v0 =	vld [tilespmem:$0x10800];
	_ =	sdelay $0x4  }
0x2d3: {  	[tilespmem:s0+$0x4000] =	vst.add.f32.msk $0xffff, v0  }
0x2d4: {  	v0 =	vld [tilespmem:$0x10810];
	_ =	sdelay $0x4  }
0x2d5: {  	[tilespmem:s0+$0x4010] =	vst.add.f32.msk $0xffff, v0  }
0x2d6: {  	v0 =	vld [tilespmem:$0x10820];
	_ =	sdelay $0x4  }
0x2d7: {  	[tilespmem:s0+$0x4020] =	vst.add.f32.msk $0xffff, v0  }
0x2d8: {  	v0 =	vld [tilespmem:$0x10830];
	_ =	sdelay $0x4  }
0x2d9: {  	[tilespmem:s0+$0x4030] =	vst.add.f32.msk $0xffff, v0  }
0x2da: {  	v0 =	vld [tilespmem:$0x10840];
	_ =	sdelay $0x4  }
0x2db: {  	[tilespmem:s0+$0x4040] =	vst.add.f32.msk $0xffff, v0  }
0x2dc: {  	v0 =	vld [tilespmem:$0x10850];
	_ =	sdelay $0x4  }
0x2dd: {  	[tilespmem:s0+$0x4050] =	vst.add.f32.msk $0xffff, v0  }
0x2de: {  	v0 =	vld [tilespmem:$0x10860];
	_ =	sdelay $0x4  }
0x2df: {  	[tilespmem:s0+$0x4060] =	vst.add.f32.msk $0xffff, v0  }
0x2e0: {  	v0 =	vld [tilespmem:$0x10870];
	_ =	sdelay $0x4  }
0x2e1: {  	[tilespmem:s0+$0x4070] =	vst.add.f32.msk $0xffff, v0  }
0x2e2: {  	v0 =	vld [tilespmem:$0x10880];
	_ =	sdelay $0x4  }
0x2e3: {  	[tilespmem:s0+$0x4080] =	vst.add.f32.msk $0xffff, v0  }
0x2e4: {  	v0 =	vld [tilespmem:$0x10890];
	_ =	sdelay $0x4  }
0x2e5: {  	[tilespmem:s0+$0x4090] =	vst.add.f32.msk $0xffff, v0  }
0x2e6: {  	v0 =	vld [tilespmem:$0x108A0];
	_ =	sdelay $0x4  }
0x2e7: {  	[tilespmem:s0+$0x40A0] =	vst.add.f32.msk $0xffff, v0  }
0x2e8: {  	v0 =	vld [tilespmem:$0x108B0];
	_ =	sdelay $0x4  }
0x2e9: {  	[tilespmem:s0+$0x40B0] =	vst.add.f32.msk $0xffff, v0  }
0x2ea: {  	v0 =	vld [tilespmem:$0x108C0];
	_ =	sdelay $0x4  }
0x2eb: {  	[tilespmem:s0+$0x40C0] =	vst.add.f32.msk $0xffff, v0  }
0x2ec: {  	v0 =	vld [tilespmem:$0x108D0];
	_ =	sdelay $0x4  }
0x2ed: {  	[tilespmem:s0+$0x40D0] =	vst.add.f32.msk $0xffff, v0  }
0x2ee: {  	v0 =	vld [tilespmem:$0x108E0];
	_ =	sdelay $0x4  }
0x2ef: {  	[tilespmem:s0+$0x40E0] =	vst.add.f32.msk $0xffff, v0  }
0x2f0: {  	v0 =	vld [tilespmem:$0x108F0];
	_ =	sdelay $0x4  }
0x2f1: {  	[tilespmem:s0+$0x40F0] =	vst.add.f32.msk $0xffff, v0  }
0x2f2: {  	v0 =	vld [tilespmem:$0x10900];
	_ =	sdelay $0x4  }
0x2f3: {  	[tilespmem:s0+$0x4100] =	vst.add.f32.msk $0xffff, v0  }
0x2f4: {  	v0 =	vld [tilespmem:$0x10910];
	_ =	sdelay $0x4  }
0x2f5: {  	[tilespmem:s0+$0x4110] =	vst.add.f32.msk $0xffff, v0  }
0x2f6: {  	v0 =	vld [tilespmem:$0x10920];
	_ =	sdelay $0x4  }
0x2f7: {  	[tilespmem:s0+$0x4120] =	vst.add.f32.msk $0xffff, v0  }
0x2f8: {  	v0 =	vld [tilespmem:$0x10930];
	_ =	sdelay $0x4  }
0x2f9: {  	[tilespmem:s0+$0x4130] =	vst.add.f32.msk $0xffff, v0  }
0x2fa: {  	v0 =	vld [tilespmem:$0x10940];
	_ =	sdelay $0x4  }
0x2fb: {  	[tilespmem:s0+$0x4140] =	vst.add.f32.msk $0xffff, v0  }
0x2fc: {  	v0 =	vld [tilespmem:$0x10950];
	_ =	sdelay $0x4  }
0x2fd: {  	[tilespmem:s0+$0x4150] =	vst.add.f32.msk $0xffff, v0  }
0x2fe: {  	v0 =	vld [tilespmem:$0x10960];
	_ =	sdelay $0x4  }
0x2ff: {  	[tilespmem:s0+$0x4160] =	vst.add.f32.msk $0xffff, v0  }
0x300: {  	v0 =	vld [tilespmem:$0x10970];
	_ =	sdelay $0x4  }
0x301: {  	[tilespmem:s0+$0x4170] =	vst.add.f32.msk $0xffff, v0  }
0x302: {  	v0 =	vld [tilespmem:$0x10980];
	_ =	sdelay $0x4  }
0x303: {  	[tilespmem:s0+$0x4180] =	vst.add.f32.msk $0xffff, v0  }
0x304: {  	v0 =	vld [tilespmem:$0x10990];
	_ =	sdelay $0x4  }
0x305: {  	[tilespmem:s0+$0x4190] =	vst.add.f32.msk $0xffff, v0  }
0x306: {  	v0 =	vld [tilespmem:$0x109A0];
	_ =	sdelay $0x4  }
0x307: {  	[tilespmem:s0+$0x41A0] =	vst.add.f32.msk $0xffff, v0  }
0x308: {  	v0 =	vld [tilespmem:$0x109B0];
	_ =	sdelay $0x4  }
0x309: {  	[tilespmem:s0+$0x41B0] =	vst.add.f32.msk $0xffff, v0  }
0x30a: {  	v0 =	vld [tilespmem:$0x109C0];
	_ =	sdelay $0x4  }
0x30b: {  	[tilespmem:s0+$0x41C0] =	vst.add.f32.msk $0xffff, v0  }
0x30c: {  	v0 =	vld [tilespmem:$0x109D0];
	_ =	sdelay $0x4  }
0x30d: {  	[tilespmem:s0+$0x41D0] =	vst.add.f32.msk $0xffff, v0  }
0x30e: {  	v0 =	vld [tilespmem:$0x109E0];
	_ =	sdelay $0x4  }
0x30f: {  	[tilespmem:s0+$0x41E0] =	vst.add.f32.msk $0xffff, v0  }
0x310: {  	v0 =	vld [tilespmem:$0x109F0];
	_ =	sdelay $0x4  }
0x311: {  	[tilespmem:s0+$0x41F0] =	vst.add.f32.msk $0xffff, v0  }
0x312: {  	v0 =	vld [tilespmem:$0x10A00];
	_ =	sdelay $0x4  }
0x313: {  	[tilespmem:s0+$0x4200] =	vst.add.f32.msk $0xffff, v0  }
0x314: {  	v0 =	vld [tilespmem:$0x10A10];
	_ =	sdelay $0x4  }
0x315: {  	[tilespmem:s0+$0x4210] =	vst.add.f32.msk $0xffff, v0  }
0x316: {  	v0 =	vld [tilespmem:$0x10A20];
	_ =	sdelay $0x4  }
0x317: {  	[tilespmem:s0+$0x4220] =	vst.add.f32.msk $0xffff, v0  }
0x318: {  	v0 =	vld [tilespmem:$0x10A30];
	_ =	sdelay $0x4  }
0x319: {  	[tilespmem:s0+$0x4230] =	vst.add.f32.msk $0xffff, v0  }
0x31a: {  	v0 =	vld [tilespmem:$0x10A40];
	_ =	sdelay $0x4  }
0x31b: {  	[tilespmem:s0+$0x4240] =	vst.add.f32.msk $0xffff, v0  }
0x31c: {  	v0 =	vld [tilespmem:$0x10A50];
	_ =	sdelay $0x4  }
0x31d: {  	[tilespmem:s0+$0x4250] =	vst.add.f32.msk $0xffff, v0  }
0x31e: {  	v0 =	vld [tilespmem:$0x10A60];
	_ =	sdelay $0x4  }
0x31f: {  	[tilespmem:s0+$0x4260] =	vst.add.f32.msk $0xffff, v0  }
0x320: {  	v0 =	vld [tilespmem:$0x10A70];
	_ =	sdelay $0x4  }
0x321: {  	[tilespmem:s0+$0x4270] =	vst.add.f32.msk $0xffff, v0  }
0x322: {  	v0 =	vld [tilespmem:$0x10A80];
	_ =	sdelay $0x4  }
0x323: {  	[tilespmem:s0+$0x4280] =	vst.add.f32.msk $0xffff, v0  }
0x324: {  	v0 =	vld [tilespmem:$0x10A90];
	_ =	sdelay $0x4  }
0x325: {  	[tilespmem:s0+$0x4290] =	vst.add.f32.msk $0xffff, v0  }
0x326: {  	v0 =	vld [tilespmem:$0x10AA0];
	_ =	sdelay $0x4  }
0x327: {  	[tilespmem:s0+$0x42A0] =	vst.add.f32.msk $0xffff, v0  }
0x328: {  	v0 =	vld [tilespmem:$0x10AB0];
	_ =	sdelay $0x4  }
0x329: {  	[tilespmem:s0+$0x42B0] =	vst.add.f32.msk $0xffff, v0  }
0x32a: {  	v0 =	vld [tilespmem:$0x10AC0];
	_ =	sdelay $0x4  }
0x32b: {  	[tilespmem:s0+$0x42C0] =	vst.add.f32.msk $0xffff, v0  }
0x32c: {  	v0 =	vld [tilespmem:$0x10AD0];
	_ =	sdelay $0x4  }
0x32d: {  	[tilespmem:s0+$0x42D0] =	vst.add.f32.msk $0xffff, v0  }
0x32e: {  	v0 =	vld [tilespmem:$0x10AE0];
	_ =	sdelay $0x4  }
0x32f: {  	[tilespmem:s0+$0x42E0] =	vst.add.f32.msk $0xffff, v0  }
0x330: {  	v0 =	vld [tilespmem:$0x10AF0];
	_ =	sdelay $0x4  }
0x331: {  	[tilespmem:s0+$0x42F0] =	vst.add.f32.msk $0xffff, v0  }
0x332: {  	v0 =	vld [tilespmem:$0x10B00];
	_ =	sdelay $0x4  }
0x333: {  	[tilespmem:s0+$0x4300] =	vst.add.f32.msk $0xffff, v0  }
0x334: {  	v0 =	vld [tilespmem:$0x10B10];
	_ =	sdelay $0x4  }
0x335: {  	[tilespmem:s0+$0x4310] =	vst.add.f32.msk $0xffff, v0  }
0x336: {  	v0 =	vld [tilespmem:$0x10B20];
	_ =	sdelay $0x4  }
0x337: {  	[tilespmem:s0+$0x4320] =	vst.add.f32.msk $0xffff, v0  }
0x338: {  	v0 =	vld [tilespmem:$0x10B30];
	_ =	sdelay $0x4  }
0x339: {  	[tilespmem:s0+$0x4330] =	vst.add.f32.msk $0xffff, v0  }
0x33a: {  	v0 =	vld [tilespmem:$0x10B40];
	_ =	sdelay $0x4  }
0x33b: {  	[tilespmem:s0+$0x4340] =	vst.add.f32.msk $0xffff, v0  }
0x33c: {  	v0 =	vld [tilespmem:$0x10B50];
	_ =	sdelay $0x4  }
0x33d: {  	[tilespmem:s0+$0x4350] =	vst.add.f32.msk $0xffff, v0  }
0x33e: {  	v0 =	vld [tilespmem:$0x10B60];
	_ =	sdelay $0x4  }
0x33f: {  	[tilespmem:s0+$0x4360] =	vst.add.f32.msk $0xffff, v0  }
0x340: {  	v0 =	vld [tilespmem:$0x10B70];
	_ =	sdelay $0x4  }
0x341: {  	[tilespmem:s0+$0x4370] =	vst.add.f32.msk $0xffff, v0  }
0x342: {  	v0 =	vld [tilespmem:$0x10B80];
	_ =	sdelay $0x4  }
0x343: {  	[tilespmem:s0+$0x4380] =	vst.add.f32.msk $0xffff, v0  }
0x344: {  	v0 =	vld [tilespmem:$0x10B90];
	_ =	sdelay $0x4  }
0x345: {  	[tilespmem:s0+$0x4390] =	vst.add.f32.msk $0xffff, v0  }
0x346: {  	v0 =	vld [tilespmem:$0x10BA0];
	_ =	sdelay $0x4  }
0x347: {  	[tilespmem:s0+$0x43A0] =	vst.add.f32.msk $0xffff, v0  }
0x348: {  	v0 =	vld [tilespmem:$0x10BB0];
	_ =	sdelay $0x4  }
0x349: {  	[tilespmem:s0+$0x43B0] =	vst.add.f32.msk $0xffff, v0  }
0x34a: {  	v0 =	vld [tilespmem:$0x10BC0];
	_ =	sdelay $0x4  }
0x34b: {  	[tilespmem:s0+$0x43C0] =	vst.add.f32.msk $0xffff, v0  }
0x34c: {  	v0 =	vld [tilespmem:$0x10BD0];
	_ =	sdelay $0x4  }
0x34d: {  	[tilespmem:s0+$0x43D0] =	vst.add.f32.msk $0xffff, v0  }
0x34e: {  	v0 =	vld [tilespmem:$0x10BE0];
	_ =	sdelay $0x4  }
0x34f: {  	[tilespmem:s0+$0x43E0] =	vst.add.f32.msk $0xffff, v0  }
0x350: {  	v0 =	vld [tilespmem:$0x10BF0];
	_ =	sdelay $0x4  }
0x351: {  	[tilespmem:s0+$0x43F0] =	vst.add.f32.msk $0xffff, v0  }
0x352: {  	v0 =	vld [tilespmem:$0x10C00];
	_ =	sdelay $0x4  }
0x353: {  	[tilespmem:s0+$0x4400] =	vst.add.f32.msk $0xffff, v0  }
0x354: {  	v0 =	vld [tilespmem:$0x10C10];
	_ =	sdelay $0x4  }
0x355: {  	[tilespmem:s0+$0x4410] =	vst.add.f32.msk $0xffff, v0  }
0x356: {  	v0 =	vld [tilespmem:$0x10C20];
	_ =	sdelay $0x4  }
0x357: {  	[tilespmem:s0+$0x4420] =	vst.add.f32.msk $0xffff, v0  }
0x358: {  	v0 =	vld [tilespmem:$0x10C30];
	_ =	sdelay $0x4  }
0x359: {  	[tilespmem:s0+$0x4430] =	vst.add.f32.msk $0xffff, v0  }
0x35a: {  	v0 =	vld [tilespmem:$0x10C40];
	_ =	sdelay $0x4  }
0x35b: {  	[tilespmem:s0+$0x4440] =	vst.add.f32.msk $0xffff, v0  }
0x35c: {  	v0 =	vld [tilespmem:$0x10C50];
	_ =	sdelay $0x4  }
0x35d: {  	[tilespmem:s0+$0x4450] =	vst.add.f32.msk $0xffff, v0  }
0x35e: {  	v0 =	vld [tilespmem:$0x10C60];
	_ =	sdelay $0x4  }
0x35f: {  	[tilespmem:s0+$0x4460] =	vst.add.f32.msk $0xffff, v0  }
0x360: {  	v0 =	vld [tilespmem:$0x10C70];
	_ =	sdelay $0x4  }
0x361: {  	[tilespmem:s0+$0x4470] =	vst.add.f32.msk $0xffff, v0  }
0x362: {  	v0 =	vld [tilespmem:$0x10C80];
	_ =	sdelay $0x4  }
0x363: {  	[tilespmem:s0+$0x4480] =	vst.add.f32.msk $0xffff, v0  }
0x364: {  	v0 =	vld [tilespmem:$0x10C90];
	_ =	sdelay $0x4  }
0x365: {  	[tilespmem:s0+$0x4490] =	vst.add.f32.msk $0xffff, v0  }
0x366: {  	v0 =	vld [tilespmem:$0x10CA0];
	_ =	sdelay $0x4  }
0x367: {  	[tilespmem:s0+$0x44A0] =	vst.add.f32.msk $0xffff, v0  }
0x368: {  	s30 =	sadd.s32 $0x1, s30;
	v0 =	vld [tilespmem:$0x10CB0]  }
0x369: {  	p0 =	sne.s32 s30, $0x14  }
.Ltmp3:
0x36a: {  	_ = 	snop;
	(pc) =	sbr.rel @p0 .LBB2_2-.Ltmp3, $4  }
0x36b: {  	s12 =	sadd.s32 s4, s31  }
0x36c: {  	s1 =	sshll.u32 s12, $0x3  }
0x36d: {  	s31 =	sadd.s32 s2, s1;
	[tilespmem:s0+$0x44B0] =	vst.add.f32.msk $0xffff, v0  }
0x36e: {  	[hbm4b:s31+s3] =	stream.linear.scatter [tilespmem:s14], [sflag:$0x3], $0x6400, $0x38;
	[tilespmem:$0x10CC0] =	vst v63  }
0x36f: {  	_ =	swait.ge [sflag:s25], $0x6400  }
0x370: {  	[sflag:s25] =	ssyncset.done $0x0  }
0x371: {  	[sflag:s25] =	ssyncadd.s32 $0xFFFF9C00  }
0x372: {  	s1 =	simm.s32 $0x0;
	s0 =	simm.s32 $0x1900;
	v0 =	vld [tilespmem:$0x10680]  }
.LBB2_10:
0x373: {  	p0 =	sne.s32 s0, $0x17700;
	_ =	sdelay $0x2  }
0x374: {  	s12 =	sshra.s32 s1, $0x2;
	s1 =	smov.u32 s0  }
0x375: {  	[tilespmem:s12+$0xA280] =	vst.add.f32.msk $0xffff, v0  }
0x376: {  	v0 =	vld [tilespmem:$0x10690];
	_ =	sdelay $0x4  }
0x377: {  	[tilespmem:s12+$0xA290] =	vst.add.f32.msk $0xffff, v0  }
0x378: {  	v0 =	vld [tilespmem:$0x106A0];
	_ =	sdelay $0x4  }
0x379: {  	[tilespmem:s12+$0xA2A0] =	vst.add.f32.msk $0xffff, v0  }
0x37a: {  	v0 =	vld [tilespmem:$0x106B0];
	_ =	sdelay $0x4  }
0x37b: {  	[tilespmem:s12+$0xA2B0] =	vst.add.f32.msk $0xffff, v0  }
0x37c: {  	v0 =	vld [tilespmem:$0x106C0];
	_ =	sdelay $0x4  }
0x37d: {  	[tilespmem:s12+$0xA2C0] =	vst.add.f32.msk $0xffff, v0  }
0x37e: {  	v0 =	vld [tilespmem:$0x106D0];
	_ =	sdelay $0x4  }
0x37f: {  	[tilespmem:s12+$0xA2D0] =	vst.add.f32.msk $0xffff, v0  }
0x380: {  	v0 =	vld [tilespmem:$0x106E0];
	_ =	sdelay $0x4  }
0x381: {  	[tilespmem:s12+$0xA2E0] =	vst.add.f32.msk $0xffff, v0  }
0x382: {  	v0 =	vld [tilespmem:$0x106F0];
	_ =	sdelay $0x4  }
0x383: {  	[tilespmem:s12+$0xA2F0] =	vst.add.f32.msk $0xffff, v0  }
0x384: {  	v0 =	vld [tilespmem:$0x10700];
	_ =	sdelay $0x4  }
0x385: {  	[tilespmem:s12+$0xA300] =	vst.add.f32.msk $0xffff, v0  }
0x386: {  	v0 =	vld [tilespmem:$0x10710];
	_ =	sdelay $0x4  }
0x387: {  	[tilespmem:s12+$0xA310] =	vst.add.f32.msk $0xffff, v0  }
0x388: {  	v0 =	vld [tilespmem:$0x10720];
	_ =	sdelay $0x4  }
0x389: {  	[tilespmem:s12+$0xA320] =	vst.add.f32.msk $0xffff, v0  }
0x38a: {  	v0 =	vld [tilespmem:$0x10730];
	_ =	sdelay $0x4  }
0x38b: {  	[tilespmem:s12+$0xA330] =	vst.add.f32.msk $0xffff, v0  }
0x38c: {  	v0 =	vld [tilespmem:$0x10740];
	_ =	sdelay $0x4  }
0x38d: {  	[tilespmem:s12+$0xA340] =	vst.add.f32.msk $0xffff, v0  }
0x38e: {  	v0 =	vld [tilespmem:$0x10750];
	_ =	sdelay $0x4  }
0x38f: {  	[tilespmem:s12+$0xA350] =	vst.add.f32.msk $0xffff, v0  }
0x390: {  	v0 =	vld [tilespmem:$0x10760];
	_ =	sdelay $0x4  }
0x391: {  	[tilespmem:s12+$0xA360] =	vst.add.f32.msk $0xffff, v0  }
0x392: {  	v0 =	vld [tilespmem:$0x10770];
	_ =	sdelay $0x4  }
0x393: {  	[tilespmem:s12+$0xA370] =	vst.add.f32.msk $0xffff, v0  }
0x394: {  	v0 =	vld [tilespmem:$0x10780];
	_ =	sdelay $0x4  }
0x395: {  	[tilespmem:s12+$0xA380] =	vst.add.f32.msk $0xffff, v0  }
0x396: {  	v0 =	vld [tilespmem:$0x10790];
	_ =	sdelay $0x4  }
0x397: {  	[tilespmem:s12+$0xA390] =	vst.add.f32.msk $0xffff, v0  }
0x398: {  	v0 =	vld [tilespmem:$0x107A0];
	_ =	sdelay $0x4  }
0x399: {  	[tilespmem:s12+$0xA3A0] =	vst.add.f32.msk $0xffff, v0  }
0x39a: {  	v0 =	vld [tilespmem:$0x107B0];
	_ =	sdelay $0x4  }
0x39b: {  	[tilespmem:s12+$0xA3B0] =	vst.add.f32.msk $0xffff, v0  }
0x39c: {  	v0 =	vld [tilespmem:$0x107C0];
	_ =	sdelay $0x4  }
0x39d: {  	[tilespmem:s12+$0xA3C0] =	vst.add.f32.msk $0xffff, v0  }
0x39e: {  	v0 =	vld [tilespmem:$0x107D0];
	_ =	sdelay $0x4  }
0x39f: {  	[tilespmem:s12+$0xA3D0] =	vst.add.f32.msk $0xffff, v0  }
0x3a0: {  	v0 =	vld [tilespmem:$0x107E0];
	_ =	sdelay $0x4  }
0x3a1: {  	[tilespmem:s12+$0xA3E0] =	vst.add.f32.msk $0xffff, v0  }
0x3a2: {  	v0 =	vld [tilespmem:$0x107F0];
	_ =	sdelay $0x4  }
0x3a3: {  	[tilespmem:s12+$0xA3F0] =	vst.add.f32.msk $0xffff, v0  }
0x3a4: {  	v0 =	vld [tilespmem:$0x10800];
	_ =	sdelay $0x4  }
0x3a5: {  	[tilespmem:s12+$0xA400] =	vst.add.f32.msk $0xffff, v0  }
0x3a6: {  	v0 =	vld [tilespmem:$0x10810];
	_ =	sdelay $0x4  }
0x3a7: {  	[tilespmem:s12+$0xA410] =	vst.add.f32.msk $0xffff, v0  }
0x3a8: {  	v0 =	vld [tilespmem:$0x10820];
	_ =	sdelay $0x4  }
0x3a9: {  	[tilespmem:s12+$0xA420] =	vst.add.f32.msk $0xffff, v0  }
0x3aa: {  	v0 =	vld [tilespmem:$0x10830];
	_ =	sdelay $0x4  }
0x3ab: {  	[tilespmem:s12+$0xA430] =	vst.add.f32.msk $0xffff, v0  }
0x3ac: {  	v0 =	vld [tilespmem:$0x10840];
	_ =	sdelay $0x4  }
0x3ad: {  	[tilespmem:s12+$0xA440] =	vst.add.f32.msk $0xffff, v0  }
0x3ae: {  	v0 =	vld [tilespmem:$0x10850];
	_ =	sdelay $0x4  }
0x3af: {  	[tilespmem:s12+$0xA450] =	vst.add.f32.msk $0xffff, v0  }
0x3b0: {  	v0 =	vld [tilespmem:$0x10860];
	_ =	sdelay $0x4  }
0x3b1: {  	[tilespmem:s12+$0xA460] =	vst.add.f32.msk $0xffff, v0  }
0x3b2: {  	v0 =	vld [tilespmem:$0x10870];
	_ =	sdelay $0x4  }
0x3b3: {  	[tilespmem:s12+$0xA470] =	vst.add.f32.msk $0xffff, v0  }
0x3b4: {  	v0 =	vld [tilespmem:$0x10880];
	_ =	sdelay $0x4  }
0x3b5: {  	[tilespmem:s12+$0xA480] =	vst.add.f32.msk $0xffff, v0  }
0x3b6: {  	v0 =	vld [tilespmem:$0x10890];
	_ =	sdelay $0x4  }
0x3b7: {  	[tilespmem:s12+$0xA490] =	vst.add.f32.msk $0xffff, v0  }
0x3b8: {  	v0 =	vld [tilespmem:$0x108A0];
	_ =	sdelay $0x4  }
0x3b9: {  	[tilespmem:s12+$0xA4A0] =	vst.add.f32.msk $0xffff, v0  }
0x3ba: {  	v0 =	vld [tilespmem:$0x108B0];
	_ =	sdelay $0x4  }
0x3bb: {  	[tilespmem:s12+$0xA4B0] =	vst.add.f32.msk $0xffff, v0  }
0x3bc: {  	v0 =	vld [tilespmem:$0x108C0];
	_ =	sdelay $0x4  }
0x3bd: {  	[tilespmem:s12+$0xA4C0] =	vst.add.f32.msk $0xffff, v0  }
0x3be: {  	v0 =	vld [tilespmem:$0x108D0];
	_ =	sdelay $0x4  }
0x3bf: {  	[tilespmem:s12+$0xA4D0] =	vst.add.f32.msk $0xffff, v0  }
0x3c0: {  	v0 =	vld [tilespmem:$0x108E0];
	_ =	sdelay $0x4  }
0x3c1: {  	[tilespmem:s12+$0xA4E0] =	vst.add.f32.msk $0xffff, v0  }
0x3c2: {  	v0 =	vld [tilespmem:$0x108F0];
	_ =	sdelay $0x4  }
0x3c3: {  	[tilespmem:s12+$0xA4F0] =	vst.add.f32.msk $0xffff, v0  }
0x3c4: {  	v0 =	vld [tilespmem:$0x10900];
	_ =	sdelay $0x4  }
0x3c5: {  	[tilespmem:s12+$0xA500] =	vst.add.f32.msk $0xffff, v0  }
0x3c6: {  	v0 =	vld [tilespmem:$0x10910];
	_ =	sdelay $0x4  }
0x3c7: {  	[tilespmem:s12+$0xA510] =	vst.add.f32.msk $0xffff, v0  }
0x3c8: {  	v0 =	vld [tilespmem:$0x10920];
	_ =	sdelay $0x4  }
0x3c9: {  	[tilespmem:s12+$0xA520] =	vst.add.f32.msk $0xffff, v0  }
0x3ca: {  	v0 =	vld [tilespmem:$0x10930];
	_ =	sdelay $0x4  }
0x3cb: {  	[tilespmem:s12+$0xA530] =	vst.add.f32.msk $0xffff, v0  }
0x3cc: {  	v0 =	vld [tilespmem:$0x10940];
	_ =	sdelay $0x4  }
0x3cd: {  	[tilespmem:s12+$0xA540] =	vst.add.f32.msk $0xffff, v0  }
0x3ce: {  	v0 =	vld [tilespmem:$0x10950];
	_ =	sdelay $0x4  }
0x3cf: {  	[tilespmem:s12+$0xA550] =	vst.add.f32.msk $0xffff, v0  }
0x3d0: {  	v0 =	vld [tilespmem:$0x10960];
	_ =	sdelay $0x4  }
0x3d1: {  	[tilespmem:s12+$0xA560] =	vst.add.f32.msk $0xffff, v0  }
0x3d2: {  	v0 =	vld [tilespmem:$0x10970];
	_ =	sdelay $0x4  }
0x3d3: {  	[tilespmem:s12+$0xA570] =	vst.add.f32.msk $0xffff, v0  }
0x3d4: {  	v0 =	vld [tilespmem:$0x10980];
	_ =	sdelay $0x4  }
0x3d5: {  	[tilespmem:s12+$0xA580] =	vst.add.f32.msk $0xffff, v0  }
0x3d6: {  	v0 =	vld [tilespmem:$0x10990];
	_ =	sdelay $0x4  }
0x3d7: {  	[tilespmem:s12+$0xA590] =	vst.add.f32.msk $0xffff, v0  }
0x3d8: {  	v0 =	vld [tilespmem:$0x109A0];
	_ =	sdelay $0x4  }
0x3d9: {  	[tilespmem:s12+$0xA5A0] =	vst.add.f32.msk $0xffff, v0  }
0x3da: {  	v0 =	vld [tilespmem:$0x109B0];
	_ =	sdelay $0x4  }
0x3db: {  	[tilespmem:s12+$0xA5B0] =	vst.add.f32.msk $0xffff, v0  }
0x3dc: {  	v0 =	vld [tilespmem:$0x109C0];
	_ =	sdelay $0x4  }
0x3dd: {  	[tilespmem:s12+$0xA5C0] =	vst.add.f32.msk $0xffff, v0  }
0x3de: {  	v0 =	vld [tilespmem:$0x109D0];
	_ =	sdelay $0x4  }
0x3df: {  	[tilespmem:s12+$0xA5D0] =	vst.add.f32.msk $0xffff, v0  }
0x3e0: {  	v0 =	vld [tilespmem:$0x109E0];
	_ =	sdelay $0x4  }
0x3e1: {  	[tilespmem:s12+$0xA5E0] =	vst.add.f32.msk $0xffff, v0  }
0x3e2: {  	v0 =	vld [tilespmem:$0x109F0];
	_ =	sdelay $0x4  }
0x3e3: {  	[tilespmem:s12+$0xA5F0] =	vst.add.f32.msk $0xffff, v0  }
0x3e4: {  	v0 =	vld [tilespmem:$0x10A00];
	_ =	sdelay $0x4  }
0x3e5: {  	[tilespmem:s12+$0xA600] =	vst.add.f32.msk $0xffff, v0  }
0x3e6: {  	v0 =	vld [tilespmem:$0x10A10];
	_ =	sdelay $0x4  }
0x3e7: {  	[tilespmem:s12+$0xA610] =	vst.add.f32.msk $0xffff, v0  }
0x3e8: {  	v0 =	vld [tilespmem:$0x10A20];
	_ =	sdelay $0x4  }
0x3e9: {  	[tilespmem:s12+$0xA620] =	vst.add.f32.msk $0xffff, v0  }
0x3ea: {  	v0 =	vld [tilespmem:$0x10A30];
	_ =	sdelay $0x4  }
0x3eb: {  	[tilespmem:s12+$0xA630] =	vst.add.f32.msk $0xffff, v0  }
0x3ec: {  	v0 =	vld [tilespmem:$0x10A40];
	_ =	sdelay $0x4  }
0x3ed: {  	[tilespmem:s12+$0xA640] =	vst.add.f32.msk $0xffff, v0  }
0x3ee: {  	v0 =	vld [tilespmem:$0x10A50];
	_ =	sdelay $0x4  }
0x3ef: {  	[tilespmem:s12+$0xA650] =	vst.add.f32.msk $0xffff, v0  }
0x3f0: {  	v0 =	vld [tilespmem:$0x10A60];
	_ =	sdelay $0x4  }
0x3f1: {  	[tilespmem:s12+$0xA660] =	vst.add.f32.msk $0xffff, v0  }
0x3f2: {  	v0 =	vld [tilespmem:$0x10A70];
	_ =	sdelay $0x4  }
0x3f3: {  	[tilespmem:s12+$0xA670] =	vst.add.f32.msk $0xffff, v0  }
0x3f4: {  	v0 =	vld [tilespmem:$0x10A80];
	_ =	sdelay $0x4  }
0x3f5: {  	[tilespmem:s12+$0xA680] =	vst.add.f32.msk $0xffff, v0  }
0x3f6: {  	v0 =	vld [tilespmem:$0x10A90];
	_ =	sdelay $0x4  }
0x3f7: {  	[tilespmem:s12+$0xA690] =	vst.add.f32.msk $0xffff, v0  }
0x3f8: {  	v0 =	vld [tilespmem:$0x10AA0];
	_ =	sdelay $0x4  }
0x3f9: {  	[tilespmem:s12+$0xA6A0] =	vst.add.f32.msk $0xffff, v0  }
0x3fa: {  	v0 =	vld [tilespmem:$0x10AB0];
	_ =	sdelay $0x4  }
0x3fb: {  	[tilespmem:s12+$0xA6B0] =	vst.add.f32.msk $0xffff, v0  }
0x3fc: {  	v0 =	vld [tilespmem:$0x10AC0];
	_ =	sdelay $0x4  }
0x3fd: {  	[tilespmem:s12+$0xA6C0] =	vst.add.f32.msk $0xffff, v0  }
0x3fe: {  	v0 =	vld [tilespmem:$0x10AD0];
	_ =	sdelay $0x4  }
0x3ff: {  	[tilespmem:s12+$0xA6D0] =	vst.add.f32.msk $0xffff, v0  }
0x400: {  	v0 =	vld [tilespmem:$0x10AE0];
	_ =	sdelay $0x4  }
0x401: {  	[tilespmem:s12+$0xA6E0] =	vst.add.f32.msk $0xffff, v0  }
0x402: {  	v0 =	vld [tilespmem:$0x10AF0];
	_ =	sdelay $0x4  }
0x403: {  	[tilespmem:s12+$0xA6F0] =	vst.add.f32.msk $0xffff, v0  }
0x404: {  	v0 =	vld [tilespmem:$0x10B00];
	_ =	sdelay $0x4  }
0x405: {  	[tilespmem:s12+$0xA700] =	vst.add.f32.msk $0xffff, v0  }
0x406: {  	v0 =	vld [tilespmem:$0x10B10];
	_ =	sdelay $0x4  }
0x407: {  	[tilespmem:s12+$0xA710] =	vst.add.f32.msk $0xffff, v0  }
0x408: {  	v0 =	vld [tilespmem:$0x10B20];
	_ =	sdelay $0x4  }
0x409: {  	[tilespmem:s12+$0xA720] =	vst.add.f32.msk $0xffff, v0  }
0x40a: {  	v0 =	vld [tilespmem:$0x10B30];
	_ =	sdelay $0x4  }
0x40b: {  	[tilespmem:s12+$0xA730] =	vst.add.f32.msk $0xffff, v0  }
0x40c: {  	v0 =	vld [tilespmem:$0x10B40];
	_ =	sdelay $0x4  }
0x40d: {  	[tilespmem:s12+$0xA740] =	vst.add.f32.msk $0xffff, v0  }
0x40e: {  	v0 =	vld [tilespmem:$0x10B50];
	_ =	sdelay $0x4  }
0x40f: {  	[tilespmem:s12+$0xA750] =	vst.add.f32.msk $0xffff, v0  }
0x410: {  	v0 =	vld [tilespmem:$0x10B60];
	_ =	sdelay $0x4  }
0x411: {  	[tilespmem:s12+$0xA760] =	vst.add.f32.msk $0xffff, v0  }
0x412: {  	v0 =	vld [tilespmem:$0x10B70];
	_ =	sdelay $0x4  }
0x413: {  	[tilespmem:s12+$0xA770] =	vst.add.f32.msk $0xffff, v0  }
0x414: {  	v0 =	vld [tilespmem:$0x10B80];
	_ =	sdelay $0x4  }
0x415: {  	[tilespmem:s12+$0xA780] =	vst.add.f32.msk $0xffff, v0  }
0x416: {  	v0 =	vld [tilespmem:$0x10B90];
	_ =	sdelay $0x4  }
0x417: {  	[tilespmem:s12+$0xA790] =	vst.add.f32.msk $0xffff, v0  }
0x418: {  	v0 =	vld [tilespmem:$0x10BA0];
	_ =	sdelay $0x4  }
0x419: {  	[tilespmem:s12+$0xA7A0] =	vst.add.f32.msk $0xffff, v0  }
0x41a: {  	v0 =	vld [tilespmem:$0x10BB0];
	_ =	sdelay $0x4  }
0x41b: {  	[tilespmem:s12+$0xA7B0] =	vst.add.f32.msk $0xffff, v0  }
0x41c: {  	v0 =	vld [tilespmem:$0x10BC0];
	_ =	sdelay $0x4  }
0x41d: {  	[tilespmem:s12+$0xA7C0] =	vst.add.f32.msk $0xffff, v0  }
0x41e: {  	v0 =	vld [tilespmem:$0x10BD0];
	_ =	sdelay $0x4  }
0x41f: {  	[tilespmem:s12+$0xA7D0] =	vst.add.f32.msk $0xffff, v0  }
0x420: {  	v0 =	vld [tilespmem:$0x10BE0];
	_ =	sdelay $0x4  }
0x421: {  	[tilespmem:s12+$0xA7E0] =	vst.add.f32.msk $0xffff, v0  }
0x422: {  	v0 =	vld [tilespmem:$0x10BF0];
	_ =	sdelay $0x4  }
0x423: {  	[tilespmem:s12+$0xA7F0] =	vst.add.f32.msk $0xffff, v0  }
0x424: {  	v0 =	vld [tilespmem:$0x10C00];
	_ =	sdelay $0x4  }
0x425: {  	[tilespmem:s12+$0xA800] =	vst.add.f32.msk $0xffff, v0  }
0x426: {  	v0 =	vld [tilespmem:$0x10C10];
	_ =	sdelay $0x4  }
0x427: {  	[tilespmem:s12+$0xA810] =	vst.add.f32.msk $0xffff, v0  }
0x428: {  	v0 =	vld [tilespmem:$0x10C20];
	_ =	sdelay $0x4  }
0x429: {  	[tilespmem:s12+$0xA820] =	vst.add.f32.msk $0xffff, v0  }
0x42a: {  	v0 =	vld [tilespmem:$0x10C30];
	_ =	sdelay $0x4  }
0x42b: {  	[tilespmem:s12+$0xA830] =	vst.add.f32.msk $0xffff, v0  }
0x42c: {  	v0 =	vld [tilespmem:$0x10C40];
	_ =	sdelay $0x4  }
0x42d: {  	[tilespmem:s12+$0xA840] =	vst.add.f32.msk $0xffff, v0  }
0x42e: {  	v0 =	vld [tilespmem:$0x10C50];
	_ =	sdelay $0x4  }
0x42f: {  	[tilespmem:s12+$0xA850] =	vst.add.f32.msk $0xffff, v0  }
0x430: {  	v0 =	vld [tilespmem:$0x10C60];
	_ =	sdelay $0x4  }
0x431: {  	[tilespmem:s12+$0xA860] =	vst.add.f32.msk $0xffff, v0  }
0x432: {  	v0 =	vld [tilespmem:$0x10C70];
	_ =	sdelay $0x4  }
0x433: {  	[tilespmem:s12+$0xA870] =	vst.add.f32.msk $0xffff, v0  }
0x434: {  	v0 =	vld [tilespmem:$0x10C80];
	_ =	sdelay $0x4  }
0x435: {  	[tilespmem:s12+$0xA880] =	vst.add.f32.msk $0xffff, v0  }
0x436: {  	v0 =	vld [tilespmem:$0x10C90];
	_ =	sdelay $0x4  }
0x437: {  	[tilespmem:s12+$0xA890] =	vst.add.f32.msk $0xffff, v0  }
0x438: {  	v0 =	vld [tilespmem:$0x10CA0];
	_ =	sdelay $0x4  }
0x439: {  	[tilespmem:s12+$0xA8A0] =	vst.add.f32.msk $0xffff, v0  }
0x43a: {  	v0 =	vld [tilespmem:$0x10CB0];
	_ =	sdelay $0x1  }
.Ltmp4:
0x43b: {  	(pc) =	sbr.rel @p0 .LBB2_10-.Ltmp4, $3  }
0x43c: {  	_ =	sdelay $0x1  }
0x43d: {  	[tilespmem:s12+$0xA8B0] =	vst.add.f32.msk $0xffff, v0  }
0x43e: {  	s0 =	sadd.s32 $0x1900, s0;
	v0 =	vld [tilespmem:$0x10680]  }
0x43f: {  	_ =	sdelay $0x2  }
0x440: {  	s0 =	sshra.s32 s1, $0x2  }
0x441: {  	[tilespmem:s0+$0xA280] =	vst.add.f32.msk $0xffff, v0  }
0x442: {  	v0 =	vld [tilespmem:$0x10690];
	_ =	sdelay $0x4  }
0x443: {  	[tilespmem:s0+$0xA290] =	vst.add.f32.msk $0xffff, v0  }
0x444: {  	v0 =	vld [tilespmem:$0x106A0];
	_ =	sdelay $0x4  }
0x445: {  	[tilespmem:s0+$0xA2A0] =	vst.add.f32.msk $0xffff, v0  }
0x446: {  	v0 =	vld [tilespmem:$0x106B0];
	_ =	sdelay $0x4  }
0x447: {  	[tilespmem:s0+$0xA2B0] =	vst.add.f32.msk $0xffff, v0  }
0x448: {  	v0 =	vld [tilespmem:$0x106C0];
	_ =	sdelay $0x4  }
0x449: {  	[tilespmem:s0+$0xA2C0] =	vst.add.f32.msk $0xffff, v0  }
0x44a: {  	v0 =	vld [tilespmem:$0x106D0];
	_ =	sdelay $0x4  }
0x44b: {  	[tilespmem:s0+$0xA2D0] =	vst.add.f32.msk $0xffff, v0  }
0x44c: {  	v0 =	vld [tilespmem:$0x106E0];
	_ =	sdelay $0x4  }
0x44d: {  	[tilespmem:s0+$0xA2E0] =	vst.add.f32.msk $0xffff, v0  }
0x44e: {  	v0 =	vld [tilespmem:$0x106F0];
	_ =	sdelay $0x4  }
0x44f: {  	[tilespmem:s0+$0xA2F0] =	vst.add.f32.msk $0xffff, v0  }
0x450: {  	v0 =	vld [tilespmem:$0x10700];
	_ =	sdelay $0x4  }
0x451: {  	[tilespmem:s0+$0xA300] =	vst.add.f32.msk $0xffff, v0  }
0x452: {  	v0 =	vld [tilespmem:$0x10710];
	_ =	sdelay $0x4  }
0x453: {  	[tilespmem:s0+$0xA310] =	vst.add.f32.msk $0xffff, v0  }
0x454: {  	v0 =	vld [tilespmem:$0x10720];
	_ =	sdelay $0x4  }
0x455: {  	[tilespmem:s0+$0xA320] =	vst.add.f32.msk $0xffff, v0  }
0x456: {  	v0 =	vld [tilespmem:$0x10730];
	_ =	sdelay $0x4  }
0x457: {  	[tilespmem:s0+$0xA330] =	vst.add.f32.msk $0xffff, v0  }
0x458: {  	v0 =	vld [tilespmem:$0x10740];
	_ =	sdelay $0x4  }
0x459: {  	[tilespmem:s0+$0xA340] =	vst.add.f32.msk $0xffff, v0  }
0x45a: {  	v0 =	vld [tilespmem:$0x10750];
	_ =	sdelay $0x4  }
0x45b: {  	[tilespmem:s0+$0xA350] =	vst.add.f32.msk $0xffff, v0  }
0x45c: {  	v0 =	vld [tilespmem:$0x10760];
	_ =	sdelay $0x4  }
0x45d: {  	[tilespmem:s0+$0xA360] =	vst.add.f32.msk $0xffff, v0  }
0x45e: {  	v0 =	vld [tilespmem:$0x10770];
	_ =	sdelay $0x4  }
0x45f: {  	[tilespmem:s0+$0xA370] =	vst.add.f32.msk $0xffff, v0  }
0x460: {  	v0 =	vld [tilespmem:$0x10780];
	_ =	sdelay $0x4  }
0x461: {  	[tilespmem:s0+$0xA380] =	vst.add.f32.msk $0xffff, v0  }
0x462: {  	v0 =	vld [tilespmem:$0x10790];
	_ =	sdelay $0x4  }
0x463: {  	[tilespmem:s0+$0xA390] =	vst.add.f32.msk $0xffff, v0  }
0x464: {  	v0 =	vld [tilespmem:$0x107A0];
	_ =	sdelay $0x4  }
0x465: {  	[tilespmem:s0+$0xA3A0] =	vst.add.f32.msk $0xffff, v0  }
0x466: {  	v0 =	vld [tilespmem:$0x107B0];
	_ =	sdelay $0x4  }
0x467: {  	[tilespmem:s0+$0xA3B0] =	vst.add.f32.msk $0xffff, v0  }
0x468: {  	v0 =	vld [tilespmem:$0x107C0];
	_ =	sdelay $0x4  }
0x469: {  	[tilespmem:s0+$0xA3C0] =	vst.add.f32.msk $0xffff, v0  }
0x46a: {  	v0 =	vld [tilespmem:$0x107D0];
	_ =	sdelay $0x4  }
0x46b: {  	[tilespmem:s0+$0xA3D0] =	vst.add.f32.msk $0xffff, v0  }
0x46c: {  	v0 =	vld [tilespmem:$0x107E0];
	_ =	sdelay $0x4  }
0x46d: {  	[tilespmem:s0+$0xA3E0] =	vst.add.f32.msk $0xffff, v0  }
0x46e: {  	v0 =	vld [tilespmem:$0x107F0];
	_ =	sdelay $0x4  }
0x46f: {  	[tilespmem:s0+$0xA3F0] =	vst.add.f32.msk $0xffff, v0  }
0x470: {  	v0 =	vld [tilespmem:$0x10800];
	_ =	sdelay $0x4  }
0x471: {  	[tilespmem:s0+$0xA400] =	vst.add.f32.msk $0xffff, v0  }
0x472: {  	v0 =	vld [tilespmem:$0x10810];
	_ =	sdelay $0x4  }
0x473: {  	[tilespmem:s0+$0xA410] =	vst.add.f32.msk $0xffff, v0  }
0x474: {  	v0 =	vld [tilespmem:$0x10820];
	_ =	sdelay $0x4  }
0x475: {  	[tilespmem:s0+$0xA420] =	vst.add.f32.msk $0xffff, v0  }
0x476: {  	v0 =	vld [tilespmem:$0x10830];
	_ =	sdelay $0x4  }
0x477: {  	[tilespmem:s0+$0xA430] =	vst.add.f32.msk $0xffff, v0  }
0x478: {  	v0 =	vld [tilespmem:$0x10840];
	_ =	sdelay $0x4  }
0x479: {  	[tilespmem:s0+$0xA440] =	vst.add.f32.msk $0xffff, v0  }
0x47a: {  	v0 =	vld [tilespmem:$0x10850];
	_ =	sdelay $0x4  }
0x47b: {  	[tilespmem:s0+$0xA450] =	vst.add.f32.msk $0xffff, v0  }
0x47c: {  	v0 =	vld [tilespmem:$0x10860];
	_ =	sdelay $0x4  }
0x47d: {  	[tilespmem:s0+$0xA460] =	vst.add.f32.msk $0xffff, v0  }
0x47e: {  	v0 =	vld [tilespmem:$0x10870];
	_ =	sdelay $0x4  }
0x47f: {  	[tilespmem:s0+$0xA470] =	vst.add.f32.msk $0xffff, v0  }
0x480: {  	v0 =	vld [tilespmem:$0x10880];
	_ =	sdelay $0x4  }
0x481: {  	[tilespmem:s0+$0xA480] =	vst.add.f32.msk $0xffff, v0  }
0x482: {  	v0 =	vld [tilespmem:$0x10890];
	_ =	sdelay $0x4  }
0x483: {  	[tilespmem:s0+$0xA490] =	vst.add.f32.msk $0xffff, v0  }
0x484: {  	v0 =	vld [tilespmem:$0x108A0];
	_ =	sdelay $0x4  }
0x485: {  	[tilespmem:s0+$0xA4A0] =	vst.add.f32.msk $0xffff, v0  }
0x486: {  	v0 =	vld [tilespmem:$0x108B0];
	_ =	sdelay $0x4  }
0x487: {  	[tilespmem:s0+$0xA4B0] =	vst.add.f32.msk $0xffff, v0  }
0x488: {  	v0 =	vld [tilespmem:$0x108C0];
	_ =	sdelay $0x4  }
0x489: {  	[tilespmem:s0+$0xA4C0] =	vst.add.f32.msk $0xffff, v0  }
0x48a: {  	v0 =	vld [tilespmem:$0x108D0];
	_ =	sdelay $0x4  }
0x48b: {  	[tilespmem:s0+$0xA4D0] =	vst.add.f32.msk $0xffff, v0  }
0x48c: {  	v0 =	vld [tilespmem:$0x108E0];
	_ =	sdelay $0x4  }
0x48d: {  	[tilespmem:s0+$0xA4E0] =	vst.add.f32.msk $0xffff, v0  }
0x48e: {  	v0 =	vld [tilespmem:$0x108F0];
	_ =	sdelay $0x4  }
0x48f: {  	[tilespmem:s0+$0xA4F0] =	vst.add.f32.msk $0xffff, v0  }
0x490: {  	v0 =	vld [tilespmem:$0x10900];
	_ =	sdelay $0x4  }
0x491: {  	[tilespmem:s0+$0xA500] =	vst.add.f32.msk $0xffff, v0  }
0x492: {  	v0 =	vld [tilespmem:$0x10910];
	_ =	sdelay $0x4  }
0x493: {  	[tilespmem:s0+$0xA510] =	vst.add.f32.msk $0xffff, v0  }
0x494: {  	v0 =	vld [tilespmem:$0x10920];
	_ =	sdelay $0x4  }
0x495: {  	[tilespmem:s0+$0xA520] =	vst.add.f32.msk $0xffff, v0  }
0x496: {  	v0 =	vld [tilespmem:$0x10930];
	_ =	sdelay $0x4  }
0x497: {  	[tilespmem:s0+$0xA530] =	vst.add.f32.msk $0xffff, v0  }
0x498: {  	v0 =	vld [tilespmem:$0x10940];
	_ =	sdelay $0x4  }
0x499: {  	[tilespmem:s0+$0xA540] =	vst.add.f32.msk $0xffff, v0  }
0x49a: {  	v0 =	vld [tilespmem:$0x10950];
	_ =	sdelay $0x4  }
0x49b: {  	[tilespmem:s0+$0xA550] =	vst.add.f32.msk $0xffff, v0  }
0x49c: {  	v0 =	vld [tilespmem:$0x10960];
	_ =	sdelay $0x4  }
0x49d: {  	[tilespmem:s0+$0xA560] =	vst.add.f32.msk $0xffff, v0  }
0x49e: {  	v0 =	vld [tilespmem:$0x10970];
	_ =	sdelay $0x4  }
0x49f: {  	[tilespmem:s0+$0xA570] =	vst.add.f32.msk $0xffff, v0  }
0x4a0: {  	v0 =	vld [tilespmem:$0x10980];
	_ =	sdelay $0x4  }
0x4a1: {  	[tilespmem:s0+$0xA580] =	vst.add.f32.msk $0xffff, v0  }
0x4a2: {  	v0 =	vld [tilespmem:$0x10990];
	_ =	sdelay $0x4  }
0x4a3: {  	[tilespmem:s0+$0xA590] =	vst.add.f32.msk $0xffff, v0  }
0x4a4: {  	v0 =	vld [tilespmem:$0x109A0];
	_ =	sdelay $0x4  }
0x4a5: {  	[tilespmem:s0+$0xA5A0] =	vst.add.f32.msk $0xffff, v0  }
0x4a6: {  	v0 =	vld [tilespmem:$0x109B0];
	_ =	sdelay $0x4  }
0x4a7: {  	[tilespmem:s0+$0xA5B0] =	vst.add.f32.msk $0xffff, v0  }
0x4a8: {  	v0 =	vld [tilespmem:$0x109C0];
	_ =	sdelay $0x4  }
0x4a9: {  	[tilespmem:s0+$0xA5C0] =	vst.add.f32.msk $0xffff, v0  }
0x4aa: {  	v0 =	vld [tilespmem:$0x109D0];
	_ =	sdelay $0x4  }
0x4ab: {  	[tilespmem:s0+$0xA5D0] =	vst.add.f32.msk $0xffff, v0  }
0x4ac: {  	v0 =	vld [tilespmem:$0x109E0];
	_ =	sdelay $0x4  }
0x4ad: {  	[tilespmem:s0+$0xA5E0] =	vst.add.f32.msk $0xffff, v0  }
0x4ae: {  	v0 =	vld [tilespmem:$0x109F0];
	_ =	sdelay $0x4  }
0x4af: {  	[tilespmem:s0+$0xA5F0] =	vst.add.f32.msk $0xffff, v0  }
0x4b0: {  	v0 =	vld [tilespmem:$0x10A00];
	_ =	sdelay $0x4  }
0x4b1: {  	[tilespmem:s0+$0xA600] =	vst.add.f32.msk $0xffff, v0  }
0x4b2: {  	v0 =	vld [tilespmem:$0x10A10];
	_ =	sdelay $0x4  }
0x4b3: {  	[tilespmem:s0+$0xA610] =	vst.add.f32.msk $0xffff, v0  }
0x4b4: {  	v0 =	vld [tilespmem:$0x10A20];
	_ =	sdelay $0x4  }
0x4b5: {  	[tilespmem:s0+$0xA620] =	vst.add.f32.msk $0xffff, v0  }
0x4b6: {  	v0 =	vld [tilespmem:$0x10A30];
	_ =	sdelay $0x4  }
0x4b7: {  	[tilespmem:s0+$0xA630] =	vst.add.f32.msk $0xffff, v0  }
0x4b8: {  	v0 =	vld [tilespmem:$0x10A40];
	_ =	sdelay $0x4  }
0x4b9: {  	[tilespmem:s0+$0xA640] =	vst.add.f32.msk $0xffff, v0  }
0x4ba: {  	v0 =	vld [tilespmem:$0x10A50];
	_ =	sdelay $0x4  }
0x4bb: {  	[tilespmem:s0+$0xA650] =	vst.add.f32.msk $0xffff, v0  }
0x4bc: {  	v0 =	vld [tilespmem:$0x10A60];
	_ =	sdelay $0x4  }
0x4bd: {  	[tilespmem:s0+$0xA660] =	vst.add.f32.msk $0xffff, v0  }
0x4be: {  	v0 =	vld [tilespmem:$0x10A70];
	_ =	sdelay $0x4  }
0x4bf: {  	[tilespmem:s0+$0xA670] =	vst.add.f32.msk $0xffff, v0  }
0x4c0: {  	v0 =	vld [tilespmem:$0x10A80];
	_ =	sdelay $0x4  }
0x4c1: {  	[tilespmem:s0+$0xA680] =	vst.add.f32.msk $0xffff, v0  }
0x4c2: {  	v0 =	vld [tilespmem:$0x10A90];
	_ =	sdelay $0x4  }
0x4c3: {  	[tilespmem:s0+$0xA690] =	vst.add.f32.msk $0xffff, v0  }
0x4c4: {  	v0 =	vld [tilespmem:$0x10AA0];
	_ =	sdelay $0x4  }
0x4c5: {  	[tilespmem:s0+$0xA6A0] =	vst.add.f32.msk $0xffff, v0  }
0x4c6: {  	v0 =	vld [tilespmem:$0x10AB0];
	_ =	sdelay $0x4  }
0x4c7: {  	[tilespmem:s0+$0xA6B0] =	vst.add.f32.msk $0xffff, v0  }
0x4c8: {  	v0 =	vld [tilespmem:$0x10AC0];
	_ =	sdelay $0x4  }
0x4c9: {  	[tilespmem:s0+$0xA6C0] =	vst.add.f32.msk $0xffff, v0  }
0x4ca: {  	v0 =	vld [tilespmem:$0x10AD0];
	_ =	sdelay $0x4  }
0x4cb: {  	[tilespmem:s0+$0xA6D0] =	vst.add.f32.msk $0xffff, v0  }
0x4cc: {  	v0 =	vld [tilespmem:$0x10AE0];
	_ =	sdelay $0x4  }
0x4cd: {  	[tilespmem:s0+$0xA6E0] =	vst.add.f32.msk $0xffff, v0  }
0x4ce: {  	v0 =	vld [tilespmem:$0x10AF0];
	_ =	sdelay $0x4  }
0x4cf: {  	[tilespmem:s0+$0xA6F0] =	vst.add.f32.msk $0xffff, v0  }
0x4d0: {  	v0 =	vld [tilespmem:$0x10B00];
	_ =	sdelay $0x4  }
0x4d1: {  	[tilespmem:s0+$0xA700] =	vst.add.f32.msk $0xffff, v0  }
0x4d2: {  	v0 =	vld [tilespmem:$0x10B10];
	_ =	sdelay $0x4  }
0x4d3: {  	[tilespmem:s0+$0xA710] =	vst.add.f32.msk $0xffff, v0  }
0x4d4: {  	v0 =	vld [tilespmem:$0x10B20];
	_ =	sdelay $0x4  }
0x4d5: {  	[tilespmem:s0+$0xA720] =	vst.add.f32.msk $0xffff, v0  }
0x4d6: {  	v0 =	vld [tilespmem:$0x10B30];
	_ =	sdelay $0x4  }
0x4d7: {  	[tilespmem:s0+$0xA730] =	vst.add.f32.msk $0xffff, v0  }
0x4d8: {  	v0 =	vld [tilespmem:$0x10B40];
	_ =	sdelay $0x4  }
0x4d9: {  	[tilespmem:s0+$0xA740] =	vst.add.f32.msk $0xffff, v0  }
0x4da: {  	v0 =	vld [tilespmem:$0x10B50];
	_ =	sdelay $0x4  }
0x4db: {  	[tilespmem:s0+$0xA750] =	vst.add.f32.msk $0xffff, v0  }
0x4dc: {  	v0 =	vld [tilespmem:$0x10B60];
	_ =	sdelay $0x4  }
0x4dd: {  	[tilespmem:s0+$0xA760] =	vst.add.f32.msk $0xffff, v0  }
0x4de: {  	v0 =	vld [tilespmem:$0x10B70];
	_ =	sdelay $0x4  }
0x4df: {  	[tilespmem:s0+$0xA770] =	vst.add.f32.msk $0xffff, v0  }
0x4e0: {  	v0 =	vld [tilespmem:$0x10B80];
	_ =	sdelay $0x4  }
0x4e1: {  	[tilespmem:s0+$0xA780] =	vst.add.f32.msk $0xffff, v0  }
0x4e2: {  	v0 =	vld [tilespmem:$0x10B90];
	_ =	sdelay $0x4  }
0x4e3: {  	[tilespmem:s0+$0xA790] =	vst.add.f32.msk $0xffff, v0  }
0x4e4: {  	v0 =	vld [tilespmem:$0x10BA0];
	_ =	sdelay $0x4  }
0x4e5: {  	[tilespmem:s0+$0xA7A0] =	vst.add.f32.msk $0xffff, v0  }
0x4e6: {  	v0 =	vld [tilespmem:$0x10BB0];
	_ =	sdelay $0x4  }
0x4e7: {  	[tilespmem:s0+$0xA7B0] =	vst.add.f32.msk $0xffff, v0  }
0x4e8: {  	v0 =	vld [tilespmem:$0x10BC0];
	_ =	sdelay $0x4  }
0x4e9: {  	[tilespmem:s0+$0xA7C0] =	vst.add.f32.msk $0xffff, v0  }
0x4ea: {  	v0 =	vld [tilespmem:$0x10BD0];
	_ =	sdelay $0x4  }
0x4eb: {  	[tilespmem:s0+$0xA7D0] =	vst.add.f32.msk $0xffff, v0  }
0x4ec: {  	v0 =	vld [tilespmem:$0x10BE0];
	_ =	sdelay $0x4  }
0x4ed: {  	[tilespmem:s0+$0xA7E0] =	vst.add.f32.msk $0xffff, v0  }
0x4ee: {  	v0 =	vld [tilespmem:$0x10BF0];
	_ =	sdelay $0x4  }
0x4ef: {  	[tilespmem:s0+$0xA7F0] =	vst.add.f32.msk $0xffff, v0  }
0x4f0: {  	v0 =	vld [tilespmem:$0x10C00];
	_ =	sdelay $0x4  }
0x4f1: {  	[tilespmem:s0+$0xA800] =	vst.add.f32.msk $0xffff, v0  }
0x4f2: {  	v0 =	vld [tilespmem:$0x10C10];
	_ =	sdelay $0x4  }
0x4f3: {  	[tilespmem:s0+$0xA810] =	vst.add.f32.msk $0xffff, v0  }
0x4f4: {  	v0 =	vld [tilespmem:$0x10C20];
	_ =	sdelay $0x4  }
0x4f5: {  	[tilespmem:s0+$0xA820] =	vst.add.f32.msk $0xffff, v0  }
0x4f6: {  	v0 =	vld [tilespmem:$0x10C30];
	_ =	sdelay $0x4  }
0x4f7: {  	[tilespmem:s0+$0xA830] =	vst.add.f32.msk $0xffff, v0  }
0x4f8: {  	v0 =	vld [tilespmem:$0x10C40];
	_ =	sdelay $0x4  }
0x4f9: {  	[tilespmem:s0+$0xA840] =	vst.add.f32.msk $0xffff, v0  }
0x4fa: {  	v0 =	vld [tilespmem:$0x10C50];
	_ =	sdelay $0x4  }
0x4fb: {  	[tilespmem:s0+$0xA850] =	vst.add.f32.msk $0xffff, v0  }
0x4fc: {  	v0 =	vld [tilespmem:$0x10C60];
	_ =	sdelay $0x4  }
0x4fd: {  	[tilespmem:s0+$0xA860] =	vst.add.f32.msk $0xffff, v0  }
0x4fe: {  	v0 =	vld [tilespmem:$0x10C70];
	_ =	sdelay $0x4  }
0x4ff: {  	[tilespmem:s0+$0xA870] =	vst.add.f32.msk $0xffff, v0  }
0x500: {  	v0 =	vld [tilespmem:$0x10C80];
	_ =	sdelay $0x4  }
0x501: {  	[tilespmem:s0+$0xA880] =	vst.add.f32.msk $0xffff, v0  }
0x502: {  	v0 =	vld [tilespmem:$0x10C90];
	_ =	sdelay $0x4  }
0x503: {  	[tilespmem:s0+$0xA890] =	vst.add.f32.msk $0xffff, v0  }
0x504: {  	v0 =	vld [tilespmem:$0x10CA0];
	_ =	sdelay $0x4  }
0x505: {  	[tilespmem:s0+$0xA8A0] =	vst.add.f32.msk $0xffff, v0  }
0x506: {  	v0 =	vld [tilespmem:$0x10CB0];
	_ =	sdelay $0x4  }
0x507: {  	s29 =	sadd.s32 $0x1, s29;
	[tilespmem:s0+$0xA8B0] =	vst.add.f32.msk $0xffff, v0  }
0x508: {  	[hbm4b:s9+s3] =	stream.linear.scatter [tilespmem:s19], [sflag:$0x4], $0x6400, $0x38;
	[tilespmem:$0x10CC0] =	vst v63  }
0x509: {  	p0 =	sne.s32 s29, s10;
	_ =	swait.ge [sflag:s26], $0x6400  }
.Ltmp5:
0x50a: {  	[sflag:s26] =	ssyncset.done $0x0;
	(pc) =	sbr.rel @p0 .LBB2_1-.Ltmp5, $4  }
0x50b: {  	[sflag:s26] =	ssyncadd.s32 $0xFFFF9C00  }
0x50c: {  	_ =	swait.ge [sflag:s28], $0x6400  }
0x50d: {  	[sflag:s28] =	ssyncset.done $0x0  }
0x50e: {  	[sflag:s28] =	ssyncadd.s32 $0xFFFF9C00  }
0x50f: {  	_ =	sfence.sel $0x180000  }
0x510: {  	[bflag:$0x0] =	sbarrier.arrive $0xFFFF  }
0x511: {  	_ =	strace $0x90000047  }
0x512: {  	s0 =	stileid.u32;
	[bflag:$0x2] =	sbarrier.arrive $0xFFFF  }
0x513: {  	p0 =	sne.s32 s0, $0x0;
	s0 =	rddreg [dreg:$0x2]  }
0x514: {  	s0 =	sadd.s32 @!p0 $0x100000, s0  }
0x515: {  	[sflag:s0] =	ssyncadd.tile.s32 @!p0 $0x1;
	_ =	shalt  }
.Lfunc_end2:
_tile_overlayer_lowered:
.L_overlay_start_2:
0x516: {  	(tag) =	ssettag $0x2  }
0x517: {  	s0 =	rddreg [dreg:$0x0];
	s2 =	stileid.u32  }
0x518: {  	s1 =	rddreg [dreg:$0x1];
	p0 =	sne.s32 s2, $0x0  }
0x519: {  	s3 =	rddreg [dreg:$0x2];
	[bflag:$0x3] =	sbarrier.arrive $0xFFFF;
	s2 =	simm.s32 @!p0 $0x1C05  }
0x51a: {  	[timem:s3], [sflag:s2] =	dma.local @!p0 [hbm:s0], s1  }
0x51b: {  	s0 =	simm.s32 @!p0 $0x5  }
0x51c: {  	_ =	swait.ge @!p0 [sflag:s0], s1  }
0x51d: {  	s1 =	ssub.s32 @!p0 $0x0, s1;
	[sflag:s0] =	ssyncset.done @!p0 $0x0  }
0x51e: {  	[sflag:s0] =	ssyncadd.s32 @!p0 s1  }
0x51f: {  	[bflag:$0x3] =	sbarrier.arrive $0xFFFF  }
0x520: {  	_ =	shalt  }

// kernel: sparse-core-data-format-call.cloned.1.call-start
scs
called_computation_lowered:
.L_overlay_start_0:
0x0: {  	s2 =	sld [smem:$0x3FD9]  }
0x1: {  	s3 =	sld [smem:$0x3FFE];
	_ =	sdelay $0x1  }
0x2: {  	s1 =	srdreg.scid  }
0x3: {  	s0 =	sand.u32 $0x1, s1  }
0x4: {  	s18 =	sshll.u32 s0, $0xA;
	s2 =	sadd.s32 s3, s2  }
0x5: {  	s2 =	sadd.s32 s2, s18  }
0x6: {  	[smem:$0x3FC4] =	sst s2  }
0x7: {  	_ = 	snop  }
0x8: {  	s2 =	sld [smem:$0x3FD0];
	(tm) =	ssettm $0x1  }
0x9: {  	s19 =	sld [smem:$0x3FFB];
	_ =	sdelay $0x3  }
0xa: {  	_ =	strace s19  }
0xb: {  	s3 =	sld [smem:$0x3FFC];
	_ =	sdelay $0x3  }
0xc: {  	_ =	strace s3  }
0xd: {  	s3 =	sld [smem:$0x3FFD];
	_ =	sdelay $0x3  }
0xe: {  	_ =	strace s3  }
0xf: {  	_ =	strace $0x8FFFFFFF  }
0x10: {  	s20 =	sld [smem:$0x3FDB];
	_ =	sdelay $0x1  }
0x11: {  	s4 =	simm.s32 $_scs_section_size  }
0x12: {  	s5 =	simm.s32 $_size__tile_overlayer_lowered;
	s6 =	simm.s32 $_tile_overlayer_lowered  }
0x13: {  	s23 =	simm.s32 $0x1BFF;
	s22 =	sshll.u32 s6, $0x1;
	s3 =	sadd.s32 s4, s20  }
0x14: {  	s7 =	simm.s32 $0x0;
	s21 =	sshll.u32 s5, $0x1;
	s5 =	sadd.s32 s22, s3  }
0x15: {  	[timem:s7], [sflag:s23] =	dma.local [hbm:s5], s21  }
0x16: {  	_ =	swait.ge [sflag:s23], s21  }
0x17: {  	s4 =	ssub.s32 $0x0, s21;
	[sflag:s23] =	ssyncset.done $0x0  }
0x18: {  	[sflag:s23] =	ssyncadd.s32 s4;
	_ =	sdelay $0x1  }
0x19: {  	s24 =	simm.s32 $0x1B8B  }
0x1a: {  	_ =	swait.ge [sflag:s24], $0x1  }
0x1b: {  	[sflag:s24] =	ssyncset.done $0x0  }
0x1c: {  	s26 =	simm.s32 $0x1B8E;
	s25 =	sld [smem:$0x3FFE];
	[sflag:s24] =	ssyncadd.s32 $0xFFFFFFFF  }
0x1d: {  	s27 =	simm.s32 $execute0_lowered;
	[smem:$0x3FD2] =	sst s26  }
0x1e: {  	s5 =	sshll.u32 s27, $0x1;
	_ =	strace $0x80000049;
	[dreg:$0x1] =	wrdreg $0xFFFFFFFF  }
0x1f: {  	s28 =	simm.s32 $_size_execute0_lowered;
	s3 =	sadd.s32 s3, s5;
	[dreg:$0x0] =	wrdreg $0x0  }
0x20: {  	s5 =	sshll.u32 s28, $0x1;
	[dreg:$0x2] =	wrdreg s3  }
0x21: {  	[dreg:$0x3] =	wrdreg s5  }
0x22: {  	[dreg:$0x4] =	wrdreg $0xC0  }
0x23: {  	_ =	task [dreg:s7], $0x5FFFF  }
0x24: {  	[dreg:$0x1] =	wrdreg $0xFFFFFFFF  }
0x25: {  	[dreg:$0x0] =	wrdreg $0x60  }
0x26: {  	[dreg:$0x2] =	wrdreg s25  }
0x27: {  	[dreg:$0x3] =	wrdreg s2  }
0x28: {  	[dreg:$0x4] =	wrdreg $0x9  }
0x29: {  	_ =	task.clear_ibuf [dreg:s7], $0x5FFFF;
	_ =	strace $0x90000049  }
0x2a: {  	s29 =	simm.s32 $0x9;
	_ =	strace $0x8000004B  }
0x2b: {  	_ =	swait.ge [sflag:s29], $0x1  }
0x2c: {  	[sflag:s29] =	ssyncadd.s32 $0xFFFFFFFF  }
0x2d: {  	_ =	strace $0x9000004B  }
0x2e: {  	_ =	sfence  }
0x2f: {  	s30 =	sld [smem:$0x0];
	_ =	sdelay $0x2  }
0x30: {  	s31 =	sshll.u32 s1, $0xD;
	s1 =	sshrl.u32 s1, $0x2  }
0x31: {  	s3 =	sand.u32 $0x4000, s31;
	s1 =	sadd.s32 s1, s30  }
0x32: {  	s0 =	sor.u32 s3, s0;
	s1 =	sshll.u32 s1, $0x11  }
0x33: {  	s0 =	sor.u32 s1, s0  }
0x34: {  	s0 =	sadd.s32 $0x8F2B, s0  }
0x35: {  	[sflag:s0] =	ssyncadd.remote.s32 $0x1  }
0x36: {  	_ =	sfence.sel $0xFFFF  }
0x37: {  	[dreg:$0x0] =	wrdreg $0xFFFFFFFF;
	(pc) =	sbr.abs _section_cstart, $3  }
0x38: {  	[dreg:$0x1] =	wrdreg $0xFFFFFFFF  }
0x39: {  	_ =	task.clear_ibuf [dreg:s7], $0x2FFFF;
	_ =	strace $0x9FFFFFFF  }
0x3a: {  	(tm) =	ssettm $0x7FFFFFFF  }
0x3b: {  	_ =	shalt  }
tec
execute0_lowered:
.L_overlay_start_1:
0x0: {  	(tag) =	ssettag $0x1  }
0x1: {  	s0 =	stileid.u32;
	s6 =	rddreg [dreg:$0x0]  }
0x2: {  	s2 =	rddreg [dreg:$0x1];
	s5 =	srdreg.scid  }
0x3: {  	s31 =	simm.s32 $0x2;
	s13 =	simm.s32 $0x0;
	s1 =	sshll.u32 s0, $0x7  }
0x4: {  	s14 =	simm.s32 $0x0;
	s12 =	simm.s32 $0x0;
	s3 =	sand.u32 $0x380, s1  }
0x5: {  	s5 =	sshll.u32 s5, $0x4;
	s6 =	sadd.s32 $0x400, s6;
	s4 =	ssub.s32 $0x400, s3  }
0x6: {  	s1 =	rddreg [dreg:$0x2];
	_ =	strace $0x8000004A;
	s7 =	sand.u32 $0x380, s4  }
0x7: {  	s5 =	sand.u32 $0x10, s5;
	p0 =	sne.s32 s7, $0x0;
	s7 =	simm.s32 $0x1  }
.Ltmp0:
0x8: {  	s8 =	sshrl.u32 s4, $0xA;
	s7 =	simm.s32 @!p0 $0x0;
	(pc) =	sbr.rel .LBB1_1-.Ltmp0, $4  }
0x9: {  	s9 =	sor.u32 s0, s5;
	s4 =	simm.s32 $0x1;
	s30 =	sadd.s32 s7, s8  }
0xa: {  	s11 =	smov.u32 s3;
	[sflag:s4] =	ssyncpa.u1 $0x0;
	s5 =	smul.u32 $0x7D, s30  }
0xb: {  	[sflag:s31] =	ssyncpa.u1 $0x0;
	p0 =	por $0x0, $0x0;
	s7 =	sshrl.u32 s9, $0x3  }
0xc: {  	s9 =	simm.s32 $0x2000;
	s10 =	smov.u32 s7;
	s8 =	sadd.s32 $0x1, s5  }
.LBB1_4:
0xd: {  	s17 =	sand.u32 $0x1F80, s14;
	s13 =	sshll.u32 s13, $0xD  }
0xe: {  	[tilespmem:s16+$0x810 ss:$0x81] =	vst.msk $0xffff, v2;
	s18 =	sshrl.u32 s14, $0x3;
	s31 =	sand.u32 $0x7, s14;
	s17 =	sadd.s32 s2, s17  }
0xf: {  	[tilespmem:s16+$0x1020 ss:$0x81] =	vst.msk $0xffff, v0;
	s18 =	sand.u32 $0xF, s18;
	s14 =	sshll.u32 s31, $0x12;
	s13 =	sadd.s32 s13, s17  }
0x10: {  	[tilespmem:s16+$0x0 ss:$0x81] =	vst.msk $0xffff, v1;
	s14 =	sor.u32 $0x400, s14;
	s13 =	sadd.s32 s18, s13  }
0x11: {  	[hbm4b:s13+s14] =	stream.strided.scatter [tilespmem:s15], [sflag:$0x2], $0x2000, s9, s14, $0x20;
	[tilespmem:$0x8080] =	vst v63  }
.LBB1_5:
0x12: {  	s15 =	sadd.s32 $0x4, s10  }
0x13: {  	s13 =	sadd.s32 $0x400, s11;
	s17 =	smov.u32 s11;
	p2 =	sgt.s32 s15, $0x1F3  }
0x14: {  	s17 =	smov.u32 @p2 s13  }
0x15: {  	s15 =	smov.u32 @p2 s7;
	p2 =	sgt.s32 s17, $0x3FF  }
0x16: {  	s17 =	smov.u32 @p2 s3;
	p2 =	sne.s32 s12, s8  }
.Ltmp1:
0x17: {  	p1 =	slt.u32 s12, $0x2;
	(pc) =	sbr.rel @!p2 .LBB1_6-.Ltmp1, $4  }
0x18: {  	s16 =	simm.s32 @!p1 $0x2  }
0x19: {  	s14 =	smov.u32 s11;
	p0 =	por !p0, !p0;
	_ =	swait.ge @!p1 [sflag:s16], $0x2000  }
0x1a: {  	s13 =	smov.u32 s10;
	[sflag:s16] =	ssyncset.done @!p1 $0x0;
	s10 =	smov.u32 s15  }
0x1b: {  	s12 =	sadd.s32 $0x1, s12;
	[sflag:s16] =	ssyncadd.s32 @!p1 $0xFFFFE000;
	s11 =	smov.u32 s17  }
.LBB1_1:
0x1c: {  	p1 =	sge.u32 s12, s5  }
0x1d: {  	s15 =	sand.u32 @!p1 $0x1FFFFFF, s10  }
0x1e: {  	s16 =	smulhi.u32 @!p1 $0x2082083, s15;
	_ =	sdelay $0x1  }
0x1f: {  	s16 =	sshrl.u32 @!p1 s16, $0x2  }
0x20: {  	s16 =	smul.u32 @!p1 $0x1F8, s16  }
0x21: {  	s17 =	sxor.u32 @!p1 $0xFFFFFFFF, s12;
	s18 =	smul.u32 @!p1 $0x1F80, s11  }
0x22: {  	s31 =	sadd.s32 $0xFFFFFFFF, s12;
	s17 =	sshll.u32 @!p1 s17, $0xD;
	s15 =	ssub.s32 @!p1 s15, s16  }
0x23: {  	s16 =	sand.u32 @!p1 $0x2000, s17;
	s17 =	sadd.s32 @!p1 s6, s18;
	s15 =	sshll.u32 @!p1 s15, $0x4  }
0x24: {  	s18 =	simm.s32 @!p1 $0xFC00;
	s15 =	sadd.s32 @!p1 s15, s17;
	s17 =	simm.s32 @!p1 $0x40  }
0x25: {  	[tilespmem:s16], [sflag:$0x1] =	stream.strided.gather @!p1 [hbm4b:s15+s17], $0x2000, s18, s17, $0x38;
	[tilespmem:$0x8080] =	vst v63  }
0x26: {  	p1 =	sge.u32 s31, s5  }
.Ltmp2:
0x27: {  	_ = 	snop;
	(pc) =	sbr.rel @p1 .LBB1_5-.Ltmp2, $1  }
0x28: {  	_ =	sdelay $0x3  }
0x29: {  	s15 =	simm.s32 $0x1  }
0x2a: {  	_ =	swait.ge [sflag:s4], $0x2000;
	s15 =	simm.s32 @!p0 $0x0  }
0x2b: {  	[sflag:s4] =	ssyncset.done $0x0;
	s16 =	sshll.u32 s15, $0xD  }
0x2c: {  	[sflag:s4] =	ssyncadd.s32 $0xFFFFE000;
	s19 =	sor.u32 $0x20, s16  }
0x2d: {  	s15 =	smul.u32 $0x8100, s15;
	v3 =	vld [tilespmem:s19+$0x10]  }
0x2e: {  	s30 =	sand.u32 $0x1, s12;
	v2 =	vld [tilespmem:s19+$0xFFFFFFF0]  }
0x2f: {  	s16 =	smul.u32 $0x8100, s30;
	s15 =	sshrl.u32 s15, $0x2;
	v0 =	vld [tilespmem:s19+$0x0]  }
0x30: {  	v1 =	vld [tilespmem:s19+$0xFFFFFFE0];
	s17 =	sor.u32 $0x4000, s15  }
0x31: {  	s31 =	sshrl.u32 s16, $0x2;
	s16 =	sadd.s32 $0x0, s17  }
0x32: {  	s18 =	simm.s32 $0x4;
	s19 =	sadd.s32 $0x40, s19;
	s15 =	sor.u32 $0x4000, s31;
	[tilespmem:s16+$0x1830 ss:$0x81] =	vst.msk $0xffff, v3  }
.LBB1_3:
0x33: {  	v3 =	vld [tilespmem:s19+$0x10];
	p1 =	sne.s32 s18, $0x1FC;
	[tilespmem:s16+$0x810 ss:$0x81] =	vst.msk $0xffff, v2;
	s20 =	smov.u32 s18;
	s18 =	sadd.s32 $0x4, s18  }
.Ltmp3:
0x34: {  	v2 =	vld [tilespmem:s19+$0xFFFFFFF0];
	[tilespmem:s16+$0x1020 ss:$0x81] =	vst.msk $0xffff, v0;
	(pc) =	sbr.rel @p1 .LBB1_3-.Ltmp3, $4  }
0x35: {  	v0 =	vld [tilespmem:s19+$0x0];
	[tilespmem:s16+$0x0 ss:$0x81] =	vst.msk $0xffff, v1  }
0x36: {  	s16 =	sshra.s32 s20, $0x2;
	v1 =	vld [tilespmem:s19+$0xFFFFFFE0]  }
0x37: {  	s16 =	sadd.s32 s16, s17  }
0x38: {  	s19 =	sadd.s32 $0x40, s19;
	[tilespmem:s16+$0x1830 ss:$0x81] =	vst.msk $0xffff, v3  }
.Ltmp4:
0x39: {  	_ = 	snop;
	(pc) =	sbr.rel .LBB1_4-.Ltmp4, $1  }
0x3a: {  	_ =	sdelay $0x3  }
.LBB1_6:
0x3b: {  	_ =	sfence.sel $0x180000  }
0x3c: {  	s2 =	simm.s32 $0x1;
	[bflag:$0x0] =	sbarrier.arrive $0xFFFF  }
0x3d: {  	s31 =	simm.s32 $0x2;
	[sflag:s2] =	ssyncpa.u1 $0x1  }
0x3e: {  	[sflag:s31] =	ssyncpa.u1 $0x1  }
0x3f: {  	p0 =	sne.s32 s0, $0x0;
	_ =	strace $0x9000004A  }
0x40: {  	s0 =	sadd.s32 @!p0 $0x100000, s1;
	[bflag:$0x2] =	sbarrier.arrive $0xFFFF  }
0x41: {  	[sflag:s0] =	ssyncadd.tile.s32 @!p0 $0x1;
	_ =	shalt  }
.Lfunc_end1:
_tile_overlayer_lowered:
.L_overlay_start_2:
0x42: {  	(tag) =	ssettag $0x2  }
0x43: {  	s0 =	rddreg [dreg:$0x0];
	s2 =	stileid.u32  }
0x44: {  	s1 =	rddreg [dreg:$0x1];
	p0 =	sne.s32 s2, $0x0  }
0x45: {  	s3 =	rddreg [dreg:$0x2];
	[bflag:$0x3] =	sbarrier.arrive $0xFFFF;
	s2 =	simm.s32 @!p0 $0x1C01  }
0x46: {  	[timem:s3], [sflag:s2] =	dma.local @!p0 [hbm:s0], s1  }
0x47: {  	s0 =	simm.s32 @!p0 $0x1  }
0x48: {  	_ =	swait.ge @!p0 [sflag:s0], s1  }
0x49: {  	s1 =	ssub.s32 @!p0 $0x0, s1;
	[sflag:s0] =	ssyncset.done @!p0 $0x0  }
0x4a: {  	[sflag:s0] =	ssyncadd.s32 @!p0 s1  }
0x4b: {  	[bflag:$0x3] =	sbarrier.arrive $0xFFFF  }
0x4c: {  	_ =	shalt  }

</sc_bundles>
